<compile_context>
chip_gen: v7x
topology: tpu7x:2x2x1
jax: 0.10.2.dev20260603
libtpu: 0.0.44.dev20260713+nightly
codegen_flags: <defaults>
</compile_context>

<pallas_src>
import functools
import math

import jax
import jax.numpy as jnp
from jax import lax
from jax.experimental import pallas as pl
from jax.experimental.pallas import tpu as pltpu
from jax.experimental.pallas import tpu_sc as plsc

N = 2048
K = 30
KP = 32
DN = 128
DE = 128
E = N * KP
NW = 32
NS = 16

TN_KNN = 256
TN_EDGE = 256
TN_LAYER = 256

_TWO_PI = 2.0 * math.pi
_EDGE_SCALE = math.sqrt(2.0 / DE)
_INV_DEG = 1.0 / (30.0 + 1e-6)



_INV_2PI = 0.15915494309189535
_CW1 = 6.28125
_CW2 = 1.9353071795864769e-03
_COS_CO = (0.9999994039535522, -0.49999529123306274, 0.04166075214743614,
           -0.0013861784245818853, 2.4240032871603034e-05,
           -2.213212439983181e-07)
_SIN_CO = (0.9999997019767761, -0.166665717959404, 0.008332518860697746,
           -0.0001981150999199599, 2.702800429688068e-06,
           -2.0481589757537222e-08)


def _sincos(ang):
    n = jnp.floor(ang * _INV_2PI + 0.5)
    r = (ang - n * _CW1) - n * _CW2
    r2 = r * r
    c = jnp.float32(_COS_CO[-1])
    s = jnp.float32(_SIN_CO[-1])
    for k in range(len(_COS_CO) - 2, -1, -1):
        c = c * r2 + jnp.float32(_COS_CO[k])
        s = s * r2 + jnp.float32(_SIN_CO[k])
    return s * r, c

def _knn_body(t_ref, tw_ref, xcat_ref, xca_ref, o_ref, semb_ref,
              idx_ref, h0_ref):
    xca = xca_ref[...]
    d2 = jnp.zeros((TN_KNN, N), jnp.float32)
    for c in range(3):
        diff = xca[:, c:c + 1] - xcat_ref[c:c + 1, :]
        d2 = d2 + diff * diff
    cols = lax.broadcasted_iota(jnp.int32, (TN_KNN, N), 1)
    bits = lax.bitcast_convert_type(d2, jnp.int32)
    packed = jnp.bitwise_or(jnp.bitwise_and(bits, jnp.int32(-2048)), cols)
    imax = jnp.int32(0x7FFFFFFF)
    picks = []
    for _ in range(K):
        mn = jnp.min(packed, axis=1, keepdims=True)
        picks.append(jnp.bitwise_and(mn, jnp.int32(2047)))
        packed = jnp.where(packed == mn, imax, packed)
    picks.append(jnp.zeros((TN_KNN, KP - K), jnp.int32))
    idx_ref[...] = jnp.concatenate(picks, axis=1)

    ang = (_TWO_PI * t_ref[0, 0]) * tw_ref[...]
    tvec = jnp.concatenate([jnp.cos(ang), jnp.sin(ang)], axis=1)
    h0_ref[...] = tvec + jnp.dot(o_ref[...], semb_ref[...],
                                 preferred_element_type=jnp.float32)


def _edge_body(xi_ref, xj_ref, rff_ref, eh_ref):
    tn, eb = TN_EDGE, TN_EDGE * KP
    xi = xi_ref[...]
    xj3 = xj_ref[...].reshape(tn, KP, DN)
    d0 = xi[:, None, 0:16] - xj3[:, :, 0:16]
    d1 = xi[:, None, 16:32] - xj3[:, :, 16:32]
    d2c = xi[:, None, 32:48] - xj3[:, :, 32:48]
    d2 = d0 * d0 + d1 * d1 + d2c * d2c
    dij = jnp.sqrt(d2 + 1e-8).reshape(eb, 16)
    ang = jnp.dot(_TWO_PI * dij, rff_ref[...],
                  preferred_element_type=jnp.float32)
    sn, cs = _sincos(ang)
    eh_ref[...] = jnp.concatenate([cs, sn], axis=1) * _EDGE_SCALE


def _ln(x):
    mu = jnp.mean(x, axis=-1, keepdims=True)
    m2 = jnp.mean(x * x, axis=-1, keepdims=True)
    var = m2 - mu * mu
    return (x - mu) * lax.rsqrt(var + 1e-5)


_LOG2E = 1.4426950408889634
_LN2 = 0.6931471805599453


def _softplus(x):
    return _LN2 * jnp.log2(1.0 + jnp.exp2(x * _LOG2E))


def _dot(a, b):
    return jnp.dot(a, b, preferred_element_type=jnp.float32)


def _layer_full_body(hi_ref, hj_ref, eh_ref, pk_ref,
                     wmi_ref, wmj_ref, wme_ref, bm_ref, wn_ref, bn_ref,
                     wei_ref, wej_ref, wee_ref, be_ref, we2_ref, be2_ref,
                     ho_ref, eo_ref):
    tn, eb = TN_LAYER, TN_LAYER * KP
    hi = hi_ref[...]
    hj = hj_ref[...]
    eh = eh_ref[...]
    mi = _dot(hi, wmi_ref[...]) + bm_ref[...]
    mpre = (_dot(hj, wmj_ref[...]) + _dot(eh, wme_ref[...])
            ).reshape(tn, KP, DN) + mi[:, None, :]
    m = _softplus(mpre).reshape(eb, DN)
    agg = _dot(pk_ref[...], m.astype(jnp.bfloat16)) * _INV_DEG
    dh = _dot(agg, wn_ref[...]) + bn_ref[...]
    ho_ref[...] = _ln(hi + dh)

    ei = _dot(hi, wei_ref[...]) + be_ref[...]
    epre = (_dot(hj, wej_ref[...]) + _dot(eh, wee_ref[...])
            ).reshape(tn, KP, DE) + ei[:, None, :]
    de = _dot(_softplus(epre).reshape(eb, DE), we2_ref[...]) + be2_ref[...]
    eo_ref[...] = _ln(eh + de)


def _layer_node_body(hi_ref, hj_ref, eh_ref, pk_ref,
                     wmi_ref, wmj_ref, wme_ref, bm_ref, wn_ref, bn_ref,
                     ho_ref):
    tn, eb = TN_LAYER, TN_LAYER * KP
    hi = hi_ref[...]
    mi = _dot(hi, wmi_ref[...]) + bm_ref[...]
    mpre = (_dot(hj_ref[...], wmj_ref[...]) + _dot(eh_ref[...], wme_ref[...])
            ).reshape(tn, KP, DN) + mi[:, None, :]
    m = _softplus(mpre).reshape(eb, DN)
    agg = _dot(pk_ref[...], m.astype(jnp.bfloat16)) * _INV_DEG
    dh = _dot(agg, wn_ref[...]) + bn_ref[...]
    ho_ref[...] = _ln(hi + dh)



def _make_gather(rows_total, d, chunk, v_rows):
    bpw = rows_total // NW
    nchunks = bpw // chunk
    vpt = v_rows // NS
    mesh = plsc.VectorSubcoreMesh(core_axis_name="c", subcore_axis_name="s")

    @functools.partial(
        pl.kernel,
        out_type=jax.ShapeDtypeStruct((rows_total, d), jnp.float32),
        mesh=mesh,
        scratch_types=[
            pltpu.VMEM((bpw,), jnp.int32),
            pltpu.VMEM((2, chunk, d), jnp.float32),
            pltpu.VMEM_SHARED((v_rows, d), jnp.float32),
            pltpu.SemaphoreType.DMA,
            pltpu.SemaphoreType.DMA,
            pltpu.SemaphoreType.DMA,
            pltpu.SemaphoreType.DMA,
        ],
    )
    def gk(table_hbm, idx_hbm, out_hbm, idx_v, bufs, spt, g0, g1, w0, w1):
        sid = lax.axis_index("s")
        wid = sid * 2 + lax.axis_index("c")
        base = wid * bpw
        pltpu.sync_copy(table_hbm.at[pl.ds(sid * vpt, vpt)],
                        spt.at[pl.ds(sid * vpt, vpt)])
        pltpu.sync_copy(idx_hbm.at[pl.ds(base, bpw)], idx_v)
        plsc.subcore_barrier()
        gsem = (g0, g1)
        wsem = (w0, w1)
        hg = [None] * nchunks
        hw = [None] * nchunks
        for i in range(nchunks):
            b = i % 2
            if i >= 2:
                hw[i - 2].wait()
            hg[i] = pltpu.async_copy(
                spt.at[idx_v.at[pl.ds(i * chunk, chunk)]],
                bufs.at[b], gsem[b])
            if i >= 1:
                pb = (i - 1) % 2
                hg[i - 1].wait()
                hw[i - 1] = pltpu.async_copy(
                    bufs.at[pb],
                    out_hbm.at[pl.ds(base + (i - 1) * chunk, chunk)],
                    wsem[pb])
        hg[nchunks - 1].wait()
        hw[nchunks - 1] = pltpu.async_copy(
            bufs.at[(nchunks - 1) % 2],
            out_hbm.at[pl.ds(base + (nchunks - 1) * chunk, chunk)],
            wsem[(nchunks - 1) % 2])
        if nchunks >= 2:
            hw[nchunks - 2].wait()
        hw[nchunks - 1].wait()

    return gk



def _full(shape):
    return pl.BlockSpec(shape, lambda i: tuple(0 for _ in shape))


_knn_call = pl.pallas_call(
    _knn_body,
    grid=(N // TN_KNN,),
    in_specs=[
        _full((1, 1)),
        _full((1, 64)),
        _full((8, N)),
        pl.BlockSpec((TN_KNN, 8), lambda i: (i, 0)),
        pl.BlockSpec((TN_KNN, 20), lambda i: (i, 0)),
        _full((20, DN)),
    ],
    out_specs=[
        pl.BlockSpec((TN_KNN, KP), lambda i: (i, 0)),
        pl.BlockSpec((TN_KNN, DN), lambda i: (i, 0)),
    ],
    out_shape=[
        jax.ShapeDtypeStruct((N, KP), jnp.int32),
        jax.ShapeDtypeStruct((N, DN), jnp.float32),
    ],
)

_edge_call = pl.pallas_call(
    _edge_body,
    grid=(N // TN_EDGE,),
    in_specs=[
        pl.BlockSpec((TN_EDGE, 48), lambda i: (i, 0)),
        pl.BlockSpec((TN_EDGE * KP, DN), lambda i: (i, 0)),
        _full((16, 64)),
    ],
    out_specs=pl.BlockSpec((TN_EDGE * KP, DE), lambda i: (i, 0)),
    out_shape=jax.ShapeDtypeStruct((E, DE), jnp.float32),
)

_W128 = _full((DN, DN))
_B128 = _full((1, DN))

_layer_full_call = pl.pallas_call(
    _layer_full_body,
    grid=(N // TN_LAYER,),
    in_specs=[
        pl.BlockSpec((TN_LAYER, DN), lambda i: (i, 0)),
        pl.BlockSpec((TN_LAYER * KP, DN), lambda i: (i, 0)),
        pl.BlockSpec((TN_LAYER * KP, DE), lambda i: (i, 0)),
        _full((TN_LAYER, TN_LAYER * KP)),
        _W128, _W128, _W128, _B128, _W128, _B128,
        _W128, _W128, _W128, _B128, _W128, _B128,
    ],
    out_specs=[
        pl.BlockSpec((TN_LAYER, DN), lambda i: (i, 0)),
        pl.BlockSpec((TN_LAYER * KP, DE), lambda i: (i, 0)),
    ],
    out_shape=[
        jax.ShapeDtypeStruct((N, DN), jnp.float32),
        jax.ShapeDtypeStruct((E, DE), jnp.float32),
    ],
)

_layer_node_call = pl.pallas_call(
    _layer_node_body,
    grid=(N // TN_LAYER,),
    in_specs=[
        pl.BlockSpec((TN_LAYER, DN), lambda i: (i, 0)),
        pl.BlockSpec((TN_LAYER * KP, DN), lambda i: (i, 0)),
        pl.BlockSpec((TN_LAYER * KP, DE), lambda i: (i, 0)),
        _full((TN_LAYER, TN_LAYER * KP)),
        _W128, _W128, _W128, _B128, _W128, _B128,
    ],
    out_specs=pl.BlockSpec((TN_LAYER, DN), lambda i: (i, 0)),
    out_shape=jax.ShapeDtypeStruct((N, DN), jnp.float32),
)



def kernel(X, C, O, t, time_W, seq_emb, rff_W, Wm, bm, Wn, bn, We, be, We2, be2):
    f32 = jnp.float32
    X0 = X[0].astype(f32)
    Xca = X0[:, 1, :]
    Xca8 = jnp.pad(Xca, ((0, 0), (0, 5)))
    XcaT8 = jnp.pad(Xca.T, ((0, 5), (0, 0)))
    Xt = jnp.transpose(X0, (0, 2, 1))
    Xi_rep = jnp.broadcast_to(Xt[:, :, :, None], (N, 3, 4, 4)).reshape(N, 48)
    Xj_tile = jnp.broadcast_to(Xt[:, :, None, :], (N, 3, 4, 4)).reshape(N, 48)

    idx, node_h = _knn_call(t.reshape(1, 1), time_W, XcaT8, Xca8,
                            O[0], seq_emb)
    idx_flat = idx.reshape(E)

    gather_h = _make_gather(E, DN, 256, N)
    Xj_pad = jnp.pad(Xj_tile, ((0, 0), (0, DN - 48)))
    xjg = gather_h(Xj_pad, idx_flat)
    edge_h = _edge_call(Xi_rep, xjg, rff_W)

    e_ar = jnp.arange(TN_LAYER * KP, dtype=jnp.int32)
    pk = ((e_ar // KP == jnp.arange(TN_LAYER, dtype=jnp.int32)[:, None])
          & (e_ar % KP < K)).astype(jnp.bfloat16)

    for l in range(3):
        hjg = gather_h(node_h, idx_flat)
        wm_i, wm_j, wm_e = Wm[l, :DN], Wm[l, DN:2 * DN], Wm[l, 2 * DN:]
        margs = (wm_i, wm_j, wm_e, bm[l].reshape(1, DN), Wn[l],
                 bn[l].reshape(1, DN))
        if l < 2:
            we_i, we_j, we_e = We[l, :DN], We[l, DN:2 * DN], We[l, 2 * DN:]
            node_h, edge_h = _layer_full_call(
                node_h, hjg, edge_h, pk, *margs,
                we_i, we_j, we_e, be[l].reshape(1, DE), We2[l],
                be2[l].reshape(1, DE))
        else:
            node_h = _layer_node_call(node_h, hjg, edge_h, pk, *margs)

    return node_h[None]

# --- scband reference (transcript-rebuilt; emitter-appended) ---
"""Pipeline reference for scband-graph-classifier-40819369181380 (READ-ONLY COPY).

The authoritative reference and input builder live on the scoring server;
editing this copy changes nothing except your own understanding.
"""

import jax, jax.numpy as jnp
import numpy as np

D_NODES = 128
D_EDGES = 128
K_NBR = 30
N_LAYERS = 3


def setup_inputs(seed: int = 0):
    key = jax.random.key(seed)
    ks = jax.random.split(key, 24)
    B, N, A = 1, 2048, 4
    X = jax.random.normal(ks[0], (B, N, A, 3), dtype=jnp.float32) * 5.0
    C = jnp.ones((B, N), dtype=jnp.int32)
    O = jax.random.uniform(ks[1], (B, N, 20), dtype=jnp.float32)
    t = jnp.array([0.5], dtype=jnp.float32)
    time_W = jax.random.normal(ks[2], (1, D_NODES // 2), dtype=jnp.float32) * 16.0
    seq_emb = jax.random.normal(ks[3], (20, D_NODES), dtype=jnp.float32) * 0.02
    rff_W = jax.random.normal(ks[4], (16, D_EDGES // 2), dtype=jnp.float32) * 16.0
    s = 0.05
    Wm = jax.random.normal(ks[5], (N_LAYERS, 2 * D_NODES + D_EDGES, D_NODES), dtype=jnp.float32) * s
    bm = jnp.zeros((N_LAYERS, D_NODES), dtype=jnp.float32)
    Wn = jax.random.normal(ks[6], (N_LAYERS, D_NODES, D_NODES), dtype=jnp.float32) * s
    bn = jnp.zeros((N_LAYERS, D_NODES), dtype=jnp.float32)
    We = jax.random.normal(ks[7], (N_LAYERS, 2 * D_NODES + D_EDGES, D_EDGES), dtype=jnp.float32) * s
    be = jnp.zeros((N_LAYERS, D_EDGES), dtype=jnp.float32)
    We2 = jax.random.normal(ks[8], (N_LAYERS, D_EDGES, D_EDGES), dtype=jnp.float32) * s
    be2 = jnp.zeros((N_LAYERS, D_EDGES), dtype=jnp.float32)
    return {"X": X, "C": C, "O": O, "t": t, "time_W": time_W, "seq_emb": seq_emb,
            "rff_W": rff_W, "Wm": Wm, "bm": bm, "Wn": Wn, "bn": bn,
            "We": We, "be": be, "We2": We2, "be2": be2}


def _layer_norm(h):
    mu = jnp.mean(h, axis=-1, keepdims=True)
    var = jnp.var(h, axis=-1, keepdims=True)
    return (h - mu) / jnp.sqrt(var + 1e-5)


def _forward(X, O, t, time_W, seq_emb, rff_W, Wm, bm, Wn, bn, We, be, We2, be2, C):
    B, N, A, _ = X.shape
    act = jax.nn.softplus
    # time fourier features (trainable=False, scale=16)
    ang_t = 2.0 * jnp.pi * t[:, None, None] @ time_W  # [B,1,64]
    time_h = jnp.concatenate([jnp.cos(ang_t), jnp.sin(ang_t)], axis=-1)  # [B,1,128]
    node_h = jnp.broadcast_to(time_h, (B, N, D_NODES)) + O @ seq_emb
    mask_i = (C > 0).astype(jnp.float32)
    # kNN graph from CA coordinates (graph_criterion='knn')
    Xca = X[:, :, 1, :]
    D2 = jnp.sum((Xca[:, :, None, :] - Xca[:, None, :, :]) ** 2, axis=-1)
    pair_valid = mask_i[:, :, None] * mask_i[:, None, :]
    D2m = jnp.where(pair_valid > 0, D2, 1e9)
    _, idx = jax.lax.top_k(-D2m, K_NBR)  # [B,N,K]
    b_ix = jnp.arange(B)[:, None, None]
    Cj = C[b_ix, idx]
    mask_ij = ((C[:, :, None] > 0) & (Cj > 0)).astype(jnp.float32)[..., None]
    # random_fourier_2mer edge features on inter-atomic distances (4x4 = 16 dims)
    Xj = X[b_ix, idx]  # [B,N,K,A,3]
    Dij = jnp.sqrt(jnp.sum((X[:, :, None, :, None, :] - Xj[:, :, :, None, :, :]) ** 2, axis=-1) + 1e-8)
    Dij = Dij.reshape(B, N, K_NBR, A * A)
    ang_e = 2.0 * jnp.pi * Dij @ rff_W
    edge_h = jnp.concatenate([jnp.cos(ang_e), jnp.sin(ang_e)], axis=-1) * jnp.sqrt(2.0 / D_EDGES)
    # GNN layers with node + edge updates
    for l in range(N_LAYERS):
        h_j = node_h[b_ix, idx]  # gather neighbors [B,N,K,128]
        h_i = jnp.broadcast_to(node_h[:, :, None, :], h_j.shape)
        feats = jnp.concatenate([h_i, h_j, edge_h], axis=-1)  # [B,N,K,384]
        m = act(feats @ Wm[l] + bm[l]) * mask_ij
        agg = jnp.sum(m, axis=2) / (jnp.sum(mask_ij, axis=2) + 1e-6)
        dh = agg @ Wn[l] + bn[l]
        node_h = _layer_norm(node_h + dh)
        de = act(feats @ We[l] + be[l]) @ We2[l] + be2[l]
        edge_h = _layer_norm(edge_h + de) * mask_ij
    return node_h * mask_i[..., None]


def reference(X, C, O, t, time_W, seq_emb, rff_W, Wm, bm, Wn, bn, We, be, We2, be2):
    return _forward(X, O, t, time_W, seq_emb, rff_W, Wm, bm, Wn, bn, We, be, We2, be2, C)

if __name__ == "__main__":
    import jax
    _d = setup_inputs()
    print(jax.jit(kernel)(*tuple(_d.values())))

</pallas_src>

<mosaic_0001>
#map = affine_map<(d0, d1) -> (0, 0)>
#map1 = affine_map<(d0, d1) -> (0)>
module attributes {stable_mosaic.version = 14 : i64} {
  func.func @gk(%arg0: i32, %arg1: i32, %arg2: memref<2048x128xf32, #tpu.memory_space<hbm>>, %arg3: memref<65536xi32, #tpu.memory_space<hbm>>, %arg4: memref<65536x128xf32, #tpu.memory_space<hbm>>, %arg5: memref<2048xi32, #tpu.memory_space<vmem>>, %arg6: memref<2x256x128xf32, #tpu.memory_space<vmem>>, %arg7: memref<2048x128xf32, #tpu.memory_space<vmem_shared>>, %arg8: memref<!tpu.dma_semaphore, #tpu.memory_space<semaphore_mem>>, %arg9: memref<!tpu.dma_semaphore, #tpu.memory_space<semaphore_mem>>, %arg10: memref<!tpu.dma_semaphore, #tpu.memory_space<semaphore_mem>>, %arg11: memref<!tpu.dma_semaphore, #tpu.memory_space<semaphore_mem>>) attributes {dimension_semantics = [#tpu.dimension_semantics<core_parallel>, #tpu.dimension_semantics<subcore_parallel>], iteration_bounds = array<i64: 2, 16>, scalar_prefetch = 0 : i64, scratch_operands = 7 : i64, tpu.core_type = #tpu.core_type<sc_vector_subcore>, window_params = [{transform_indices = #map}, {transform_indices = #map1}, {transform_indices = #map}]} {
    %mul3A = arith.constant 2 : i32
    %mul3A_0 = arith.muli %arg1, %mul3A : i32
    %add3A = arith.addi %mul3A_0, %arg0 : i32
    %mul3A_1 = arith.constant 2048 : i32
    %mul3A_2 = arith.muli %add3A, %mul3A_1 : i32
    %mul3A_3 = arith.constant 128 : i32
    %mul3A_4 = arith.muli %arg1, %mul3A_3 : i32
    %mul3A_5 = arith.constant 128 : i32
    %mul3A_6 = arith.muli %arg1, %mul3A_5 : i32
    "tpu.region"() ({
      %run_scoped3A = tpu.sem_alloc : memref<!tpu.dma_semaphore, #tpu.memory_space<semaphore_mem>>
      %dma_start3A_389 = arith.constant 0 : i32
      %dma_start3A_390 = tpu.memref_slice %arg7[%mul3A_6, %dma_start3A_389] : memref<2048x128xf32, #tpu.memory_space<vmem_shared>> -> memref<128x128xf32, #tpu.memory_space<vmem_shared>>
      %dma_start3A_391 = arith.constant 0 : i32
      %dma_start3A_392 = tpu.memref_slice %arg2[%mul3A_4, %dma_start3A_391] : memref<2048x128xf32, #tpu.memory_space<hbm>> -> memref<128x128xf32, #tpu.memory_space<hbm>>
      tpu.enqueue_dma source(%dma_start3A_392 : memref<128x128xf32, #tpu.memory_space<hbm>>) target(%dma_start3A_390 : memref<128x128xf32, #tpu.memory_space<vmem_shared>>) target_semaphore(%run_scoped3A : memref<!tpu.dma_semaphore, #tpu.memory_space<semaphore_mem>>)
      %dma_wait3A_393 = arith.constant 0 : i32
      %dma_wait3A_394 = tpu.memref_slice %arg7[%mul3A_6, %dma_wait3A_393] : memref<2048x128xf32, #tpu.memory_space<vmem_shared>> -> memref<128x128xf32, #tpu.memory_space<vmem_shared>>
      %dma_wait3A_395 = arith.constant 0 : i32
      %dma_wait3A_396 = tpu.memref_slice %arg2[%mul3A_4, %dma_wait3A_395] : memref<2048x128xf32, #tpu.memory_space<hbm>> -> memref<128x128xf32, #tpu.memory_space<hbm>>
      tpu.wait_dma2 semaphore(%run_scoped3A : memref<!tpu.dma_semaphore, #tpu.memory_space<semaphore_mem>>) src(%dma_wait3A_396 : memref<128x128xf32, #tpu.memory_space<hbm>>) dst(%dma_wait3A_394 : memref<128x128xf32, #tpu.memory_space<vmem_shared>>)
      tpu.yield
    }) : () -> ()
    "tpu.region"() ({
      %run_scoped3A = tpu.sem_alloc : memref<!tpu.dma_semaphore, #tpu.memory_space<semaphore_mem>>
      %dma_start3A_389 = tpu.memref_slice %arg3[%mul3A_2] : memref<65536xi32, #tpu.memory_space<hbm>> -> memref<2048xi32, #tpu.memory_space<hbm>>
      %dma_start3A_390 = tpu.memref_slice %arg3[%mul3A_2] : memref<65536xi32, #tpu.memory_space<hbm>> -> memref<2048xi32, #tpu.memory_space<hbm>>
      tpu.enqueue_dma source(%dma_start3A_390 : memref<2048xi32, #tpu.memory_space<hbm>>) target(%arg5 : memref<2048xi32, #tpu.memory_space<vmem>>) target_semaphore(%run_scoped3A : memref<!tpu.dma_semaphore, #tpu.memory_space<semaphore_mem>>)
      %dma_wait3A_391 = tpu.memref_slice %arg3[%mul3A_2] : memref<65536xi32, #tpu.memory_space<hbm>> -> memref<2048xi32, #tpu.memory_space<hbm>>
      %dma_wait3A_392 = tpu.memref_slice %arg3[%mul3A_2] : memref<65536xi32, #tpu.memory_space<hbm>> -> memref<2048xi32, #tpu.memory_space<hbm>>
      tpu.wait_dma2 semaphore(%run_scoped3A : memref<!tpu.dma_semaphore, #tpu.memory_space<semaphore_mem>>) src(%dma_wait3A_392 : memref<2048xi32, #tpu.memory_space<hbm>>) dst(%arg5 : memref<2048xi32, #tpu.memory_space<vmem>>)
      tpu.yield
    }) : () -> ()
    %barrier3A = arith.constant 0 : index
    tpu.barrier barrier_id(%barrier3A)
    %dma_start3A = arith.constant 0 : i32
    %dma_start3A_7 = arith.constant 0 : i32
    %dma_start3A_8 = arith.constant 0 : i32
    %dma_start3A_9 = tpu.memref_slice %arg6[%dma_start3A, %dma_start3A_7, %dma_start3A_8] : memref<2x256x128xf32, #tpu.memory_space<vmem>> -> memref<1x256x128xf32, #tpu.memory_space<vmem>>
    %dma_start3A_10 = tpu.memref_squeeze %dma_start3A_9 : memref<1x256x128xf32, #tpu.memory_space<vmem>> -> memref<256x128xf32, #tpu.memory_space<vmem>>
    %dma_start3A_11 = arith.constant 0 : i32
    %dma_start3A_12 = tpu.memref_slice %arg5[%dma_start3A_11] : memref<2048xi32, #tpu.memory_space<vmem>> -> memref<256xi32, #tpu.memory_space<vmem>>
    %dma_start3A_13 = arith.constant 0 : i32
    %dma_start3A_14 = arith.constant 0 : i32
    %dma_start3A_15 = tpu.memref_slice %arg7[%dma_start3A_13, %dma_start3A_14] : memref<2048x128xf32, #tpu.memory_space<vmem_shared>> -> memref<2048x128xf32, #tpu.memory_space<vmem_shared>>
    tpu.enqueue_indirect_dma source(%dma_start3A_15 : memref<2048x128xf32, #tpu.memory_space<vmem_shared>>) target(%dma_start3A_10 : memref<256x128xf32, #tpu.memory_space<vmem>>) offsets(%dma_start3A_12 : memref<256xi32, #tpu.memory_space<vmem>>) semaphore(%arg8 : memref<!tpu.dma_semaphore, #tpu.memory_space<semaphore_mem>>)
    %dma_start3A_16 = arith.constant 1 : i32
    %dma_start3A_17 = arith.constant 0 : i32
    %dma_start3A_18 = arith.constant 0 : i32
    %dma_start3A_19 = tpu.memref_slice %arg6[%dma_start3A_16, %dma_start3A_17, %dma_start3A_18] : memref<2x256x128xf32, #tpu.memory_space<vmem>> -> memref<1x256x128xf32, #tpu.memory_space<vmem>>
    %dma_start3A_20 = tpu.memref_squeeze %dma_start3A_19 : memref<1x256x128xf32, #tpu.memory_space<vmem>> -> memref<256x128xf32, #tpu.memory_space<vmem>>
    %dma_start3A_21 = arith.constant 256 : i32
    %dma_start3A_22 = tpu.memref_slice %arg5[%dma_start3A_21] : memref<2048xi32, #tpu.memory_space<vmem>> -> memref<256xi32, #tpu.memory_space<vmem>>
    %dma_start3A_23 = arith.constant 0 : i32
    %dma_start3A_24 = arith.constant 0 : i32
    %dma_start3A_25 = tpu.memref_slice %arg7[%dma_start3A_23, %dma_start3A_24] : memref<2048x128xf32, #tpu.memory_space<vmem_shared>> -> memref<2048x128xf32, #tpu.memory_space<vmem_shared>>
    tpu.enqueue_indirect_dma source(%dma_start3A_25 : memref<2048x128xf32, #tpu.memory_space<vmem_shared>>) target(%dma_start3A_20 : memref<256x128xf32, #tpu.memory_space<vmem>>) offsets(%dma_start3A_22 : memref<256xi32, #tpu.memory_space<vmem>>) semaphore(%arg9 : memref<!tpu.dma_semaphore, #tpu.memory_space<semaphore_mem>>)
    %dma_wait3A = arith.constant 0 : i32
    %dma_wait3A_26 = arith.constant 0 : i32
    %dma_wait3A_27 = arith.constant 0 : i32
    %dma_wait3A_28 = tpu.memref_slice %arg6[%dma_wait3A, %dma_wait3A_26, %dma_wait3A_27] : memref<2x256x128xf32, #tpu.memory_space<vmem>> -> memref<1x256x128xf32, #tpu.memory_space<vmem>>
    %dma_wait3A_29 = tpu.memref_squeeze %dma_wait3A_28 : memref<1x256x128xf32, #tpu.memory_space<vmem>> -> memref<256x128xf32, #tpu.memory_space<vmem>>
    %dma_wait3A_30 = arith.constant 0 : i32
    %dma_wait3A_31 = tpu.memref_slice %arg5[%dma_wait3A_30] : memref<2048xi32, #tpu.memory_space<vmem>> -> memref<256xi32, #tpu.memory_space<vmem>>
    %dma_wait3A_32 = arith.constant 0 : i32
    %dma_wait3A_33 = arith.constant 0 : i32
    %dma_wait3A_34 = tpu.memref_slice %arg7[%dma_wait3A_32, %dma_wait3A_33] : memref<2048x128xf32, #tpu.memory_space<vmem_shared>> -> memref<2048x128xf32, #tpu.memory_space<vmem_shared>>
    tpu.wait_indirect_dma semaphore(%arg8 : memref<!tpu.dma_semaphore, #tpu.memory_space<semaphore_mem>>) src(%dma_wait3A_34 : memref<2048x128xf32, #tpu.memory_space<vmem_shared>>) dst(%dma_wait3A_29 : memref<256x128xf32, #tpu.memory_space<vmem>>)
    %add3A_35 = arith.constant 0 : i32
    %add3A_36 = arith.addi %mul3A_2, %add3A_35 : i32
    %dma_start3A_37 = arith.constant 0 : i32
    %dma_start3A_38 = arith.constant 0 : i32
    %dma_start3A_39 = arith.constant 0 : i32
    %dma_start3A_40 = tpu.memref_slice %arg6[%dma_start3A_37, %dma_start3A_38, %dma_start3A_39] : memref<2x256x128xf32, #tpu.memory_space<vmem>> -> memref<1x256x128xf32, #tpu.memory_space<vmem>>
    %dma_start3A_41 = tpu.memref_squeeze %dma_start3A_40 : memref<1x256x128xf32, #tpu.memory_space<vmem>> -> memref<256x128xf32, #tpu.memory_space<vmem>>
    %dma_start3A_42 = arith.constant 0 : i32
    %dma_start3A_43 = tpu.memref_slice %arg4[%add3A_36, %dma_start3A_42] : memref<65536x128xf32, #tpu.memory_space<hbm>> -> memref<256x128xf32, #tpu.memory_space<hbm>>
    %dma_start3A_44 = arith.constant 0 : i32
    %dma_start3A_45 = tpu.memref_slice %arg4[%add3A_36, %dma_start3A_44] : memref<65536x128xf32, #tpu.memory_space<hbm>> -> memref<256x128xf32, #tpu.memory_space<hbm>>
    %dma_start3A_46 = arith.constant 0 : i32
    %dma_start3A_47 = arith.constant 0 : i32
    %dma_start3A_48 = tpu.memref_slice %arg6[%dma_start3A_37, %dma_start3A_46, %dma_start3A_47] : memref<2x256x128xf32, #tpu.memory_space<vmem>> -> memref<1x256x128xf32, #tpu.memory_space<vmem>>
    %dma_start3A_49 = tpu.memref_squeeze %dma_start3A_48 : memref<1x256x128xf32, #tpu.memory_space<vmem>> -> memref<256x128xf32, #tpu.memory_space<vmem>>
    tpu.enqueue_dma source(%dma_start3A_49 : memref<256x128xf32, #tpu.memory_space<vmem>>) target(%dma_start3A_45 : memref<256x128xf32, #tpu.memory_space<hbm>>) target_semaphore(%arg10 : memref<!tpu.dma_semaphore, #tpu.memory_space<semaphore_mem>>)
    %dma_wait3A_50 = arith.constant 0 : i32
    %dma_wait3A_51 = arith.constant 0 : i32
    %dma_wait3A_52 = arith.constant 0 : i32
    %dma_wait3A_53 = tpu.memref_slice %arg6[%dma_wait3A_50, %dma_wait3A_51, %dma_wait3A_52] : memref<2x256x128xf32, #tpu.memory_space<vmem>> -> memref<1x256x128xf32, #tpu.memory_space<vmem>>
    %dma_wait3A_54 = tpu.memref_squeeze %dma_wait3A_53 : memref<1x256x128xf32, #tpu.memory_space<vmem>> -> memref<256x128xf32, #tpu.memory_space<vmem>>
    %dma_wait3A_55 = arith.constant 0 : i32
    %dma_wait3A_56 = tpu.memref_slice %arg4[%add3A_36, %dma_wait3A_55] : memref<65536x128xf32, #tpu.memory_space<hbm>> -> memref<256x128xf32, #tpu.memory_space<hbm>>
    %dma_wait3A_57 = arith.constant 0 : i32
    %dma_wait3A_58 = tpu.memref_slice %arg4[%add3A_36, %dma_wait3A_57] : memref<65536x128xf32, #tpu.memory_space<hbm>> -> memref<256x128xf32, #tpu.memory_space<hbm>>
    %dma_wait3A_59 = arith.constant 0 : i32
    %dma_wait3A_60 = arith.constant 0 : i32
    %dma_wait3A_61 = tpu.memref_slice %arg6[%dma_wait3A_50, %dma_wait3A_59, %dma_wait3A_60] : memref<2x256x128xf32, #tpu.memory_space<vmem>> -> memref<1x256x128xf32, #tpu.memory_space<vmem>>
    %dma_wait3A_62 = tpu.memref_squeeze %dma_wait3A_61 : memref<1x256x128xf32, #tpu.memory_space<vmem>> -> memref<256x128xf32, #tpu.memory_space<vmem>>
    tpu.wait_dma2 semaphore(%arg10 : memref<!tpu.dma_semaphore, #tpu.memory_space<semaphore_mem>>) src(%dma_wait3A_62 : memref<256x128xf32, #tpu.memory_space<vmem>>) dst(%dma_wait3A_58 : memref<256x128xf32, #tpu.memory_space<hbm>>)
    %dma_start3A_63 = arith.constant 0 : i32
    %dma_start3A_64 = arith.constant 0 : i32
    %dma_start3A_65 = arith.constant 0 : i32
    %dma_start3A_66 = tpu.memref_slice %arg6[%dma_start3A_63, %dma_start3A_64, %dma_start3A_65] : memref<2x256x128xf32, #tpu.memory_space<vmem>> -> memref<1x256x128xf32, #tpu.memory_space<vmem>>
    %dma_start3A_67 = tpu.memref_squeeze %dma_start3A_66 : memref<1x256x128xf32, #tpu.memory_space<vmem>> -> memref<256x128xf32, #tpu.memory_space<vmem>>
    %dma_start3A_68 = arith.constant 512 : i32
    %dma_start3A_69 = tpu.memref_slice %arg5[%dma_start3A_68] : memref<2048xi32, #tpu.memory_space<vmem>> -> memref<256xi32, #tpu.memory_space<vmem>>
    %dma_start3A_70 = arith.constant 0 : i32
    %dma_start3A_71 = arith.constant 0 : i32
    %dma_start3A_72 = tpu.memref_slice %arg7[%dma_start3A_70, %dma_start3A_71] : memref<2048x128xf32, #tpu.memory_space<vmem_shared>> -> memref<2048x128xf32, #tpu.memory_space<vmem_shared>>
    tpu.enqueue_indirect_dma source(%dma_start3A_72 : memref<2048x128xf32, #tpu.memory_space<vmem_shared>>) target(%dma_start3A_67 : memref<256x128xf32, #tpu.memory_space<vmem>>) offsets(%dma_start3A_69 : memref<256xi32, #tpu.memory_space<vmem>>) semaphore(%arg8 : memref<!tpu.dma_semaphore, #tpu.memory_space<semaphore_mem>>)
    %dma_wait3A_73 = arith.constant 1 : i32
    %dma_wait3A_74 = arith.constant 0 : i32
    %dma_wait3A_75 = arith.constant 0 : i32
    %dma_wait3A_76 = tpu.memref_slice %arg6[%dma_wait3A_73, %dma_wait3A_74, %dma_wait3A_75] : memref<2x256x128xf32, #tpu.memory_space<vmem>> -> memref<1x256x128xf32, #tpu.memory_space<vmem>>
    %dma_wait3A_77 = tpu.memref_squeeze %dma_wait3A_76 : memref<1x256x128xf32, #tpu.memory_space<vmem>> -> memref<256x128xf32, #tpu.memory_space<vmem>>
    %dma_wait3A_78 = arith.constant 256 : i32
    %dma_wait3A_79 = tpu.memref_slice %arg5[%dma_wait3A_78] : memref<2048xi32, #tpu.memory_space<vmem>> -> memref<256xi32, #tpu.memory_space<vmem>>
    %dma_wait3A_80 = arith.constant 0 : i32
    %dma_wait3A_81 = arith.constant 0 : i32
    %dma_wait3A_82 = tpu.memref_slice %arg7[%dma_wait3A_80, %dma_wait3A_81] : memref<2048x128xf32, #tpu.memory_space<vmem_shared>> -> memref<2048x128xf32, #tpu.memory_space<vmem_shared>>
    tpu.wait_indirect_dma semaphore(%arg9 : memref<!tpu.dma_semaphore, #tpu.memory_space<semaphore_mem>>) src(%dma_wait3A_82 : memref<2048x128xf32, #tpu.memory_space<vmem_shared>>) dst(%dma_wait3A_77 : memref<256x128xf32, #tpu.memory_space<vmem>>)
    %add3A_83 = arith.constant 256 : i32
    %add3A_84 = arith.addi %mul3A_2, %add3A_83 : i32
    %dma_start3A_85 = arith.constant 1 : i32
    %dma_start3A_86 = arith.constant 0 : i32
    %dma_start3A_87 = arith.constant 0 : i32
    %dma_start3A_88 = tpu.memref_slice %arg6[%dma_start3A_85, %dma_start3A_86, %dma_start3A_87] : memref<2x256x128xf32, #tpu.memory_space<vmem>> -> memref<1x256x128xf32, #tpu.memory_space<vmem>>
    %dma_start3A_89 = tpu.memref_squeeze %dma_start3A_88 : memref<1x256x128xf32, #tpu.memory_space<vmem>> -> memref<256x128xf32, #tpu.memory_space<vmem>>
    %dma_start3A_90 = arith.constant 0 : i32
    %dma_start3A_91 = tpu.memref_slice %arg4[%add3A_84, %dma_start3A_90] : memref<65536x128xf32, #tpu.memory_space<hbm>> -> memref<256x128xf32, #tpu.memory_space<hbm>>
    %dma_start3A_92 = arith.constant 0 : i32
    %dma_start3A_93 = tpu.memref_slice %arg4[%add3A_84, %dma_start3A_92] : memref<65536x128xf32, #tpu.memory_space<hbm>> -> memref<256x128xf32, #tpu.memory_space<hbm>>
    %dma_start3A_94 = arith.constant 0 : i32
    %dma_start3A_95 = arith.constant 0 : i32
    %dma_start3A_96 = tpu.memref_slice %arg6[%dma_start3A_85, %dma_start3A_94, %dma_start3A_95] : memref<2x256x128xf32, #tpu.memory_space<vmem>> -> memref<1x256x128xf32, #tpu.memory_space<vmem>>
    %dma_start3A_97 = tpu.memref_squeeze %dma_start3A_96 : memref<1x256x128xf32, #tpu.memory_space<vmem>> -> memref<256x128xf32, #tpu.memory_space<vmem>>
    tpu.enqueue_dma source(%dma_start3A_97 : memref<256x128xf32, #tpu.memory_space<vmem>>) target(%dma_start3A_93 : memref<256x128xf32, #tpu.memory_space<hbm>>) target_semaphore(%arg11 : memref<!tpu.dma_semaphore, #tpu.memory_space<semaphore_mem>>)
    %dma_wait3A_98 = arith.constant 1 : i32
    %dma_wait3A_99 = arith.constant 0 : i32
    %dma_wait3A_100 = arith.constant 0 : i32
    %dma_wait3A_101 = tpu.memref_slice %arg6[%dma_wait3A_98, %dma_wait3A_99, %dma_wait3A_100] : memref<2x256x128xf32, #tpu.memory_space<vmem>> -> memref<1x256x128xf32, #tpu.memory_space<vmem>>
    %dma_wait3A_102 = tpu.memref_squeeze %dma_wait3A_101 : memref<1x256x128xf32, #tpu.memory_space<vmem>> -> memref<256x128xf32, #tpu.memory_space<vmem>>
    %dma_wait3A_103 = arith.constant 0 : i32
    %dma_wait3A_104 = tpu.memref_slice %arg4[%add3A_84, %dma_wait3A_103] : memref<65536x128xf32, #tpu.memory_space<hbm>> -> memref<256x128xf32, #tpu.memory_space<hbm>>
    %dma_wait3A_105 = arith.constant 0 : i32
    %dma_wait3A_106 = tpu.memref_slice %arg4[%add3A_84, %dma_wait3A_105] : memref<65536x128xf32, #tpu.memory_space<hbm>> -> memref<256x128xf32, #tpu.memory_space<hbm>>
    %dma_wait3A_107 = arith.constant 0 : i32
    %dma_wait3A_108 = arith.constant 0 : i32
    %dma_wait3A_109 = tpu.memref_slice %arg6[%dma_wait3A_98, %dma_wait3A_107, %dma_wait3A_108] : memref<2x256x128xf32, #tpu.memory_space<vmem>> -> memref<1x256x128xf32, #tpu.memory_space<vmem>>
    %dma_wait3A_110 = tpu.memref_squeeze %dma_wait3A_109 : memref<1x256x128xf32, #tpu.memory_space<vmem>> -> memref<256x128xf32, #tpu.memory_space<vmem>>
    tpu.wait_dma2 semaphore(%arg11 : memref<!tpu.dma_semaphore, #tpu.memory_space<semaphore_mem>>) src(%dma_wait3A_110 : memref<256x128xf32, #tpu.memory_space<vmem>>) dst(%dma_wait3A_106 : memref<256x128xf32, #tpu.memory_space<hbm>>)
    %dma_start3A_111 = arith.constant 1 : i32
    %dma_start3A_112 = arith.constant 0 : i32
    %dma_start3A_113 = arith.constant 0 : i32
    %dma_start3A_114 = tpu.memref_slice %arg6[%dma_start3A_111, %dma_start3A_112, %dma_start3A_113] : memref<2x256x128xf32, #tpu.memory_space<vmem>> -> memref<1x256x128xf32, #tpu.memory_space<vmem>>
    %dma_start3A_115 = tpu.memref_squeeze %dma_start3A_114 : memref<1x256x128xf32, #tpu.memory_space<vmem>> -> memref<256x128xf32, #tpu.memory_space<vmem>>
    %dma_start3A_116 = arith.constant 768 : i32
    %dma_start3A_117 = tpu.memref_slice %arg5[%dma_start3A_116] : memref<2048xi32, #tpu.memory_space<vmem>> -> memref<256xi32, #tpu.memory_space<vmem>>
    %dma_start3A_118 = arith.constant 0 : i32
    %dma_start3A_119 = arith.constant 0 : i32
    %dma_start3A_120 = tpu.memref_slice %arg7[%dma_start3A_118, %dma_start3A_119] : memref<2048x128xf32, #tpu.memory_space<vmem_shared>> -> memref<2048x128xf32, #tpu.memory_space<vmem_shared>>
    tpu.enqueue_indirect_dma source(%dma_start3A_120 : memref<2048x128xf32, #tpu.memory_space<vmem_shared>>) target(%dma_start3A_115 : memref<256x128xf32, #tpu.memory_space<vmem>>) offsets(%dma_start3A_117 : memref<256xi32, #tpu.memory_space<vmem>>) semaphore(%arg9 : memref<!tpu.dma_semaphore, #tpu.memory_space<semaphore_mem>>)
    %dma_wait3A_121 = arith.constant 0 : i32
    %dma_wait3A_122 = arith.constant 0 : i32
    %dma_wait3A_123 = arith.constant 0 : i32
    %dma_wait3A_124 = tpu.memref_slice %arg6[%dma_wait3A_121, %dma_wait3A_122, %dma_wait3A_123] : memref<2x256x128xf32, #tpu.memory_space<vmem>> -> memref<1x256x128xf32, #tpu.memory_space<vmem>>
    %dma_wait3A_125 = tpu.memref_squeeze %dma_wait3A_124 : memref<1x256x128xf32, #tpu.memory_space<vmem>> -> memref<256x128xf32, #tpu.memory_space<vmem>>
    %dma_wait3A_126 = arith.constant 512 : i32
    %dma_wait3A_127 = tpu.memref_slice %arg5[%dma_wait3A_126] : memref<2048xi32, #tpu.memory_space<vmem>> -> memref<256xi32, #tpu.memory_space<vmem>>
    %dma_wait3A_128 = arith.constant 0 : i32
    %dma_wait3A_129 = arith.constant 0 : i32
    %dma_wait3A_130 = tpu.memref_slice %arg7[%dma_wait3A_128, %dma_wait3A_129] : memref<2048x128xf32, #tpu.memory_space<vmem_shared>> -> memref<2048x128xf32, #tpu.memory_space<vmem_shared>>
    tpu.wait_indirect_dma semaphore(%arg8 : memref<!tpu.dma_semaphore, #tpu.memory_space<semaphore_mem>>) src(%dma_wait3A_130 : memref<2048x128xf32, #tpu.memory_space<vmem_shared>>) dst(%dma_wait3A_125 : memref<256x128xf32, #tpu.memory_space<vmem>>)
    %add3A_131 = arith.constant 512 : i32
    %add3A_132 = arith.addi %mul3A_2, %add3A_131 : i32
    %dma_start3A_133 = arith.constant 0 : i32
    %dma_start3A_134 = arith.constant 0 : i32
    %dma_start3A_135 = arith.constant 0 : i32
    %dma_start3A_136 = tpu.memref_slice %arg6[%dma_start3A_133, %dma_start3A_134, %dma_start3A_135] : memref<2x256x128xf32, #tpu.memory_space<vmem>> -> memref<1x256x128xf32, #tpu.memory_space<vmem>>
    %dma_start3A_137 = tpu.memref_squeeze %dma_start3A_136 : memref<1x256x128xf32, #tpu.memory_space<vmem>> -> memref<256x128xf32, #tpu.memory_space<vmem>>
    %dma_start3A_138 = arith.constant 0 : i32
    %dma_start3A_139 = tpu.memref_slice %arg4[%add3A_132, %dma_start3A_138] : memref<65536x128xf32, #tpu.memory_space<hbm>> -> memref<256x128xf32, #tpu.memory_space<hbm>>
    %dma_start3A_140 = arith.constant 0 : i32
    %dma_start3A_141 = tpu.memref_slice %arg4[%add3A_132, %dma_start3A_140] : memref<65536x128xf32, #tpu.memory_space<hbm>> -> memref<256x128xf32, #tpu.memory_space<hbm>>
    %dma_start3A_142 = arith.constant 0 : i32
    %dma_start3A_143 = arith.constant 0 : i32
    %dma_start3A_144 = tpu.memref_slice %arg6[%dma_start3A_133, %dma_start3A_142, %dma_start3A_143] : memref<2x256x128xf32, #tpu.memory_space<vmem>> -> memref<1x256x128xf32, #tpu.memory_space<vmem>>
    %dma_start3A_145 = tpu.memref_squeeze %dma_start3A_144 : memref<1x256x128xf32, #tpu.memory_space<vmem>> -> memref<256x128xf32, #tpu.memory_space<vmem>>
    tpu.enqueue_dma source(%dma_start3A_145 : memref<256x128xf32, #tpu.memory_space<vmem>>) target(%dma_start3A_141 : memref<256x128xf32, #tpu.memory_space<hbm>>) target_semaphore(%arg10 : memref<!tpu.dma_semaphore, #tpu.memory_space<semaphore_mem>>)
    %dma_wait3A_146 = arith.constant 0 : i32
    %dma_wait3A_147 = arith.constant 0 : i32
    %dma_wait3A_148 = arith.constant 0 : i32
    %dma_wait3A_149 = tpu.memref_slice %arg6[%dma_wait3A_146, %dma_wait3A_147, %dma_wait3A_148] : memref<2x256x128xf32, #tpu.memory_space<vmem>> -> memref<1x256x128xf32, #tpu.memory_space<vmem>>
    %dma_wait3A_150 = tpu.memref_squeeze %dma_wait3A_149 : memref<1x256x128xf32, #tpu.memory_space<vmem>> -> memref<256x128xf32, #tpu.memory_space<vmem>>
    %dma_wait3A_151 = arith.constant 0 : i32
    %dma_wait3A_152 = tpu.memref_slice %arg4[%add3A_132, %dma_wait3A_151] : memref<65536x128xf32, #tpu.memory_space<hbm>> -> memref<256x128xf32, #tpu.memory_space<hbm>>
    %dma_wait3A_153 = arith.constant 0 : i32
    %dma_wait3A_154 = tpu.memref_slice %arg4[%add3A_132, %dma_wait3A_153] : memref<65536x128xf32, #tpu.memory_space<hbm>> -> memref<256x128xf32, #tpu.memory_space<hbm>>
    %dma_wait3A_155 = arith.constant 0 : i32
    %dma_wait3A_156 = arith.constant 0 : i32
    %dma_wait3A_157 = tpu.memref_slice %arg6[%dma_wait3A_146, %dma_wait3A_155, %dma_wait3A_156] : memref<2x256x128xf32, #tpu.memory_space<vmem>> -> memref<1x256x128xf32, #tpu.memory_space<vmem>>
    %dma_wait3A_158 = tpu.memref_squeeze %dma_wait3A_157 : memref<1x256x128xf32, #tpu.memory_space<vmem>> -> memref<256x128xf32, #tpu.memory_space<vmem>>
    tpu.wait_dma2 semaphore(%arg10 : memref<!tpu.dma_semaphore, #tpu.memory_space<semaphore_mem>>) src(%dma_wait3A_158 : memref<256x128xf32, #tpu.memory_space<vmem>>) dst(%dma_wait3A_154 : memref<256x128xf32, #tpu.memory_space<hbm>>)
    %dma_start3A_159 = arith.constant 0 : i32
    %dma_start3A_160 = arith.constant 0 : i32
    %dma_start3A_161 = arith.constant 0 : i32
    %dma_start3A_162 = tpu.memref_slice %arg6[%dma_start3A_159, %dma_start3A_160, %dma_start3A_161] : memref<2x256x128xf32, #tpu.memory_space<vmem>> -> memref<1x256x128xf32, #tpu.memory_space<vmem>>
    %dma_start3A_163 = tpu.memref_squeeze %dma_start3A_162 : memref<1x256x128xf32, #tpu.memory_space<vmem>> -> memref<256x128xf32, #tpu.memory_space<vmem>>
    %dma_start3A_164 = arith.constant 1024 : i32
    %dma_start3A_165 = tpu.memref_slice %arg5[%dma_start3A_164] : memref<2048xi32, #tpu.memory_space<vmem>> -> memref<256xi32, #tpu.memory_space<vmem>>
    %dma_start3A_166 = arith.constant 0 : i32
    %dma_start3A_167 = arith.constant 0 : i32
    %dma_start3A_168 = tpu.memref_slice %arg7[%dma_start3A_166, %dma_start3A_167] : memref<2048x128xf32, #tpu.memory_space<vmem_shared>> -> memref<2048x128xf32, #tpu.memory_space<vmem_shared>>
    tpu.enqueue_indirect_dma source(%dma_start3A_168 : memref<2048x128xf32, #tpu.memory_space<vmem_shared>>) target(%dma_start3A_163 : memref<256x128xf32, #tpu.memory_space<vmem>>) offsets(%dma_start3A_165 : memref<256xi32, #tpu.memory_space<vmem>>) semaphore(%arg8 : memref<!tpu.dma_semaphore, #tpu.memory_space<semaphore_mem>>)
    %dma_wait3A_169 = arith.constant 1 : i32
    %dma_wait3A_170 = arith.constant 0 : i32
    %dma_wait3A_171 = arith.constant 0 : i32
    %dma_wait3A_172 = tpu.memref_slice %arg6[%dma_wait3A_169, %dma_wait3A_170, %dma_wait3A_171] : memref<2x256x128xf32, #tpu.memory_space<vmem>> -> memref<1x256x128xf32, #tpu.memory_space<vmem>>
    %dma_wait3A_173 = tpu.memref_squeeze %dma_wait3A_172 : memref<1x256x128xf32, #tpu.memory_space<vmem>> -> memref<256x128xf32, #tpu.memory_space<vmem>>
    %dma_wait3A_174 = arith.constant 768 : i32
    %dma_wait3A_175 = tpu.memref_slice %arg5[%dma_wait3A_174] : memref<2048xi32, #tpu.memory_space<vmem>> -> memref<256xi32, #tpu.memory_space<vmem>>
    %dma_wait3A_176 = arith.constant 0 : i32
    %dma_wait3A_177 = arith.constant 0 : i32
    %dma_wait3A_178 = tpu.memref_slice %arg7[%dma_wait3A_176, %dma_wait3A_177] : memref<2048x128xf32, #tpu.memory_space<vmem_shared>> -> memref<2048x128xf32, #tpu.memory_space<vmem_shared>>
    tpu.wait_indirect_dma semaphore(%arg9 : memref<!tpu.dma_semaphore, #tpu.memory_space<semaphore_mem>>) src(%dma_wait3A_178 : memref<2048x128xf32, #tpu.memory_space<vmem_shared>>) dst(%dma_wait3A_173 : memref<256x128xf32, #tpu.memory_space<vmem>>)
    %add3A_179 = arith.constant 768 : i32
    %add3A_180 = arith.addi %mul3A_2, %add3A_179 : i32
    %dma_start3A_181 = arith.constant 1 : i32
    %dma_start3A_182 = arith.constant 0 : i32
    %dma_start3A_183 = arith.constant 0 : i32
    %dma_start3A_184 = tpu.memref_slice %arg6[%dma_start3A_181, %dma_start3A_182, %dma_start3A_183] : memref<2x256x128xf32, #tpu.memory_space<vmem>> -> memref<1x256x128xf32, #tpu.memory_space<vmem>>
    %dma_start3A_185 = tpu.memref_squeeze %dma_start3A_184 : memref<1x256x128xf32, #tpu.memory_space<vmem>> -> memref<256x128xf32, #tpu.memory_space<vmem>>
    %dma_start3A_186 = arith.constant 0 : i32
    %dma_start3A_187 = tpu.memref_slice %arg4[%add3A_180, %dma_start3A_186] : memref<65536x128xf32, #tpu.memory_space<hbm>> -> memref<256x128xf32, #tpu.memory_space<hbm>>
    %dma_start3A_188 = arith.constant 0 : i32
    %dma_start3A_189 = tpu.memref_slice %arg4[%add3A_180, %dma_start3A_188] : memref<65536x128xf32, #tpu.memory_space<hbm>> -> memref<256x128xf32, #tpu.memory_space<hbm>>
    %dma_start3A_190 = arith.constant 0 : i32
    %dma_start3A_191 = arith.constant 0 : i32
    %dma_start3A_192 = tpu.memref_slice %arg6[%dma_start3A_181, %dma_start3A_190, %dma_start3A_191] : memref<2x256x128xf32, #tpu.memory_space<vmem>> -> memref<1x256x128xf32, #tpu.memory_space<vmem>>
    %dma_start3A_193 = tpu.memref_squeeze %dma_start3A_192 : memref<1x256x128xf32, #tpu.memory_space<vmem>> -> memref<256x128xf32, #tpu.memory_space<vmem>>
    tpu.enqueue_dma source(%dma_start3A_193 : memref<256x128xf32, #tpu.memory_space<vmem>>) target(%dma_start3A_189 : memref<256x128xf32, #tpu.memory_space<hbm>>) target_semaphore(%arg11 : memref<!tpu.dma_semaphore, #tpu.memory_space<semaphore_mem>>)
    %dma_wait3A_194 = arith.constant 1 : i32
    %dma_wait3A_195 = arith.constant 0 : i32
    %dma_wait3A_196 = arith.constant 0 : i32
    %dma_wait3A_197 = tpu.memref_slice %arg6[%dma_wait3A_194, %dma_wait3A_195, %dma_wait3A_196] : memref<2x256x128xf32, #tpu.memory_space<vmem>> -> memref<1x256x128xf32, #tpu.memory_space<vmem>>
    %dma_wait3A_198 = tpu.memref_squeeze %dma_wait3A_197 : memref<1x256x128xf32, #tpu.memory_space<vmem>> -> memref<256x128xf32, #tpu.memory_space<vmem>>
    %dma_wait3A_199 = arith.constant 0 : i32
    %dma_wait3A_200 = tpu.memref_slice %arg4[%add3A_180, %dma_wait3A_199] : memref<65536x128xf32, #tpu.memory_space<hbm>> -> memref<256x128xf32, #tpu.memory_space<hbm>>
    %dma_wait3A_201 = arith.constant 0 : i32
    %dma_wait3A_202 = tpu.memref_slice %arg4[%add3A_180, %dma_wait3A_201] : memref<65536x128xf32, #tpu.memory_space<hbm>> -> memref<256x128xf32, #tpu.memory_space<hbm>>
    %dma_wait3A_203 = arith.constant 0 : i32
    %dma_wait3A_204 = arith.constant 0 : i32
    %dma_wait3A_205 = tpu.memref_slice %arg6[%dma_wait3A_194, %dma_wait3A_203, %dma_wait3A_204] : memref<2x256x128xf32, #tpu.memory_space<vmem>> -> memref<1x256x128xf32, #tpu.memory_space<vmem>>
    %dma_wait3A_206 = tpu.memref_squeeze %dma_wait3A_205 : memref<1x256x128xf32, #tpu.memory_space<vmem>> -> memref<256x128xf32, #tpu.memory_space<vmem>>
    tpu.wait_dma2 semaphore(%arg11 : memref<!tpu.dma_semaphore, #tpu.memory_space<semaphore_mem>>) src(%dma_wait3A_206 : memref<256x128xf32, #tpu.memory_space<vmem>>) dst(%dma_wait3A_202 : memref<256x128xf32, #tpu.memory_space<hbm>>)
    %dma_start3A_207 = arith.constant 1 : i32
    %dma_start3A_208 = arith.constant 0 : i32
    %dma_start3A_209 = arith.constant 0 : i32
    %dma_start3A_210 = tpu.memref_slice %arg6[%dma_start3A_207, %dma_start3A_208, %dma_start3A_209] : memref<2x256x128xf32, #tpu.memory_space<vmem>> -> memref<1x256x128xf32, #tpu.memory_space<vmem>>
    %dma_start3A_211 = tpu.memref_squeeze %dma_start3A_210 : memref<1x256x128xf32, #tpu.memory_space<vmem>> -> memref<256x128xf32, #tpu.memory_space<vmem>>
    %dma_start3A_212 = arith.constant 1280 : i32
    %dma_start3A_213 = tpu.memref_slice %arg5[%dma_start3A_212] : memref<2048xi32, #tpu.memory_space<vmem>> -> memref<256xi32, #tpu.memory_space<vmem>>
    %dma_start3A_214 = arith.constant 0 : i32
    %dma_start3A_215 = arith.constant 0 : i32
    %dma_start3A_216 = tpu.memref_slice %arg7[%dma_start3A_214, %dma_start3A_215] : memref<2048x128xf32, #tpu.memory_space<vmem_shared>> -> memref<2048x128xf32, #tpu.memory_space<vmem_shared>>
    tpu.enqueue_indirect_dma source(%dma_start3A_216 : memref<2048x128xf32, #tpu.memory_space<vmem_shared>>) target(%dma_start3A_211 : memref<256x128xf32, #tpu.memory_space<vmem>>) offsets(%dma_start3A_213 : memref<256xi32, #tpu.memory_space<vmem>>) semaphore(%arg9 : memref<!tpu.dma_semaphore, #tpu.memory_space<semaphore_mem>>)
    %dma_wait3A_217 = arith.constant 0 : i32
    %dma_wait3A_218 = arith.constant 0 : i32
    %dma_wait3A_219 = arith.constant 0 : i32
    %dma_wait3A_220 = tpu.memref_slice %arg6[%dma_wait3A_217, %dma_wait3A_218, %dma_wait3A_219] : memref<2x256x128xf32, #tpu.memory_space<vmem>> -> memref<1x256x128xf32, #tpu.memory_space<vmem>>
    %dma_wait3A_221 = tpu.memref_squeeze %dma_wait3A_220 : memref<1x256x128xf32, #tpu.memory_space<vmem>> -> memref<256x128xf32, #tpu.memory_space<vmem>>
    %dma_wait3A_222 = arith.constant 1024 : i32
    %dma_wait3A_223 = tpu.memref_slice %arg5[%dma_wait3A_222] : memref<2048xi32, #tpu.memory_space<vmem>> -> memref<256xi32, #tpu.memory_space<vmem>>
    %dma_wait3A_224 = arith.constant 0 : i32
    %dma_wait3A_225 = arith.constant 0 : i32
    %dma_wait3A_226 = tpu.memref_slice %arg7[%dma_wait3A_224, %dma_wait3A_225] : memref<2048x128xf32, #tpu.memory_space<vmem_shared>> -> memref<2048x128xf32, #tpu.memory_space<vmem_shared>>
    tpu.wait_indirect_dma semaphore(%arg8 : memref<!tpu.dma_semaphore, #tpu.memory_space<semaphore_mem>>) src(%dma_wait3A_226 : memref<2048x128xf32, #tpu.memory_space<vmem_shared>>) dst(%dma_wait3A_221 : memref<256x128xf32, #tpu.memory_space<vmem>>)
    %add3A_227 = arith.constant 1024 : i32
    %add3A_228 = arith.addi %mul3A_2, %add3A_227 : i32
    %dma_start3A_229 = arith.constant 0 : i32
    %dma_start3A_230 = arith.constant 0 : i32
    %dma_start3A_231 = arith.constant 0 : i32
    %dma_start3A_232 = tpu.memref_slice %arg6[%dma_start3A_229, %dma_start3A_230, %dma_start3A_231] : memref<2x256x128xf32, #tpu.memory_space<vmem>> -> memref<1x256x128xf32, #tpu.memory_space<vmem>>
    %dma_start3A_233 = tpu.memref_squeeze %dma_start3A_232 : memref<1x256x128xf32, #tpu.memory_space<vmem>> -> memref<256x128xf32, #tpu.memory_space<vmem>>
    %dma_start3A_234 = arith.constant 0 : i32
    %dma_start3A_235 = tpu.memref_slice %arg4[%add3A_228, %dma_start3A_234] : memref<65536x128xf32, #tpu.memory_space<hbm>> -> memref<256x128xf32, #tpu.memory_space<hbm>>
    %dma_start3A_236 = arith.constant 0 : i32
    %dma_start3A_237 = tpu.memref_slice %arg4[%add3A_228, %dma_start3A_236] : memref<65536x128xf32, #tpu.memory_space<hbm>> -> memref<256x128xf32, #tpu.memory_space<hbm>>
    %dma_start3A_238 = arith.constant 0 : i32
    %dma_start3A_239 = arith.constant 0 : i32
    %dma_start3A_240 = tpu.memref_slice %arg6[%dma_start3A_229, %dma_start3A_238, %dma_start3A_239] : memref<2x256x128xf32, #tpu.memory_space<vmem>> -> memref<1x256x128xf32, #tpu.memory_space<vmem>>
    %dma_start3A_241 = tpu.memref_squeeze %dma_start3A_240 : memref<1x256x128xf32, #tpu.memory_space<vmem>> -> memref<256x128xf32, #tpu.memory_space<vmem>>
    tpu.enqueue_dma source(%dma_start3A_241 : memref<256x128xf32, #tpu.memory_space<vmem>>) target(%dma_start3A_237 : memref<256x128xf32, #tpu.memory_space<hbm>>) target_semaphore(%arg10 : memref<!tpu.dma_semaphore, #tpu.memory_space<semaphore_mem>>)
    %dma_wait3A_242 = arith.constant 0 : i32
    %dma_wait3A_243 = arith.constant 0 : i32
    %dma_wait3A_244 = arith.constant 0 : i32
    %dma_wait3A_245 = tpu.memref_slice %arg6[%dma_wait3A_242, %dma_wait3A_243, %dma_wait3A_244] : memref<2x256x128xf32, #tpu.memory_space<vmem>> -> memref<1x256x128xf32, #tpu.memory_space<vmem>>
    %dma_wait3A_246 = tpu.memref_squeeze %dma_wait3A_245 : memref<1x256x128xf32, #tpu.memory_space<vmem>> -> memref<256x128xf32, #tpu.memory_space<vmem>>
    %dma_wait3A_247 = arith.constant 0 : i32
    %dma_wait3A_248 = tpu.memref_slice %arg4[%add3A_228, %dma_wait3A_247] : memref<65536x128xf32, #tpu.memory_space<hbm>> -> memref<256x128xf32, #tpu.memory_space<hbm>>
    %dma_wait3A_249 = arith.constant 0 : i32
    %dma_wait3A_250 = tpu.memref_slice %arg4[%add3A_228, %dma_wait3A_249] : memref<65536x128xf32, #tpu.memory_space<hbm>> -> memref<256x128xf32, #tpu.memory_space<hbm>>
    %dma_wait3A_251 = arith.constant 0 : i32
    %dma_wait3A_252 = arith.constant 0 : i32
    %dma_wait3A_253 = tpu.memref_slice %arg6[%dma_wait3A_242, %dma_wait3A_251, %dma_wait3A_252] : memref<2x256x128xf32, #tpu.memory_space<vmem>> -> memref<1x256x128xf32, #tpu.memory_space<vmem>>
    %dma_wait3A_254 = tpu.memref_squeeze %dma_wait3A_253 : memref<1x256x128xf32, #tpu.memory_space<vmem>> -> memref<256x128xf32, #tpu.memory_space<vmem>>
    tpu.wait_dma2 semaphore(%arg10 : memref<!tpu.dma_semaphore, #tpu.memory_space<semaphore_mem>>) src(%dma_wait3A_254 : memref<256x128xf32, #tpu.memory_space<vmem>>) dst(%dma_wait3A_250 : memref<256x128xf32, #tpu.memory_space<hbm>>)
    %dma_start3A_255 = arith.constant 0 : i32
    %dma_start3A_256 = arith.constant 0 : i32
    %dma_start3A_257 = arith.constant 0 : i32
    %dma_start3A_258 = tpu.memref_slice %arg6[%dma_start3A_255, %dma_start3A_256, %dma_start3A_257] : memref<2x256x128xf32, #tpu.memory_space<vmem>> -> memref<1x256x128xf32, #tpu.memory_space<vmem>>
    %dma_start3A_259 = tpu.memref_squeeze %dma_start3A_258 : memref<1x256x128xf32, #tpu.memory_space<vmem>> -> memref<256x128xf32, #tpu.memory_space<vmem>>
    %dma_start3A_260 = arith.constant 1536 : i32
    %dma_start3A_261 = tpu.memref_slice %arg5[%dma_start3A_260] : memref<2048xi32, #tpu.memory_space<vmem>> -> memref<256xi32, #tpu.memory_space<vmem>>
    %dma_start3A_262 = arith.constant 0 : i32
    %dma_start3A_263 = arith.constant 0 : i32
    %dma_start3A_264 = tpu.memref_slice %arg7[%dma_start3A_262, %dma_start3A_263] : memref<2048x128xf32, #tpu.memory_space<vmem_shared>> -> memref<2048x128xf32, #tpu.memory_space<vmem_shared>>
    tpu.enqueue_indirect_dma source(%dma_start3A_264 : memref<2048x128xf32, #tpu.memory_space<vmem_shared>>) target(%dma_start3A_259 : memref<256x128xf32, #tpu.memory_space<vmem>>) offsets(%dma_start3A_261 : memref<256xi32, #tpu.memory_space<vmem>>) semaphore(%arg8 : memref<!tpu.dma_semaphore, #tpu.memory_space<semaphore_mem>>)
    %dma_wait3A_265 = arith.constant 1 : i32
    %dma_wait3A_266 = arith.constant 0 : i32
    %dma_wait3A_267 = arith.constant 0 : i32
    %dma_wait3A_268 = tpu.memref_slice %arg6[%dma_wait3A_265, %dma_wait3A_266, %dma_wait3A_267] : memref<2x256x128xf32, #tpu.memory_space<vmem>> -> memref<1x256x128xf32, #tpu.memory_space<vmem>>
    %dma_wait3A_269 = tpu.memref_squeeze %dma_wait3A_268 : memref<1x256x128xf32, #tpu.memory_space<vmem>> -> memref<256x128xf32, #tpu.memory_space<vmem>>
    %dma_wait3A_270 = arith.constant 1280 : i32
    %dma_wait3A_271 = tpu.memref_slice %arg5[%dma_wait3A_270] : memref<2048xi32, #tpu.memory_space<vmem>> -> memref<256xi32, #tpu.memory_space<vmem>>
    %dma_wait3A_272 = arith.constant 0 : i32
    %dma_wait3A_273 = arith.constant 0 : i32
    %dma_wait3A_274 = tpu.memref_slice %arg7[%dma_wait3A_272, %dma_wait3A_273] : memref<2048x128xf32, #tpu.memory_space<vmem_shared>> -> memref<2048x128xf32, #tpu.memory_space<vmem_shared>>
    tpu.wait_indirect_dma semaphore(%arg9 : memref<!tpu.dma_semaphore, #tpu.memory_space<semaphore_mem>>) src(%dma_wait3A_274 : memref<2048x128xf32, #tpu.memory_space<vmem_shared>>) dst(%dma_wait3A_269 : memref<256x128xf32, #tpu.memory_space<vmem>>)
    %add3A_275 = arith.constant 1280 : i32
    %add3A_276 = arith.addi %mul3A_2, %add3A_275 : i32
    %dma_start3A_277 = arith.constant 1 : i32
    %dma_start3A_278 = arith.constant 0 : i32
    %dma_start3A_279 = arith.constant 0 : i32
    %dma_start3A_280 = tpu.memref_slice %arg6[%dma_start3A_277, %dma_start3A_278, %dma_start3A_279] : memref<2x256x128xf32, #tpu.memory_space<vmem>> -> memref<1x256x128xf32, #tpu.memory_space<vmem>>
    %dma_start3A_281 = tpu.memref_squeeze %dma_start3A_280 : memref<1x256x128xf32, #tpu.memory_space<vmem>> -> memref<256x128xf32, #tpu.memory_space<vmem>>
    %dma_start3A_282 = arith.constant 0 : i32
    %dma_start3A_283 = tpu.memref_slice %arg4[%add3A_276, %dma_start3A_282] : memref<65536x128xf32, #tpu.memory_space<hbm>> -> memref<256x128xf32, #tpu.memory_space<hbm>>
    %dma_start3A_284 = arith.constant 0 : i32
    %dma_start3A_285 = tpu.memref_slice %arg4[%add3A_276, %dma_start3A_284] : memref<65536x128xf32, #tpu.memory_space<hbm>> -> memref<256x128xf32, #tpu.memory_space<hbm>>
    %dma_start3A_286 = arith.constant 0 : i32
    %dma_start3A_287 = arith.constant 0 : i32
    %dma_start3A_288 = tpu.memref_slice %arg6[%dma_start3A_277, %dma_start3A_286, %dma_start3A_287] : memref<2x256x128xf32, #tpu.memory_space<vmem>> -> memref<1x256x128xf32, #tpu.memory_space<vmem>>
    %dma_start3A_289 = tpu.memref_squeeze %dma_start3A_288 : memref<1x256x128xf32, #tpu.memory_space<vmem>> -> memref<256x128xf32, #tpu.memory_space<vmem>>
    tpu.enqueue_dma source(%dma_start3A_289 : memref<256x128xf32, #tpu.memory_space<vmem>>) target(%dma_start3A_285 : memref<256x128xf32, #tpu.memory_space<hbm>>) target_semaphore(%arg11 : memref<!tpu.dma_semaphore, #tpu.memory_space<semaphore_mem>>)
    %dma_wait3A_290 = arith.constant 1 : i32
    %dma_wait3A_291 = arith.constant 0 : i32
    %dma_wait3A_292 = arith.constant 0 : i32
    %dma_wait3A_293 = tpu.memref_slice %arg6[%dma_wait3A_290, %dma_wait3A_291, %dma_wait3A_292] : memref<2x256x128xf32, #tpu.memory_space<vmem>> -> memref<1x256x128xf32, #tpu.memory_space<vmem>>
    %dma_wait3A_294 = tpu.memref_squeeze %dma_wait3A_293 : memref<1x256x128xf32, #tpu.memory_space<vmem>> -> memref<256x128xf32, #tpu.memory_space<vmem>>
    %dma_wait3A_295 = arith.constant 0 : i32
    %dma_wait3A_296 = tpu.memref_slice %arg4[%add3A_276, %dma_wait3A_295] : memref<65536x128xf32, #tpu.memory_space<hbm>> -> memref<256x128xf32, #tpu.memory_space<hbm>>
    %dma_wait3A_297 = arith.constant 0 : i32
    %dma_wait3A_298 = tpu.memref_slice %arg4[%add3A_276, %dma_wait3A_297] : memref<65536x128xf32, #tpu.memory_space<hbm>> -> memref<256x128xf32, #tpu.memory_space<hbm>>
    %dma_wait3A_299 = arith.constant 0 : i32
    %dma_wait3A_300 = arith.constant 0 : i32
    %dma_wait3A_301 = tpu.memref_slice %arg6[%dma_wait3A_290, %dma_wait3A_299, %dma_wait3A_300] : memref<2x256x128xf32, #tpu.memory_space<vmem>> -> memref<1x256x128xf32, #tpu.memory_space<vmem>>
    %dma_wait3A_302 = tpu.memref_squeeze %dma_wait3A_301 : memref<1x256x128xf32, #tpu.memory_space<vmem>> -> memref<256x128xf32, #tpu.memory_space<vmem>>
    tpu.wait_dma2 semaphore(%arg11 : memref<!tpu.dma_semaphore, #tpu.memory_space<semaphore_mem>>) src(%dma_wait3A_302 : memref<256x128xf32, #tpu.memory_space<vmem>>) dst(%dma_wait3A_298 : memref<256x128xf32, #tpu.memory_space<hbm>>)
    %dma_start3A_303 = arith.constant 1 : i32
    %dma_start3A_304 = arith.constant 0 : i32
    %dma_start3A_305 = arith.constant 0 : i32
    %dma_start3A_306 = tpu.memref_slice %arg6[%dma_start3A_303, %dma_start3A_304, %dma_start3A_305] : memref<2x256x128xf32, #tpu.memory_space<vmem>> -> memref<1x256x128xf32, #tpu.memory_space<vmem>>
    %dma_start3A_307 = tpu.memref_squeeze %dma_start3A_306 : memref<1x256x128xf32, #tpu.memory_space<vmem>> -> memref<256x128xf32, #tpu.memory_space<vmem>>
    %dma_start3A_308 = arith.constant 1792 : i32
    %dma_start3A_309 = tpu.memref_slice %arg5[%dma_start3A_308] : memref<2048xi32, #tpu.memory_space<vmem>> -> memref<256xi32, #tpu.memory_space<vmem>>
    %dma_start3A_310 = arith.constant 0 : i32
    %dma_start3A_311 = arith.constant 0 : i32
    %dma_start3A_312 = tpu.memref_slice %arg7[%dma_start3A_310, %dma_start3A_311] : memref<2048x128xf32, #tpu.memory_space<vmem_shared>> -> memref<2048x128xf32, #tpu.memory_space<vmem_shared>>
    tpu.enqueue_indirect_dma source(%dma_start3A_312 : memref<2048x128xf32, #tpu.memory_space<vmem_shared>>) target(%dma_start3A_307 : memref<256x128xf32, #tpu.memory_space<vmem>>) offsets(%dma_start3A_309 : memref<256xi32, #tpu.memory_space<vmem>>) semaphore(%arg9 : memref<!tpu.dma_semaphore, #tpu.memory_space<semaphore_mem>>)
    %dma_wait3A_313 = arith.constant 0 : i32
    %dma_wait3A_314 = arith.constant 0 : i32
    %dma_wait3A_315 = arith.constant 0 : i32
    %dma_wait3A_316 = tpu.memref_slice %arg6[%dma_wait3A_313, %dma_wait3A_314, %dma_wait3A_315] : memref<2x256x128xf32, #tpu.memory_space<vmem>> -> memref<1x256x128xf32, #tpu.memory_space<vmem>>
    %dma_wait3A_317 = tpu.memref_squeeze %dma_wait3A_316 : memref<1x256x128xf32, #tpu.memory_space<vmem>> -> memref<256x128xf32, #tpu.memory_space<vmem>>
    %dma_wait3A_318 = arith.constant 1536 : i32
    %dma_wait3A_319 = tpu.memref_slice %arg5[%dma_wait3A_318] : memref<2048xi32, #tpu.memory_space<vmem>> -> memref<256xi32, #tpu.memory_space<vmem>>
    %dma_wait3A_320 = arith.constant 0 : i32
    %dma_wait3A_321 = arith.constant 0 : i32
    %dma_wait3A_322 = tpu.memref_slice %arg7[%dma_wait3A_320, %dma_wait3A_321] : memref<2048x128xf32, #tpu.memory_space<vmem_shared>> -> memref<2048x128xf32, #tpu.memory_space<vmem_shared>>
    tpu.wait_indirect_dma semaphore(%arg8 : memref<!tpu.dma_semaphore, #tpu.memory_space<semaphore_mem>>) src(%dma_wait3A_322 : memref<2048x128xf32, #tpu.memory_space<vmem_shared>>) dst(%dma_wait3A_317 : memref<256x128xf32, #tpu.memory_space<vmem>>)
    %add3A_323 = arith.constant 1536 : i32
    %add3A_324 = arith.addi %mul3A_2, %add3A_323 : i32
    %dma_start3A_325 = arith.constant 0 : i32
    %dma_start3A_326 = arith.constant 0 : i32
    %dma_start3A_327 = arith.constant 0 : i32
    %dma_start3A_328 = tpu.memref_slice %arg6[%dma_start3A_325, %dma_start3A_326, %dma_start3A_327] : memref<2x256x128xf32, #tpu.memory_space<vmem>> -> memref<1x256x128xf32, #tpu.memory_space<vmem>>
    %dma_start3A_329 = tpu.memref_squeeze %dma_start3A_328 : memref<1x256x128xf32, #tpu.memory_space<vmem>> -> memref<256x128xf32, #tpu.memory_space<vmem>>
    %dma_start3A_330 = arith.constant 0 : i32
    %dma_start3A_331 = tpu.memref_slice %arg4[%add3A_324, %dma_start3A_330] : memref<65536x128xf32, #tpu.memory_space<hbm>> -> memref<256x128xf32, #tpu.memory_space<hbm>>
    %dma_start3A_332 = arith.constant 0 : i32
    %dma_start3A_333 = tpu.memref_slice %arg4[%add3A_324, %dma_start3A_332] : memref<65536x128xf32, #tpu.memory_space<hbm>> -> memref<256x128xf32, #tpu.memory_space<hbm>>
    %dma_start3A_334 = arith.constant 0 : i32
    %dma_start3A_335 = arith.constant 0 : i32
    %dma_start3A_336 = tpu.memref_slice %arg6[%dma_start3A_325, %dma_start3A_334, %dma_start3A_335] : memref<2x256x128xf32, #tpu.memory_space<vmem>> -> memref<1x256x128xf32, #tpu.memory_space<vmem>>
    %dma_start3A_337 = tpu.memref_squeeze %dma_start3A_336 : memref<1x256x128xf32, #tpu.memory_space<vmem>> -> memref<256x128xf32, #tpu.memory_space<vmem>>
    tpu.enqueue_dma source(%dma_start3A_337 : memref<256x128xf32, #tpu.memory_space<vmem>>) target(%dma_start3A_333 : memref<256x128xf32, #tpu.memory_space<hbm>>) target_semaphore(%arg10 : memref<!tpu.dma_semaphore, #tpu.memory_space<semaphore_mem>>)
    %dma_wait3A_338 = arith.constant 1 : i32
    %dma_wait3A_339 = arith.constant 0 : i32
    %dma_wait3A_340 = arith.constant 0 : i32
    %dma_wait3A_341 = tpu.memref_slice %arg6[%dma_wait3A_338, %dma_wait3A_339, %dma_wait3A_340] : memref<2x256x128xf32, #tpu.memory_space<vmem>> -> memref<1x256x128xf32, #tpu.memory_space<vmem>>
    %dma_wait3A_342 = tpu.memref_squeeze %dma_wait3A_341 : memref<1x256x128xf32, #tpu.memory_space<vmem>> -> memref<256x128xf32, #tpu.memory_space<vmem>>
    %dma_wait3A_343 = arith.constant 1792 : i32
    %dma_wait3A_344 = tpu.memref_slice %arg5[%dma_wait3A_343] : memref<2048xi32, #tpu.memory_space<vmem>> -> memref<256xi32, #tpu.memory_space<vmem>>
    %dma_wait3A_345 = arith.constant 0 : i32
    %dma_wait3A_346 = arith.constant 0 : i32
    %dma_wait3A_347 = tpu.memref_slice %arg7[%dma_wait3A_345, %dma_wait3A_346] : memref<2048x128xf32, #tpu.memory_space<vmem_shared>> -> memref<2048x128xf32, #tpu.memory_space<vmem_shared>>
    tpu.wait_indirect_dma semaphore(%arg9 : memref<!tpu.dma_semaphore, #tpu.memory_space<semaphore_mem>>) src(%dma_wait3A_347 : memref<2048x128xf32, #tpu.memory_space<vmem_shared>>) dst(%dma_wait3A_342 : memref<256x128xf32, #tpu.memory_space<vmem>>)
    %add3A_348 = arith.constant 1792 : i32
    %add3A_349 = arith.addi %mul3A_2, %add3A_348 : i32
    %dma_start3A_350 = arith.constant 1 : i32
    %dma_start3A_351 = arith.constant 0 : i32
    %dma_start3A_352 = arith.constant 0 : i32
    %dma_start3A_353 = tpu.memref_slice %arg6[%dma_start3A_350, %dma_start3A_351, %dma_start3A_352] : memref<2x256x128xf32, #tpu.memory_space<vmem>> -> memref<1x256x128xf32, #tpu.memory_space<vmem>>
    %dma_start3A_354 = tpu.memref_squeeze %dma_start3A_353 : memref<1x256x128xf32, #tpu.memory_space<vmem>> -> memref<256x128xf32, #tpu.memory_space<vmem>>
    %dma_start3A_355 = arith.constant 0 : i32
    %dma_start3A_356 = tpu.memref_slice %arg4[%add3A_349, %dma_start3A_355] : memref<65536x128xf32, #tpu.memory_space<hbm>> -> memref<256x128xf32, #tpu.memory_space<hbm>>
    %dma_start3A_357 = arith.constant 0 : i32
    %dma_start3A_358 = tpu.memref_slice %arg4[%add3A_349, %dma_start3A_357] : memref<65536x128xf32, #tpu.memory_space<hbm>> -> memref<256x128xf32, #tpu.memory_space<hbm>>
    %dma_start3A_359 = arith.constant 0 : i32
    %dma_start3A_360 = arith.constant 0 : i32
    %dma_start3A_361 = tpu.memref_slice %arg6[%dma_start3A_350, %dma_start3A_359, %dma_start3A_360] : memref<2x256x128xf32, #tpu.memory_space<vmem>> -> memref<1x256x128xf32, #tpu.memory_space<vmem>>
    %dma_start3A_362 = tpu.memref_squeeze %dma_start3A_361 : memref<1x256x128xf32, #tpu.memory_space<vmem>> -> memref<256x128xf32, #tpu.memory_space<vmem>>
    tpu.enqueue_dma source(%dma_start3A_362 : memref<256x128xf32, #tpu.memory_space<vmem>>) target(%dma_start3A_358 : memref<256x128xf32, #tpu.memory_space<hbm>>) target_semaphore(%arg11 : memref<!tpu.dma_semaphore, #tpu.memory_space<semaphore_mem>>)
    %dma_wait3A_363 = arith.constant 0 : i32
    %dma_wait3A_364 = arith.constant 0 : i32
    %dma_wait3A_365 = arith.constant 0 : i32
    %dma_wait3A_366 = tpu.memref_slice %arg6[%dma_wait3A_363, %dma_wait3A_364, %dma_wait3A_365] : memref<2x256x128xf32, #tpu.memory_space<vmem>> -> memref<1x256x128xf32, #tpu.memory_space<vmem>>
    %dma_wait3A_367 = tpu.memref_squeeze %dma_wait3A_366 : memref<1x256x128xf32, #tpu.memory_space<vmem>> -> memref<256x128xf32, #tpu.memory_space<vmem>>
    %dma_wait3A_368 = arith.constant 0 : i32
    %dma_wait3A_369 = tpu.memref_slice %arg4[%add3A_324, %dma_wait3A_368] : memref<65536x128xf32, #tpu.memory_space<hbm>> -> memref<256x128xf32, #tpu.memory_space<hbm>>
    %dma_wait3A_370 = arith.constant 0 : i32
    %dma_wait3A_371 = tpu.memref_slice %arg4[%add3A_324, %dma_wait3A_370] : memref<65536x128xf32, #tpu.memory_space<hbm>> -> memref<256x128xf32, #tpu.memory_space<hbm>>
    %dma_wait3A_372 = arith.constant 0 : i32
    %dma_wait3A_373 = arith.constant 0 : i32
    %dma_wait3A_374 = tpu.memref_slice %arg6[%dma_wait3A_363, %dma_wait3A_372, %dma_wait3A_373] : memref<2x256x128xf32, #tpu.memory_space<vmem>> -> memref<1x256x128xf32, #tpu.memory_space<vmem>>
    %dma_wait3A_375 = tpu.memref_squeeze %dma_wait3A_374 : memref<1x256x128xf32, #tpu.memory_space<vmem>> -> memref<256x128xf32, #tpu.memory_space<vmem>>
    tpu.wait_dma2 semaphore(%arg10 : memref<!tpu.dma_semaphore, #tpu.memory_space<semaphore_mem>>) src(%dma_wait3A_375 : memref<256x128xf32, #tpu.memory_space<vmem>>) dst(%dma_wait3A_371 : memref<256x128xf32, #tpu.memory_space<hbm>>)
    %dma_wait3A_376 = arith.constant 1 : i32
    %dma_wait3A_377 = arith.constant 0 : i32
    %dma_wait3A_378 = arith.constant 0 : i32
    %dma_wait3A_379 = tpu.memref_slice %arg6[%dma_wait3A_376, %dma_wait3A_377, %dma_wait3A_378] : memref<2x256x128xf32, #tpu.memory_space<vmem>> -> memref<1x256x128xf32, #tpu.memory_space<vmem>>
    %dma_wait3A_380 = tpu.memref_squeeze %dma_wait3A_379 : memref<1x256x128xf32, #tpu.memory_space<vmem>> -> memref<256x128xf32, #tpu.memory_space<vmem>>
    %dma_wait3A_381 = arith.constant 0 : i32
    %dma_wait3A_382 = tpu.memref_slice %arg4[%add3A_349, %dma_wait3A_381] : memref<65536x128xf32, #tpu.memory_space<hbm>> -> memref<256x128xf32, #tpu.memory_space<hbm>>
    %dma_wait3A_383 = arith.constant 0 : i32
    %dma_wait3A_384 = tpu.memref_slice %arg4[%add3A_349, %dma_wait3A_383] : memref<65536x128xf32, #tpu.memory_space<hbm>> -> memref<256x128xf32, #tpu.memory_space<hbm>>
    %dma_wait3A_385 = arith.constant 0 : i32
    %dma_wait3A_386 = arith.constant 0 : i32
    %dma_wait3A_387 = tpu.memref_slice %arg6[%dma_wait3A_376, %dma_wait3A_385, %dma_wait3A_386] : memref<2x256x128xf32, #tpu.memory_space<vmem>> -> memref<1x256x128xf32, #tpu.memory_space<vmem>>
    %dma_wait3A_388 = tpu.memref_squeeze %dma_wait3A_387 : memref<1x256x128xf32, #tpu.memory_space<vmem>> -> memref<256x128xf32, #tpu.memory_space<vmem>>
    tpu.wait_dma2 semaphore(%arg11 : memref<!tpu.dma_semaphore, #tpu.memory_space<semaphore_mem>>) src(%dma_wait3A_388 : memref<256x128xf32, #tpu.memory_space<vmem>>) dst(%dma_wait3A_384 : memref<256x128xf32, #tpu.memory_space<hbm>>)
    return
  }
}

#map = affine_map<(d0, d1) -> (0, 0)>
#map1 = affine_map<(d0, d1) -> (0)>
module attributes {stable_mosaic.version = 14 : i64} {
  func.func @gk(%arg0: i32, %arg1: i32, %arg2: memref<2048x128xf32, #tpu.memory_space<hbm>>, %arg3: memref<65536xi32, #tpu.memory_space<hbm>>, %arg4: memref<65536x128xf32, #tpu.memory_space<hbm>>, %arg5: memref<2048xi32, #tpu.memory_space<vmem>>, %arg6: memref<2x256x128xf32, #tpu.memory_space<vmem>>, %arg7: memref<2048x128xf32, #tpu.memory_space<vmem_shared>>, %arg8: memref<!tpu.dma_semaphore, #tpu.memory_space<semaphore_mem>>, %arg9: memref<!tpu.dma_semaphore, #tpu.memory_space<semaphore_mem>>, %arg10: memref<!tpu.dma_semaphore, #tpu.memory_space<semaphore_mem>>, %arg11: memref<!tpu.dma_semaphore, #tpu.memory_space<semaphore_mem>>) attributes {dimension_semantics = [#tpu.dimension_semantics<core_parallel>, #tpu.dimension_semantics<subcore_parallel>], iteration_bounds = array<i64: 2, 16>, scalar_prefetch = 0 : i64, scratch_operands = 7 : i64, tpu.core_type = #tpu.core_type<sc_vector_subcore>, window_params = [{transform_indices = #map}, {transform_indices = #map1}, {transform_indices = #map}]} {
    %mul3A = arith.constant 2 : i32
    %mul3A_0 = arith.muli %arg1, %mul3A : i32
    %add3A = arith.addi %mul3A_0, %arg0 : i32
    %mul3A_1 = arith.constant 2048 : i32
    %mul3A_2 = arith.muli %add3A, %mul3A_1 : i32
    %mul3A_3 = arith.constant 128 : i32
    %mul3A_4 = arith.muli %arg1, %mul3A_3 : i32
    %mul3A_5 = arith.constant 128 : i32
    %mul3A_6 = arith.muli %arg1, %mul3A_5 : i32
    "tpu.region"() ({
      %run_scoped3A = tpu.sem_alloc : memref<!tpu.dma_semaphore, #tpu.memory_space<semaphore_mem>>
      %dma_start3A_389 = arith.constant 0 : i32
      %dma_start3A_390 = tpu.memref_slice %arg7[%mul3A_6, %dma_start3A_389] : memref<2048x128xf32, #tpu.memory_space<vmem_shared>> -> memref<128x128xf32, #tpu.memory_space<vmem_shared>>
      %dma_start3A_391 = arith.constant 0 : i32
      %dma_start3A_392 = tpu.memref_slice %arg2[%mul3A_4, %dma_start3A_391] : memref<2048x128xf32, #tpu.memory_space<hbm>> -> memref<128x128xf32, #tpu.memory_space<hbm>>
      tpu.enqueue_dma source(%dma_start3A_392 : memref<128x128xf32, #tpu.memory_space<hbm>>) target(%dma_start3A_390 : memref<128x128xf32, #tpu.memory_space<vmem_shared>>) target_semaphore(%run_scoped3A : memref<!tpu.dma_semaphore, #tpu.memory_space<semaphore_mem>>)
      %dma_wait3A_393 = arith.constant 0 : i32
      %dma_wait3A_394 = tpu.memref_slice %arg7[%mul3A_6, %dma_wait3A_393] : memref<2048x128xf32, #tpu.memory_space<vmem_shared>> -> memref<128x128xf32, #tpu.memory_space<vmem_shared>>
      %dma_wait3A_395 = arith.constant 0 : i32
      %dma_wait3A_396 = tpu.memref_slice %arg2[%mul3A_4, %dma_wait3A_395] : memref<2048x128xf32, #tpu.memory_space<hbm>> -> memref<128x128xf32, #tpu.memory_space<hbm>>
      tpu.wait_dma2 semaphore(%run_scoped3A : memref<!tpu.dma_semaphore, #tpu.memory_space<semaphore_mem>>) src(%dma_wait3A_396 : memref<128x128xf32, #tpu.memory_space<hbm>>) dst(%dma_wait3A_394 : memref<128x128xf32, #tpu.memory_space<vmem_shared>>)
      tpu.yield
    }) : () -> ()
    "tpu.region"() ({
      %run_scoped3A = tpu.sem_alloc : memref<!tpu.dma_semaphore, #tpu.memory_space<semaphore_mem>>
      %dma_start3A_389 = tpu.memref_slice %arg3[%mul3A_2] : memref<65536xi32, #tpu.memory_space<hbm>> -> memref<2048xi32, #tpu.memory_space<hbm>>
      %dma_start3A_390 = tpu.memref_slice %arg3[%mul3A_2] : memref<65536xi32, #tpu.memory_space<hbm>> -> memref<2048xi32, #tpu.memory_space<hbm>>
      tpu.enqueue_dma source(%dma_start3A_390 : memref<2048xi32, #tpu.memory_space<hbm>>) target(%arg5 : memref<2048xi32, #tpu.memory_space<vmem>>) target_semaphore(%run_scoped3A : memref<!tpu.dma_semaphore, #tpu.memory_space<semaphore_mem>>)
      %dma_wait3A_391 = tpu.memref_slice %arg3[%mul3A_2] : memref<65536xi32, #tpu.memory_space<hbm>> -> memref<2048xi32, #tpu.memory_space<hbm>>
      %dma_wait3A_392 = tpu.memref_slice %arg3[%mul3A_2] : memref<65536xi32, #tpu.memory_space<hbm>> -> memref<2048xi32, #tpu.memory_space<hbm>>
      tpu.wait_dma2 semaphore(%run_scoped3A : memref<!tpu.dma_semaphore, #tpu.memory_space<semaphore_mem>>) src(%dma_wait3A_392 : memref<2048xi32, #tpu.memory_space<hbm>>) dst(%arg5 : memref<2048xi32, #tpu.memory_space<vmem>>)
      tpu.yield
    }) : () -> ()
    %barrier3A = arith.constant 0 : index
    tpu.barrier barrier_id(%barrier3A)
    %dma_start3A = arith.constant 0 : i32
    %dma_start3A_7 = arith.constant 0 : i32
    %dma_start3A_8 = arith.constant 0 : i32
    %dma_start3A_9 = tpu.memref_slice %arg6[%dma_start3A, %dma_start3A_7, %dma_start3A_8] : memref<2x256x128xf32, #tpu.memory_space<vmem>> -> memref<1x256x128xf32, #tpu.memory_space<vmem>>
    %dma_start3A_10 = tpu.memref_squeeze %dma_start3A_9 : memref<1x256x128xf32, #tpu.memory_space<vmem>> -> memref<256x128xf32, #tpu.memory_space<vmem>>
    %dma_start3A_11 = arith.constant 0 : i32
    %dma_start3A_12 = tpu.memref_slice %arg5[%dma_start3A_11] : memref<2048xi32, #tpu.memory_space<vmem>> -> memref<256xi32, #tpu.memory_space<vmem>>
    %dma_start3A_13 = arith.constant 0 : i32
    %dma_start3A_14 = arith.constant 0 : i32
    %dma_start3A_15 = tpu.memref_slice %arg7[%dma_start3A_13, %dma_start3A_14] : memref<2048x128xf32, #tpu.memory_space<vmem_shared>> -> memref<2048x128xf32, #tpu.memory_space<vmem_shared>>
    tpu.enqueue_indirect_dma source(%dma_start3A_15 : memref<2048x128xf32, #tpu.memory_space<vmem_shared>>) target(%dma_start3A_10 : memref<256x128xf32, #tpu.memory_space<vmem>>) offsets(%dma_start3A_12 : memref<256xi32, #tpu.memory_space<vmem>>) semaphore(%arg8 : memref<!tpu.dma_semaphore, #tpu.memory_space<semaphore_mem>>)
    %dma_start3A_16 = arith.constant 1 : i32
    %dma_start3A_17 = arith.constant 0 : i32
    %dma_start3A_18 = arith.constant 0 : i32
    %dma_start3A_19 = tpu.memref_slice %arg6[%dma_start3A_16, %dma_start3A_17, %dma_start3A_18] : memref<2x256x128xf32, #tpu.memory_space<vmem>> -> memref<1x256x128xf32, #tpu.memory_space<vmem>>
    %dma_start3A_20 = tpu.memref_squeeze %dma_start3A_19 : memref<1x256x128xf32, #tpu.memory_space<vmem>> -> memref<256x128xf32, #tpu.memory_space<vmem>>
    %dma_start3A_21 = arith.constant 256 : i32
    %dma_start3A_22 = tpu.memref_slice %arg5[%dma_start3A_21] : memref<2048xi32, #tpu.memory_space<vmem>> -> memref<256xi32, #tpu.memory_space<vmem>>
    %dma_start3A_23 = arith.constant 0 : i32
    %dma_start3A_24 = arith.constant 0 : i32
    %dma_start3A_25 = tpu.memref_slice %arg7[%dma_start3A_23, %dma_start3A_24] : memref<2048x128xf32, #tpu.memory_space<vmem_shared>> -> memref<2048x128xf32, #tpu.memory_space<vmem_shared>>
    tpu.enqueue_indirect_dma source(%dma_start3A_25 : memref<2048x128xf32, #tpu.memory_space<vmem_shared>>) target(%dma_start3A_20 : memref<256x128xf32, #tpu.memory_space<vmem>>) offsets(%dma_start3A_22 : memref<256xi32, #tpu.memory_space<vmem>>) semaphore(%arg9 : memref<!tpu.dma_semaphore, #tpu.memory_space<semaphore_mem>>)
    %dma_wait3A = arith.constant 0 : i32
    %dma_wait3A_26 = arith.constant 0 : i32
    %dma_wait3A_27 = arith.constant 0 : i32
    %dma_wait3A_28 = tpu.memref_slice %arg6[%dma_wait3A, %dma_wait3A_26, %dma_wait3A_27] : memref<2x256x128xf32, #tpu.memory_space<vmem>> -> memref<1x256x128xf32, #tpu.memory_space<vmem>>
    %dma_wait3A_29 = tpu.memref_squeeze %dma_wait3A_28 : memref<1x256x128xf32, #tpu.memory_space<vmem>> -> memref<256x128xf32, #tpu.memory_space<vmem>>
    %dma_wait3A_30 = arith.constant 0 : i32
    %dma_wait3A_31 = tpu.memref_slice %arg5[%dma_wait3A_30] : memref<2048xi32, #tpu.memory_space<vmem>> -> memref<256xi32, #tpu.memory_space<vmem>>
    %dma_wait3A_32 = arith.constant 0 : i32
    %dma_wait3A_33 = arith.constant 0 : i32
    %dma_wait3A_34 = tpu.memref_slice %arg7[%dma_wait3A_32, %dma_wait3A_33] : memref<2048x128xf32, #tpu.memory_space<vmem_shared>> -> memref<2048x128xf32, #tpu.memory_space<vmem_shared>>
    tpu.wait_indirect_dma semaphore(%arg8 : memref<!tpu.dma_semaphore, #tpu.memory_space<semaphore_mem>>) src(%dma_wait3A_34 : memref<2048x128xf32, #tpu.memory_space<vmem_shared>>) dst(%dma_wait3A_29 : memref<256x128xf32, #tpu.memory_space<vmem>>)
    %add3A_35 = arith.constant 0 : i32
    %add3A_36 = arith.addi %mul3A_2, %add3A_35 : i32
    %dma_start3A_37 = arith.constant 0 : i32
    %dma_start3A_38 = arith.constant 0 : i32
    %dma_start3A_39 = arith.constant 0 : i32
    %dma_start3A_40 = tpu.memref_slice %arg6[%dma_start3A_37, %dma_start3A_38, %dma_start3A_39] : memref<2x256x128xf32, #tpu.memory_space<vmem>> -> memref<1x256x128xf32, #tpu.memory_space<vmem>>
    %dma_start3A_41 = tpu.memref_squeeze %dma_start3A_40 : memref<1x256x128xf32, #tpu.memory_space<vmem>> -> memref<256x128xf32, #tpu.memory_space<vmem>>
    %dma_start3A_42 = arith.constant 0 : i32
    %dma_start3A_43 = tpu.memref_slice %arg4[%add3A_36, %dma_start3A_42] : memref<65536x128xf32, #tpu.memory_space<hbm>> -> memref<256x128xf32, #tpu.memory_space<hbm>>
    %dma_start3A_44 = arith.constant 0 : i32
    %dma_start3A_45 = tpu.memref_slice %arg4[%add3A_36, %dma_start3A_44] : memref<65536x128xf32, #tpu.memory_space<hbm>> -> memref<256x128xf32, #tpu.memory_space<hbm>>
    %dma_start3A_46 = arith.constant 0 : i32
    %dma_start3A_47 = arith.constant 0 : i32
    %dma_start3A_48 = tpu.memref_slice %arg6[%dma_start3A_37, %dma_start3A_46, %dma_start3A_47] : memref<2x256x128xf32, #tpu.memory_space<vmem>> -> memref<1x256x128xf32, #tpu.memory_space<vmem>>
    %dma_start3A_49 = tpu.memref_squeeze %dma_start3A_48 : memref<1x256x128xf32, #tpu.memory_space<vmem>> -> memref<256x128xf32, #tpu.memory_space<vmem>>
    tpu.enqueue_dma source(%dma_start3A_49 : memref<256x128xf32, #tpu.memory_space<vmem>>) target(%dma_start3A_45 : memref<256x128xf32, #tpu.memory_space<hbm>>) target_semaphore(%arg10 : memref<!tpu.dma_semaphore, #tpu.memory_space<semaphore_mem>>)
    %dma_wait3A_50 = arith.constant 0 : i32
    %dma_wait3A_51 = arith.constant 0 : i32
    %dma_wait3A_52 = arith.constant 0 : i32
    %dma_wait3A_53 = tpu.memref_slice %arg6[%dma_wait3A_50, %dma_wait3A_51, %dma_wait3A_52] : memref<2x256x128xf32, #tpu.memory_space<vmem>> -> memref<1x256x128xf32, #tpu.memory_space<vmem>>
    %dma_wait3A_54 = tpu.memref_squeeze %dma_wait3A_53 : memref<1x256x128xf32, #tpu.memory_space<vmem>> -> memref<256x128xf32, #tpu.memory_space<vmem>>
    %dma_wait3A_55 = arith.constant 0 : i32
    %dma_wait3A_56 = tpu.memref_slice %arg4[%add3A_36, %dma_wait3A_55] : memref<65536x128xf32, #tpu.memory_space<hbm>> -> memref<256x128xf32, #tpu.memory_space<hbm>>
    %dma_wait3A_57 = arith.constant 0 : i32
    %dma_wait3A_58 = tpu.memref_slice %arg4[%add3A_36, %dma_wait3A_57] : memref<65536x128xf32, #tpu.memory_space<hbm>> -> memref<256x128xf32, #tpu.memory_space<hbm>>
    %dma_wait3A_59 = arith.constant 0 : i32
    %dma_wait3A_60 = arith.constant 0 : i32
    %dma_wait3A_61 = tpu.memref_slice %arg6[%dma_wait3A_50, %dma_wait3A_59, %dma_wait3A_60] : memref<2x256x128xf32, #tpu.memory_space<vmem>> -> memref<1x256x128xf32, #tpu.memory_space<vmem>>
    %dma_wait3A_62 = tpu.memref_squeeze %dma_wait3A_61 : memref<1x256x128xf32, #tpu.memory_space<vmem>> -> memref<256x128xf32, #tpu.memory_space<vmem>>
    tpu.wait_dma2 semaphore(%arg10 : memref<!tpu.dma_semaphore, #tpu.memory_space<semaphore_mem>>) src(%dma_wait3A_62 : memref<256x128xf32, #tpu.memory_space<vmem>>) dst(%dma_wait3A_58 : memref<256x128xf32, #tpu.memory_space<hbm>>)
    %dma_start3A_63 = arith.constant 0 : i32
    %dma_start3A_64 = arith.constant 0 : i32
    %dma_start3A_65 = arith.constant 0 : i32
    %dma_start3A_66 = tpu.memref_slice %arg6[%dma_start3A_63, %dma_start3A_64, %dma_start3A_65] : memref<2x256x128xf32, #tpu.memory_space<vmem>> -> memref<1x256x128xf32, #tpu.memory_space<vmem>>
    %dma_start3A_67 = tpu.memref_squeeze %dma_start3A_66 : memref<1x256x128xf32, #tpu.memory_space<vmem>> -> memref<256x128xf32, #tpu.memory_space<vmem>>
    %dma_start3A_68 = arith.constant 512 : i32
    %dma_start3A_69 = tpu.memref_slice %arg5[%dma_start3A_68] : memref<2048xi32, #tpu.memory_space<vmem>> -> memref<256xi32, #tpu.memory_space<vmem>>
    %dma_start3A_70 = arith.constant 0 : i32
    %dma_start3A_71 = arith.constant 0 : i32
    %dma_start3A_72 = tpu.memref_slice %arg7[%dma_start3A_70, %dma_start3A_71] : memref<2048x128xf32, #tpu.memory_space<vmem_shared>> -> memref<2048x128xf32, #tpu.memory_space<vmem_shared>>
    tpu.enqueue_indirect_dma source(%dma_start3A_72 : memref<2048x128xf32, #tpu.memory_space<vmem_shared>>) target(%dma_start3A_67 : memref<256x128xf32, #tpu.memory_space<vmem>>) offsets(%dma_start3A_69 : memref<256xi32, #tpu.memory_space<vmem>>) semaphore(%arg8 : memref<!tpu.dma_semaphore, #tpu.memory_space<semaphore_mem>>)
    %dma_wait3A_73 = arith.constant 1 : i32
    %dma_wait3A_74 = arith.constant 0 : i32
    %dma_wait3A_75 = arith.constant 0 : i32
    %dma_wait3A_76 = tpu.memref_slice %arg6[%dma_wait3A_73, %dma_wait3A_74, %dma_wait3A_75] : memref<2x256x128xf32, #tpu.memory_space<vmem>> -> memref<1x256x128xf32, #tpu.memory_space<vmem>>
    %dma_wait3A_77 = tpu.memref_squeeze %dma_wait3A_76 : memref<1x256x128xf32, #tpu.memory_space<vmem>> -> memref<256x128xf32, #tpu.memory_space<vmem>>
    %dma_wait3A_78 = arith.constant 256 : i32
    %dma_wait3A_79 = tpu.memref_slice %arg5[%dma_wait3A_78] : memref<2048xi32, #tpu.memory_space<vmem>> -> memref<256xi32, #tpu.memory_space<vmem>>
    %dma_wait3A_80 = arith.constant 0 : i32
    %dma_wait3A_81 = arith.constant 0 : i32
    %dma_wait3A_82 = tpu.memref_slice %arg7[%dma_wait3A_80, %dma_wait3A_81] : memref<2048x128xf32, #tpu.memory_space<vmem_shared>> -> memref<2048x128xf32, #tpu.memory_space<vmem_shared>>
    tpu.wait_indirect_dma semaphore(%arg9 : memref<!tpu.dma_semaphore, #tpu.memory_space<semaphore_mem>>) src(%dma_wait3A_82 : memref<2048x128xf32, #tpu.memory_space<vmem_shared>>) dst(%dma_wait3A_77 : memref<256x128xf32, #tpu.memory_space<vmem>>)
    %add3A_83 = arith.constant 256 : i32
    %add3A_84 = arith.addi %mul3A_2, %add3A_83 : i32
    %dma_start3A_85 = arith.constant 1 : i32
    %dma_start3A_86 = arith.constant 0 : i32
    %dma_start3A_87 = arith.constant 0 : i32
    %dma_start3A_88 = tpu.memref_slice %arg6[%dma_start3A_85, %dma_start3A_86, %dma_start3A_87] : memref<2x256x128xf32, #tpu.memory_space<vmem>> -> memref<1x256x128xf32, #tpu.memory_space<vmem>>
    %dma_start3A_89 = tpu.memref_squeeze %dma_start3A_88 : memref<1x256x128xf32, #tpu.memory_space<vmem>> -> memref<256x128xf32, #tpu.memory_space<vmem>>
    %dma_start3A_90 = arith.constant 0 : i32
    %dma_start3A_91 = tpu.memref_slice %arg4[%add3A_84, %dma_start3A_90] : memref<65536x128xf32, #tpu.memory_space<hbm>> -> memref<256x128xf32, #tpu.memory_space<hbm>>
    %dma_start3A_92 = arith.constant 0 : i32
    %dma_start3A_93 = tpu.memref_slice %arg4[%add3A_84, %dma_start3A_92] : memref<65536x128xf32, #tpu.memory_space<hbm>> -> memref<256x128xf32, #tpu.memory_space<hbm>>
    %dma_start3A_94 = arith.constant 0 : i32
    %dma_start3A_95 = arith.constant 0 : i32
    %dma_start3A_96 = tpu.memref_slice %arg6[%dma_start3A_85, %dma_start3A_94, %dma_start3A_95] : memref<2x256x128xf32, #tpu.memory_space<vmem>> -> memref<1x256x128xf32, #tpu.memory_space<vmem>>
    %dma_start3A_97 = tpu.memref_squeeze %dma_start3A_96 : memref<1x256x128xf32, #tpu.memory_space<vmem>> -> memref<256x128xf32, #tpu.memory_space<vmem>>
    tpu.enqueue_dma source(%dma_start3A_97 : memref<256x128xf32, #tpu.memory_space<vmem>>) target(%dma_start3A_93 : memref<256x128xf32, #tpu.memory_space<hbm>>) target_semaphore(%arg11 : memref<!tpu.dma_semaphore, #tpu.memory_space<semaphore_mem>>)
    %dma_wait3A_98 = arith.constant 1 : i32
    %dma_wait3A_99 = arith.constant 0 : i32
    %dma_wait3A_100 = arith.constant 0 : i32
    %dma_wait3A_101 = tpu.memref_slice %arg6[%dma_wait3A_98, %dma_wait3A_99, %dma_wait3A_100] : memref<2x256x128xf32, #tpu.memory_space<vmem>> -> memref<1x256x128xf32, #tpu.memory_space<vmem>>
    %dma_wait3A_102 = tpu.memref_squeeze %dma_wait3A_101 : memref<1x256x128xf32, #tpu.memory_space<vmem>> -> memref<256x128xf32, #tpu.memory_space<vmem>>
    %dma_wait3A_103 = arith.constant 0 : i32
    %dma_wait3A_104 = tpu.memref_slice %arg4[%add3A_84, %dma_wait3A_103] : memref<65536x128xf32, #tpu.memory_space<hbm>> -> memref<256x128xf32, #tpu.memory_space<hbm>>
    %dma_wait3A_105 = arith.constant 0 : i32
    %dma_wait3A_106 = tpu.memref_slice %arg4[%add3A_84, %dma_wait3A_105] : memref<65536x128xf32, #tpu.memory_space<hbm>> -> memref<256x128xf32, #tpu.memory_space<hbm>>
    %dma_wait3A_107 = arith.constant 0 : i32
    %dma_wait3A_108 = arith.constant 0 : i32
    %dma_wait3A_109 = tpu.memref_slice %arg6[%dma_wait3A_98, %dma_wait3A_107, %dma_wait3A_108] : memref<2x256x128xf32, #tpu.memory_space<vmem>> -> memref<1x256x128xf32, #tpu.memory_space<vmem>>
    %dma_wait3A_110 = tpu.memref_squeeze %dma_wait3A_109 : memref<1x256x128xf32, #tpu.memory_space<vmem>> -> memref<256x128xf32, #tpu.memory_space<vmem>>
    tpu.wait_dma2 semaphore(%arg11 : memref<!tpu.dma_semaphore, #tpu.memory_space<semaphore_mem>>) src(%dma_wait3A_110 : memref<256x128xf32, #tpu.memory_space<vmem>>) dst(%dma_wait3A_106 : memref<256x128xf32, #tpu.memory_space<hbm>>)
    %dma_start3A_111 = arith.constant 1 : i32
    %dma_start3A_112 = arith.constant 0 : i32
    %dma_start3A_113 = arith.constant 0 : i32
    %dma_start3A_114 = tpu.memref_slice %arg6[%dma_start3A_111, %dma_start3A_112, %dma_start3A_113] : memref<2x256x128xf32, #tpu.memory_space<vmem>> -> memref<1x256x128xf32, #tpu.memory_space<vmem>>
    %dma_start3A_115 = tpu.memref_squeeze %dma_start3A_114 : memref<1x256x128xf32, #tpu.memory_space<vmem>> -> memref<256x128xf32, #tpu.memory_space<vmem>>
    %dma_start3A_116 = arith.constant 768 : i32
    %dma_start3A_117 = tpu.memref_slice %arg5[%dma_start3A_116] : memref<2048xi32, #tpu.memory_space<vmem>> -> memref<256xi32, #tpu.memory_space<vmem>>
    %dma_start3A_118 = arith.constant 0 : i32
    %dma_start3A_119 = arith.constant 0 : i32
    %dma_start3A_120 = tpu.memref_slice %arg7[%dma_start3A_118, %dma_start3A_119] : memref<2048x128xf32, #tpu.memory_space<vmem_shared>> -> memref<2048x128xf32, #tpu.memory_space<vmem_shared>>
    tpu.enqueue_indirect_dma source(%dma_start3A_120 : memref<2048x128xf32, #tpu.memory_space<vmem_shared>>) target(%dma_start3A_115 : memref<256x128xf32, #tpu.memory_space<vmem>>) offsets(%dma_start3A_117 : memref<256xi32, #tpu.memory_space<vmem>>) semaphore(%arg9 : memref<!tpu.dma_semaphore, #tpu.memory_space<semaphore_mem>>)
    %dma_wait3A_121 = arith.constant 0 : i32
    %dma_wait3A_122 = arith.constant 0 : i32
    %dma_wait3A_123 = arith.constant 0 : i32
    %dma_wait3A_124 = tpu.memref_slice %arg6[%dma_wait3A_121, %dma_wait3A_122, %dma_wait3A_123] : memref<2x256x128xf32, #tpu.memory_space<vmem>> -> memref<1x256x128xf32, #tpu.memory_space<vmem>>
    %dma_wait3A_125 = tpu.memref_squeeze %dma_wait3A_124 : memref<1x256x128xf32, #tpu.memory_space<vmem>> -> memref<256x128xf32, #tpu.memory_space<vmem>>
    %dma_wait3A_126 = arith.constant 512 : i32
    %dma_wait3A_127 = tpu.memref_slice %arg5[%dma_wait3A_126] : memref<2048xi32, #tpu.memory_space<vmem>> -> memref<256xi32, #tpu.memory_space<vmem>>
    %dma_wait3A_128 = arith.constant 0 : i32
    %dma_wait3A_129 = arith.constant 0 : i32
    %dma_wait3A_130 = tpu.memref_slice %arg7[%dma_wait3A_128, %dma_wait3A_129] : memref<2048x128xf32, #tpu.memory_space<vmem_shared>> -> memref<2048x128xf32, #tpu.memory_space<vmem_shared>>
    tpu.wait_indirect_dma semaphore(%arg8 : memref<!tpu.dma_semaphore, #tpu.memory_space<semaphore_mem>>) src(%dma_wait3A_130 : memref<2048x128xf32, #tpu.memory_space<vmem_shared>>) dst(%dma_wait3A_125 : memref<256x128xf32, #tpu.memory_space<vmem>>)
    %add3A_131 = arith.constant 512 : i32
    %add3A_132 = arith.addi %mul3A_2, %add3A_131 : i32
    %dma_start3A_133 = arith.constant 0 : i32
    %dma_start3A_134 = arith.constant 0 : i32
    %dma_start3A_135 = arith.constant 0 : i32
    %dma_start3A_136 = tpu.memref_slice %arg6[%dma_start3A_133, %dma_start3A_134, %dma_start3A_135] : memref<2x256x128xf32, #tpu.memory_space<vmem>> -> memref<1x256x128xf32, #tpu.memory_space<vmem>>
    %dma_start3A_137 = tpu.memref_squeeze %dma_start3A_136 : memref<1x256x128xf32, #tpu.memory_space<vmem>> -> memref<256x128xf32, #tpu.memory_space<vmem>>
    %dma_start3A_138 = arith.constant 0 : i32
    %dma_start3A_139 = tpu.memref_slice %arg4[%add3A_132, %dma_start3A_138] : memref<65536x128xf32, #tpu.memory_space<hbm>> -> memref<256x128xf32, #tpu.memory_space<hbm>>
    %dma_start3A_140 = arith.constant 0 : i32
    %dma_start3A_141 = tpu.memref_slice %arg4[%add3A_132, %dma_start3A_140] : memref<65536x128xf32, #tpu.memory_space<hbm>> -> memref<256x128xf32, #tpu.memory_space<hbm>>
    %dma_start3A_142 = arith.constant 0 : i32
    %dma_start3A_143 = arith.constant 0 : i32
    %dma_start3A_144 = tpu.memref_slice %arg6[%dma_start3A_133, %dma_start3A_142, %dma_start3A_143] : memref<2x256x128xf32, #tpu.memory_space<vmem>> -> memref<1x256x128xf32, #tpu.memory_space<vmem>>
    %dma_start3A_145 = tpu.memref_squeeze %dma_start3A_144 : memref<1x256x128xf32, #tpu.memory_space<vmem>> -> memref<256x128xf32, #tpu.memory_space<vmem>>
    tpu.enqueue_dma source(%dma_start3A_145 : memref<256x128xf32, #tpu.memory_space<vmem>>) target(%dma_start3A_141 : memref<256x128xf32, #tpu.memory_space<hbm>>) target_semaphore(%arg10 : memref<!tpu.dma_semaphore, #tpu.memory_space<semaphore_mem>>)
    %dma_wait3A_146 = arith.constant 0 : i32
    %dma_wait3A_147 = arith.constant 0 : i32
    %dma_wait3A_148 = arith.constant 0 : i32
    %dma_wait3A_149 = tpu.memref_slice %arg6[%dma_wait3A_146, %dma_wait3A_147, %dma_wait3A_148] : memref<2x256x128xf32, #tpu.memory_space<vmem>> -> memref<1x256x128xf32, #tpu.memory_space<vmem>>
    %dma_wait3A_150 = tpu.memref_squeeze %dma_wait3A_149 : memref<1x256x128xf32, #tpu.memory_space<vmem>> -> memref<256x128xf32, #tpu.memory_space<vmem>>
    %dma_wait3A_151 = arith.constant 0 : i32
    %dma_wait3A_152 = tpu.memref_slice %arg4[%add3A_132, %dma_wait3A_151] : memref<65536x128xf32, #tpu.memory_space<hbm>> -> memref<256x128xf32, #tpu.memory_space<hbm>>
    %dma_wait3A_153 = arith.constant 0 : i32
    %dma_wait3A_154 = tpu.memref_slice %arg4[%add3A_132, %dma_wait3A_153] : memref<65536x128xf32, #tpu.memory_space<hbm>> -> memref<256x128xf32, #tpu.memory_space<hbm>>
    %dma_wait3A_155 = arith.constant 0 : i32
    %dma_wait3A_156 = arith.constant 0 : i32
    %dma_wait3A_157 = tpu.memref_slice %arg6[%dma_wait3A_146, %dma_wait3A_155, %dma_wait3A_156] : memref<2x256x128xf32, #tpu.memory_space<vmem>> -> memref<1x256x128xf32, #tpu.memory_space<vmem>>
    %dma_wait3A_158 = tpu.memref_squeeze %dma_wait3A_157 : memref<1x256x128xf32, #tpu.memory_space<vmem>> -> memref<256x128xf32, #tpu.memory_space<vmem>>
    tpu.wait_dma2 semaphore(%arg10 : memref<!tpu.dma_semaphore, #tpu.memory_space<semaphore_mem>>) src(%dma_wait3A_158 : memref<256x128xf32, #tpu.memory_space<vmem>>) dst(%dma_wait3A_154 : memref<256x128xf32, #tpu.memory_space<hbm>>)
    %dma_start3A_159 = arith.constant 0 : i32
    %dma_start3A_160 = arith.constant 0 : i32
    %dma_start3A_161 = arith.constant 0 : i32
    %dma_start3A_162 = tpu.memref_slice %arg6[%dma_start3A_159, %dma_start3A_160, %dma_start3A_161] : memref<2x256x128xf32, #tpu.memory_space<vmem>> -> memref<1x256x128xf32, #tpu.memory_space<vmem>>
    %dma_start3A_163 = tpu.memref_squeeze %dma_start3A_162 : memref<1x256x128xf32, #tpu.memory_space<vmem>> -> memref<256x128xf32, #tpu.memory_space<vmem>>
    %dma_start3A_164 = arith.constant 1024 : i32
    %dma_start3A_165 = tpu.memref_slice %arg5[%dma_start3A_164] : memref<2048xi32, #tpu.memory_space<vmem>> -> memref<256xi32, #tpu.memory_space<vmem>>
    %dma_start3A_166 = arith.constant 0 : i32
    %dma_start3A_167 = arith.constant 0 : i32
    %dma_start3A_168 = tpu.memref_slice %arg7[%dma_start3A_166, %dma_start3A_167] : memref<2048x128xf32, #tpu.memory_space<vmem_shared>> -> memref<2048x128xf32, #tpu.memory_space<vmem_shared>>
    tpu.enqueue_indirect_dma source(%dma_start3A_168 : memref<2048x128xf32, #tpu.memory_space<vmem_shared>>) target(%dma_start3A_163 : memref<256x128xf32, #tpu.memory_space<vmem>>) offsets(%dma_start3A_165 : memref<256xi32, #tpu.memory_space<vmem>>) semaphore(%arg8 : memref<!tpu.dma_semaphore, #tpu.memory_space<semaphore_mem>>)
    %dma_wait3A_169 = arith.constant 1 : i32
    %dma_wait3A_170 = arith.constant 0 : i32
    %dma_wait3A_171 = arith.constant 0 : i32
    %dma_wait3A_172 = tpu.memref_slice %arg6[%dma_wait3A_169, %dma_wait3A_170, %dma_wait3A_171] : memref<2x256x128xf32, #tpu.memory_space<vmem>> -> memref<1x256x128xf32, #tpu.memory_space<vmem>>
    %dma_wait3A_173 = tpu.memref_squeeze %dma_wait3A_172 : memref<1x256x128xf32, #tpu.memory_space<vmem>> -> memref<256x128xf32, #tpu.memory_space<vmem>>
    %dma_wait3A_174 = arith.constant 768 : i32
    %dma_wait3A_175 = tpu.memref_slice %arg5[%dma_wait3A_174] : memref<2048xi32, #tpu.memory_space<vmem>> -> memref<256xi32, #tpu.memory_space<vmem>>
    %dma_wait3A_176 = arith.constant 0 : i32
    %dma_wait3A_177 = arith.constant 0 : i32
    %dma_wait3A_178 = tpu.memref_slice %arg7[%dma_wait3A_176, %dma_wait3A_177] : memref<2048x128xf32, #tpu.memory_space<vmem_shared>> -> memref<2048x128xf32, #tpu.memory_space<vmem_shared>>
    tpu.wait_indirect_dma semaphore(%arg9 : memref<!tpu.dma_semaphore, #tpu.memory_space<semaphore_mem>>) src(%dma_wait3A_178 : memref<2048x128xf32, #tpu.memory_space<vmem_shared>>) dst(%dma_wait3A_173 : memref<256x128xf32, #tpu.memory_space<vmem>>)
    %add3A_179 = arith.constant 768 : i32
    %add3A_180 = arith.addi %mul3A_2, %add3A_179 : i32
    %dma_start3A_181 = arith.constant 1 : i32
    %dma_start3A_182 = arith.constant 0 : i32
    %dma_start3A_183 = arith.constant 0 : i32
    %dma_start3A_184 = tpu.memref_slice %arg6[%dma_start3A_181, %dma_start3A_182, %dma_start3A_183] : memref<2x256x128xf32, #tpu.memory_space<vmem>> -> memref<1x256x128xf32, #tpu.memory_space<vmem>>
    %dma_start3A_185 = tpu.memref_squeeze %dma_start3A_184 : memref<1x256x128xf32, #tpu.memory_space<vmem>> -> memref<256x128xf32, #tpu.memory_space<vmem>>
    %dma_start3A_186 = arith.constant 0 : i32
    %dma_start3A_187 = tpu.memref_slice %arg4[%add3A_180, %dma_start3A_186] : memref<65536x128xf32, #tpu.memory_space<hbm>> -> memref<256x128xf32, #tpu.memory_space<hbm>>
    %dma_start3A_188 = arith.constant 0 : i32
    %dma_start3A_189 = tpu.memref_slice %arg4[%add3A_180, %dma_start3A_188] : memref<65536x128xf32, #tpu.memory_space<hbm>> -> memref<256x128xf32, #tpu.memory_space<hbm>>
    %dma_start3A_190 = arith.constant 0 : i32
    %dma_start3A_191 = arith.constant 0 : i32
    %dma_start3A_192 = tpu.memref_slice %arg6[%dma_start3A_181, %dma_start3A_190, %dma_start3A_191] : memref<2x256x128xf32, #tpu.memory_space<vmem>> -> memref<1x256x128xf32, #tpu.memory_space<vmem>>
    %dma_start3A_193 = tpu.memref_squeeze %dma_start3A_192 : memref<1x256x128xf32, #tpu.memory_space<vmem>> -> memref<256x128xf32, #tpu.memory_space<vmem>>
    tpu.enqueue_dma source(%dma_start3A_193 : memref<256x128xf32, #tpu.memory_space<vmem>>) target(%dma_start3A_189 : memref<256x128xf32, #tpu.memory_space<hbm>>) target_semaphore(%arg11 : memref<!tpu.dma_semaphore, #tpu.memory_space<semaphore_mem>>)
    %dma_wait3A_194 = arith.constant 1 : i32
    %dma_wait3A_195 = arith.constant 0 : i32
    %dma_wait3A_196 = arith.constant 0 : i32
    %dma_wait3A_197 = tpu.memref_slice %arg6[%dma_wait3A_194, %dma_wait3A_195, %dma_wait3A_196] : memref<2x256x128xf32, #tpu.memory_space<vmem>> -> memref<1x256x128xf32, #tpu.memory_space<vmem>>
    %dma_wait3A_198 = tpu.memref_squeeze %dma_wait3A_197 : memref<1x256x128xf32, #tpu.memory_space<vmem>> -> memref<256x128xf32, #tpu.memory_space<vmem>>
    %dma_wait3A_199 = arith.constant 0 : i32
    %dma_wait3A_200 = tpu.memref_slice %arg4[%add3A_180, %dma_wait3A_199] : memref<65536x128xf32, #tpu.memory_space<hbm>> -> memref<256x128xf32, #tpu.memory_space<hbm>>
    %dma_wait3A_201 = arith.constant 0 : i32
    %dma_wait3A_202 = tpu.memref_slice %arg4[%add3A_180, %dma_wait3A_201] : memref<65536x128xf32, #tpu.memory_space<hbm>> -> memref<256x128xf32, #tpu.memory_space<hbm>>
    %dma_wait3A_203 = arith.constant 0 : i32
    %dma_wait3A_204 = arith.constant 0 : i32
    %dma_wait3A_205 = tpu.memref_slice %arg6[%dma_wait3A_194, %dma_wait3A_203, %dma_wait3A_204] : memref<2x256x128xf32, #tpu.memory_space<vmem>> -> memref<1x256x128xf32, #tpu.memory_space<vmem>>
    %dma_wait3A_206 = tpu.memref_squeeze %dma_wait3A_205 : memref<1x256x128xf32, #tpu.memory_space<vmem>> -> memref<256x128xf32, #tpu.memory_space<vmem>>
    tpu.wait_dma2 semaphore(%arg11 : memref<!tpu.dma_semaphore, #tpu.memory_space<semaphore_mem>>) src(%dma_wait3A_206 : memref<256x128xf32, #tpu.memory_space<vmem>>) dst(%dma_wait3A_202 : memref<256x128xf32, #tpu.memory_space<hbm>>)
    %dma_start3A_207 = arith.constant 1 : i32
    %dma_start3A_208 = arith.constant 0 : i32
    %dma_start3A_209 = arith.constant 0 : i32
    %dma_start3A_210 = tpu.memref_slice %arg6[%dma_start3A_207, %dma_start3A_208, %dma_start3A_209] : memref<2x256x128xf32, #tpu.memory_space<vmem>> -> memref<1x256x128xf32, #tpu.memory_space<vmem>>
    %dma_start3A_211 = tpu.memref_squeeze %dma_start3A_210 : memref<1x256x128xf32, #tpu.memory_space<vmem>> -> memref<256x128xf32, #tpu.memory_space<vmem>>
    %dma_start3A_212 = arith.constant 1280 : i32
    %dma_start3A_213 = tpu.memref_slice %arg5[%dma_start3A_212] : memref<2048xi32, #tpu.memory_space<vmem>> -> memref<256xi32, #tpu.memory_space<vmem>>
    %dma_start3A_214 = arith.constant 0 : i32
    %dma_start3A_215 = arith.constant 0 : i32
    %dma_start3A_216 = tpu.memref_slice %arg7[%dma_start3A_214, %dma_start3A_215] : memref<2048x128xf32, #tpu.memory_space<vmem_shared>> -> memref<2048x128xf32, #tpu.memory_space<vmem_shared>>
    tpu.enqueue_indirect_dma source(%dma_start3A_216 : memref<2048x128xf32, #tpu.memory_space<vmem_shared>>) target(%dma_start3A_211 : memref<256x128xf32, #tpu.memory_space<vmem>>) offsets(%dma_start3A_213 : memref<256xi32, #tpu.memory_space<vmem>>) semaphore(%arg9 : memref<!tpu.dma_semaphore, #tpu.memory_space<semaphore_mem>>)
    %dma_wait3A_217 = arith.constant 0 : i32
    %dma_wait3A_218 = arith.constant 0 : i32
    %dma_wait3A_219 = arith.constant 0 : i32
    %dma_wait3A_220 = tpu.memref_slice %arg6[%dma_wait3A_217, %dma_wait3A_218, %dma_wait3A_219] : memref<2x256x128xf32, #tpu.memory_space<vmem>> -> memref<1x256x128xf32, #tpu.memory_space<vmem>>
    %dma_wait3A_221 = tpu.memref_squeeze %dma_wait3A_220 : memref<1x256x128xf32, #tpu.memory_space<vmem>> -> memref<256x128xf32, #tpu.memory_space<vmem>>
    %dma_wait3A_222 = arith.constant 1024 : i32
    %dma_wait3A_223 = tpu.memref_slice %arg5[%dma_wait3A_222] : memref<2048xi32, #tpu.memory_space<vmem>> -> memref<256xi32, #tpu.memory_space<vmem>>
    %dma_wait3A_224 = arith.constant 0 : i32
    %dma_wait3A_225 = arith.constant 0 : i32
    %dma_wait3A_226 = tpu.memref_slice %arg7[%dma_wait3A_224, %dma_wait3A_225] : memref<2048x128xf32, #tpu.memory_space<vmem_shared>> -> memref<2048x128xf32, #tpu.memory_space<vmem_shared>>
    tpu.wait_indirect_dma semaphore(%arg8 : memref<!tpu.dma_semaphore, #tpu.memory_space<semaphore_mem>>) src(%dma_wait3A_226 : memref<2048x128xf32, #tpu.memory_space<vmem_shared>>) dst(%dma_wait3A_221 : memref<256x128xf32, #tpu.memory_space<vmem>>)
    %add3A_227 = arith.constant 1024 : i32
    %add3A_228 = arith.addi %mul3A_2, %add3A_227 : i32
    %dma_start3A_229 = arith.constant 0 : i32
    %dma_start3A_230 = arith.constant 0 : i32
    %dma_start3A_231 = arith.constant 0 : i32
    %dma_start3A_232 = tpu.memref_slice %arg6[%dma_start3A_229, %dma_start3A_230, %dma_start3A_231] : memref<2x256x128xf32, #tpu.memory_space<vmem>> -> memref<1x256x128xf32, #tpu.memory_space<vmem>>
    %dma_start3A_233 = tpu.memref_squeeze %dma_start3A_232 : memref<1x256x128xf32, #tpu.memory_space<vmem>> -> memref<256x128xf32, #tpu.memory_space<vmem>>
    %dma_start3A_234 = arith.constant 0 : i32
    %dma_start3A_235 = tpu.memref_slice %arg4[%add3A_228, %dma_start3A_234] : memref<65536x128xf32, #tpu.memory_space<hbm>> -> memref<256x128xf32, #tpu.memory_space<hbm>>
    %dma_start3A_236 = arith.constant 0 : i32
    %dma_start3A_237 = tpu.memref_slice %arg4[%add3A_228, %dma_start3A_236] : memref<65536x128xf32, #tpu.memory_space<hbm>> -> memref<256x128xf32, #tpu.memory_space<hbm>>
    %dma_start3A_238 = arith.constant 0 : i32
    %dma_start3A_239 = arith.constant 0 : i32
    %dma_start3A_240 = tpu.memref_slice %arg6[%dma_start3A_229, %dma_start3A_238, %dma_start3A_239] : memref<2x256x128xf32, #tpu.memory_space<vmem>> -> memref<1x256x128xf32, #tpu.memory_space<vmem>>
    %dma_start3A_241 = tpu.memref_squeeze %dma_start3A_240 : memref<1x256x128xf32, #tpu.memory_space<vmem>> -> memref<256x128xf32, #tpu.memory_space<vmem>>
    tpu.enqueue_dma source(%dma_start3A_241 : memref<256x128xf32, #tpu.memory_space<vmem>>) target(%dma_start3A_237 : memref<256x128xf32, #tpu.memory_space<hbm>>) target_semaphore(%arg10 : memref<!tpu.dma_semaphore, #tpu.memory_space<semaphore_mem>>)
    %dma_wait3A_242 = arith.constant 0 : i32
    %dma_wait3A_243 = arith.constant 0 : i32
    %dma_wait3A_244 = arith.constant 0 : i32
    %dma_wait3A_245 = tpu.memref_slice %arg6[%dma_wait3A_242, %dma_wait3A_243, %dma_wait3A_244] : memref<2x256x128xf32, #tpu.memory_space<vmem>> -> memref<1x256x128xf32, #tpu.memory_space<vmem>>
    %dma_wait3A_246 = tpu.memref_squeeze %dma_wait3A_245 : memref<1x256x128xf32, #tpu.memory_space<vmem>> -> memref<256x128xf32, #tpu.memory_space<vmem>>
    %dma_wait3A_247 = arith.constant 0 : i32
    %dma_wait3A_248 = tpu.memref_slice %arg4[%add3A_228, %dma_wait3A_247] : memref<65536x128xf32, #tpu.memory_space<hbm>> -> memref<256x128xf32, #tpu.memory_space<hbm>>
    %dma_wait3A_249 = arith.constant 0 : i32
    %dma_wait3A_250 = tpu.memref_slice %arg4[%add3A_228, %dma_wait3A_249] : memref<65536x128xf32, #tpu.memory_space<hbm>> -> memref<256x128xf32, #tpu.memory_space<hbm>>
    %dma_wait3A_251 = arith.constant 0 : i32
    %dma_wait3A_252 = arith.constant 0 : i32
    %dma_wait3A_253 = tpu.memref_slice %arg6[%dma_wait3A_242, %dma_wait3A_251, %dma_wait3A_252] : memref<2x256x128xf32, #tpu.memory_space<vmem>> -> memref<1x256x128xf32, #tpu.memory_space<vmem>>
    %dma_wait3A_254 = tpu.memref_squeeze %dma_wait3A_253 : memref<1x256x128xf32, #tpu.memory_space<vmem>> -> memref<256x128xf32, #tpu.memory_space<vmem>>
    tpu.wait_dma2 semaphore(%arg10 : memref<!tpu.dma_semaphore, #tpu.memory_space<semaphore_mem>>) src(%dma_wait3A_254 : memref<256x128xf32, #tpu.memory_space<vmem>>) dst(%dma_wait3A_250 : memref<256x128xf32, #tpu.memory_space<hbm>>)
    %dma_start3A_255 = arith.constant 0 : i32
    %dma_start3A_256 = arith.constant 0 : i32
    %dma_start3A_257 = arith.constant 0 : i32
    %dma_start3A_258 = tpu.memref_slice %arg6[%dma_start3A_255, %dma_start3A_256, %dma_start3A_257] : memref<2x256x128xf32, #tpu.memory_space<vmem>> -> memref<1x256x128xf32, #tpu.memory_space<vmem>>
    %dma_start3A_259 = tpu.memref_squeeze %dma_start3A_258 : memref<1x256x128xf32, #tpu.memory_space<vmem>> -> memref<256x128xf32, #tpu.memory_space<vmem>>
    %dma_start3A_260 = arith.constant 1536 : i32
    %dma_start3A_261 = tpu.memref_slice %arg5[%dma_start3A_260] : memref<2048xi32, #tpu.memory_space<vmem>> -> memref<256xi32, #tpu.memory_space<vmem>>
    %dma_start3A_262 = arith.constant 0 : i32
    %dma_start3A_263 = arith.constant 0 : i32
    %dma_start3A_264 = tpu.memref_slice %arg7[%dma_start3A_262, %dma_start3A_263] : memref<2048x128xf32, #tpu.memory_space<vmem_shared>> -> memref<2048x128xf32, #tpu.memory_space<vmem_shared>>
    tpu.enqueue_indirect_dma source(%dma_start3A_264 : memref<2048x128xf32, #tpu.memory_space<vmem_shared>>) target(%dma_start3A_259 : memref<256x128xf32, #tpu.memory_space<vmem>>) offsets(%dma_start3A_261 : memref<256xi32, #tpu.memory_space<vmem>>) semaphore(%arg8 : memref<!tpu.dma_semaphore, #tpu.memory_space<semaphore_mem>>)
    %dma_wait3A_265 = arith.constant 1 : i32
    %dma_wait3A_266 = arith.constant 0 : i32
    %dma_wait3A_267 = arith.constant 0 : i32
    %dma_wait3A_268 = tpu.memref_slice %arg6[%dma_wait3A_265, %dma_wait3A_266, %dma_wait3A_267] : memref<2x256x128xf32, #tpu.memory_space<vmem>> -> memref<1x256x128xf32, #tpu.memory_space<vmem>>
    %dma_wait3A_269 = tpu.memref_squeeze %dma_wait3A_268 : memref<1x256x128xf32, #tpu.memory_space<vmem>> -> memref<256x128xf32, #tpu.memory_space<vmem>>
    %dma_wait3A_270 = arith.constant 1280 : i32
    %dma_wait3A_271 = tpu.memref_slice %arg5[%dma_wait3A_270] : memref<2048xi32, #tpu.memory_space<vmem>> -> memref<256xi32, #tpu.memory_space<vmem>>
    %dma_wait3A_272 = arith.constant 0 : i32
    %dma_wait3A_273 = arith.constant 0 : i32
    %dma_wait3A_274 = tpu.memref_slice %arg7[%dma_wait3A_272, %dma_wait3A_273] : memref<2048x128xf32, #tpu.memory_space<vmem_shared>> -> memref<2048x128xf32, #tpu.memory_space<vmem_shared>>
    tpu.wait_indirect_dma semaphore(%arg9 : memref<!tpu.dma_semaphore, #tpu.memory_space<semaphore_mem>>) src(%dma_wait3A_274 : memref<2048x128xf32, #tpu.memory_space<vmem_shared>>) dst(%dma_wait3A_269 : memref<256x128xf32, #tpu.memory_space<vmem>>)
    %add3A_275 = arith.constant 1280 : i32
    %add3A_276 = arith.addi %mul3A_2, %add3A_275 : i32
    %dma_start3A_277 = arith.constant 1 : i32
    %dma_start3A_278 = arith.constant 0 : i32
    %dma_start3A_279 = arith.constant 0 : i32
    %dma_start3A_280 = tpu.memref_slice %arg6[%dma_start3A_277, %dma_start3A_278, %dma_start3A_279] : memref<2x256x128xf32, #tpu.memory_space<vmem>> -> memref<1x256x128xf32, #tpu.memory_space<vmem>>
    %dma_start3A_281 = tpu.memref_squeeze %dma_start3A_280 : memref<1x256x128xf32, #tpu.memory_space<vmem>> -> memref<256x128xf32, #tpu.memory_space<vmem>>
    %dma_start3A_282 = arith.constant 0 : i32
    %dma_start3A_283 = tpu.memref_slice %arg4[%add3A_276, %dma_start3A_282] : memref<65536x128xf32, #tpu.memory_space<hbm>> -> memref<256x128xf32, #tpu.memory_space<hbm>>
    %dma_start3A_284 = arith.constant 0 : i32
    %dma_start3A_285 = tpu.memref_slice %arg4[%add3A_276, %dma_start3A_284] : memref<65536x128xf32, #tpu.memory_space<hbm>> -> memref<256x128xf32, #tpu.memory_space<hbm>>
    %dma_start3A_286 = arith.constant 0 : i32
    %dma_start3A_287 = arith.constant 0 : i32
    %dma_start3A_288 = tpu.memref_slice %arg6[%dma_start3A_277, %dma_start3A_286, %dma_start3A_287] : memref<2x256x128xf32, #tpu.memory_space<vmem>> -> memref<1x256x128xf32, #tpu.memory_space<vmem>>
    %dma_start3A_289 = tpu.memref_squeeze %dma_start3A_288 : memref<1x256x128xf32, #tpu.memory_space<vmem>> -> memref<256x128xf32, #tpu.memory_space<vmem>>
    tpu.enqueue_dma source(%dma_start3A_289 : memref<256x128xf32, #tpu.memory_space<vmem>>) target(%dma_start3A_285 : memref<256x128xf32, #tpu.memory_space<hbm>>) target_semaphore(%arg11 : memref<!tpu.dma_semaphore, #tpu.memory_space<semaphore_mem>>)
    %dma_wait3A_290 = arith.constant 1 : i32
    %dma_wait3A_291 = arith.constant 0 : i32
    %dma_wait3A_292 = arith.constant 0 : i32
    %dma_wait3A_293 = tpu.memref_slice %arg6[%dma_wait3A_290, %dma_wait3A_291, %dma_wait3A_292] : memref<2x256x128xf32, #tpu.memory_space<vmem>> -> memref<1x256x128xf32, #tpu.memory_space<vmem>>
    %dma_wait3A_294 = tpu.memref_squeeze %dma_wait3A_293 : memref<1x256x128xf32, #tpu.memory_space<vmem>> -> memref<256x128xf32, #tpu.memory_space<vmem>>
    %dma_wait3A_295 = arith.constant 0 : i32
    %dma_wait3A_296 = tpu.memref_slice %arg4[%add3A_276, %dma_wait3A_295] : memref<65536x128xf32, #tpu.memory_space<hbm>> -> memref<256x128xf32, #tpu.memory_space<hbm>>
    %dma_wait3A_297 = arith.constant 0 : i32
    %dma_wait3A_298 = tpu.memref_slice %arg4[%add3A_276, %dma_wait3A_297] : memref<65536x128xf32, #tpu.memory_space<hbm>> -> memref<256x128xf32, #tpu.memory_space<hbm>>
    %dma_wait3A_299 = arith.constant 0 : i32
    %dma_wait3A_300 = arith.constant 0 : i32
    %dma_wait3A_301 = tpu.memref_slice %arg6[%dma_wait3A_290, %dma_wait3A_299, %dma_wait3A_300] : memref<2x256x128xf32, #tpu.memory_space<vmem>> -> memref<1x256x128xf32, #tpu.memory_space<vmem>>
    %dma_wait3A_302 = tpu.memref_squeeze %dma_wait3A_301 : memref<1x256x128xf32, #tpu.memory_space<vmem>> -> memref<256x128xf32, #tpu.memory_space<vmem>>
    tpu.wait_dma2 semaphore(%arg11 : memref<!tpu.dma_semaphore, #tpu.memory_space<semaphore_mem>>) src(%dma_wait3A_302 : memref<256x128xf32, #tpu.memory_space<vmem>>) dst(%dma_wait3A_298 : memref<256x128xf32, #tpu.memory_space<hbm>>)
    %dma_start3A_303 = arith.constant 1 : i32
    %dma_start3A_304 = arith.constant 0 : i32
    %dma_start3A_305 = arith.constant 0 : i32
    %dma_start3A_306 = tpu.memref_slice %arg6[%dma_start3A_303, %dma_start3A_304, %dma_start3A_305] : memref<2x256x128xf32, #tpu.memory_space<vmem>> -> memref<1x256x128xf32, #tpu.memory_space<vmem>>
    %dma_start3A_307 = tpu.memref_squeeze %dma_start3A_306 : memref<1x256x128xf32, #tpu.memory_space<vmem>> -> memref<256x128xf32, #tpu.memory_space<vmem>>
    %dma_start3A_308 = arith.constant 1792 : i32
    %dma_start3A_309 = tpu.memref_slice %arg5[%dma_start3A_308] : memref<2048xi32, #tpu.memory_space<vmem>> -> memref<256xi32, #tpu.memory_space<vmem>>
    %dma_start3A_310 = arith.constant 0 : i32
    %dma_start3A_311 = arith.constant 0 : i32
    %dma_start3A_312 = tpu.memref_slice %arg7[%dma_start3A_310, %dma_start3A_311] : memref<2048x128xf32, #tpu.memory_space<vmem_shared>> -> memref<2048x128xf32, #tpu.memory_space<vmem_shared>>
    tpu.enqueue_indirect_dma source(%dma_start3A_312 : memref<2048x128xf32, #tpu.memory_space<vmem_shared>>) target(%dma_start3A_307 : memref<256x128xf32, #tpu.memory_space<vmem>>) offsets(%dma_start3A_309 : memref<256xi32, #tpu.memory_space<vmem>>) semaphore(%arg9 : memref<!tpu.dma_semaphore, #tpu.memory_space<semaphore_mem>>)
    %dma_wait3A_313 = arith.constant 0 : i32
    %dma_wait3A_314 = arith.constant 0 : i32
    %dma_wait3A_315 = arith.constant 0 : i32
    %dma_wait3A_316 = tpu.memref_slice %arg6[%dma_wait3A_313, %dma_wait3A_314, %dma_wait3A_315] : memref<2x256x128xf32, #tpu.memory_space<vmem>> -> memref<1x256x128xf32, #tpu.memory_space<vmem>>
    %dma_wait3A_317 = tpu.memref_squeeze %dma_wait3A_316 : memref<1x256x128xf32, #tpu.memory_space<vmem>> -> memref<256x128xf32, #tpu.memory_space<vmem>>
    %dma_wait3A_318 = arith.constant 1536 : i32
    %dma_wait3A_319 = tpu.memref_slice %arg5[%dma_wait3A_318] : memref<2048xi32, #tpu.memory_space<vmem>> -> memref<256xi32, #tpu.memory_space<vmem>>
    %dma_wait3A_320 = arith.constant 0 : i32
    %dma_wait3A_321 = arith.constant 0 : i32
    %dma_wait3A_322 = tpu.memref_slice %arg7[%dma_wait3A_320, %dma_wait3A_321] : memref<2048x128xf32, #tpu.memory_space<vmem_shared>> -> memref<2048x128xf32, #tpu.memory_space<vmem_shared>>
    tpu.wait_indirect_dma semaphore(%arg8 : memref<!tpu.dma_semaphore, #tpu.memory_space<semaphore_mem>>) src(%dma_wait3A_322 : memref<2048x128xf32, #tpu.memory_space<vmem_shared>>) dst(%dma_wait3A_317 : memref<256x128xf32, #tpu.memory_space<vmem>>)
    %add3A_323 = arith.constant 1536 : i32
    %add3A_324 = arith.addi %mul3A_2, %add3A_323 : i32
    %dma_start3A_325 = arith.constant 0 : i32
    %dma_start3A_326 = arith.constant 0 : i32
    %dma_start3A_327 = arith.constant 0 : i32
    %dma_start3A_328 = tpu.memref_slice %arg6[%dma_start3A_325, %dma_start3A_326, %dma_start3A_327] : memref<2x256x128xf32, #tpu.memory_space<vmem>> -> memref<1x256x128xf32, #tpu.memory_space<vmem>>
    %dma_start3A_329 = tpu.memref_squeeze %dma_start3A_328 : memref<1x256x128xf32, #tpu.memory_space<vmem>> -> memref<256x128xf32, #tpu.memory_space<vmem>>
    %dma_start3A_330 = arith.constant 0 : i32
    %dma_start3A_331 = tpu.memref_slice %arg4[%add3A_324, %dma_start3A_330] : memref<65536x128xf32, #tpu.memory_space<hbm>> -> memref<256x128xf32, #tpu.memory_space<hbm>>
    %dma_start3A_332 = arith.constant 0 : i32
    %dma_start3A_333 = tpu.memref_slice %arg4[%add3A_324, %dma_start3A_332] : memref<65536x128xf32, #tpu.memory_space<hbm>> -> memref<256x128xf32, #tpu.memory_space<hbm>>
    %dma_start3A_334 = arith.constant 0 : i32
    %dma_start3A_335 = arith.constant 0 : i32
    %dma_start3A_336 = tpu.memref_slice %arg6[%dma_start3A_325, %dma_start3A_334, %dma_start3A_335] : memref<2x256x128xf32, #tpu.memory_space<vmem>> -> memref<1x256x128xf32, #tpu.memory_space<vmem>>
    %dma_start3A_337 = tpu.memref_squeeze %dma_start3A_336 : memref<1x256x128xf32, #tpu.memory_space<vmem>> -> memref<256x128xf32, #tpu.memory_space<vmem>>
    tpu.enqueue_dma source(%dma_start3A_337 : memref<256x128xf32, #tpu.memory_space<vmem>>) target(%dma_start3A_333 : memref<256x128xf32, #tpu.memory_space<hbm>>) target_semaphore(%arg10 : memref<!tpu.dma_semaphore, #tpu.memory_space<semaphore_mem>>)
    %dma_wait3A_338 = arith.constant 1 : i32
    %dma_wait3A_339 = arith.constant 0 : i32
    %dma_wait3A_340 = arith.constant 0 : i32
    %dma_wait3A_341 = tpu.memref_slice %arg6[%dma_wait3A_338, %dma_wait3A_339, %dma_wait3A_340] : memref<2x256x128xf32, #tpu.memory_space<vmem>> -> memref<1x256x128xf32, #tpu.memory_space<vmem>>
    %dma_wait3A_342 = tpu.memref_squeeze %dma_wait3A_341 : memref<1x256x128xf32, #tpu.memory_space<vmem>> -> memref<256x128xf32, #tpu.memory_space<vmem>>
    %dma_wait3A_343 = arith.constant 1792 : i32
    %dma_wait3A_344 = tpu.memref_slice %arg5[%dma_wait3A_343] : memref<2048xi32, #tpu.memory_space<vmem>> -> memref<256xi32, #tpu.memory_space<vmem>>
    %dma_wait3A_345 = arith.constant 0 : i32
    %dma_wait3A_346 = arith.constant 0 : i32
    %dma_wait3A_347 = tpu.memref_slice %arg7[%dma_wait3A_345, %dma_wait3A_346] : memref<2048x128xf32, #tpu.memory_space<vmem_shared>> -> memref<2048x128xf32, #tpu.memory_space<vmem_shared>>
    tpu.wait_indirect_dma semaphore(%arg9 : memref<!tpu.dma_semaphore, #tpu.memory_space<semaphore_mem>>) src(%dma_wait3A_347 : memref<2048x128xf32, #tpu.memory_space<vmem_shared>>) dst(%dma_wait3A_342 : memref<256x128xf32, #tpu.memory_space<vmem>>)
    %add3A_348 = arith.constant 1792 : i32
    %add3A_349 = arith.addi %mul3A_2, %add3A_348 : i32
    %dma_start3A_350 = arith.constant 1 : i32
    %dma_start3A_351 = arith.constant 0 : i32
    %dma_start3A_352 = arith.constant 0 : i32
    %dma_start3A_353 = tpu.memref_slice %arg6[%dma_start3A_350, %dma_start3A_351, %dma_start3A_352] : memref<2x256x128xf32, #tpu.memory_space<vmem>> -> memref<1x256x128xf32, #tpu.memory_space<vmem>>
    %dma_start3A_354 = tpu.memref_squeeze %dma_start3A_353 : memref<1x256x128xf32, #tpu.memory_space<vmem>> -> memref<256x128xf32, #tpu.memory_space<vmem>>
    %dma_start3A_355 = arith.constant 0 : i32
    %dma_start3A_356 = tpu.memref_slice %arg4[%add3A_349, %dma_start3A_355] : memref<65536x128xf32, #tpu.memory_space<hbm>> -> memref<256x128xf32, #tpu.memory_space<hbm>>
    %dma_start3A_357 = arith.constant 0 : i32
    %dma_start3A_358 = tpu.memref_slice %arg4[%add3A_349, %dma_start3A_357] : memref<65536x128xf32, #tpu.memory_space<hbm>> -> memref<256x128xf32, #tpu.memory_space<hbm>>
    %dma_start3A_359 = arith.constant 0 : i32
    %dma_start3A_360 = arith.constant 0 : i32
    %dma_start3A_361 = tpu.memref_slice %arg6[%dma_start3A_350, %dma_start3A_359, %dma_start3A_360] : memref<2x256x128xf32, #tpu.memory_space<vmem>> -> memref<1x256x128xf32, #tpu.memory_space<vmem>>
    %dma_start3A_362 = tpu.memref_squeeze %dma_start3A_361 : memref<1x256x128xf32, #tpu.memory_space<vmem>> -> memref<256x128xf32, #tpu.memory_space<vmem>>
    tpu.enqueue_dma source(%dma_start3A_362 : memref<256x128xf32, #tpu.memory_space<vmem>>) target(%dma_start3A_358 : memref<256x128xf32, #tpu.memory_space<hbm>>) target_semaphore(%arg11 : memref<!tpu.dma_semaphore, #tpu.memory_space<semaphore_mem>>)
    %dma_wait3A_363 = arith.constant 0 : i32
    %dma_wait3A_364 = arith.constant 0 : i32
    %dma_wait3A_365 = arith.constant 0 : i32
    %dma_wait3A_366 = tpu.memref_slice %arg6[%dma_wait3A_363, %dma_wait3A_364, %dma_wait3A_365] : memref<2x256x128xf32, #tpu.memory_space<vmem>> -> memref<1x256x128xf32, #tpu.memory_space<vmem>>
    %dma_wait3A_367 = tpu.memref_squeeze %dma_wait3A_366 : memref<1x256x128xf32, #tpu.memory_space<vmem>> -> memref<256x128xf32, #tpu.memory_space<vmem>>
    %dma_wait3A_368 = arith.constant 0 : i32
    %dma_wait3A_369 = tpu.memref_slice %arg4[%add3A_324, %dma_wait3A_368] : memref<65536x128xf32, #tpu.memory_space<hbm>> -> memref<256x128xf32, #tpu.memory_space<hbm>>
    %dma_wait3A_370 = arith.constant 0 : i32
    %dma_wait3A_371 = tpu.memref_slice %arg4[%add3A_324, %dma_wait3A_370] : memref<65536x128xf32, #tpu.memory_space<hbm>> -> memref<256x128xf32, #tpu.memory_space<hbm>>
    %dma_wait3A_372 = arith.constant 0 : i32
    %dma_wait3A_373 = arith.constant 0 : i32
    %dma_wait3A_374 = tpu.memref_slice %arg6[%dma_wait3A_363, %dma_wait3A_372, %dma_wait3A_373] : memref<2x256x128xf32, #tpu.memory_space<vmem>> -> memref<1x256x128xf32, #tpu.memory_space<vmem>>
    %dma_wait3A_375 = tpu.memref_squeeze %dma_wait3A_374 : memref<1x256x128xf32, #tpu.memory_space<vmem>> -> memref<256x128xf32, #tpu.memory_space<vmem>>
    tpu.wait_dma2 semaphore(%arg10 : memref<!tpu.dma_semaphore, #tpu.memory_space<semaphore_mem>>) src(%dma_wait3A_375 : memref<256x128xf32, #tpu.memory_space<vmem>>) dst(%dma_wait3A_371 : memref<256x128xf32, #tpu.memory_space<hbm>>)
    %dma_wait3A_376 = arith.constant 1 : i32
    %dma_wait3A_377 = arith.constant 0 : i32
    %dma_wait3A_378 = arith.constant 0 : i32
    %dma_wait3A_379 = tpu.memref_slice %arg6[%dma_wait3A_376, %dma_wait3A_377, %dma_wait3A_378] : memref<2x256x128xf32, #tpu.memory_space<vmem>> -> memref<1x256x128xf32, #tpu.memory_space<vmem>>
    %dma_wait3A_380 = tpu.memref_squeeze %dma_wait3A_379 : memref<1x256x128xf32, #tpu.memory_space<vmem>> -> memref<256x128xf32, #tpu.memory_space<vmem>>
    %dma_wait3A_381 = arith.constant 0 : i32
    %dma_wait3A_382 = tpu.memref_slice %arg4[%add3A_349, %dma_wait3A_381] : memref<65536x128xf32, #tpu.memory_space<hbm>> -> memref<256x128xf32, #tpu.memory_space<hbm>>
    %dma_wait3A_383 = arith.constant 0 : i32
    %dma_wait3A_384 = tpu.memref_slice %arg4[%add3A_349, %dma_wait3A_383] : memref<65536x128xf32, #tpu.memory_space<hbm>> -> memref<256x128xf32, #tpu.memory_space<hbm>>
    %dma_wait3A_385 = arith.constant 0 : i32
    %dma_wait3A_386 = arith.constant 0 : i32
    %dma_wait3A_387 = tpu.memref_slice %arg6[%dma_wait3A_376, %dma_wait3A_385, %dma_wait3A_386] : memref<2x256x128xf32, #tpu.memory_space<vmem>> -> memref<1x256x128xf32, #tpu.memory_space<vmem>>
    %dma_wait3A_388 = tpu.memref_squeeze %dma_wait3A_387 : memref<1x256x128xf32, #tpu.memory_space<vmem>> -> memref<256x128xf32, #tpu.memory_space<vmem>>
    tpu.wait_dma2 semaphore(%arg11 : memref<!tpu.dma_semaphore, #tpu.memory_space<semaphore_mem>>) src(%dma_wait3A_388 : memref<256x128xf32, #tpu.memory_space<vmem>>) dst(%dma_wait3A_384 : memref<256x128xf32, #tpu.memory_space<hbm>>)
    return
  }
}

#map = affine_map<(d0, d1) -> (0, 0)>
#map1 = affine_map<(d0, d1) -> (0)>
module attributes {stable_mosaic.version = 14 : i64} {
  func.func @gk(%arg0: i32, %arg1: i32, %arg2: memref<2048x128xf32, #tpu.memory_space<hbm>>, %arg3: memref<65536xi32, #tpu.memory_space<hbm>>, %arg4: memref<65536x128xf32, #tpu.memory_space<hbm>>, %arg5: memref<2048xi32, #tpu.memory_space<vmem>>, %arg6: memref<2x256x128xf32, #tpu.memory_space<vmem>>, %arg7: memref<2048x128xf32, #tpu.memory_space<vmem_shared>>, %arg8: memref<!tpu.dma_semaphore, #tpu.memory_space<semaphore_mem>>, %arg9: memref<!tpu.dma_semaphore, #tpu.memory_space<semaphore_mem>>, %arg10: memref<!tpu.dma_semaphore, #tpu.memory_space<semaphore_mem>>, %arg11: memref<!tpu.dma_semaphore, #tpu.memory_space<semaphore_mem>>) attributes {dimension_semantics = [#tpu.dimension_semantics<core_parallel>, #tpu.dimension_semantics<subcore_parallel>], iteration_bounds = array<i64: 2, 16>, scalar_prefetch = 0 : i64, scratch_operands = 7 : i64, tpu.core_type = #tpu.core_type<sc_vector_subcore>, window_params = [{transform_indices = #map}, {transform_indices = #map1}, {transform_indices = #map}]} {
    %mul3A = arith.constant 2 : i32
    %mul3A_0 = arith.muli %arg1, %mul3A : i32
    %add3A = arith.addi %mul3A_0, %arg0 : i32
    %mul3A_1 = arith.constant 2048 : i32
    %mul3A_2 = arith.muli %add3A, %mul3A_1 : i32
    %mul3A_3 = arith.constant 128 : i32
    %mul3A_4 = arith.muli %arg1, %mul3A_3 : i32
    %mul3A_5 = arith.constant 128 : i32
    %mul3A_6 = arith.muli %arg1, %mul3A_5 : i32
    "tpu.region"() ({
      %run_scoped3A = tpu.sem_alloc : memref<!tpu.dma_semaphore, #tpu.memory_space<semaphore_mem>>
      %dma_start3A_389 = arith.constant 0 : i32
      %dma_start3A_390 = tpu.memref_slice %arg7[%mul3A_6, %dma_start3A_389] : memref<2048x128xf32, #tpu.memory_space<vmem_shared>> -> memref<128x128xf32, #tpu.memory_space<vmem_shared>>
      %dma_start3A_391 = arith.constant 0 : i32
      %dma_start3A_392 = tpu.memref_slice %arg2[%mul3A_4, %dma_start3A_391] : memref<2048x128xf32, #tpu.memory_space<hbm>> -> memref<128x128xf32, #tpu.memory_space<hbm>>
      tpu.enqueue_dma source(%dma_start3A_392 : memref<128x128xf32, #tpu.memory_space<hbm>>) target(%dma_start3A_390 : memref<128x128xf32, #tpu.memory_space<vmem_shared>>) target_semaphore(%run_scoped3A : memref<!tpu.dma_semaphore, #tpu.memory_space<semaphore_mem>>)
      %dma_wait3A_393 = arith.constant 0 : i32
      %dma_wait3A_394 = tpu.memref_slice %arg7[%mul3A_6, %dma_wait3A_393] : memref<2048x128xf32, #tpu.memory_space<vmem_shared>> -> memref<128x128xf32, #tpu.memory_space<vmem_shared>>
      %dma_wait3A_395 = arith.constant 0 : i32
      %dma_wait3A_396 = tpu.memref_slice %arg2[%mul3A_4, %dma_wait3A_395] : memref<2048x128xf32, #tpu.memory_space<hbm>> -> memref<128x128xf32, #tpu.memory_space<hbm>>
      tpu.wait_dma2 semaphore(%run_scoped3A : memref<!tpu.dma_semaphore, #tpu.memory_space<semaphore_mem>>) src(%dma_wait3A_396 : memref<128x128xf32, #tpu.memory_space<hbm>>) dst(%dma_wait3A_394 : memref<128x128xf32, #tpu.memory_space<vmem_shared>>)
      tpu.yield
    }) : () -> ()
    "tpu.region"() ({
      %run_scoped3A = tpu.sem_alloc : memref<!tpu.dma_semaphore, #tpu.memory_space<semaphore_mem>>
      %dma_start3A_389 = tpu.memref_slice %arg3[%mul3A_2] : memref<65536xi32, #tpu.memory_space<hbm>> -> memref<2048xi32, #tpu.memory_space<hbm>>
      %dma_start3A_390 = tpu.memref_slice %arg3[%mul3A_2] : memref<65536xi32, #tpu.memory_space<hbm>> -> memref<2048xi32, #tpu.memory_space<hbm>>
      tpu.enqueue_dma source(%dma_start3A_390 : memref<2048xi32, #tpu.memory_space<hbm>>) target(%arg5 : memref<2048xi32, #tpu.memory_space<vmem>>) target_semaphore(%run_scoped3A : memref<!tpu.dma_semaphore, #tpu.memory_space<semaphore_mem>>)
      %dma_wait3A_391 = tpu.memref_slice %arg3[%mul3A_2] : memref<65536xi32, #tpu.memory_space<hbm>> -> memref<2048xi32, #tpu.memory_space<hbm>>
      %dma_wait3A_392 = tpu.memref_slice %arg3[%mul3A_2] : memref<65536xi32, #tpu.memory_space<hbm>> -> memref<2048xi32, #tpu.memory_space<hbm>>
      tpu.wait_dma2 semaphore(%run_scoped3A : memref<!tpu.dma_semaphore, #tpu.memory_space<semaphore_mem>>) src(%dma_wait3A_392 : memref<2048xi32, #tpu.memory_space<hbm>>) dst(%arg5 : memref<2048xi32, #tpu.memory_space<vmem>>)
      tpu.yield
    }) : () -> ()
    %barrier3A = arith.constant 0 : index
    tpu.barrier barrier_id(%barrier3A)
    %dma_start3A = arith.constant 0 : i32
    %dma_start3A_7 = arith.constant 0 : i32
    %dma_start3A_8 = arith.constant 0 : i32
    %dma_start3A_9 = tpu.memref_slice %arg6[%dma_start3A, %dma_start3A_7, %dma_start3A_8] : memref<2x256x128xf32, #tpu.memory_space<vmem>> -> memref<1x256x128xf32, #tpu.memory_space<vmem>>
    %dma_start3A_10 = tpu.memref_squeeze %dma_start3A_9 : memref<1x256x128xf32, #tpu.memory_space<vmem>> -> memref<256x128xf32, #tpu.memory_space<vmem>>
    %dma_start3A_11 = arith.constant 0 : i32
    %dma_start3A_12 = tpu.memref_slice %arg5[%dma_start3A_11] : memref<2048xi32, #tpu.memory_space<vmem>> -> memref<256xi32, #tpu.memory_space<vmem>>
    %dma_start3A_13 = arith.constant 0 : i32
    %dma_start3A_14 = arith.constant 0 : i32
    %dma_start3A_15 = tpu.memref_slice %arg7[%dma_start3A_13, %dma_start3A_14] : memref<2048x128xf32, #tpu.memory_space<vmem_shared>> -> memref<2048x128xf32, #tpu.memory_space<vmem_shared>>
    tpu.enqueue_indirect_dma source(%dma_start3A_15 : memref<2048x128xf32, #tpu.memory_space<vmem_shared>>) target(%dma_start3A_10 : memref<256x128xf32, #tpu.memory_space<vmem>>) offsets(%dma_start3A_12 : memref<256xi32, #tpu.memory_space<vmem>>) semaphore(%arg8 : memref<!tpu.dma_semaphore, #tpu.memory_space<semaphore_mem>>)
    %dma_start3A_16 = arith.constant 1 : i32
    %dma_start3A_17 = arith.constant 0 : i32
    %dma_start3A_18 = arith.constant 0 : i32
    %dma_start3A_19 = tpu.memref_slice %arg6[%dma_start3A_16, %dma_start3A_17, %dma_start3A_18] : memref<2x256x128xf32, #tpu.memory_space<vmem>> -> memref<1x256x128xf32, #tpu.memory_space<vmem>>
    %dma_start3A_20 = tpu.memref_squeeze %dma_start3A_19 : memref<1x256x128xf32, #tpu.memory_space<vmem>> -> memref<256x128xf32, #tpu.memory_space<vmem>>
    %dma_start3A_21 = arith.constant 256 : i32
    %dma_start3A_22 = tpu.memref_slice %arg5[%dma_start3A_21] : memref<2048xi32, #tpu.memory_space<vmem>> -> memref<256xi32, #tpu.memory_space<vmem>>
    %dma_start3A_23 = arith.constant 0 : i32
    %dma_start3A_24 = arith.constant 0 : i32
    %dma_start3A_25 = tpu.memref_slice %arg7[%dma_start3A_23, %dma_start3A_24] : memref<2048x128xf32, #tpu.memory_space<vmem_shared>> -> memref<2048x128xf32, #tpu.memory_space<vmem_shared>>
    tpu.enqueue_indirect_dma source(%dma_start3A_25 : memref<2048x128xf32, #tpu.memory_space<vmem_shared>>) target(%dma_start3A_20 : memref<256x128xf32, #tpu.memory_space<vmem>>) offsets(%dma_start3A_22 : memref<256xi32, #tpu.memory_space<vmem>>) semaphore(%arg9 : memref<!tpu.dma_semaphore, #tpu.memory_space<semaphore_mem>>)
    %dma_wait3A = arith.constant 0 : i32
    %dma_wait3A_26 = arith.constant 0 : i32
    %dma_wait3A_27 = arith.constant 0 : i32
    %dma_wait3A_28 = tpu.memref_slice %arg6[%dma_wait3A, %dma_wait3A_26, %dma_wait3A_27] : memref<2x256x128xf32, #tpu.memory_space<vmem>> -> memref<1x256x128xf32, #tpu.memory_space<vmem>>
    %dma_wait3A_29 = tpu.memref_squeeze %dma_wait3A_28 : memref<1x256x128xf32, #tpu.memory_space<vmem>> -> memref<256x128xf32, #tpu.memory_space<vmem>>
    %dma_wait3A_30 = arith.constant 0 : i32
    %dma_wait3A_31 = tpu.memref_slice %arg5[%dma_wait3A_30] : memref<2048xi32, #tpu.memory_space<vmem>> -> memref<256xi32, #tpu.memory_space<vmem>>
    %dma_wait3A_32 = arith.constant 0 : i32
    %dma_wait3A_33 = arith.constant 0 : i32
    %dma_wait3A_34 = tpu.memref_slice %arg7[%dma_wait3A_32, %dma_wait3A_33] : memref<2048x128xf32, #tpu.memory_space<vmem_shared>> -> memref<2048x128xf32, #tpu.memory_space<vmem_shared>>
    tpu.wait_indirect_dma semaphore(%arg8 : memref<!tpu.dma_semaphore, #tpu.memory_space<semaphore_mem>>) src(%dma_wait3A_34 : memref<2048x128xf32, #tpu.memory_space<vmem_shared>>) dst(%dma_wait3A_29 : memref<256x128xf32, #tpu.memory_space<vmem>>)
    %add3A_35 = arith.constant 0 : i32
    %add3A_36 = arith.addi %mul3A_2, %add3A_35 : i32
    %dma_start3A_37 = arith.constant 0 : i32
    %dma_start3A_38 = arith.constant 0 : i32
    %dma_start3A_39 = arith.constant 0 : i32
    %dma_start3A_40 = tpu.memref_slice %arg6[%dma_start3A_37, %dma_start3A_38, %dma_start3A_39] : memref<2x256x128xf32, #tpu.memory_space<vmem>> -> memref<1x256x128xf32, #tpu.memory_space<vmem>>
    %dma_start3A_41 = tpu.memref_squeeze %dma_start3A_40 : memref<1x256x128xf32, #tpu.memory_space<vmem>> -> memref<256x128xf32, #tpu.memory_space<vmem>>
    %dma_start3A_42 = arith.constant 0 : i32
    %dma_start3A_43 = tpu.memref_slice %arg4[%add3A_36, %dma_start3A_42] : memref<65536x128xf32, #tpu.memory_space<hbm>> -> memref<256x128xf32, #tpu.memory_space<hbm>>
    %dma_start3A_44 = arith.constant 0 : i32
    %dma_start3A_45 = tpu.memref_slice %arg4[%add3A_36, %dma_start3A_44] : memref<65536x128xf32, #tpu.memory_space<hbm>> -> memref<256x128xf32, #tpu.memory_space<hbm>>
    %dma_start3A_46 = arith.constant 0 : i32
    %dma_start3A_47 = arith.constant 0 : i32
    %dma_start3A_48 = tpu.memref_slice %arg6[%dma_start3A_37, %dma_start3A_46, %dma_start3A_47] : memref<2x256x128xf32, #tpu.memory_space<vmem>> -> memref<1x256x128xf32, #tpu.memory_space<vmem>>
    %dma_start3A_49 = tpu.memref_squeeze %dma_start3A_48 : memref<1x256x128xf32, #tpu.memory_space<vmem>> -> memref<256x128xf32, #tpu.memory_space<vmem>>
    tpu.enqueue_dma source(%dma_start3A_49 : memref<256x128xf32, #tpu.memory_space<vmem>>) target(%dma_start3A_45 : memref<256x128xf32, #tpu.memory_space<hbm>>) target_semaphore(%arg10 : memref<!tpu.dma_semaphore, #tpu.memory_space<semaphore_mem>>)
    %dma_wait3A_50 = arith.constant 0 : i32
    %dma_wait3A_51 = arith.constant 0 : i32
    %dma_wait3A_52 = arith.constant 0 : i32
    %dma_wait3A_53 = tpu.memref_slice %arg6[%dma_wait3A_50, %dma_wait3A_51, %dma_wait3A_52] : memref<2x256x128xf32, #tpu.memory_space<vmem>> -> memref<1x256x128xf32, #tpu.memory_space<vmem>>
    %dma_wait3A_54 = tpu.memref_squeeze %dma_wait3A_53 : memref<1x256x128xf32, #tpu.memory_space<vmem>> -> memref<256x128xf32, #tpu.memory_space<vmem>>
    %dma_wait3A_55 = arith.constant 0 : i32
    %dma_wait3A_56 = tpu.memref_slice %arg4[%add3A_36, %dma_wait3A_55] : memref<65536x128xf32, #tpu.memory_space<hbm>> -> memref<256x128xf32, #tpu.memory_space<hbm>>
    %dma_wait3A_57 = arith.constant 0 : i32
    %dma_wait3A_58 = tpu.memref_slice %arg4[%add3A_36, %dma_wait3A_57] : memref<65536x128xf32, #tpu.memory_space<hbm>> -> memref<256x128xf32, #tpu.memory_space<hbm>>
    %dma_wait3A_59 = arith.constant 0 : i32
    %dma_wait3A_60 = arith.constant 0 : i32
    %dma_wait3A_61 = tpu.memref_slice %arg6[%dma_wait3A_50, %dma_wait3A_59, %dma_wait3A_60] : memref<2x256x128xf32, #tpu.memory_space<vmem>> -> memref<1x256x128xf32, #tpu.memory_space<vmem>>
    %dma_wait3A_62 = tpu.memref_squeeze %dma_wait3A_61 : memref<1x256x128xf32, #tpu.memory_space<vmem>> -> memref<256x128xf32, #tpu.memory_space<vmem>>
    tpu.wait_dma2 semaphore(%arg10 : memref<!tpu.dma_semaphore, #tpu.memory_space<semaphore_mem>>) src(%dma_wait3A_62 : memref<256x128xf32, #tpu.memory_space<vmem>>) dst(%dma_wait3A_58 : memref<256x128xf32, #tpu.memory_space<hbm>>)
    %dma_start3A_63 = arith.constant 0 : i32
    %dma_start3A_64 = arith.constant 0 : i32
    %dma_start3A_65 = arith.constant 0 : i32
    %dma_start3A_66 = tpu.memref_slice %arg6[%dma_start3A_63, %dma_start3A_64, %dma_start3A_65] : memref<2x256x128xf32, #tpu.memory_space<vmem>> -> memref<1x256x128xf32, #tpu.memory_space<vmem>>
    %dma_start3A_67 = tpu.memref_squeeze %dma_start3A_66 : memref<1x256x128xf32, #tpu.memory_space<vmem>> -> memref<256x128xf32, #tpu.memory_space<vmem>>
    %dma_start3A_68 = arith.constant 512 : i32
    %dma_start3A_69 = tpu.memref_slice %arg5[%dma_start3A_68] : memref<2048xi32, #tpu.memory_space<vmem>> -> memref<256xi32, #tpu.memory_space<vmem>>
    %dma_start3A_70 = arith.constant 0 : i32
    %dma_start3A_71 = arith.constant 0 : i32
    %dma_start3A_72 = tpu.memref_slice %arg7[%dma_start3A_70, %dma_start3A_71] : memref<2048x128xf32, #tpu.memory_space<vmem_shared>> -> memref<2048x128xf32, #tpu.memory_space<vmem_shared>>
    tpu.enqueue_indirect_dma source(%dma_start3A_72 : memref<2048x128xf32, #tpu.memory_space<vmem_shared>>) target(%dma_start3A_67 : memref<256x128xf32, #tpu.memory_space<vmem>>) offsets(%dma_start3A_69 : memref<256xi32, #tpu.memory_space<vmem>>) semaphore(%arg8 : memref<!tpu.dma_semaphore, #tpu.memory_space<semaphore_mem>>)
    %dma_wait3A_73 = arith.constant 1 : i32
    %dma_wait3A_74 = arith.constant 0 : i32
    %dma_wait3A_75 = arith.constant 0 : i32
    %dma_wait3A_76 = tpu.memref_slice %arg6[%dma_wait3A_73, %dma_wait3A_74, %dma_wait3A_75] : memref<2x256x128xf32, #tpu.memory_space<vmem>> -> memref<1x256x128xf32, #tpu.memory_space<vmem>>
    %dma_wait3A_77 = tpu.memref_squeeze %dma_wait3A_76 : memref<1x256x128xf32, #tpu.memory_space<vmem>> -> memref<256x128xf32, #tpu.memory_space<vmem>>
    %dma_wait3A_78 = arith.constant 256 : i32
    %dma_wait3A_79 = tpu.memref_slice %arg5[%dma_wait3A_78] : memref<2048xi32, #tpu.memory_space<vmem>> -> memref<256xi32, #tpu.memory_space<vmem>>
    %dma_wait3A_80 = arith.constant 0 : i32
    %dma_wait3A_81 = arith.constant 0 : i32
    %dma_wait3A_82 = tpu.memref_slice %arg7[%dma_wait3A_80, %dma_wait3A_81] : memref<2048x128xf32, #tpu.memory_space<vmem_shared>> -> memref<2048x128xf32, #tpu.memory_space<vmem_shared>>
    tpu.wait_indirect_dma semaphore(%arg9 : memref<!tpu.dma_semaphore, #tpu.memory_space<semaphore_mem>>) src(%dma_wait3A_82 : memref<2048x128xf32, #tpu.memory_space<vmem_shared>>) dst(%dma_wait3A_77 : memref<256x128xf32, #tpu.memory_space<vmem>>)
    %add3A_83 = arith.constant 256 : i32
    %add3A_84 = arith.addi %mul3A_2, %add3A_83 : i32
    %dma_start3A_85 = arith.constant 1 : i32
    %dma_start3A_86 = arith.constant 0 : i32
    %dma_start3A_87 = arith.constant 0 : i32
    %dma_start3A_88 = tpu.memref_slice %arg6[%dma_start3A_85, %dma_start3A_86, %dma_start3A_87] : memref<2x256x128xf32, #tpu.memory_space<vmem>> -> memref<1x256x128xf32, #tpu.memory_space<vmem>>
    %dma_start3A_89 = tpu.memref_squeeze %dma_start3A_88 : memref<1x256x128xf32, #tpu.memory_space<vmem>> -> memref<256x128xf32, #tpu.memory_space<vmem>>
    %dma_start3A_90 = arith.constant 0 : i32
    %dma_start3A_91 = tpu.memref_slice %arg4[%add3A_84, %dma_start3A_90] : memref<65536x128xf32, #tpu.memory_space<hbm>> -> memref<256x128xf32, #tpu.memory_space<hbm>>
    %dma_start3A_92 = arith.constant 0 : i32
    %dma_start3A_93 = tpu.memref_slice %arg4[%add3A_84, %dma_start3A_92] : memref<65536x128xf32, #tpu.memory_space<hbm>> -> memref<256x128xf32, #tpu.memory_space<hbm>>
    %dma_start3A_94 = arith.constant 0 : i32
    %dma_start3A_95 = arith.constant 0 : i32
    %dma_start3A_96 = tpu.memref_slice %arg6[%dma_start3A_85, %dma_start3A_94, %dma_start3A_95] : memref<2x256x128xf32, #tpu.memory_space<vmem>> -> memref<1x256x128xf32, #tpu.memory_space<vmem>>
    %dma_start3A_97 = tpu.memref_squeeze %dma_start3A_96 : memref<1x256x128xf32, #tpu.memory_space<vmem>> -> memref<256x128xf32, #tpu.memory_space<vmem>>
    tpu.enqueue_dma source(%dma_start3A_97 : memref<256x128xf32, #tpu.memory_space<vmem>>) target(%dma_start3A_93 : memref<256x128xf32, #tpu.memory_space<hbm>>) target_semaphore(%arg11 : memref<!tpu.dma_semaphore, #tpu.memory_space<semaphore_mem>>)
    %dma_wait3A_98 = arith.constant 1 : i32
    %dma_wait3A_99 = arith.constant 0 : i32
    %dma_wait3A_100 = arith.constant 0 : i32
    %dma_wait3A_101 = tpu.memref_slice %arg6[%dma_wait3A_98, %dma_wait3A_99, %dma_wait3A_100] : memref<2x256x128xf32, #tpu.memory_space<vmem>> -> memref<1x256x128xf32, #tpu.memory_space<vmem>>
    %dma_wait3A_102 = tpu.memref_squeeze %dma_wait3A_101 : memref<1x256x128xf32, #tpu.memory_space<vmem>> -> memref<256x128xf32, #tpu.memory_space<vmem>>
    %dma_wait3A_103 = arith.constant 0 : i32
    %dma_wait3A_104 = tpu.memref_slice %arg4[%add3A_84, %dma_wait3A_103] : memref<65536x128xf32, #tpu.memory_space<hbm>> -> memref<256x128xf32, #tpu.memory_space<hbm>>
    %dma_wait3A_105 = arith.constant 0 : i32
    %dma_wait3A_106 = tpu.memref_slice %arg4[%add3A_84, %dma_wait3A_105] : memref<65536x128xf32, #tpu.memory_space<hbm>> -> memref<256x128xf32, #tpu.memory_space<hbm>>
    %dma_wait3A_107 = arith.constant 0 : i32
    %dma_wait3A_108 = arith.constant 0 : i32
    %dma_wait3A_109 = tpu.memref_slice %arg6[%dma_wait3A_98, %dma_wait3A_107, %dma_wait3A_108] : memref<2x256x128xf32, #tpu.memory_space<vmem>> -> memref<1x256x128xf32, #tpu.memory_space<vmem>>
    %dma_wait3A_110 = tpu.memref_squeeze %dma_wait3A_109 : memref<1x256x128xf32, #tpu.memory_space<vmem>> -> memref<256x128xf32, #tpu.memory_space<vmem>>
    tpu.wait_dma2 semaphore(%arg11 : memref<!tpu.dma_semaphore, #tpu.memory_space<semaphore_mem>>) src(%dma_wait3A_110 : memref<256x128xf32, #tpu.memory_space<vmem>>) dst(%dma_wait3A_106 : memref<256x128xf32, #tpu.memory_space<hbm>>)
    %dma_start3A_111 = arith.constant 1 : i32
    %dma_start3A_112 = arith.constant 0 : i32
    %dma_start3A_113 = arith.constant 0 : i32
    %dma_start3A_114 = tpu.memref_slice %arg6[%dma_start3A_111, %dma_start3A_112, %dma_start3A_113] : memref<2x256x128xf32, #tpu.memory_space<vmem>> -> memref<1x256x128xf32, #tpu.memory_space<vmem>>
    %dma_start3A_115 = tpu.memref_squeeze %dma_start3A_114 : memref<1x256x128xf32, #tpu.memory_space<vmem>> -> memref<256x128xf32, #tpu.memory_space<vmem>>
    %dma_start3A_116 = arith.constant 768 : i32
    %dma_start3A_117 = tpu.memref_slice %arg5[%dma_start3A_116] : memref<2048xi32, #tpu.memory_space<vmem>> -> memref<256xi32, #tpu.memory_space<vmem>>
    %dma_start3A_118 = arith.constant 0 : i32
    %dma_start3A_119 = arith.constant 0 : i32
    %dma_start3A_120 = tpu.memref_slice %arg7[%dma_start3A_118, %dma_start3A_119] : memref<2048x128xf32, #tpu.memory_space<vmem_shared>> -> memref<2048x128xf32, #tpu.memory_space<vmem_shared>>
    tpu.enqueue_indirect_dma source(%dma_start3A_120 : memref<2048x128xf32, #tpu.memory_space<vmem_shared>>) target(%dma_start3A_115 : memref<256x128xf32, #tpu.memory_space<vmem>>) offsets(%dma_start3A_117 : memref<256xi32, #tpu.memory_space<vmem>>) semaphore(%arg9 : memref<!tpu.dma_semaphore, #tpu.memory_space<semaphore_mem>>)
    %dma_wait3A_121 = arith.constant 0 : i32
    %dma_wait3A_122 = arith.constant 0 : i32
    %dma_wait3A_123 = arith.constant 0 : i32
    %dma_wait3A_124 = tpu.memref_slice %arg6[%dma_wait3A_121, %dma_wait3A_122, %dma_wait3A_123] : memref<2x256x128xf32, #tpu.memory_space<vmem>> -> memref<1x256x128xf32, #tpu.memory_space<vmem>>
    %dma_wait3A_125 = tpu.memref_squeeze %dma_wait3A_124 : memref<1x256x128xf32, #tpu.memory_space<vmem>> -> memref<256x128xf32, #tpu.memory_space<vmem>>
    %dma_wait3A_126 = arith.constant 512 : i32
    %dma_wait3A_127 = tpu.memref_slice %arg5[%dma_wait3A_126] : memref<2048xi32, #tpu.memory_space<vmem>> -> memref<256xi32, #tpu.memory_space<vmem>>
    %dma_wait3A_128 = arith.constant 0 : i32
    %dma_wait3A_129 = arith.constant 0 : i32
    %dma_wait3A_130 = tpu.memref_slice %arg7[%dma_wait3A_128, %dma_wait3A_129] : memref<2048x128xf32, #tpu.memory_space<vmem_shared>> -> memref<2048x128xf32, #tpu.memory_space<vmem_shared>>
    tpu.wait_indirect_dma semaphore(%arg8 : memref<!tpu.dma_semaphore, #tpu.memory_space<semaphore_mem>>) src(%dma_wait3A_130 : memref<2048x128xf32, #tpu.memory_space<vmem_shared>>) dst(%dma_wait3A_125 : memref<256x128xf32, #tpu.memory_space<vmem>>)
    %add3A_131 = arith.constant 512 : i32
    %add3A_132 = arith.addi %mul3A_2, %add3A_131 : i32
    %dma_start3A_133 = arith.constant 0 : i32
    %dma_start3A_134 = arith.constant 0 : i32
    %dma_start3A_135 = arith.constant 0 : i32
    %dma_start3A_136 = tpu.memref_slice %arg6[%dma_start3A_133, %dma_start3A_134, %dma_start3A_135] : memref<2x256x128xf32, #tpu.memory_space<vmem>> -> memref<1x256x128xf32, #tpu.memory_space<vmem>>
    %dma_start3A_137 = tpu.memref_squeeze %dma_start3A_136 : memref<1x256x128xf32, #tpu.memory_space<vmem>> -> memref<256x128xf32, #tpu.memory_space<vmem>>
    %dma_start3A_138 = arith.constant 0 : i32
    %dma_start3A_139 = tpu.memref_slice %arg4[%add3A_132, %dma_start3A_138] : memref<65536x128xf32, #tpu.memory_space<hbm>> -> memref<256x128xf32, #tpu.memory_space<hbm>>
    %dma_start3A_140 = arith.constant 0 : i32
    %dma_start3A_141 = tpu.memref_slice %arg4[%add3A_132, %dma_start3A_140] : memref<65536x128xf32, #tpu.memory_space<hbm>> -> memref<256x128xf32, #tpu.memory_space<hbm>>
    %dma_start3A_142 = arith.constant 0 : i32
    %dma_start3A_143 = arith.constant 0 : i32
    %dma_start3A_144 = tpu.memref_slice %arg6[%dma_start3A_133, %dma_start3A_142, %dma_start3A_143] : memref<2x256x128xf32, #tpu.memory_space<vmem>> -> memref<1x256x128xf32, #tpu.memory_space<vmem>>
    %dma_start3A_145 = tpu.memref_squeeze %dma_start3A_144 : memref<1x256x128xf32, #tpu.memory_space<vmem>> -> memref<256x128xf32, #tpu.memory_space<vmem>>
    tpu.enqueue_dma source(%dma_start3A_145 : memref<256x128xf32, #tpu.memory_space<vmem>>) target(%dma_start3A_141 : memref<256x128xf32, #tpu.memory_space<hbm>>) target_semaphore(%arg10 : memref<!tpu.dma_semaphore, #tpu.memory_space<semaphore_mem>>)
    %dma_wait3A_146 = arith.constant 0 : i32
    %dma_wait3A_147 = arith.constant 0 : i32
    %dma_wait3A_148 = arith.constant 0 : i32
    %dma_wait3A_149 = tpu.memref_slice %arg6[%dma_wait3A_146, %dma_wait3A_147, %dma_wait3A_148] : memref<2x256x128xf32, #tpu.memory_space<vmem>> -> memref<1x256x128xf32, #tpu.memory_space<vmem>>
    %dma_wait3A_150 = tpu.memref_squeeze %dma_wait3A_149 : memref<1x256x128xf32, #tpu.memory_space<vmem>> -> memref<256x128xf32, #tpu.memory_space<vmem>>
    %dma_wait3A_151 = arith.constant 0 : i32
    %dma_wait3A_152 = tpu.memref_slice %arg4[%add3A_132, %dma_wait3A_151] : memref<65536x128xf32, #tpu.memory_space<hbm>> -> memref<256x128xf32, #tpu.memory_space<hbm>>
    %dma_wait3A_153 = arith.constant 0 : i32
    %dma_wait3A_154 = tpu.memref_slice %arg4[%add3A_132, %dma_wait3A_153] : memref<65536x128xf32, #tpu.memory_space<hbm>> -> memref<256x128xf32, #tpu.memory_space<hbm>>
    %dma_wait3A_155 = arith.constant 0 : i32
    %dma_wait3A_156 = arith.constant 0 : i32
    %dma_wait3A_157 = tpu.memref_slice %arg6[%dma_wait3A_146, %dma_wait3A_155, %dma_wait3A_156] : memref<2x256x128xf32, #tpu.memory_space<vmem>> -> memref<1x256x128xf32, #tpu.memory_space<vmem>>
    %dma_wait3A_158 = tpu.memref_squeeze %dma_wait3A_157 : memref<1x256x128xf32, #tpu.memory_space<vmem>> -> memref<256x128xf32, #tpu.memory_space<vmem>>
    tpu.wait_dma2 semaphore(%arg10 : memref<!tpu.dma_semaphore, #tpu.memory_space<semaphore_mem>>) src(%dma_wait3A_158 : memref<256x128xf32, #tpu.memory_space<vmem>>) dst(%dma_wait3A_154 : memref<256x128xf32, #tpu.memory_space<hbm>>)
    %dma_start3A_159 = arith.constant 0 : i32
    %dma_start3A_160 = arith.constant 0 : i32
    %dma_start3A_161 = arith.constant 0 : i32
    %dma_start3A_162 = tpu.memref_slice %arg6[%dma_start3A_159, %dma_start3A_160, %dma_start3A_161] : memref<2x256x128xf32, #tpu.memory_space<vmem>> -> memref<1x256x128xf32, #tpu.memory_space<vmem>>
    %dma_start3A_163 = tpu.memref_squeeze %dma_start3A_162 : memref<1x256x128xf32, #tpu.memory_space<vmem>> -> memref<256x128xf32, #tpu.memory_space<vmem>>
    %dma_start3A_164 = arith.constant 1024 : i32
    %dma_start3A_165 = tpu.memref_slice %arg5[%dma_start3A_164] : memref<2048xi32, #tpu.memory_space<vmem>> -> memref<256xi32, #tpu.memory_space<vmem>>
    %dma_start3A_166 = arith.constant 0 : i32
    %dma_start3A_167 = arith.constant 0 : i32
    %dma_start3A_168 = tpu.memref_slice %arg7[%dma_start3A_166, %dma_start3A_167] : memref<2048x128xf32, #tpu.memory_space<vmem_shared>> -> memref<2048x128xf32, #tpu.memory_space<vmem_shared>>
    tpu.enqueue_indirect_dma source(%dma_start3A_168 : memref<2048x128xf32, #tpu.memory_space<vmem_shared>>) target(%dma_start3A_163 : memref<256x128xf32, #tpu.memory_space<vmem>>) offsets(%dma_start3A_165 : memref<256xi32, #tpu.memory_space<vmem>>) semaphore(%arg8 : memref<!tpu.dma_semaphore, #tpu.memory_space<semaphore_mem>>)
    %dma_wait3A_169 = arith.constant 1 : i32
    %dma_wait3A_170 = arith.constant 0 : i32
    %dma_wait3A_171 = arith.constant 0 : i32
    %dma_wait3A_172 = tpu.memref_slice %arg6[%dma_wait3A_169, %dma_wait3A_170, %dma_wait3A_171] : memref<2x256x128xf32, #tpu.memory_space<vmem>> -> memref<1x256x128xf32, #tpu.memory_space<vmem>>
    %dma_wait3A_173 = tpu.memref_squeeze %dma_wait3A_172 : memref<1x256x128xf32, #tpu.memory_space<vmem>> -> memref<256x128xf32, #tpu.memory_space<vmem>>
    %dma_wait3A_174 = arith.constant 768 : i32
    %dma_wait3A_175 = tpu.memref_slice %arg5[%dma_wait3A_174] : memref<2048xi32, #tpu.memory_space<vmem>> -> memref<256xi32, #tpu.memory_space<vmem>>
    %dma_wait3A_176 = arith.constant 0 : i32
    %dma_wait3A_177 = arith.constant 0 : i32
    %dma_wait3A_178 = tpu.memref_slice %arg7[%dma_wait3A_176, %dma_wait3A_177] : memref<2048x128xf32, #tpu.memory_space<vmem_shared>> -> memref<2048x128xf32, #tpu.memory_space<vmem_shared>>
    tpu.wait_indirect_dma semaphore(%arg9 : memref<!tpu.dma_semaphore, #tpu.memory_space<semaphore_mem>>) src(%dma_wait3A_178 : memref<2048x128xf32, #tpu.memory_space<vmem_shared>>) dst(%dma_wait3A_173 : memref<256x128xf32, #tpu.memory_space<vmem>>)
    %add3A_179 = arith.constant 768 : i32
    %add3A_180 = arith.addi %mul3A_2, %add3A_179 : i32
    %dma_start3A_181 = arith.constant 1 : i32
    %dma_start3A_182 = arith.constant 0 : i32
    %dma_start3A_183 = arith.constant 0 : i32
    %dma_start3A_184 = tpu.memref_slice %arg6[%dma_start3A_181, %dma_start3A_182, %dma_start3A_183] : memref<2x256x128xf32, #tpu.memory_space<vmem>> -> memref<1x256x128xf32, #tpu.memory_space<vmem>>
    %dma_start3A_185 = tpu.memref_squeeze %dma_start3A_184 : memref<1x256x128xf32, #tpu.memory_space<vmem>> -> memref<256x128xf32, #tpu.memory_space<vmem>>
    %dma_start3A_186 = arith.constant 0 : i32
    %dma_start3A_187 = tpu.memref_slice %arg4[%add3A_180, %dma_start3A_186] : memref<65536x128xf32, #tpu.memory_space<hbm>> -> memref<256x128xf32, #tpu.memory_space<hbm>>
    %dma_start3A_188 = arith.constant 0 : i32
    %dma_start3A_189 = tpu.memref_slice %arg4[%add3A_180, %dma_start3A_188] : memref<65536x128xf32, #tpu.memory_space<hbm>> -> memref<256x128xf32, #tpu.memory_space<hbm>>
    %dma_start3A_190 = arith.constant 0 : i32
    %dma_start3A_191 = arith.constant 0 : i32
    %dma_start3A_192 = tpu.memref_slice %arg6[%dma_start3A_181, %dma_start3A_190, %dma_start3A_191] : memref<2x256x128xf32, #tpu.memory_space<vmem>> -> memref<1x256x128xf32, #tpu.memory_space<vmem>>
    %dma_start3A_193 = tpu.memref_squeeze %dma_start3A_192 : memref<1x256x128xf32, #tpu.memory_space<vmem>> -> memref<256x128xf32, #tpu.memory_space<vmem>>
    tpu.enqueue_dma source(%dma_start3A_193 : memref<256x128xf32, #tpu.memory_space<vmem>>) target(%dma_start3A_189 : memref<256x128xf32, #tpu.memory_space<hbm>>) target_semaphore(%arg11 : memref<!tpu.dma_semaphore, #tpu.memory_space<semaphore_mem>>)
    %dma_wait3A_194 = arith.constant 1 : i32
    %dma_wait3A_195 = arith.constant 0 : i32
    %dma_wait3A_196 = arith.constant 0 : i32
    %dma_wait3A_197 = tpu.memref_slice %arg6[%dma_wait3A_194, %dma_wait3A_195, %dma_wait3A_196] : memref<2x256x128xf32, #tpu.memory_space<vmem>> -> memref<1x256x128xf32, #tpu.memory_space<vmem>>
    %dma_wait3A_198 = tpu.memref_squeeze %dma_wait3A_197 : memref<1x256x128xf32, #tpu.memory_space<vmem>> -> memref<256x128xf32, #tpu.memory_space<vmem>>
    %dma_wait3A_199 = arith.constant 0 : i32
    %dma_wait3A_200 = tpu.memref_slice %arg4[%add3A_180, %dma_wait3A_199] : memref<65536x128xf32, #tpu.memory_space<hbm>> -> memref<256x128xf32, #tpu.memory_space<hbm>>
    %dma_wait3A_201 = arith.constant 0 : i32
    %dma_wait3A_202 = tpu.memref_slice %arg4[%add3A_180, %dma_wait3A_201] : memref<65536x128xf32, #tpu.memory_space<hbm>> -> memref<256x128xf32, #tpu.memory_space<hbm>>
    %dma_wait3A_203 = arith.constant 0 : i32
    %dma_wait3A_204 = arith.constant 0 : i32
    %dma_wait3A_205 = tpu.memref_slice %arg6[%dma_wait3A_194, %dma_wait3A_203, %dma_wait3A_204] : memref<2x256x128xf32, #tpu.memory_space<vmem>> -> memref<1x256x128xf32, #tpu.memory_space<vmem>>
    %dma_wait3A_206 = tpu.memref_squeeze %dma_wait3A_205 : memref<1x256x128xf32, #tpu.memory_space<vmem>> -> memref<256x128xf32, #tpu.memory_space<vmem>>
    tpu.wait_dma2 semaphore(%arg11 : memref<!tpu.dma_semaphore, #tpu.memory_space<semaphore_mem>>) src(%dma_wait3A_206 : memref<256x128xf32, #tpu.memory_space<vmem>>) dst(%dma_wait3A_202 : memref<256x128xf32, #tpu.memory_space<hbm>>)
    %dma_start3A_207 = arith.constant 1 : i32
    %dma_start3A_208 = arith.constant 0 : i32
    %dma_start3A_209 = arith.constant 0 : i32
    %dma_start3A_210 = tpu.memref_slice %arg6[%dma_start3A_207, %dma_start3A_208, %dma_start3A_209] : memref<2x256x128xf32, #tpu.memory_space<vmem>> -> memref<1x256x128xf32, #tpu.memory_space<vmem>>
    %dma_start3A_211 = tpu.memref_squeeze %dma_start3A_210 : memref<1x256x128xf32, #tpu.memory_space<vmem>> -> memref<256x128xf32, #tpu.memory_space<vmem>>
    %dma_start3A_212 = arith.constant 1280 : i32
    %dma_start3A_213 = tpu.memref_slice %arg5[%dma_start3A_212] : memref<2048xi32, #tpu.memory_space<vmem>> -> memref<256xi32, #tpu.memory_space<vmem>>
    %dma_start3A_214 = arith.constant 0 : i32
    %dma_start3A_215 = arith.constant 0 : i32
    %dma_start3A_216 = tpu.memref_slice %arg7[%dma_start3A_214, %dma_start3A_215] : memref<2048x128xf32, #tpu.memory_space<vmem_shared>> -> memref<2048x128xf32, #tpu.memory_space<vmem_shared>>
    tpu.enqueue_indirect_dma source(%dma_start3A_216 : memref<2048x128xf32, #tpu.memory_space<vmem_shared>>) target(%dma_start3A_211 : memref<256x128xf32, #tpu.memory_space<vmem>>) offsets(%dma_start3A_213 : memref<256xi32, #tpu.memory_space<vmem>>) semaphore(%arg9 : memref<!tpu.dma_semaphore, #tpu.memory_space<semaphore_mem>>)
    %dma_wait3A_217 = arith.constant 0 : i32
    %dma_wait3A_218 = arith.constant 0 : i32
    %dma_wait3A_219 = arith.constant 0 : i32
    %dma_wait3A_220 = tpu.memref_slice %arg6[%dma_wait3A_217, %dma_wait3A_218, %dma_wait3A_219] : memref<2x256x128xf32, #tpu.memory_space<vmem>> -> memref<1x256x128xf32, #tpu.memory_space<vmem>>
    %dma_wait3A_221 = tpu.memref_squeeze %dma_wait3A_220 : memref<1x256x128xf32, #tpu.memory_space<vmem>> -> memref<256x128xf32, #tpu.memory_space<vmem>>
    %dma_wait3A_222 = arith.constant 1024 : i32
    %dma_wait3A_223 = tpu.memref_slice %arg5[%dma_wait3A_222] : memref<2048xi32, #tpu.memory_space<vmem>> -> memref<256xi32, #tpu.memory_space<vmem>>
    %dma_wait3A_224 = arith.constant 0 : i32
    %dma_wait3A_225 = arith.constant 0 : i32
    %dma_wait3A_226 = tpu.memref_slice %arg7[%dma_wait3A_224, %dma_wait3A_225] : memref<2048x128xf32, #tpu.memory_space<vmem_shared>> -> memref<2048x128xf32, #tpu.memory_space<vmem_shared>>
    tpu.wait_indirect_dma semaphore(%arg8 : memref<!tpu.dma_semaphore, #tpu.memory_space<semaphore_mem>>) src(%dma_wait3A_226 : memref<2048x128xf32, #tpu.memory_space<vmem_shared>>) dst(%dma_wait3A_221 : memref<256x128xf32, #tpu.memory_space<vmem>>)
    %add3A_227 = arith.constant 1024 : i32
    %add3A_228 = arith.addi %mul3A_2, %add3A_227 : i32
    %dma_start3A_229 = arith.constant 0 : i32
    %dma_start3A_230 = arith.constant 0 : i32
    %dma_start3A_231 = arith.constant 0 : i32
    %dma_start3A_232 = tpu.memref_slice %arg6[%dma_start3A_229, %dma_start3A_230, %dma_start3A_231] : memref<2x256x128xf32, #tpu.memory_space<vmem>> -> memref<1x256x128xf32, #tpu.memory_space<vmem>>
    %dma_start3A_233 = tpu.memref_squeeze %dma_start3A_232 : memref<1x256x128xf32, #tpu.memory_space<vmem>> -> memref<256x128xf32, #tpu.memory_space<vmem>>
    %dma_start3A_234 = arith.constant 0 : i32
    %dma_start3A_235 = tpu.memref_slice %arg4[%add3A_228, %dma_start3A_234] : memref<65536x128xf32, #tpu.memory_space<hbm>> -> memref<256x128xf32, #tpu.memory_space<hbm>>
    %dma_start3A_236 = arith.constant 0 : i32
    %dma_start3A_237 = tpu.memref_slice %arg4[%add3A_228, %dma_start3A_236] : memref<65536x128xf32, #tpu.memory_space<hbm>> -> memref<256x128xf32, #tpu.memory_space<hbm>>
    %dma_start3A_238 = arith.constant 0 : i32
    %dma_start3A_239 = arith.constant 0 : i32
    %dma_start3A_240 = tpu.memref_slice %arg6[%dma_start3A_229, %dma_start3A_238, %dma_start3A_239] : memref<2x256x128xf32, #tpu.memory_space<vmem>> -> memref<1x256x128xf32, #tpu.memory_space<vmem>>
    %dma_start3A_241 = tpu.memref_squeeze %dma_start3A_240 : memref<1x256x128xf32, #tpu.memory_space<vmem>> -> memref<256x128xf32, #tpu.memory_space<vmem>>
    tpu.enqueue_dma source(%dma_start3A_241 : memref<256x128xf32, #tpu.memory_space<vmem>>) target(%dma_start3A_237 : memref<256x128xf32, #tpu.memory_space<hbm>>) target_semaphore(%arg10 : memref<!tpu.dma_semaphore, #tpu.memory_space<semaphore_mem>>)
    %dma_wait3A_242 = arith.constant 0 : i32
    %dma_wait3A_243 = arith.constant 0 : i32
    %dma_wait3A_244 = arith.constant 0 : i32
    %dma_wait3A_245 = tpu.memref_slice %arg6[%dma_wait3A_242, %dma_wait3A_243, %dma_wait3A_244] : memref<2x256x128xf32, #tpu.memory_space<vmem>> -> memref<1x256x128xf32, #tpu.memory_space<vmem>>
    %dma_wait3A_246 = tpu.memref_squeeze %dma_wait3A_245 : memref<1x256x128xf32, #tpu.memory_space<vmem>> -> memref<256x128xf32, #tpu.memory_space<vmem>>
    %dma_wait3A_247 = arith.constant 0 : i32
    %dma_wait3A_248 = tpu.memref_slice %arg4[%add3A_228, %dma_wait3A_247] : memref<65536x128xf32, #tpu.memory_space<hbm>> -> memref<256x128xf32, #tpu.memory_space<hbm>>
    %dma_wait3A_249 = arith.constant 0 : i32
    %dma_wait3A_250 = tpu.memref_slice %arg4[%add3A_228, %dma_wait3A_249] : memref<65536x128xf32, #tpu.memory_space<hbm>> -> memref<256x128xf32, #tpu.memory_space<hbm>>
    %dma_wait3A_251 = arith.constant 0 : i32
    %dma_wait3A_252 = arith.constant 0 : i32
    %dma_wait3A_253 = tpu.memref_slice %arg6[%dma_wait3A_242, %dma_wait3A_251, %dma_wait3A_252] : memref<2x256x128xf32, #tpu.memory_space<vmem>> -> memref<1x256x128xf32, #tpu.memory_space<vmem>>
    %dma_wait3A_254 = tpu.memref_squeeze %dma_wait3A_253 : memref<1x256x128xf32, #tpu.memory_space<vmem>> -> memref<256x128xf32, #tpu.memory_space<vmem>>
    tpu.wait_dma2 semaphore(%arg10 : memref<!tpu.dma_semaphore, #tpu.memory_space<semaphore_mem>>) src(%dma_wait3A_254 : memref<256x128xf32, #tpu.memory_space<vmem>>) dst(%dma_wait3A_250 : memref<256x128xf32, #tpu.memory_space<hbm>>)
    %dma_start3A_255 = arith.constant 0 : i32
    %dma_start3A_256 = arith.constant 0 : i32
    %dma_start3A_257 = arith.constant 0 : i32
    %dma_start3A_258 = tpu.memref_slice %arg6[%dma_start3A_255, %dma_start3A_256, %dma_start3A_257] : memref<2x256x128xf32, #tpu.memory_space<vmem>> -> memref<1x256x128xf32, #tpu.memory_space<vmem>>
    %dma_start3A_259 = tpu.memref_squeeze %dma_start3A_258 : memref<1x256x128xf32, #tpu.memory_space<vmem>> -> memref<256x128xf32, #tpu.memory_space<vmem>>
    %dma_start3A_260 = arith.constant 1536 : i32
    %dma_start3A_261 = tpu.memref_slice %arg5[%dma_start3A_260] : memref<2048xi32, #tpu.memory_space<vmem>> -> memref<256xi32, #tpu.memory_space<vmem>>
    %dma_start3A_262 = arith.constant 0 : i32
    %dma_start3A_263 = arith.constant 0 : i32
    %dma_start3A_264 = tpu.memref_slice %arg7[%dma_start3A_262, %dma_start3A_263] : memref<2048x128xf32, #tpu.memory_space<vmem_shared>> -> memref<2048x128xf32, #tpu.memory_space<vmem_shared>>
    tpu.enqueue_indirect_dma source(%dma_start3A_264 : memref<2048x128xf32, #tpu.memory_space<vmem_shared>>) target(%dma_start3A_259 : memref<256x128xf32, #tpu.memory_space<vmem>>) offsets(%dma_start3A_261 : memref<256xi32, #tpu.memory_space<vmem>>) semaphore(%arg8 : memref<!tpu.dma_semaphore, #tpu.memory_space<semaphore_mem>>)
    %dma_wait3A_265 = arith.constant 1 : i32
    %dma_wait3A_266 = arith.constant 0 : i32
    %dma_wait3A_267 = arith.constant 0 : i32
    %dma_wait3A_268 = tpu.memref_slice %arg6[%dma_wait3A_265, %dma_wait3A_266, %dma_wait3A_267] : memref<2x256x128xf32, #tpu.memory_space<vmem>> -> memref<1x256x128xf32, #tpu.memory_space<vmem>>
    %dma_wait3A_269 = tpu.memref_squeeze %dma_wait3A_268 : memref<1x256x128xf32, #tpu.memory_space<vmem>> -> memref<256x128xf32, #tpu.memory_space<vmem>>
    %dma_wait3A_270 = arith.constant 1280 : i32
    %dma_wait3A_271 = tpu.memref_slice %arg5[%dma_wait3A_270] : memref<2048xi32, #tpu.memory_space<vmem>> -> memref<256xi32, #tpu.memory_space<vmem>>
    %dma_wait3A_272 = arith.constant 0 : i32
    %dma_wait3A_273 = arith.constant 0 : i32
    %dma_wait3A_274 = tpu.memref_slice %arg7[%dma_wait3A_272, %dma_wait3A_273] : memref<2048x128xf32, #tpu.memory_space<vmem_shared>> -> memref<2048x128xf32, #tpu.memory_space<vmem_shared>>
    tpu.wait_indirect_dma semaphore(%arg9 : memref<!tpu.dma_semaphore, #tpu.memory_space<semaphore_mem>>) src(%dma_wait3A_274 : memref<2048x128xf32, #tpu.memory_space<vmem_shared>>) dst(%dma_wait3A_269 : memref<256x128xf32, #tpu.memory_space<vmem>>)
    %add3A_275 = arith.constant 1280 : i32
    %add3A_276 = arith.addi %mul3A_2, %add3A_275 : i32
    %dma_start3A_277 = arith.constant 1 : i32
    %dma_start3A_278 = arith.constant 0 : i32
    %dma_start3A_279 = arith.constant 0 : i32
    %dma_start3A_280 = tpu.memref_slice %arg6[%dma_start3A_277, %dma_start3A_278, %dma_start3A_279] : memref<2x256x128xf32, #tpu.memory_space<vmem>> -> memref<1x256x128xf32, #tpu.memory_space<vmem>>
    %dma_start3A_281 = tpu.memref_squeeze %dma_start3A_280 : memref<1x256x128xf32, #tpu.memory_space<vmem>> -> memref<256x128xf32, #tpu.memory_space<vmem>>
    %dma_start3A_282 = arith.constant 0 : i32
    %dma_start3A_283 = tpu.memref_slice %arg4[%add3A_276, %dma_start3A_282] : memref<65536x128xf32, #tpu.memory_space<hbm>> -> memref<256x128xf32, #tpu.memory_space<hbm>>
    %dma_start3A_284 = arith.constant 0 : i32
    %dma_start3A_285 = tpu.memref_slice %arg4[%add3A_276, %dma_start3A_284] : memref<65536x128xf32, #tpu.memory_space<hbm>> -> memref<256x128xf32, #tpu.memory_space<hbm>>
    %dma_start3A_286 = arith.constant 0 : i32
    %dma_start3A_287 = arith.constant 0 : i32
    %dma_start3A_288 = tpu.memref_slice %arg6[%dma_start3A_277, %dma_start3A_286, %dma_start3A_287] : memref<2x256x128xf32, #tpu.memory_space<vmem>> -> memref<1x256x128xf32, #tpu.memory_space<vmem>>
    %dma_start3A_289 = tpu.memref_squeeze %dma_start3A_288 : memref<1x256x128xf32, #tpu.memory_space<vmem>> -> memref<256x128xf32, #tpu.memory_space<vmem>>
    tpu.enqueue_dma source(%dma_start3A_289 : memref<256x128xf32, #tpu.memory_space<vmem>>) target(%dma_start3A_285 : memref<256x128xf32, #tpu.memory_space<hbm>>) target_semaphore(%arg11 : memref<!tpu.dma_semaphore, #tpu.memory_space<semaphore_mem>>)
    %dma_wait3A_290 = arith.constant 1 : i32
    %dma_wait3A_291 = arith.constant 0 : i32
    %dma_wait3A_292 = arith.constant 0 : i32
    %dma_wait3A_293 = tpu.memref_slice %arg6[%dma_wait3A_290, %dma_wait3A_291, %dma_wait3A_292] : memref<2x256x128xf32, #tpu.memory_space<vmem>> -> memref<1x256x128xf32, #tpu.memory_space<vmem>>
    %dma_wait3A_294 = tpu.memref_squeeze %dma_wait3A_293 : memref<1x256x128xf32, #tpu.memory_space<vmem>> -> memref<256x128xf32, #tpu.memory_space<vmem>>
    %dma_wait3A_295 = arith.constant 0 : i32
    %dma_wait3A_296 = tpu.memref_slice %arg4[%add3A_276, %dma_wait3A_295] : memref<65536x128xf32, #tpu.memory_space<hbm>> -> memref<256x128xf32, #tpu.memory_space<hbm>>
    %dma_wait3A_297 = arith.constant 0 : i32
    %dma_wait3A_298 = tpu.memref_slice %arg4[%add3A_276, %dma_wait3A_297] : memref<65536x128xf32, #tpu.memory_space<hbm>> -> memref<256x128xf32, #tpu.memory_space<hbm>>
    %dma_wait3A_299 = arith.constant 0 : i32
    %dma_wait3A_300 = arith.constant 0 : i32
    %dma_wait3A_301 = tpu.memref_slice %arg6[%dma_wait3A_290, %dma_wait3A_299, %dma_wait3A_300] : memref<2x256x128xf32, #tpu.memory_space<vmem>> -> memref<1x256x128xf32, #tpu.memory_space<vmem>>
    %dma_wait3A_302 = tpu.memref_squeeze %dma_wait3A_301 : memref<1x256x128xf32, #tpu.memory_space<vmem>> -> memref<256x128xf32, #tpu.memory_space<vmem>>
    tpu.wait_dma2 semaphore(%arg11 : memref<!tpu.dma_semaphore, #tpu.memory_space<semaphore_mem>>) src(%dma_wait3A_302 : memref<256x128xf32, #tpu.memory_space<vmem>>) dst(%dma_wait3A_298 : memref<256x128xf32, #tpu.memory_space<hbm>>)
    %dma_start3A_303 = arith.constant 1 : i32
    %dma_start3A_304 = arith.constant 0 : i32
    %dma_start3A_305 = arith.constant 0 : i32
    %dma_start3A_306 = tpu.memref_slice %arg6[%dma_start3A_303, %dma_start3A_304, %dma_start3A_305] : memref<2x256x128xf32, #tpu.memory_space<vmem>> -> memref<1x256x128xf32, #tpu.memory_space<vmem>>
    %dma_start3A_307 = tpu.memref_squeeze %dma_start3A_306 : memref<1x256x128xf32, #tpu.memory_space<vmem>> -> memref<256x128xf32, #tpu.memory_space<vmem>>
    %dma_start3A_308 = arith.constant 1792 : i32
    %dma_start3A_309 = tpu.memref_slice %arg5[%dma_start3A_308] : memref<2048xi32, #tpu.memory_space<vmem>> -> memref<256xi32, #tpu.memory_space<vmem>>
    %dma_start3A_310 = arith.constant 0 : i32
    %dma_start3A_311 = arith.constant 0 : i32
    %dma_start3A_312 = tpu.memref_slice %arg7[%dma_start3A_310, %dma_start3A_311] : memref<2048x128xf32, #tpu.memory_space<vmem_shared>> -> memref<2048x128xf32, #tpu.memory_space<vmem_shared>>
    tpu.enqueue_indirect_dma source(%dma_start3A_312 : memref<2048x128xf32, #tpu.memory_space<vmem_shared>>) target(%dma_start3A_307 : memref<256x128xf32, #tpu.memory_space<vmem>>) offsets(%dma_start3A_309 : memref<256xi32, #tpu.memory_space<vmem>>) semaphore(%arg9 : memref<!tpu.dma_semaphore, #tpu.memory_space<semaphore_mem>>)
    %dma_wait3A_313 = arith.constant 0 : i32
    %dma_wait3A_314 = arith.constant 0 : i32
    %dma_wait3A_315 = arith.constant 0 : i32
    %dma_wait3A_316 = tpu.memref_slice %arg6[%dma_wait3A_313, %dma_wait3A_314, %dma_wait3A_315] : memref<2x256x128xf32, #tpu.memory_space<vmem>> -> memref<1x256x128xf32, #tpu.memory_space<vmem>>
    %dma_wait3A_317 = tpu.memref_squeeze %dma_wait3A_316 : memref<1x256x128xf32, #tpu.memory_space<vmem>> -> memref<256x128xf32, #tpu.memory_space<vmem>>
    %dma_wait3A_318 = arith.constant 1536 : i32
    %dma_wait3A_319 = tpu.memref_slice %arg5[%dma_wait3A_318] : memref<2048xi32, #tpu.memory_space<vmem>> -> memref<256xi32, #tpu.memory_space<vmem>>
    %dma_wait3A_320 = arith.constant 0 : i32
    %dma_wait3A_321 = arith.constant 0 : i32
    %dma_wait3A_322 = tpu.memref_slice %arg7[%dma_wait3A_320, %dma_wait3A_321] : memref<2048x128xf32, #tpu.memory_space<vmem_shared>> -> memref<2048x128xf32, #tpu.memory_space<vmem_shared>>
    tpu.wait_indirect_dma semaphore(%arg8 : memref<!tpu.dma_semaphore, #tpu.memory_space<semaphore_mem>>) src(%dma_wait3A_322 : memref<2048x128xf32, #tpu.memory_space<vmem_shared>>) dst(%dma_wait3A_317 : memref<256x128xf32, #tpu.memory_space<vmem>>)
    %add3A_323 = arith.constant 1536 : i32
    %add3A_324 = arith.addi %mul3A_2, %add3A_323 : i32
    %dma_start3A_325 = arith.constant 0 : i32
    %dma_start3A_326 = arith.constant 0 : i32
    %dma_start3A_327 = arith.constant 0 : i32
    %dma_start3A_328 = tpu.memref_slice %arg6[%dma_start3A_325, %dma_start3A_326, %dma_start3A_327] : memref<2x256x128xf32, #tpu.memory_space<vmem>> -> memref<1x256x128xf32, #tpu.memory_space<vmem>>
    %dma_start3A_329 = tpu.memref_squeeze %dma_start3A_328 : memref<1x256x128xf32, #tpu.memory_space<vmem>> -> memref<256x128xf32, #tpu.memory_space<vmem>>
    %dma_start3A_330 = arith.constant 0 : i32
    %dma_start3A_331 = tpu.memref_slice %arg4[%add3A_324, %dma_start3A_330] : memref<65536x128xf32, #tpu.memory_space<hbm>> -> memref<256x128xf32, #tpu.memory_space<hbm>>
    %dma_start3A_332 = arith.constant 0 : i32
    %dma_start3A_333 = tpu.memref_slice %arg4[%add3A_324, %dma_start3A_332] : memref<65536x128xf32, #tpu.memory_space<hbm>> -> memref<256x128xf32, #tpu.memory_space<hbm>>
    %dma_start3A_334 = arith.constant 0 : i32
    %dma_start3A_335 = arith.constant 0 : i32
    %dma_start3A_336 = tpu.memref_slice %arg6[%dma_start3A_325, %dma_start3A_334, %dma_start3A_335] : memref<2x256x128xf32, #tpu.memory_space<vmem>> -> memref<1x256x128xf32, #tpu.memory_space<vmem>>
    %dma_start3A_337 = tpu.memref_squeeze %dma_start3A_336 : memref<1x256x128xf32, #tpu.memory_space<vmem>> -> memref<256x128xf32, #tpu.memory_space<vmem>>
    tpu.enqueue_dma source(%dma_start3A_337 : memref<256x128xf32, #tpu.memory_space<vmem>>) target(%dma_start3A_333 : memref<256x128xf32, #tpu.memory_space<hbm>>) target_semaphore(%arg10 : memref<!tpu.dma_semaphore, #tpu.memory_space<semaphore_mem>>)
    %dma_wait3A_338 = arith.constant 1 : i32
    %dma_wait3A_339 = arith.constant 0 : i32
    %dma_wait3A_340 = arith.constant 0 : i32
    %dma_wait3A_341 = tpu.memref_slice %arg6[%dma_wait3A_338, %dma_wait3A_339, %dma_wait3A_340] : memref<2x256x128xf32, #tpu.memory_space<vmem>> -> memref<1x256x128xf32, #tpu.memory_space<vmem>>
    %dma_wait3A_342 = tpu.memref_squeeze %dma_wait3A_341 : memref<1x256x128xf32, #tpu.memory_space<vmem>> -> memref<256x128xf32, #tpu.memory_space<vmem>>
    %dma_wait3A_343 = arith.constant 1792 : i32
    %dma_wait3A_344 = tpu.memref_slice %arg5[%dma_wait3A_343] : memref<2048xi32, #tpu.memory_space<vmem>> -> memref<256xi32, #tpu.memory_space<vmem>>
    %dma_wait3A_345 = arith.constant 0 : i32
    %dma_wait3A_346 = arith.constant 0 : i32
    %dma_wait3A_347 = tpu.memref_slice %arg7[%dma_wait3A_345, %dma_wait3A_346] : memref<2048x128xf32, #tpu.memory_space<vmem_shared>> -> memref<2048x128xf32, #tpu.memory_space<vmem_shared>>
    tpu.wait_indirect_dma semaphore(%arg9 : memref<!tpu.dma_semaphore, #tpu.memory_space<semaphore_mem>>) src(%dma_wait3A_347 : memref<2048x128xf32, #tpu.memory_space<vmem_shared>>) dst(%dma_wait3A_342 : memref<256x128xf32, #tpu.memory_space<vmem>>)
    %add3A_348 = arith.constant 1792 : i32
    %add3A_349 = arith.addi %mul3A_2, %add3A_348 : i32
    %dma_start3A_350 = arith.constant 1 : i32
    %dma_start3A_351 = arith.constant 0 : i32
    %dma_start3A_352 = arith.constant 0 : i32
    %dma_start3A_353 = tpu.memref_slice %arg6[%dma_start3A_350, %dma_start3A_351, %dma_start3A_352] : memref<2x256x128xf32, #tpu.memory_space<vmem>> -> memref<1x256x128xf32, #tpu.memory_space<vmem>>
    %dma_start3A_354 = tpu.memref_squeeze %dma_start3A_353 : memref<1x256x128xf32, #tpu.memory_space<vmem>> -> memref<256x128xf32, #tpu.memory_space<vmem>>
    %dma_start3A_355 = arith.constant 0 : i32
    %dma_start3A_356 = tpu.memref_slice %arg4[%add3A_349, %dma_start3A_355] : memref<65536x128xf32, #tpu.memory_space<hbm>> -> memref<256x128xf32, #tpu.memory_space<hbm>>
    %dma_start3A_357 = arith.constant 0 : i32
    %dma_start3A_358 = tpu.memref_slice %arg4[%add3A_349, %dma_start3A_357] : memref<65536x128xf32, #tpu.memory_space<hbm>> -> memref<256x128xf32, #tpu.memory_space<hbm>>
    %dma_start3A_359 = arith.constant 0 : i32
    %dma_start3A_360 = arith.constant 0 : i32
    %dma_start3A_361 = tpu.memref_slice %arg6[%dma_start3A_350, %dma_start3A_359, %dma_start3A_360] : memref<2x256x128xf32, #tpu.memory_space<vmem>> -> memref<1x256x128xf32, #tpu.memory_space<vmem>>
    %dma_start3A_362 = tpu.memref_squeeze %dma_start3A_361 : memref<1x256x128xf32, #tpu.memory_space<vmem>> -> memref<256x128xf32, #tpu.memory_space<vmem>>
    tpu.enqueue_dma source(%dma_start3A_362 : memref<256x128xf32, #tpu.memory_space<vmem>>) target(%dma_start3A_358 : memref<256x128xf32, #tpu.memory_space<hbm>>) target_semaphore(%arg11 : memref<!tpu.dma_semaphore, #tpu.memory_space<semaphore_mem>>)
    %dma_wait3A_363 = arith.constant 0 : i32
    %dma_wait3A_364 = arith.constant 0 : i32
    %dma_wait3A_365 = arith.constant 0 : i32
    %dma_wait3A_366 = tpu.memref_slice %arg6[%dma_wait3A_363, %dma_wait3A_364, %dma_wait3A_365] : memref<2x256x128xf32, #tpu.memory_space<vmem>> -> memref<1x256x128xf32, #tpu.memory_space<vmem>>
    %dma_wait3A_367 = tpu.memref_squeeze %dma_wait3A_366 : memref<1x256x128xf32, #tpu.memory_space<vmem>> -> memref<256x128xf32, #tpu.memory_space<vmem>>
    %dma_wait3A_368 = arith.constant 0 : i32
    %dma_wait3A_369 = tpu.memref_slice %arg4[%add3A_324, %dma_wait3A_368] : memref<65536x128xf32, #tpu.memory_space<hbm>> -> memref<256x128xf32, #tpu.memory_space<hbm>>
    %dma_wait3A_370 = arith.constant 0 : i32
    %dma_wait3A_371 = tpu.memref_slice %arg4[%add3A_324, %dma_wait3A_370] : memref<65536x128xf32, #tpu.memory_space<hbm>> -> memref<256x128xf32, #tpu.memory_space<hbm>>
    %dma_wait3A_372 = arith.constant 0 : i32
    %dma_wait3A_373 = arith.constant 0 : i32
    %dma_wait3A_374 = tpu.memref_slice %arg6[%dma_wait3A_363, %dma_wait3A_372, %dma_wait3A_373] : memref<2x256x128xf32, #tpu.memory_space<vmem>> -> memref<1x256x128xf32, #tpu.memory_space<vmem>>
    %dma_wait3A_375 = tpu.memref_squeeze %dma_wait3A_374 : memref<1x256x128xf32, #tpu.memory_space<vmem>> -> memref<256x128xf32, #tpu.memory_space<vmem>>
    tpu.wait_dma2 semaphore(%arg10 : memref<!tpu.dma_semaphore, #tpu.memory_space<semaphore_mem>>) src(%dma_wait3A_375 : memref<256x128xf32, #tpu.memory_space<vmem>>) dst(%dma_wait3A_371 : memref<256x128xf32, #tpu.memory_space<hbm>>)
    %dma_wait3A_376 = arith.constant 1 : i32
    %dma_wait3A_377 = arith.constant 0 : i32
    %dma_wait3A_378 = arith.constant 0 : i32
    %dma_wait3A_379 = tpu.memref_slice %arg6[%dma_wait3A_376, %dma_wait3A_377, %dma_wait3A_378] : memref<2x256x128xf32, #tpu.memory_space<vmem>> -> memref<1x256x128xf32, #tpu.memory_space<vmem>>
    %dma_wait3A_380 = tpu.memref_squeeze %dma_wait3A_379 : memref<1x256x128xf32, #tpu.memory_space<vmem>> -> memref<256x128xf32, #tpu.memory_space<vmem>>
    %dma_wait3A_381 = arith.constant 0 : i32
    %dma_wait3A_382 = tpu.memref_slice %arg4[%add3A_349, %dma_wait3A_381] : memref<65536x128xf32, #tpu.memory_space<hbm>> -> memref<256x128xf32, #tpu.memory_space<hbm>>
    %dma_wait3A_383 = arith.constant 0 : i32
    %dma_wait3A_384 = tpu.memref_slice %arg4[%add3A_349, %dma_wait3A_383] : memref<65536x128xf32, #tpu.memory_space<hbm>> -> memref<256x128xf32, #tpu.memory_space<hbm>>
    %dma_wait3A_385 = arith.constant 0 : i32
    %dma_wait3A_386 = arith.constant 0 : i32
    %dma_wait3A_387 = tpu.memref_slice %arg6[%dma_wait3A_376, %dma_wait3A_385, %dma_wait3A_386] : memref<2x256x128xf32, #tpu.memory_space<vmem>> -> memref<1x256x128xf32, #tpu.memory_space<vmem>>
    %dma_wait3A_388 = tpu.memref_squeeze %dma_wait3A_387 : memref<1x256x128xf32, #tpu.memory_space<vmem>> -> memref<256x128xf32, #tpu.memory_space<vmem>>
    tpu.wait_dma2 semaphore(%arg11 : memref<!tpu.dma_semaphore, #tpu.memory_space<semaphore_mem>>) src(%dma_wait3A_388 : memref<256x128xf32, #tpu.memory_space<vmem>>) dst(%dma_wait3A_384 : memref<256x128xf32, #tpu.memory_space<hbm>>)
    return
  }
}

#map = affine_map<(d0, d1) -> (0, 0)>
#map1 = affine_map<(d0, d1) -> (0)>
module attributes {stable_mosaic.version = 14 : i64} {
  func.func @gk(%arg0: i32, %arg1: i32, %arg2: memref<2048x128xf32, #tpu.memory_space<hbm>>, %arg3: memref<65536xi32, #tpu.memory_space<hbm>>, %arg4: memref<65536x128xf32, #tpu.memory_space<hbm>>, %arg5: memref<2048xi32, #tpu.memory_space<vmem>>, %arg6: memref<2x256x128xf32, #tpu.memory_space<vmem>>, %arg7: memref<2048x128xf32, #tpu.memory_space<vmem_shared>>, %arg8: memref<!tpu.dma_semaphore, #tpu.memory_space<semaphore_mem>>, %arg9: memref<!tpu.dma_semaphore, #tpu.memory_space<semaphore_mem>>, %arg10: memref<!tpu.dma_semaphore, #tpu.memory_space<semaphore_mem>>, %arg11: memref<!tpu.dma_semaphore, #tpu.memory_space<semaphore_mem>>) attributes {dimension_semantics = [#tpu.dimension_semantics<core_parallel>, #tpu.dimension_semantics<subcore_parallel>], iteration_bounds = array<i64: 2, 16>, scalar_prefetch = 0 : i64, scratch_operands = 7 : i64, tpu.core_type = #tpu.core_type<sc_vector_subcore>, window_params = [{transform_indices = #map}, {transform_indices = #map1}, {transform_indices = #map}]} {
    %mul3A = arith.constant 2 : i32
    %mul3A_0 = arith.muli %arg1, %mul3A : i32
    %add3A = arith.addi %mul3A_0, %arg0 : i32
    %mul3A_1 = arith.constant 2048 : i32
    %mul3A_2 = arith.muli %add3A, %mul3A_1 : i32
    %mul3A_3 = arith.constant 128 : i32
    %mul3A_4 = arith.muli %arg1, %mul3A_3 : i32
    %mul3A_5 = arith.constant 128 : i32
    %mul3A_6 = arith.muli %arg1, %mul3A_5 : i32
    "tpu.region"() ({
      %run_scoped3A = tpu.sem_alloc : memref<!tpu.dma_semaphore, #tpu.memory_space<semaphore_mem>>
      %dma_start3A_389 = arith.constant 0 : i32
      %dma_start3A_390 = tpu.memref_slice %arg7[%mul3A_6, %dma_start3A_389] : memref<2048x128xf32, #tpu.memory_space<vmem_shared>> -> memref<128x128xf32, #tpu.memory_space<vmem_shared>>
      %dma_start3A_391 = arith.constant 0 : i32
      %dma_start3A_392 = tpu.memref_slice %arg2[%mul3A_4, %dma_start3A_391] : memref<2048x128xf32, #tpu.memory_space<hbm>> -> memref<128x128xf32, #tpu.memory_space<hbm>>
      tpu.enqueue_dma source(%dma_start3A_392 : memref<128x128xf32, #tpu.memory_space<hbm>>) target(%dma_start3A_390 : memref<128x128xf32, #tpu.memory_space<vmem_shared>>) target_semaphore(%run_scoped3A : memref<!tpu.dma_semaphore, #tpu.memory_space<semaphore_mem>>)
      %dma_wait3A_393 = arith.constant 0 : i32
      %dma_wait3A_394 = tpu.memref_slice %arg7[%mul3A_6, %dma_wait3A_393] : memref<2048x128xf32, #tpu.memory_space<vmem_shared>> -> memref<128x128xf32, #tpu.memory_space<vmem_shared>>
      %dma_wait3A_395 = arith.constant 0 : i32
      %dma_wait3A_396 = tpu.memref_slice %arg2[%mul3A_4, %dma_wait3A_395] : memref<2048x128xf32, #tpu.memory_space<hbm>> -> memref<128x128xf32, #tpu.memory_space<hbm>>
      tpu.wait_dma2 semaphore(%run_scoped3A : memref<!tpu.dma_semaphore, #tpu.memory_space<semaphore_mem>>) src(%dma_wait3A_396 : memref<128x128xf32, #tpu.memory_space<hbm>>) dst(%dma_wait3A_394 : memref<128x128xf32, #tpu.memory_space<vmem_shared>>)
      tpu.yield
    }) : () -> ()
    "tpu.region"() ({
      %run_scoped3A = tpu.sem_alloc : memref<!tpu.dma_semaphore, #tpu.memory_space<semaphore_mem>>
      %dma_start3A_389 = tpu.memref_slice %arg3[%mul3A_2] : memref<65536xi32, #tpu.memory_space<hbm>> -> memref<2048xi32, #tpu.memory_space<hbm>>
      %dma_start3A_390 = tpu.memref_slice %arg3[%mul3A_2] : memref<65536xi32, #tpu.memory_space<hbm>> -> memref<2048xi32, #tpu.memory_space<hbm>>
      tpu.enqueue_dma source(%dma_start3A_390 : memref<2048xi32, #tpu.memory_space<hbm>>) target(%arg5 : memref<2048xi32, #tpu.memory_space<vmem>>) target_semaphore(%run_scoped3A : memref<!tpu.dma_semaphore, #tpu.memory_space<semaphore_mem>>)
      %dma_wait3A_391 = tpu.memref_slice %arg3[%mul3A_2] : memref<65536xi32, #tpu.memory_space<hbm>> -> memref<2048xi32, #tpu.memory_space<hbm>>
      %dma_wait3A_392 = tpu.memref_slice %arg3[%mul3A_2] : memref<65536xi32, #tpu.memory_space<hbm>> -> memref<2048xi32, #tpu.memory_space<hbm>>
      tpu.wait_dma2 semaphore(%run_scoped3A : memref<!tpu.dma_semaphore, #tpu.memory_space<semaphore_mem>>) src(%dma_wait3A_392 : memref<2048xi32, #tpu.memory_space<hbm>>) dst(%arg5 : memref<2048xi32, #tpu.memory_space<vmem>>)
      tpu.yield
    }) : () -> ()
    %barrier3A = arith.constant 0 : index
    tpu.barrier barrier_id(%barrier3A)
    %dma_start3A = arith.constant 0 : i32
    %dma_start3A_7 = arith.constant 0 : i32
    %dma_start3A_8 = arith.constant 0 : i32
    %dma_start3A_9 = tpu.memref_slice %arg6[%dma_start3A, %dma_start3A_7, %dma_start3A_8] : memref<2x256x128xf32, #tpu.memory_space<vmem>> -> memref<1x256x128xf32, #tpu.memory_space<vmem>>
    %dma_start3A_10 = tpu.memref_squeeze %dma_start3A_9 : memref<1x256x128xf32, #tpu.memory_space<vmem>> -> memref<256x128xf32, #tpu.memory_space<vmem>>
    %dma_start3A_11 = arith.constant 0 : i32
    %dma_start3A_12 = tpu.memref_slice %arg5[%dma_start3A_11] : memref<2048xi32, #tpu.memory_space<vmem>> -> memref<256xi32, #tpu.memory_space<vmem>>
    %dma_start3A_13 = arith.constant 0 : i32
    %dma_start3A_14 = arith.constant 0 : i32
    %dma_start3A_15 = tpu.memref_slice %arg7[%dma_start3A_13, %dma_start3A_14] : memref<2048x128xf32, #tpu.memory_space<vmem_shared>> -> memref<2048x128xf32, #tpu.memory_space<vmem_shared>>
    tpu.enqueue_indirect_dma source(%dma_start3A_15 : memref<2048x128xf32, #tpu.memory_space<vmem_shared>>) target(%dma_start3A_10 : memref<256x128xf32, #tpu.memory_space<vmem>>) offsets(%dma_start3A_12 : memref<256xi32, #tpu.memory_space<vmem>>) semaphore(%arg8 : memref<!tpu.dma_semaphore, #tpu.memory_space<semaphore_mem>>)
    %dma_start3A_16 = arith.constant 1 : i32
    %dma_start3A_17 = arith.constant 0 : i32
    %dma_start3A_18 = arith.constant 0 : i32
    %dma_start3A_19 = tpu.memref_slice %arg6[%dma_start3A_16, %dma_start3A_17, %dma_start3A_18] : memref<2x256x128xf32, #tpu.memory_space<vmem>> -> memref<1x256x128xf32, #tpu.memory_space<vmem>>
    %dma_start3A_20 = tpu.memref_squeeze %dma_start3A_19 : memref<1x256x128xf32, #tpu.memory_space<vmem>> -> memref<256x128xf32, #tpu.memory_space<vmem>>
    %dma_start3A_21 = arith.constant 256 : i32
    %dma_start3A_22 = tpu.memref_slice %arg5[%dma_start3A_21] : memref<2048xi32, #tpu.memory_space<vmem>> -> memref<256xi32, #tpu.memory_space<vmem>>
    %dma_start3A_23 = arith.constant 0 : i32
    %dma_start3A_24 = arith.constant 0 : i32
    %dma_start3A_25 = tpu.memref_slice %arg7[%dma_start3A_23, %dma_start3A_24] : memref<2048x128xf32, #tpu.memory_space<vmem_shared>> -> memref<2048x128xf32, #tpu.memory_space<vmem_shared>>
    tpu.enqueue_indirect_dma source(%dma_start3A_25 : memref<2048x128xf32, #tpu.memory_space<vmem_shared>>) target(%dma_start3A_20 : memref<256x128xf32, #tpu.memory_space<vmem>>) offsets(%dma_start3A_22 : memref<256xi32, #tpu.memory_space<vmem>>) semaphore(%arg9 : memref<!tpu.dma_semaphore, #tpu.memory_space<semaphore_mem>>)
    %dma_wait3A = arith.constant 0 : i32
    %dma_wait3A_26 = arith.constant 0 : i32
    %dma_wait3A_27 = arith.constant 0 : i32
    %dma_wait3A_28 = tpu.memref_slice %arg6[%dma_wait3A, %dma_wait3A_26, %dma_wait3A_27] : memref<2x256x128xf32, #tpu.memory_space<vmem>> -> memref<1x256x128xf32, #tpu.memory_space<vmem>>
    %dma_wait3A_29 = tpu.memref_squeeze %dma_wait3A_28 : memref<1x256x128xf32, #tpu.memory_space<vmem>> -> memref<256x128xf32, #tpu.memory_space<vmem>>
    %dma_wait3A_30 = arith.constant 0 : i32
    %dma_wait3A_31 = tpu.memref_slice %arg5[%dma_wait3A_30] : memref<2048xi32, #tpu.memory_space<vmem>> -> memref<256xi32, #tpu.memory_space<vmem>>
    %dma_wait3A_32 = arith.constant 0 : i32
    %dma_wait3A_33 = arith.constant 0 : i32
    %dma_wait3A_34 = tpu.memref_slice %arg7[%dma_wait3A_32, %dma_wait3A_33] : memref<2048x128xf32, #tpu.memory_space<vmem_shared>> -> memref<2048x128xf32, #tpu.memory_space<vmem_shared>>
    tpu.wait_indirect_dma semaphore(%arg8 : memref<!tpu.dma_semaphore, #tpu.memory_space<semaphore_mem>>) src(%dma_wait3A_34 : memref<2048x128xf32, #tpu.memory_space<vmem_shared>>) dst(%dma_wait3A_29 : memref<256x128xf32, #tpu.memory_space<vmem>>)
    %add3A_35 = arith.constant 0 : i32
    %add3A_36 = arith.addi %mul3A_2, %add3A_35 : i32
    %dma_start3A_37 = arith.constant 0 : i32
    %dma_start3A_38 = arith.constant 0 : i32
    %dma_start3A_39 = arith.constant 0 : i32
    %dma_start3A_40 = tpu.memref_slice %arg6[%dma_start3A_37, %dma_start3A_38, %dma_start3A_39] : memref<2x256x128xf32, #tpu.memory_space<vmem>> -> memref<1x256x128xf32, #tpu.memory_space<vmem>>
    %dma_start3A_41 = tpu.memref_squeeze %dma_start3A_40 : memref<1x256x128xf32, #tpu.memory_space<vmem>> -> memref<256x128xf32, #tpu.memory_space<vmem>>
    %dma_start3A_42 = arith.constant 0 : i32
    %dma_start3A_43 = tpu.memref_slice %arg4[%add3A_36, %dma_start3A_42] : memref<65536x128xf32, #tpu.memory_space<hbm>> -> memref<256x128xf32, #tpu.memory_space<hbm>>
    %dma_start3A_44 = arith.constant 0 : i32
    %dma_start3A_45 = tpu.memref_slice %arg4[%add3A_36, %dma_start3A_44] : memref<65536x128xf32, #tpu.memory_space<hbm>> -> memref<256x128xf32, #tpu.memory_space<hbm>>
    %dma_start3A_46 = arith.constant 0 : i32
    %dma_start3A_47 = arith.constant 0 : i32
    %dma_start3A_48 = tpu.memref_slice %arg6[%dma_start3A_37, %dma_start3A_46, %dma_start3A_47] : memref<2x256x128xf32, #tpu.memory_space<vmem>> -> memref<1x256x128xf32, #tpu.memory_space<vmem>>
    %dma_start3A_49 = tpu.memref_squeeze %dma_start3A_48 : memref<1x256x128xf32, #tpu.memory_space<vmem>> -> memref<256x128xf32, #tpu.memory_space<vmem>>
    tpu.enqueue_dma source(%dma_start3A_49 : memref<256x128xf32, #tpu.memory_space<vmem>>) target(%dma_start3A_45 : memref<256x128xf32, #tpu.memory_space<hbm>>) target_semaphore(%arg10 : memref<!tpu.dma_semaphore, #tpu.memory_space<semaphore_mem>>)
    %dma_wait3A_50 = arith.constant 0 : i32
    %dma_wait3A_51 = arith.constant 0 : i32
    %dma_wait3A_52 = arith.constant 0 : i32
    %dma_wait3A_53 = tpu.memref_slice %arg6[%dma_wait3A_50, %dma_wait3A_51, %dma_wait3A_52] : memref<2x256x128xf32, #tpu.memory_space<vmem>> -> memref<1x256x128xf32, #tpu.memory_space<vmem>>
    %dma_wait3A_54 = tpu.memref_squeeze %dma_wait3A_53 : memref<1x256x128xf32, #tpu.memory_space<vmem>> -> memref<256x128xf32, #tpu.memory_space<vmem>>
    %dma_wait3A_55 = arith.constant 0 : i32
    %dma_wait3A_56 = tpu.memref_slice %arg4[%add3A_36, %dma_wait3A_55] : memref<65536x128xf32, #tpu.memory_space<hbm>> -> memref<256x128xf32, #tpu.memory_space<hbm>>
    %dma_wait3A_57 = arith.constant 0 : i32
    %dma_wait3A_58 = tpu.memref_slice %arg4[%add3A_36, %dma_wait3A_57] : memref<65536x128xf32, #tpu.memory_space<hbm>> -> memref<256x128xf32, #tpu.memory_space<hbm>>
    %dma_wait3A_59 = arith.constant 0 : i32
    %dma_wait3A_60 = arith.constant 0 : i32
    %dma_wait3A_61 = tpu.memref_slice %arg6[%dma_wait3A_50, %dma_wait3A_59, %dma_wait3A_60] : memref<2x256x128xf32, #tpu.memory_space<vmem>> -> memref<1x256x128xf32, #tpu.memory_space<vmem>>
    %dma_wait3A_62 = tpu.memref_squeeze %dma_wait3A_61 : memref<1x256x128xf32, #tpu.memory_space<vmem>> -> memref<256x128xf32, #tpu.memory_space<vmem>>
    tpu.wait_dma2 semaphore(%arg10 : memref<!tpu.dma_semaphore, #tpu.memory_space<semaphore_mem>>) src(%dma_wait3A_62 : memref<256x128xf32, #tpu.memory_space<vmem>>) dst(%dma_wait3A_58 : memref<256x128xf32, #tpu.memory_space<hbm>>)
    %dma_start3A_63 = arith.constant 0 : i32
    %dma_start3A_64 = arith.constant 0 : i32
    %dma_start3A_65 = arith.constant 0 : i32
    %dma_start3A_66 = tpu.memref_slice %arg6[%dma_start3A_63, %dma_start3A_64, %dma_start3A_65] : memref<2x256x128xf32, #tpu.memory_space<vmem>> -> memref<1x256x128xf32, #tpu.memory_space<vmem>>
    %dma_start3A_67 = tpu.memref_squeeze %dma_start3A_66 : memref<1x256x128xf32, #tpu.memory_space<vmem>> -> memref<256x128xf32, #tpu.memory_space<vmem>>
    %dma_start3A_68 = arith.constant 512 : i32
    %dma_start3A_69 = tpu.memref_slice %arg5[%dma_start3A_68] : memref<2048xi32, #tpu.memory_space<vmem>> -> memref<256xi32, #tpu.memory_space<vmem>>
    %dma_start3A_70 = arith.constant 0 : i32
    %dma_start3A_71 = arith.constant 0 : i32
    %dma_start3A_72 = tpu.memref_slice %arg7[%dma_start3A_70, %dma_start3A_71] : memref<2048x128xf32, #tpu.memory_space<vmem_shared>> -> memref<2048x128xf32, #tpu.memory_space<vmem_shared>>
    tpu.enqueue_indirect_dma source(%dma_start3A_72 : memref<2048x128xf32, #tpu.memory_space<vmem_shared>>) target(%dma_start3A_67 : memref<256x128xf32, #tpu.memory_space<vmem>>) offsets(%dma_start3A_69 : memref<256xi32, #tpu.memory_space<vmem>>) semaphore(%arg8 : memref<!tpu.dma_semaphore, #tpu.memory_space<semaphore_mem>>)
    %dma_wait3A_73 = arith.constant 1 : i32
    %dma_wait3A_74 = arith.constant 0 : i32
    %dma_wait3A_75 = arith.constant 0 : i32
    %dma_wait3A_76 = tpu.memref_slice %arg6[%dma_wait3A_73, %dma_wait3A_74, %dma_wait3A_75] : memref<2x256x128xf32, #tpu.memory_space<vmem>> -> memref<1x256x128xf32, #tpu.memory_space<vmem>>
    %dma_wait3A_77 = tpu.memref_squeeze %dma_wait3A_76 : memref<1x256x128xf32, #tpu.memory_space<vmem>> -> memref<256x128xf32, #tpu.memory_space<vmem>>
    %dma_wait3A_78 = arith.constant 256 : i32
    %dma_wait3A_79 = tpu.memref_slice %arg5[%dma_wait3A_78] : memref<2048xi32, #tpu.memory_space<vmem>> -> memref<256xi32, #tpu.memory_space<vmem>>
    %dma_wait3A_80 = arith.constant 0 : i32
    %dma_wait3A_81 = arith.constant 0 : i32
    %dma_wait3A_82 = tpu.memref_slice %arg7[%dma_wait3A_80, %dma_wait3A_81] : memref<2048x128xf32, #tpu.memory_space<vmem_shared>> -> memref<2048x128xf32, #tpu.memory_space<vmem_shared>>
    tpu.wait_indirect_dma semaphore(%arg9 : memref<!tpu.dma_semaphore, #tpu.memory_space<semaphore_mem>>) src(%dma_wait3A_82 : memref<2048x128xf32, #tpu.memory_space<vmem_shared>>) dst(%dma_wait3A_77 : memref<256x128xf32, #tpu.memory_space<vmem>>)
    %add3A_83 = arith.constant 256 : i32
    %add3A_84 = arith.addi %mul3A_2, %add3A_83 : i32
    %dma_start3A_85 = arith.constant 1 : i32
    %dma_start3A_86 = arith.constant 0 : i32
    %dma_start3A_87 = arith.constant 0 : i32
    %dma_start3A_88 = tpu.memref_slice %arg6[%dma_start3A_85, %dma_start3A_86, %dma_start3A_87] : memref<2x256x128xf32, #tpu.memory_space<vmem>> -> memref<1x256x128xf32, #tpu.memory_space<vmem>>
    %dma_start3A_89 = tpu.memref_squeeze %dma_start3A_88 : memref<1x256x128xf32, #tpu.memory_space<vmem>> -> memref<256x128xf32, #tpu.memory_space<vmem>>
    %dma_start3A_90 = arith.constant 0 : i32
    %dma_start3A_91 = tpu.memref_slice %arg4[%add3A_84, %dma_start3A_90] : memref<65536x128xf32, #tpu.memory_space<hbm>> -> memref<256x128xf32, #tpu.memory_space<hbm>>
    %dma_start3A_92 = arith.constant 0 : i32
    %dma_start3A_93 = tpu.memref_slice %arg4[%add3A_84, %dma_start3A_92] : memref<65536x128xf32, #tpu.memory_space<hbm>> -> memref<256x128xf32, #tpu.memory_space<hbm>>
    %dma_start3A_94 = arith.constant 0 : i32
    %dma_start3A_95 = arith.constant 0 : i32
    %dma_start3A_96 = tpu.memref_slice %arg6[%dma_start3A_85, %dma_start3A_94, %dma_start3A_95] : memref<2x256x128xf32, #tpu.memory_space<vmem>> -> memref<1x256x128xf32, #tpu.memory_space<vmem>>
    %dma_start3A_97 = tpu.memref_squeeze %dma_start3A_96 : memref<1x256x128xf32, #tpu.memory_space<vmem>> -> memref<256x128xf32, #tpu.memory_space<vmem>>
    tpu.enqueue_dma source(%dma_start3A_97 : memref<256x128xf32, #tpu.memory_space<vmem>>) target(%dma_start3A_93 : memref<256x128xf32, #tpu.memory_space<hbm>>) target_semaphore(%arg11 : memref<!tpu.dma_semaphore, #tpu.memory_space<semaphore_mem>>)
    %dma_wait3A_98 = arith.constant 1 : i32
    %dma_wait3A_99 = arith.constant 0 : i32
    %dma_wait3A_100 = arith.constant 0 : i32
    %dma_wait3A_101 = tpu.memref_slice %arg6[%dma_wait3A_98, %dma_wait3A_99, %dma_wait3A_100] : memref<2x256x128xf32, #tpu.memory_space<vmem>> -> memref<1x256x128xf32, #tpu.memory_space<vmem>>
    %dma_wait3A_102 = tpu.memref_squeeze %dma_wait3A_101 : memref<1x256x128xf32, #tpu.memory_space<vmem>> -> memref<256x128xf32, #tpu.memory_space<vmem>>
    %dma_wait3A_103 = arith.constant 0 : i32
    %dma_wait3A_104 = tpu.memref_slice %arg4[%add3A_84, %dma_wait3A_103] : memref<65536x128xf32, #tpu.memory_space<hbm>> -> memref<256x128xf32, #tpu.memory_space<hbm>>
    %dma_wait3A_105 = arith.constant 0 : i32
    %dma_wait3A_106 = tpu.memref_slice %arg4[%add3A_84, %dma_wait3A_105] : memref<65536x128xf32, #tpu.memory_space<hbm>> -> memref<256x128xf32, #tpu.memory_space<hbm>>
    %dma_wait3A_107 = arith.constant 0 : i32
    %dma_wait3A_108 = arith.constant 0 : i32
    %dma_wait3A_109 = tpu.memref_slice %arg6[%dma_wait3A_98, %dma_wait3A_107, %dma_wait3A_108] : memref<2x256x128xf32, #tpu.memory_space<vmem>> -> memref<1x256x128xf32, #tpu.memory_space<vmem>>
    %dma_wait3A_110 = tpu.memref_squeeze %dma_wait3A_109 : memref<1x256x128xf32, #tpu.memory_space<vmem>> -> memref<256x128xf32, #tpu.memory_space<vmem>>
    tpu.wait_dma2 semaphore(%arg11 : memref<!tpu.dma_semaphore, #tpu.memory_space<semaphore_mem>>) src(%dma_wait3A_110 : memref<256x128xf32, #tpu.memory_space<vmem>>) dst(%dma_wait3A_106 : memref<256x128xf32, #tpu.memory_space<hbm>>)
    %dma_start3A_111 = arith.constant 1 : i32
    %dma_start3A_112 = arith.constant 0 : i32
    %dma_start3A_113 = arith.constant 0 : i32
    %dma_start3A_114 = tpu.memref_slice %arg6[%dma_start3A_111, %dma_start3A_112, %dma_start3A_113] : memref<2x256x128xf32, #tpu.memory_space<vmem>> -> memref<1x256x128xf32, #tpu.memory_space<vmem>>
    %dma_start3A_115 = tpu.memref_squeeze %dma_start3A_114 : memref<1x256x128xf32, #tpu.memory_space<vmem>> -> memref<256x128xf32, #tpu.memory_space<vmem>>
    %dma_start3A_116 = arith.constant 768 : i32
    %dma_start3A_117 = tpu.memref_slice %arg5[%dma_start3A_116] : memref<2048xi32, #tpu.memory_space<vmem>> -> memref<256xi32, #tpu.memory_space<vmem>>
    %dma_start3A_118 = arith.constant 0 : i32
    %dma_start3A_119 = arith.constant 0 : i32
    %dma_start3A_120 = tpu.memref_slice %arg7[%dma_start3A_118, %dma_start3A_119] : memref<2048x128xf32, #tpu.memory_space<vmem_shared>> -> memref<2048x128xf32, #tpu.memory_space<vmem_shared>>
    tpu.enqueue_indirect_dma source(%dma_start3A_120 : memref<2048x128xf32, #tpu.memory_space<vmem_shared>>) target(%dma_start3A_115 : memref<256x128xf32, #tpu.memory_space<vmem>>) offsets(%dma_start3A_117 : memref<256xi32, #tpu.memory_space<vmem>>) semaphore(%arg9 : memref<!tpu.dma_semaphore, #tpu.memory_space<semaphore_mem>>)
    %dma_wait3A_121 = arith.constant 0 : i32
    %dma_wait3A_122 = arith.constant 0 : i32
    %dma_wait3A_123 = arith.constant 0 : i32
    %dma_wait3A_124 = tpu.memref_slice %arg6[%dma_wait3A_121, %dma_wait3A_122, %dma_wait3A_123] : memref<2x256x128xf32, #tpu.memory_space<vmem>> -> memref<1x256x128xf32, #tpu.memory_space<vmem>>
    %dma_wait3A_125 = tpu.memref_squeeze %dma_wait3A_124 : memref<1x256x128xf32, #tpu.memory_space<vmem>> -> memref<256x128xf32, #tpu.memory_space<vmem>>
    %dma_wait3A_126 = arith.constant 512 : i32
    %dma_wait3A_127 = tpu.memref_slice %arg5[%dma_wait3A_126] : memref<2048xi32, #tpu.memory_space<vmem>> -> memref<256xi32, #tpu.memory_space<vmem>>
    %dma_wait3A_128 = arith.constant 0 : i32
    %dma_wait3A_129 = arith.constant 0 : i32
    %dma_wait3A_130 = tpu.memref_slice %arg7[%dma_wait3A_128, %dma_wait3A_129] : memref<2048x128xf32, #tpu.memory_space<vmem_shared>> -> memref<2048x128xf32, #tpu.memory_space<vmem_shared>>
    tpu.wait_indirect_dma semaphore(%arg8 : memref<!tpu.dma_semaphore, #tpu.memory_space<semaphore_mem>>) src(%dma_wait3A_130 : memref<2048x128xf32, #tpu.memory_space<vmem_shared>>) dst(%dma_wait3A_125 : memref<256x128xf32, #tpu.memory_space<vmem>>)
    %add3A_131 = arith.constant 512 : i32
    %add3A_132 = arith.addi %mul3A_2, %add3A_131 : i32
    %dma_start3A_133 = arith.constant 0 : i32
    %dma_start3A_134 = arith.constant 0 : i32
    %dma_start3A_135 = arith.constant 0 : i32
    %dma_start3A_136 = tpu.memref_slice %arg6[%dma_start3A_133, %dma_start3A_134, %dma_start3A_135] : memref<2x256x128xf32, #tpu.memory_space<vmem>> -> memref<1x256x128xf32, #tpu.memory_space<vmem>>
    %dma_start3A_137 = tpu.memref_squeeze %dma_start3A_136 : memref<1x256x128xf32, #tpu.memory_space<vmem>> -> memref<256x128xf32, #tpu.memory_space<vmem>>
    %dma_start3A_138 = arith.constant 0 : i32
    %dma_start3A_139 = tpu.memref_slice %arg4[%add3A_132, %dma_start3A_138] : memref<65536x128xf32, #tpu.memory_space<hbm>> -> memref<256x128xf32, #tpu.memory_space<hbm>>
    %dma_start3A_140 = arith.constant 0 : i32
    %dma_start3A_141 = tpu.memref_slice %arg4[%add3A_132, %dma_start3A_140] : memref<65536x128xf32, #tpu.memory_space<hbm>> -> memref<256x128xf32, #tpu.memory_space<hbm>>
    %dma_start3A_142 = arith.constant 0 : i32
    %dma_start3A_143 = arith.constant 0 : i32
    %dma_start3A_144 = tpu.memref_slice %arg6[%dma_start3A_133, %dma_start3A_142, %dma_start3A_143] : memref<2x256x128xf32, #tpu.memory_space<vmem>> -> memref<1x256x128xf32, #tpu.memory_space<vmem>>
    %dma_start3A_145 = tpu.memref_squeeze %dma_start3A_144 : memref<1x256x128xf32, #tpu.memory_space<vmem>> -> memref<256x128xf32, #tpu.memory_space<vmem>>
    tpu.enqueue_dma source(%dma_start3A_145 : memref<256x128xf32, #tpu.memory_space<vmem>>) target(%dma_start3A_141 : memref<256x128xf32, #tpu.memory_space<hbm>>) target_semaphore(%arg10 : memref<!tpu.dma_semaphore, #tpu.memory_space<semaphore_mem>>)
    %dma_wait3A_146 = arith.constant 0 : i32
    %dma_wait3A_147 = arith.constant 0 : i32
    %dma_wait3A_148 = arith.constant 0 : i32
    %dma_wait3A_149 = tpu.memref_slice %arg6[%dma_wait3A_146, %dma_wait3A_147, %dma_wait3A_148] : memref<2x256x128xf32, #tpu.memory_space<vmem>> -> memref<1x256x128xf32, #tpu.memory_space<vmem>>
    %dma_wait3A_150 = tpu.memref_squeeze %dma_wait3A_149 : memref<1x256x128xf32, #tpu.memory_space<vmem>> -> memref<256x128xf32, #tpu.memory_space<vmem>>
    %dma_wait3A_151 = arith.constant 0 : i32
    %dma_wait3A_152 = tpu.memref_slice %arg4[%add3A_132, %dma_wait3A_151] : memref<65536x128xf32, #tpu.memory_space<hbm>> -> memref<256x128xf32, #tpu.memory_space<hbm>>
    %dma_wait3A_153 = arith.constant 0 : i32
    %dma_wait3A_154 = tpu.memref_slice %arg4[%add3A_132, %dma_wait3A_153] : memref<65536x128xf32, #tpu.memory_space<hbm>> -> memref<256x128xf32, #tpu.memory_space<hbm>>
    %dma_wait3A_155 = arith.constant 0 : i32
    %dma_wait3A_156 = arith.constant 0 : i32
    %dma_wait3A_157 = tpu.memref_slice %arg6[%dma_wait3A_146, %dma_wait3A_155, %dma_wait3A_156] : memref<2x256x128xf32, #tpu.memory_space<vmem>> -> memref<1x256x128xf32, #tpu.memory_space<vmem>>
    %dma_wait3A_158 = tpu.memref_squeeze %dma_wait3A_157 : memref<1x256x128xf32, #tpu.memory_space<vmem>> -> memref<256x128xf32, #tpu.memory_space<vmem>>
    tpu.wait_dma2 semaphore(%arg10 : memref<!tpu.dma_semaphore, #tpu.memory_space<semaphore_mem>>) src(%dma_wait3A_158 : memref<256x128xf32, #tpu.memory_space<vmem>>) dst(%dma_wait3A_154 : memref<256x128xf32, #tpu.memory_space<hbm>>)
    %dma_start3A_159 = arith.constant 0 : i32
    %dma_start3A_160 = arith.constant 0 : i32
    %dma_start3A_161 = arith.constant 0 : i32
    %dma_start3A_162 = tpu.memref_slice %arg6[%dma_start3A_159, %dma_start3A_160, %dma_start3A_161] : memref<2x256x128xf32, #tpu.memory_space<vmem>> -> memref<1x256x128xf32, #tpu.memory_space<vmem>>
    %dma_start3A_163 = tpu.memref_squeeze %dma_start3A_162 : memref<1x256x128xf32, #tpu.memory_space<vmem>> -> memref<256x128xf32, #tpu.memory_space<vmem>>
    %dma_start3A_164 = arith.constant 1024 : i32
    %dma_start3A_165 = tpu.memref_slice %arg5[%dma_start3A_164] : memref<2048xi32, #tpu.memory_space<vmem>> -> memref<256xi32, #tpu.memory_space<vmem>>
    %dma_start3A_166 = arith.constant 0 : i32
    %dma_start3A_167 = arith.constant 0 : i32
    %dma_start3A_168 = tpu.memref_slice %arg7[%dma_start3A_166, %dma_start3A_167] : memref<2048x128xf32, #tpu.memory_space<vmem_shared>> -> memref<2048x128xf32, #tpu.memory_space<vmem_shared>>
    tpu.enqueue_indirect_dma source(%dma_start3A_168 : memref<2048x128xf32, #tpu.memory_space<vmem_shared>>) target(%dma_start3A_163 : memref<256x128xf32, #tpu.memory_space<vmem>>) offsets(%dma_start3A_165 : memref<256xi32, #tpu.memory_space<vmem>>) semaphore(%arg8 : memref<!tpu.dma_semaphore, #tpu.memory_space<semaphore_mem>>)
    %dma_wait3A_169 = arith.constant 1 : i32
    %dma_wait3A_170 = arith.constant 0 : i32
    %dma_wait3A_171 = arith.constant 0 : i32
    %dma_wait3A_172 = tpu.memref_slice %arg6[%dma_wait3A_169, %dma_wait3A_170, %dma_wait3A_171] : memref<2x256x128xf32, #tpu.memory_space<vmem>> -> memref<1x256x128xf32, #tpu.memory_space<vmem>>
    %dma_wait3A_173 = tpu.memref_squeeze %dma_wait3A_172 : memref<1x256x128xf32, #tpu.memory_space<vmem>> -> memref<256x128xf32, #tpu.memory_space<vmem>>
    %dma_wait3A_174 = arith.constant 768 : i32
    %dma_wait3A_175 = tpu.memref_slice %arg5[%dma_wait3A_174] : memref<2048xi32, #tpu.memory_space<vmem>> -> memref<256xi32, #tpu.memory_space<vmem>>
    %dma_wait3A_176 = arith.constant 0 : i32
    %dma_wait3A_177 = arith.constant 0 : i32
    %dma_wait3A_178 = tpu.memref_slice %arg7[%dma_wait3A_176, %dma_wait3A_177] : memref<2048x128xf32, #tpu.memory_space<vmem_shared>> -> memref<2048x128xf32, #tpu.memory_space<vmem_shared>>
    tpu.wait_indirect_dma semaphore(%arg9 : memref<!tpu.dma_semaphore, #tpu.memory_space<semaphore_mem>>) src(%dma_wait3A_178 : memref<2048x128xf32, #tpu.memory_space<vmem_shared>>) dst(%dma_wait3A_173 : memref<256x128xf32, #tpu.memory_space<vmem>>)
    %add3A_179 = arith.constant 768 : i32
    %add3A_180 = arith.addi %mul3A_2, %add3A_179 : i32
    %dma_start3A_181 = arith.constant 1 : i32
    %dma_start3A_182 = arith.constant 0 : i32
    %dma_start3A_183 = arith.constant 0 : i32
    %dma_start3A_184 = tpu.memref_slice %arg6[%dma_start3A_181, %dma_start3A_182, %dma_start3A_183] : memref<2x256x128xf32, #tpu.memory_space<vmem>> -> memref<1x256x128xf32, #tpu.memory_space<vmem>>
    %dma_start3A_185 = tpu.memref_squeeze %dma_start3A_184 : memref<1x256x128xf32, #tpu.memory_space<vmem>> -> memref<256x128xf32, #tpu.memory_space<vmem>>
    %dma_start3A_186 = arith.constant 0 : i32
    %dma_start3A_187 = tpu.memref_slice %arg4[%add3A_180, %dma_start3A_186] : memref<65536x128xf32, #tpu.memory_space<hbm>> -> memref<256x128xf32, #tpu.memory_space<hbm>>
    %dma_start3A_188 = arith.constant 0 : i32
    %dma_start3A_189 = tpu.memref_slice %arg4[%add3A_180, %dma_start3A_188] : memref<65536x128xf32, #tpu.memory_space<hbm>> -> memref<256x128xf32, #tpu.memory_space<hbm>>
    %dma_start3A_190 = arith.constant 0 : i32
    %dma_start3A_191 = arith.constant 0 : i32
    %dma_start3A_192 = tpu.memref_slice %arg6[%dma_start3A_181, %dma_start3A_190, %dma_start3A_191] : memref<2x256x128xf32, #tpu.memory_space<vmem>> -> memref<1x256x128xf32, #tpu.memory_space<vmem>>
    %dma_start3A_193 = tpu.memref_squeeze %dma_start3A_192 : memref<1x256x128xf32, #tpu.memory_space<vmem>> -> memref<256x128xf32, #tpu.memory_space<vmem>>
    tpu.enqueue_dma source(%dma_start3A_193 : memref<256x128xf32, #tpu.memory_space<vmem>>) target(%dma_start3A_189 : memref<256x128xf32, #tpu.memory_space<hbm>>) target_semaphore(%arg11 : memref<!tpu.dma_semaphore, #tpu.memory_space<semaphore_mem>>)
    %dma_wait3A_194 = arith.constant 1 : i32
    %dma_wait3A_195 = arith.constant 0 : i32
    %dma_wait3A_196 = arith.constant 0 : i32
    %dma_wait3A_197 = tpu.memref_slice %arg6[%dma_wait3A_194, %dma_wait3A_195, %dma_wait3A_196] : memref<2x256x128xf32, #tpu.memory_space<vmem>> -> memref<1x256x128xf32, #tpu.memory_space<vmem>>
    %dma_wait3A_198 = tpu.memref_squeeze %dma_wait3A_197 : memref<1x256x128xf32, #tpu.memory_space<vmem>> -> memref<256x128xf32, #tpu.memory_space<vmem>>
    %dma_wait3A_199 = arith.constant 0 : i32
    %dma_wait3A_200 = tpu.memref_slice %arg4[%add3A_180, %dma_wait3A_199] : memref<65536x128xf32, #tpu.memory_space<hbm>> -> memref<256x128xf32, #tpu.memory_space<hbm>>
    %dma_wait3A_201 = arith.constant 0 : i32
    %dma_wait3A_202 = tpu.memref_slice %arg4[%add3A_180, %dma_wait3A_201] : memref<65536x128xf32, #tpu.memory_space<hbm>> -> memref<256x128xf32, #tpu.memory_space<hbm>>
    %dma_wait3A_203 = arith.constant 0 : i32
    %dma_wait3A_204 = arith.constant 0 : i32
    %dma_wait3A_205 = tpu.memref_slice %arg6[%dma_wait3A_194, %dma_wait3A_203, %dma_wait3A_204] : memref<2x256x128xf32, #tpu.memory_space<vmem>> -> memref<1x256x128xf32, #tpu.memory_space<vmem>>
    %dma_wait3A_206 = tpu.memref_squeeze %dma_wait3A_205 : memref<1x256x128xf32, #tpu.memory_space<vmem>> -> memref<256x128xf32, #tpu.memory_space<vmem>>
    tpu.wait_dma2 semaphore(%arg11 : memref<!tpu.dma_semaphore, #tpu.memory_space<semaphore_mem>>) src(%dma_wait3A_206 : memref<256x128xf32, #tpu.memory_space<vmem>>) dst(%dma_wait3A_202 : memref<256x128xf32, #tpu.memory_space<hbm>>)
    %dma_start3A_207 = arith.constant 1 : i32
    %dma_start3A_208 = arith.constant 0 : i32
    %dma_start3A_209 = arith.constant 0 : i32
    %dma_start3A_210 = tpu.memref_slice %arg6[%dma_start3A_207, %dma_start3A_208, %dma_start3A_209] : memref<2x256x128xf32, #tpu.memory_space<vmem>> -> memref<1x256x128xf32, #tpu.memory_space<vmem>>
    %dma_start3A_211 = tpu.memref_squeeze %dma_start3A_210 : memref<1x256x128xf32, #tpu.memory_space<vmem>> -> memref<256x128xf32, #tpu.memory_space<vmem>>
    %dma_start3A_212 = arith.constant 1280 : i32
    %dma_start3A_213 = tpu.memref_slice %arg5[%dma_start3A_212] : memref<2048xi32, #tpu.memory_space<vmem>> -> memref<256xi32, #tpu.memory_space<vmem>>
    %dma_start3A_214 = arith.constant 0 : i32
    %dma_start3A_215 = arith.constant 0 : i32
    %dma_start3A_216 = tpu.memref_slice %arg7[%dma_start3A_214, %dma_start3A_215] : memref<2048x128xf32, #tpu.memory_space<vmem_shared>> -> memref<2048x128xf32, #tpu.memory_space<vmem_shared>>
    tpu.enqueue_indirect_dma source(%dma_start3A_216 : memref<2048x128xf32, #tpu.memory_space<vmem_shared>>) target(%dma_start3A_211 : memref<256x128xf32, #tpu.memory_space<vmem>>) offsets(%dma_start3A_213 : memref<256xi32, #tpu.memory_space<vmem>>) semaphore(%arg9 : memref<!tpu.dma_semaphore, #tpu.memory_space<semaphore_mem>>)
    %dma_wait3A_217 = arith.constant 0 : i32
    %dma_wait3A_218 = arith.constant 0 : i32
    %dma_wait3A_219 = arith.constant 0 : i32
    %dma_wait3A_220 = tpu.memref_slice %arg6[%dma_wait3A_217, %dma_wait3A_218, %dma_wait3A_219] : memref<2x256x128xf32, #tpu.memory_space<vmem>> -> memref<1x256x128xf32, #tpu.memory_space<vmem>>
    %dma_wait3A_221 = tpu.memref_squeeze %dma_wait3A_220 : memref<1x256x128xf32, #tpu.memory_space<vmem>> -> memref<256x128xf32, #tpu.memory_space<vmem>>
    %dma_wait3A_222 = arith.constant 1024 : i32
    %dma_wait3A_223 = tpu.memref_slice %arg5[%dma_wait3A_222] : memref<2048xi32, #tpu.memory_space<vmem>> -> memref<256xi32, #tpu.memory_space<vmem>>
    %dma_wait3A_224 = arith.constant 0 : i32
    %dma_wait3A_225 = arith.constant 0 : i32
    %dma_wait3A_226 = tpu.memref_slice %arg7[%dma_wait3A_224, %dma_wait3A_225] : memref<2048x128xf32, #tpu.memory_space<vmem_shared>> -> memref<2048x128xf32, #tpu.memory_space<vmem_shared>>
    tpu.wait_indirect_dma semaphore(%arg8 : memref<!tpu.dma_semaphore, #tpu.memory_space<semaphore_mem>>) src(%dma_wait3A_226 : memref<2048x128xf32, #tpu.memory_space<vmem_shared>>) dst(%dma_wait3A_221 : memref<256x128xf32, #tpu.memory_space<vmem>>)
    %add3A_227 = arith.constant 1024 : i32
    %add3A_228 = arith.addi %mul3A_2, %add3A_227 : i32
    %dma_start3A_229 = arith.constant 0 : i32
    %dma_start3A_230 = arith.constant 0 : i32
    %dma_start3A_231 = arith.constant 0 : i32
    %dma_start3A_232 = tpu.memref_slice %arg6[%dma_start3A_229, %dma_start3A_230, %dma_start3A_231] : memref<2x256x128xf32, #tpu.memory_space<vmem>> -> memref<1x256x128xf32, #tpu.memory_space<vmem>>
    %dma_start3A_233 = tpu.memref_squeeze %dma_start3A_232 : memref<1x256x128xf32, #tpu.memory_space<vmem>> -> memref<256x128xf32, #tpu.memory_space<vmem>>
    %dma_start3A_234 = arith.constant 0 : i32
    %dma_start3A_235 = tpu.memref_slice %arg4[%add3A_228, %dma_start3A_234] : memref<65536x128xf32, #tpu.memory_space<hbm>> -> memref<256x128xf32, #tpu.memory_space<hbm>>
    %dma_start3A_236 = arith.constant 0 : i32
    %dma_start3A_237 = tpu.memref_slice %arg4[%add3A_228, %dma_start3A_236] : memref<65536x128xf32, #tpu.memory_space<hbm>> -> memref<256x128xf32, #tpu.memory_space<hbm>>
    %dma_start3A_238 = arith.constant 0 : i32
    %dma_start3A_239 = arith.constant 0 : i32
    %dma_start3A_240 = tpu.memref_slice %arg6[%dma_start3A_229, %dma_start3A_238, %dma_start3A_239] : memref<2x256x128xf32, #tpu.memory_space<vmem>> -> memref<1x256x128xf32, #tpu.memory_space<vmem>>
    %dma_start3A_241 = tpu.memref_squeeze %dma_start3A_240 : memref<1x256x128xf32, #tpu.memory_space<vmem>> -> memref<256x128xf32, #tpu.memory_space<vmem>>
    tpu.enqueue_dma source(%dma_start3A_241 : memref<256x128xf32, #tpu.memory_space<vmem>>) target(%dma_start3A_237 : memref<256x128xf32, #tpu.memory_space<hbm>>) target_semaphore(%arg10 : memref<!tpu.dma_semaphore, #tpu.memory_space<semaphore_mem>>)
    %dma_wait3A_242 = arith.constant 0 : i32
    %dma_wait3A_243 = arith.constant 0 : i32
    %dma_wait3A_244 = arith.constant 0 : i32
    %dma_wait3A_245 = tpu.memref_slice %arg6[%dma_wait3A_242, %dma_wait3A_243, %dma_wait3A_244] : memref<2x256x128xf32, #tpu.memory_space<vmem>> -> memref<1x256x128xf32, #tpu.memory_space<vmem>>
    %dma_wait3A_246 = tpu.memref_squeeze %dma_wait3A_245 : memref<1x256x128xf32, #tpu.memory_space<vmem>> -> memref<256x128xf32, #tpu.memory_space<vmem>>
    %dma_wait3A_247 = arith.constant 0 : i32
    %dma_wait3A_248 = tpu.memref_slice %arg4[%add3A_228, %dma_wait3A_247] : memref<65536x128xf32, #tpu.memory_space<hbm>> -> memref<256x128xf32, #tpu.memory_space<hbm>>
    %dma_wait3A_249 = arith.constant 0 : i32
    %dma_wait3A_250 = tpu.memref_slice %arg4[%add3A_228, %dma_wait3A_249] : memref<65536x128xf32, #tpu.memory_space<hbm>> -> memref<256x128xf32, #tpu.memory_space<hbm>>
    %dma_wait3A_251 = arith.constant 0 : i32
    %dma_wait3A_252 = arith.constant 0 : i32
    %dma_wait3A_253 = tpu.memref_slice %arg6[%dma_wait3A_242, %dma_wait3A_251, %dma_wait3A_252] : memref<2x256x128xf32, #tpu.memory_space<vmem>> -> memref<1x256x128xf32, #tpu.memory_space<vmem>>
    %dma_wait3A_254 = tpu.memref_squeeze %dma_wait3A_253 : memref<1x256x128xf32, #tpu.memory_space<vmem>> -> memref<256x128xf32, #tpu.memory_space<vmem>>
    tpu.wait_dma2 semaphore(%arg10 : memref<!tpu.dma_semaphore, #tpu.memory_space<semaphore_mem>>) src(%dma_wait3A_254 : memref<256x128xf32, #tpu.memory_space<vmem>>) dst(%dma_wait3A_250 : memref<256x128xf32, #tpu.memory_space<hbm>>)
    %dma_start3A_255 = arith.constant 0 : i32
    %dma_start3A_256 = arith.constant 0 : i32
    %dma_start3A_257 = arith.constant 0 : i32
    %dma_start3A_258 = tpu.memref_slice %arg6[%dma_start3A_255, %dma_start3A_256, %dma_start3A_257] : memref<2x256x128xf32, #tpu.memory_space<vmem>> -> memref<1x256x128xf32, #tpu.memory_space<vmem>>
    %dma_start3A_259 = tpu.memref_squeeze %dma_start3A_258 : memref<1x256x128xf32, #tpu.memory_space<vmem>> -> memref<256x128xf32, #tpu.memory_space<vmem>>
    %dma_start3A_260 = arith.constant 1536 : i32
    %dma_start3A_261 = tpu.memref_slice %arg5[%dma_start3A_260] : memref<2048xi32, #tpu.memory_space<vmem>> -> memref<256xi32, #tpu.memory_space<vmem>>
    %dma_start3A_262 = arith.constant 0 : i32
    %dma_start3A_263 = arith.constant 0 : i32
    %dma_start3A_264 = tpu.memref_slice %arg7[%dma_start3A_262, %dma_start3A_263] : memref<2048x128xf32, #tpu.memory_space<vmem_shared>> -> memref<2048x128xf32, #tpu.memory_space<vmem_shared>>
    tpu.enqueue_indirect_dma source(%dma_start3A_264 : memref<2048x128xf32, #tpu.memory_space<vmem_shared>>) target(%dma_start3A_259 : memref<256x128xf32, #tpu.memory_space<vmem>>) offsets(%dma_start3A_261 : memref<256xi32, #tpu.memory_space<vmem>>) semaphore(%arg8 : memref<!tpu.dma_semaphore, #tpu.memory_space<semaphore_mem>>)
    %dma_wait3A_265 = arith.constant 1 : i32
    %dma_wait3A_266 = arith.constant 0 : i32
    %dma_wait3A_267 = arith.constant 0 : i32
    %dma_wait3A_268 = tpu.memref_slice %arg6[%dma_wait3A_265, %dma_wait3A_266, %dma_wait3A_267] : memref<2x256x128xf32, #tpu.memory_space<vmem>> -> memref<1x256x128xf32, #tpu.memory_space<vmem>>
    %dma_wait3A_269 = tpu.memref_squeeze %dma_wait3A_268 : memref<1x256x128xf32, #tpu.memory_space<vmem>> -> memref<256x128xf32, #tpu.memory_space<vmem>>
    %dma_wait3A_270 = arith.constant 1280 : i32
    %dma_wait3A_271 = tpu.memref_slice %arg5[%dma_wait3A_270] : memref<2048xi32, #tpu.memory_space<vmem>> -> memref<256xi32, #tpu.memory_space<vmem>>
    %dma_wait3A_272 = arith.constant 0 : i32
    %dma_wait3A_273 = arith.constant 0 : i32
    %dma_wait3A_274 = tpu.memref_slice %arg7[%dma_wait3A_272, %dma_wait3A_273] : memref<2048x128xf32, #tpu.memory_space<vmem_shared>> -> memref<2048x128xf32, #tpu.memory_space<vmem_shared>>
    tpu.wait_indirect_dma semaphore(%arg9 : memref<!tpu.dma_semaphore, #tpu.memory_space<semaphore_mem>>) src(%dma_wait3A_274 : memref<2048x128xf32, #tpu.memory_space<vmem_shared>>) dst(%dma_wait3A_269 : memref<256x128xf32, #tpu.memory_space<vmem>>)
    %add3A_275 = arith.constant 1280 : i32
    %add3A_276 = arith.addi %mul3A_2, %add3A_275 : i32
    %dma_start3A_277 = arith.constant 1 : i32
    %dma_start3A_278 = arith.constant 0 : i32
    %dma_start3A_279 = arith.constant 0 : i32
    %dma_start3A_280 = tpu.memref_slice %arg6[%dma_start3A_277, %dma_start3A_278, %dma_start3A_279] : memref<2x256x128xf32, #tpu.memory_space<vmem>> -> memref<1x256x128xf32, #tpu.memory_space<vmem>>
    %dma_start3A_281 = tpu.memref_squeeze %dma_start3A_280 : memref<1x256x128xf32, #tpu.memory_space<vmem>> -> memref<256x128xf32, #tpu.memory_space<vmem>>
    %dma_start3A_282 = arith.constant 0 : i32
    %dma_start3A_283 = tpu.memref_slice %arg4[%add3A_276, %dma_start3A_282] : memref<65536x128xf32, #tpu.memory_space<hbm>> -> memref<256x128xf32, #tpu.memory_space<hbm>>
    %dma_start3A_284 = arith.constant 0 : i32
    %dma_start3A_285 = tpu.memref_slice %arg4[%add3A_276, %dma_start3A_284] : memref<65536x128xf32, #tpu.memory_space<hbm>> -> memref<256x128xf32, #tpu.memory_space<hbm>>
    %dma_start3A_286 = arith.constant 0 : i32
    %dma_start3A_287 = arith.constant 0 : i32
    %dma_start3A_288 = tpu.memref_slice %arg6[%dma_start3A_277, %dma_start3A_286, %dma_start3A_287] : memref<2x256x128xf32, #tpu.memory_space<vmem>> -> memref<1x256x128xf32, #tpu.memory_space<vmem>>
    %dma_start3A_289 = tpu.memref_squeeze %dma_start3A_288 : memref<1x256x128xf32, #tpu.memory_space<vmem>> -> memref<256x128xf32, #tpu.memory_space<vmem>>
    tpu.enqueue_dma source(%dma_start3A_289 : memref<256x128xf32, #tpu.memory_space<vmem>>) target(%dma_start3A_285 : memref<256x128xf32, #tpu.memory_space<hbm>>) target_semaphore(%arg11 : memref<!tpu.dma_semaphore, #tpu.memory_space<semaphore_mem>>)
    %dma_wait3A_290 = arith.constant 1 : i32
    %dma_wait3A_291 = arith.constant 0 : i32
    %dma_wait3A_292 = arith.constant 0 : i32
    %dma_wait3A_293 = tpu.memref_slice %arg6[%dma_wait3A_290, %dma_wait3A_291, %dma_wait3A_292] : memref<2x256x128xf32, #tpu.memory_space<vmem>> -> memref<1x256x128xf32, #tpu.memory_space<vmem>>
    %dma_wait3A_294 = tpu.memref_squeeze %dma_wait3A_293 : memref<1x256x128xf32, #tpu.memory_space<vmem>> -> memref<256x128xf32, #tpu.memory_space<vmem>>
    %dma_wait3A_295 = arith.constant 0 : i32
    %dma_wait3A_296 = tpu.memref_slice %arg4[%add3A_276, %dma_wait3A_295] : memref<65536x128xf32, #tpu.memory_space<hbm>> -> memref<256x128xf32, #tpu.memory_space<hbm>>
    %dma_wait3A_297 = arith.constant 0 : i32
    %dma_wait3A_298 = tpu.memref_slice %arg4[%add3A_276, %dma_wait3A_297] : memref<65536x128xf32, #tpu.memory_space<hbm>> -> memref<256x128xf32, #tpu.memory_space<hbm>>
    %dma_wait3A_299 = arith.constant 0 : i32
    %dma_wait3A_300 = arith.constant 0 : i32
    %dma_wait3A_301 = tpu.memref_slice %arg6[%dma_wait3A_290, %dma_wait3A_299, %dma_wait3A_300] : memref<2x256x128xf32, #tpu.memory_space<vmem>> -> memref<1x256x128xf32, #tpu.memory_space<vmem>>
    %dma_wait3A_302 = tpu.memref_squeeze %dma_wait3A_301 : memref<1x256x128xf32, #tpu.memory_space<vmem>> -> memref<256x128xf32, #tpu.memory_space<vmem>>
    tpu.wait_dma2 semaphore(%arg11 : memref<!tpu.dma_semaphore, #tpu.memory_space<semaphore_mem>>) src(%dma_wait3A_302 : memref<256x128xf32, #tpu.memory_space<vmem>>) dst(%dma_wait3A_298 : memref<256x128xf32, #tpu.memory_space<hbm>>)
    %dma_start3A_303 = arith.constant 1 : i32
    %dma_start3A_304 = arith.constant 0 : i32
    %dma_start3A_305 = arith.constant 0 : i32
    %dma_start3A_306 = tpu.memref_slice %arg6[%dma_start3A_303, %dma_start3A_304, %dma_start3A_305] : memref<2x256x128xf32, #tpu.memory_space<vmem>> -> memref<1x256x128xf32, #tpu.memory_space<vmem>>
    %dma_start3A_307 = tpu.memref_squeeze %dma_start3A_306 : memref<1x256x128xf32, #tpu.memory_space<vmem>> -> memref<256x128xf32, #tpu.memory_space<vmem>>
    %dma_start3A_308 = arith.constant 1792 : i32
    %dma_start3A_309 = tpu.memref_slice %arg5[%dma_start3A_308] : memref<2048xi32, #tpu.memory_space<vmem>> -> memref<256xi32, #tpu.memory_space<vmem>>
    %dma_start3A_310 = arith.constant 0 : i32
    %dma_start3A_311 = arith.constant 0 : i32
    %dma_start3A_312 = tpu.memref_slice %arg7[%dma_start3A_310, %dma_start3A_311] : memref<2048x128xf32, #tpu.memory_space<vmem_shared>> -> memref<2048x128xf32, #tpu.memory_space<vmem_shared>>
    tpu.enqueue_indirect_dma source(%dma_start3A_312 : memref<2048x128xf32, #tpu.memory_space<vmem_shared>>) target(%dma_start3A_307 : memref<256x128xf32, #tpu.memory_space<vmem>>) offsets(%dma_start3A_309 : memref<256xi32, #tpu.memory_space<vmem>>) semaphore(%arg9 : memref<!tpu.dma_semaphore, #tpu.memory_space<semaphore_mem>>)
    %dma_wait3A_313 = arith.constant 0 : i32
    %dma_wait3A_314 = arith.constant 0 : i32
    %dma_wait3A_315 = arith.constant 0 : i32
    %dma_wait3A_316 = tpu.memref_slice %arg6[%dma_wait3A_313, %dma_wait3A_314, %dma_wait3A_315] : memref<2x256x128xf32, #tpu.memory_space<vmem>> -> memref<1x256x128xf32, #tpu.memory_space<vmem>>
    %dma_wait3A_317 = tpu.memref_squeeze %dma_wait3A_316 : memref<1x256x128xf32, #tpu.memory_space<vmem>> -> memref<256x128xf32, #tpu.memory_space<vmem>>
    %dma_wait3A_318 = arith.constant 1536 : i32
    %dma_wait3A_319 = tpu.memref_slice %arg5[%dma_wait3A_318] : memref<2048xi32, #tpu.memory_space<vmem>> -> memref<256xi32, #tpu.memory_space<vmem>>
    %dma_wait3A_320 = arith.constant 0 : i32
    %dma_wait3A_321 = arith.constant 0 : i32
    %dma_wait3A_322 = tpu.memref_slice %arg7[%dma_wait3A_320, %dma_wait3A_321] : memref<2048x128xf32, #tpu.memory_space<vmem_shared>> -> memref<2048x128xf32, #tpu.memory_space<vmem_shared>>
    tpu.wait_indirect_dma semaphore(%arg8 : memref<!tpu.dma_semaphore, #tpu.memory_space<semaphore_mem>>) src(%dma_wait3A_322 : memref<2048x128xf32, #tpu.memory_space<vmem_shared>>) dst(%dma_wait3A_317 : memref<256x128xf32, #tpu.memory_space<vmem>>)
    %add3A_323 = arith.constant 1536 : i32
    %add3A_324 = arith.addi %mul3A_2, %add3A_323 : i32
    %dma_start3A_325 = arith.constant 0 : i32
    %dma_start3A_326 = arith.constant 0 : i32
    %dma_start3A_327 = arith.constant 0 : i32
    %dma_start3A_328 = tpu.memref_slice %arg6[%dma_start3A_325, %dma_start3A_326, %dma_start3A_327] : memref<2x256x128xf32, #tpu.memory_space<vmem>> -> memref<1x256x128xf32, #tpu.memory_space<vmem>>
    %dma_start3A_329 = tpu.memref_squeeze %dma_start3A_328 : memref<1x256x128xf32, #tpu.memory_space<vmem>> -> memref<256x128xf32, #tpu.memory_space<vmem>>
    %dma_start3A_330 = arith.constant 0 : i32
    %dma_start3A_331 = tpu.memref_slice %arg4[%add3A_324, %dma_start3A_330] : memref<65536x128xf32, #tpu.memory_space<hbm>> -> memref<256x128xf32, #tpu.memory_space<hbm>>
    %dma_start3A_332 = arith.constant 0 : i32
    %dma_start3A_333 = tpu.memref_slice %arg4[%add3A_324, %dma_start3A_332] : memref<65536x128xf32, #tpu.memory_space<hbm>> -> memref<256x128xf32, #tpu.memory_space<hbm>>
    %dma_start3A_334 = arith.constant 0 : i32
    %dma_start3A_335 = arith.constant 0 : i32
    %dma_start3A_336 = tpu.memref_slice %arg6[%dma_start3A_325, %dma_start3A_334, %dma_start3A_335] : memref<2x256x128xf32, #tpu.memory_space<vmem>> -> memref<1x256x128xf32, #tpu.memory_space<vmem>>
    %dma_start3A_337 = tpu.memref_squeeze %dma_start3A_336 : memref<1x256x128xf32, #tpu.memory_space<vmem>> -> memref<256x128xf32, #tpu.memory_space<vmem>>
    tpu.enqueue_dma source(%dma_start3A_337 : memref<256x128xf32, #tpu.memory_space<vmem>>) target(%dma_start3A_333 : memref<256x128xf32, #tpu.memory_space<hbm>>) target_semaphore(%arg10 : memref<!tpu.dma_semaphore, #tpu.memory_space<semaphore_mem>>)
    %dma_wait3A_338 = arith.constant 1 : i32
    %dma_wait3A_339 = arith.constant 0 : i32
    %dma_wait3A_340 = arith.constant 0 : i32
    %dma_wait3A_341 = tpu.memref_slice %arg6[%dma_wait3A_338, %dma_wait3A_339, %dma_wait3A_340] : memref<2x256x128xf32, #tpu.memory_space<vmem>> -> memref<1x256x128xf32, #tpu.memory_space<vmem>>
    %dma_wait3A_342 = tpu.memref_squeeze %dma_wait3A_341 : memref<1x256x128xf32, #tpu.memory_space<vmem>> -> memref<256x128xf32, #tpu.memory_space<vmem>>
    %dma_wait3A_343 = arith.constant 1792 : i32
    %dma_wait3A_344 = tpu.memref_slice %arg5[%dma_wait3A_343] : memref<2048xi32, #tpu.memory_space<vmem>> -> memref<256xi32, #tpu.memory_space<vmem>>
    %dma_wait3A_345 = arith.constant 0 : i32
    %dma_wait3A_346 = arith.constant 0 : i32
    %dma_wait3A_347 = tpu.memref_slice %arg7[%dma_wait3A_345, %dma_wait3A_346] : memref<2048x128xf32, #tpu.memory_space<vmem_shared>> -> memref<2048x128xf32, #tpu.memory_space<vmem_shared>>
    tpu.wait_indirect_dma semaphore(%arg9 : memref<!tpu.dma_semaphore, #tpu.memory_space<semaphore_mem>>) src(%dma_wait3A_347 : memref<2048x128xf32, #tpu.memory_space<vmem_shared>>) dst(%dma_wait3A_342 : memref<256x128xf32, #tpu.memory_space<vmem>>)
    %add3A_348 = arith.constant 1792 : i32
    %add3A_349 = arith.addi %mul3A_2, %add3A_348 : i32
    %dma_start3A_350 = arith.constant 1 : i32
    %dma_start3A_351 = arith.constant 0 : i32
    %dma_start3A_352 = arith.constant 0 : i32
    %dma_start3A_353 = tpu.memref_slice %arg6[%dma_start3A_350, %dma_start3A_351, %dma_start3A_352] : memref<2x256x128xf32, #tpu.memory_space<vmem>> -> memref<1x256x128xf32, #tpu.memory_space<vmem>>
    %dma_start3A_354 = tpu.memref_squeeze %dma_start3A_353 : memref<1x256x128xf32, #tpu.memory_space<vmem>> -> memref<256x128xf32, #tpu.memory_space<vmem>>
    %dma_start3A_355 = arith.constant 0 : i32
    %dma_start3A_356 = tpu.memref_slice %arg4[%add3A_349, %dma_start3A_355] : memref<65536x128xf32, #tpu.memory_space<hbm>> -> memref<256x128xf32, #tpu.memory_space<hbm>>
    %dma_start3A_357 = arith.constant 0 : i32
    %dma_start3A_358 = tpu.memref_slice %arg4[%add3A_349, %dma_start3A_357] : memref<65536x128xf32, #tpu.memory_space<hbm>> -> memref<256x128xf32, #tpu.memory_space<hbm>>
    %dma_start3A_359 = arith.constant 0 : i32
    %dma_start3A_360 = arith.constant 0 : i32
    %dma_start3A_361 = tpu.memref_slice %arg6[%dma_start3A_350, %dma_start3A_359, %dma_start3A_360] : memref<2x256x128xf32, #tpu.memory_space<vmem>> -> memref<1x256x128xf32, #tpu.memory_space<vmem>>
    %dma_start3A_362 = tpu.memref_squeeze %dma_start3A_361 : memref<1x256x128xf32, #tpu.memory_space<vmem>> -> memref<256x128xf32, #tpu.memory_space<vmem>>
    tpu.enqueue_dma source(%dma_start3A_362 : memref<256x128xf32, #tpu.memory_space<vmem>>) target(%dma_start3A_358 : memref<256x128xf32, #tpu.memory_space<hbm>>) target_semaphore(%arg11 : memref<!tpu.dma_semaphore, #tpu.memory_space<semaphore_mem>>)
    %dma_wait3A_363 = arith.constant 0 : i32
    %dma_wait3A_364 = arith.constant 0 : i32
    %dma_wait3A_365 = arith.constant 0 : i32
    %dma_wait3A_366 = tpu.memref_slice %arg6[%dma_wait3A_363, %dma_wait3A_364, %dma_wait3A_365] : memref<2x256x128xf32, #tpu.memory_space<vmem>> -> memref<1x256x128xf32, #tpu.memory_space<vmem>>
    %dma_wait3A_367 = tpu.memref_squeeze %dma_wait3A_366 : memref<1x256x128xf32, #tpu.memory_space<vmem>> -> memref<256x128xf32, #tpu.memory_space<vmem>>
    %dma_wait3A_368 = arith.constant 0 : i32
    %dma_wait3A_369 = tpu.memref_slice %arg4[%add3A_324, %dma_wait3A_368] : memref<65536x128xf32, #tpu.memory_space<hbm>> -> memref<256x128xf32, #tpu.memory_space<hbm>>
    %dma_wait3A_370 = arith.constant 0 : i32
    %dma_wait3A_371 = tpu.memref_slice %arg4[%add3A_324, %dma_wait3A_370] : memref<65536x128xf32, #tpu.memory_space<hbm>> -> memref<256x128xf32, #tpu.memory_space<hbm>>
    %dma_wait3A_372 = arith.constant 0 : i32
    %dma_wait3A_373 = arith.constant 0 : i32
    %dma_wait3A_374 = tpu.memref_slice %arg6[%dma_wait3A_363, %dma_wait3A_372, %dma_wait3A_373] : memref<2x256x128xf32, #tpu.memory_space<vmem>> -> memref<1x256x128xf32, #tpu.memory_space<vmem>>
    %dma_wait3A_375 = tpu.memref_squeeze %dma_wait3A_374 : memref<1x256x128xf32, #tpu.memory_space<vmem>> -> memref<256x128xf32, #tpu.memory_space<vmem>>
    tpu.wait_dma2 semaphore(%arg10 : memref<!tpu.dma_semaphore, #tpu.memory_space<semaphore_mem>>) src(%dma_wait3A_375 : memref<256x128xf32, #tpu.memory_space<vmem>>) dst(%dma_wait3A_371 : memref<256x128xf32, #tpu.memory_space<hbm>>)
    %dma_wait3A_376 = arith.constant 1 : i32
    %dma_wait3A_377 = arith.constant 0 : i32
    %dma_wait3A_378 = arith.constant 0 : i32
    %dma_wait3A_379 = tpu.memref_slice %arg6[%dma_wait3A_376, %dma_wait3A_377, %dma_wait3A_378] : memref<2x256x128xf32, #tpu.memory_space<vmem>> -> memref<1x256x128xf32, #tpu.memory_space<vmem>>
    %dma_wait3A_380 = tpu.memref_squeeze %dma_wait3A_379 : memref<1x256x128xf32, #tpu.memory_space<vmem>> -> memref<256x128xf32, #tpu.memory_space<vmem>>
    %dma_wait3A_381 = arith.constant 0 : i32
    %dma_wait3A_382 = tpu.memref_slice %arg4[%add3A_349, %dma_wait3A_381] : memref<65536x128xf32, #tpu.memory_space<hbm>> -> memref<256x128xf32, #tpu.memory_space<hbm>>
    %dma_wait3A_383 = arith.constant 0 : i32
    %dma_wait3A_384 = tpu.memref_slice %arg4[%add3A_349, %dma_wait3A_383] : memref<65536x128xf32, #tpu.memory_space<hbm>> -> memref<256x128xf32, #tpu.memory_space<hbm>>
    %dma_wait3A_385 = arith.constant 0 : i32
    %dma_wait3A_386 = arith.constant 0 : i32
    %dma_wait3A_387 = tpu.memref_slice %arg6[%dma_wait3A_376, %dma_wait3A_385, %dma_wait3A_386] : memref<2x256x128xf32, #tpu.memory_space<vmem>> -> memref<1x256x128xf32, #tpu.memory_space<vmem>>
    %dma_wait3A_388 = tpu.memref_squeeze %dma_wait3A_387 : memref<1x256x128xf32, #tpu.memory_space<vmem>> -> memref<256x128xf32, #tpu.memory_space<vmem>>
    tpu.wait_dma2 semaphore(%arg11 : memref<!tpu.dma_semaphore, #tpu.memory_space<semaphore_mem>>) src(%dma_wait3A_388 : memref<256x128xf32, #tpu.memory_space<vmem>>) dst(%dma_wait3A_384 : memref<256x128xf32, #tpu.memory_space<hbm>>)
    return
  }
}

module attributes {stable_mosaic.version = 14 : i64} {
  func.func @_knn_body(%arg0: i32, %arg1: memref<1x1xf32, #tpu.memory_space<vmem>>, %arg2: memref<1x64xf32, #tpu.memory_space<vmem>>, %arg3: memref<8x2048xf32, #tpu.memory_space<vmem>>, %arg4: memref<256x8xf32, #tpu.memory_space<vmem>>, %arg5: memref<256x20xf32, #tpu.memory_space<vmem>>, %arg6: memref<20x128xf32, #tpu.memory_space<vmem>>, %arg7: memref<256x32xi32, #tpu.memory_space<vmem>>, %arg8: memref<256x128xf32, #tpu.memory_space<vmem>>) attributes {dimension_semantics = [#tpu.dimension_semantics<arbitrary>], iteration_bounds = array<i64: 8>, scalar_prefetch = 0 : i64, scratch_operands = 0 : i64, tpu.core_type = #tpu.core_type<tc>, window_params = [{pipeline_mode = #tpu.pipeline_mode<synchronous>, transform_indices = @transform_0, window_bounds = array<i64: 1, 1>}, {pipeline_mode = #tpu.pipeline_mode<synchronous>, transform_indices = @transform_1, window_bounds = array<i64: 1, 64>}, {pipeline_mode = #tpu.pipeline_mode<synchronous>, transform_indices = @transform_2, window_bounds = array<i64: 8, 2048>}, {transform_indices = @transform_3, window_bounds = array<i64: 256, 8>}, {transform_indices = @transform_4, window_bounds = array<i64: 256, 20>}, {pipeline_mode = #tpu.pipeline_mode<synchronous>, transform_indices = @transform_5, window_bounds = array<i64: 20, 128>}, {transform_indices = @transform_6, window_bounds = array<i64: 256, 32>}, {transform_indices = @transform_7, window_bounds = array<i64: 256, 128>}]} {
    %get3A = arith.constant 0 : index
    %get3A_0 = arith.constant 0 : index
    %get3A_1 = vector.load %arg4[%get3A, %get3A_0] : memref<256x8xf32, #tpu.memory_space<vmem>>, vector<256x8xf32>
    %broadcast_in_dim3A = arith.constant 0.000000e+00 : f32
    %broadcast_in_dim3A_2 = vector.broadcast %broadcast_in_dim3A : f32 to vector<256x2048xf32>
    %slice3A = vector.extract_strided_slice %get3A_1 {offsets = [0, 0], sizes = [256, 1], strides = [1, 1]} : vector<256x8xf32> to vector<256x1xf32>
    %get3A_3 = arith.constant 0 : index
    %get3A_4 = arith.constant 0 : index
    %get3A_5 = vector.load %arg3[%get3A_3, %get3A_4] : memref<8x2048xf32, #tpu.memory_space<vmem>>, vector<1x2048xf32>
    %sub3A = vector.broadcast %slice3A : vector<256x1xf32> to vector<256x2048xf32>
    %sub3A_6 = vector.broadcast %get3A_5 : vector<1x2048xf32> to vector<256x2048xf32>
    %sub3A_7 = arith.subf %sub3A, %sub3A_6 : vector<256x2048xf32>
    %mul3A = arith.mulf %sub3A_7, %sub3A_7 : vector<256x2048xf32>
    %add3A = arith.addf %broadcast_in_dim3A_2, %mul3A : vector<256x2048xf32>
    %slice3A_8 = vector.extract_strided_slice %get3A_1 {offsets = [0, 1], sizes = [256, 1], strides = [1, 1]} : vector<256x8xf32> to vector<256x1xf32>
    %get3A_9 = arith.constant 1 : index
    %get3A_10 = arith.constant 0 : index
    %get3A_11 = vector.load %arg3[%get3A_9, %get3A_10] : memref<8x2048xf32, #tpu.memory_space<vmem>>, vector<1x2048xf32>
    %sub3A_12 = vector.broadcast %slice3A_8 : vector<256x1xf32> to vector<256x2048xf32>
    %sub3A_13 = vector.broadcast %get3A_11 : vector<1x2048xf32> to vector<256x2048xf32>
    %sub3A_14 = arith.subf %sub3A_12, %sub3A_13 : vector<256x2048xf32>
    %mul3A_15 = arith.mulf %sub3A_14, %sub3A_14 : vector<256x2048xf32>
    %add3A_16 = arith.addf %add3A, %mul3A_15 : vector<256x2048xf32>
    %slice3A_17 = vector.extract_strided_slice %get3A_1 {offsets = [0, 2], sizes = [256, 1], strides = [1, 1]} : vector<256x8xf32> to vector<256x1xf32>
    %get3A_18 = arith.constant 2 : index
    %get3A_19 = arith.constant 0 : index
    %get3A_20 = vector.load %arg3[%get3A_18, %get3A_19] : memref<8x2048xf32, #tpu.memory_space<vmem>>, vector<1x2048xf32>
    %sub3A_21 = vector.broadcast %slice3A_17 : vector<256x1xf32> to vector<256x2048xf32>
    %sub3A_22 = vector.broadcast %get3A_20 : vector<1x2048xf32> to vector<256x2048xf32>
    %sub3A_23 = arith.subf %sub3A_21, %sub3A_22 : vector<256x2048xf32>
    %mul3A_24 = arith.mulf %sub3A_23, %sub3A_23 : vector<256x2048xf32>
    %add3A_25 = arith.addf %add3A_16, %mul3A_24 : vector<256x2048xf32>
    %iota3A = tpu.iota {dimensions = array<i32: 1>} : vector<256x2048xi32>
    %bitcast_convert_type3A = tpu.bitcast %add3A_25 : vector<256x2048xf32> -> vector<256x2048xi32>
    %and3A = arith.constant -2048 : i32
    %and3A_26 = vector.broadcast %and3A : i32 to vector<256x2048xi32>
    %and3A_27 = arith.andi %bitcast_convert_type3A, %and3A_26 : vector<256x2048xi32>
    %or3A = arith.ori %and3A_27, %iota3A : vector<256x2048xi32>
    %reduce_min3A = arith.constant dense<2147483647> : vector<256xi32>
    %reduce_min3A_28 = vector.multi_reduction <minsi>, %or3A, %reduce_min3A [1] : vector<256x2048xi32> to vector<256xi32>
    %broadcast_in_dim3A_29 = vector.shape_cast %reduce_min3A_28 : vector<256xi32> to vector<256x1xi32>
    %and3A_30 = arith.constant 2047 : i32
    %and3A_31 = vector.broadcast %and3A_30 : i32 to vector<256x1xi32>
    %and3A_32 = arith.andi %broadcast_in_dim3A_29, %and3A_31 : vector<256x1xi32>
    %eq3A = vector.broadcast %broadcast_in_dim3A_29 : vector<256x1xi32> to vector<256x2048xi32>
    %eq3A_33 = arith.cmpi eq, %or3A, %eq3A : vector<256x2048xi32>
    %jit3A = arith.constant 2147483647 : i32
    %broadcast_in_dim3A_34 = vector.broadcast %jit3A : i32 to vector<256x2048xi32>
    %select_n3A = arith.select %eq3A_33, %broadcast_in_dim3A_34, %or3A : vector<256x2048xi1>, vector<256x2048xi32>
    %reduce_min3A_35 = arith.constant dense<2147483647> : vector<256xi32>
    %reduce_min3A_36 = vector.multi_reduction <minsi>, %select_n3A, %reduce_min3A_35 [1] : vector<256x2048xi32> to vector<256xi32>
    %broadcast_in_dim3A_37 = vector.shape_cast %reduce_min3A_36 : vector<256xi32> to vector<256x1xi32>
    %and3A_38 = arith.constant 2047 : i32
    %and3A_39 = vector.broadcast %and3A_38 : i32 to vector<256x1xi32>
    %and3A_40 = arith.andi %broadcast_in_dim3A_37, %and3A_39 : vector<256x1xi32>
    %eq3A_41 = vector.broadcast %broadcast_in_dim3A_37 : vector<256x1xi32> to vector<256x2048xi32>
    %eq3A_42 = arith.cmpi eq, %select_n3A, %eq3A_41 : vector<256x2048xi32>
    %jit3A_43 = arith.constant 2147483647 : i32
    %broadcast_in_dim3A_44 = vector.broadcast %jit3A_43 : i32 to vector<256x2048xi32>
    %select_n3A_45 = arith.select %eq3A_42, %broadcast_in_dim3A_44, %select_n3A : vector<256x2048xi1>, vector<256x2048xi32>
    %reduce_min3A_46 = arith.constant dense<2147483647> : vector<256xi32>
    %reduce_min3A_47 = vector.multi_reduction <minsi>, %select_n3A_45, %reduce_min3A_46 [1] : vector<256x2048xi32> to vector<256xi32>
    %broadcast_in_dim3A_48 = vector.shape_cast %reduce_min3A_47 : vector<256xi32> to vector<256x1xi32>
    %and3A_49 = arith.constant 2047 : i32
    %and3A_50 = vector.broadcast %and3A_49 : i32 to vector<256x1xi32>
    %and3A_51 = arith.andi %broadcast_in_dim3A_48, %and3A_50 : vector<256x1xi32>
    %eq3A_52 = vector.broadcast %broadcast_in_dim3A_48 : vector<256x1xi32> to vector<256x2048xi32>
    %eq3A_53 = arith.cmpi eq, %select_n3A_45, %eq3A_52 : vector<256x2048xi32>
    %jit3A_54 = arith.constant 2147483647 : i32
    %broadcast_in_dim3A_55 = vector.broadcast %jit3A_54 : i32 to vector<256x2048xi32>
    %select_n3A_56 = arith.select %eq3A_53, %broadcast_in_dim3A_55, %select_n3A_45 : vector<256x2048xi1>, vector<256x2048xi32>
    %reduce_min3A_57 = arith.constant dense<2147483647> : vector<256xi32>
    %reduce_min3A_58 = vector.multi_reduction <minsi>, %select_n3A_56, %reduce_min3A_57 [1] : vector<256x2048xi32> to vector<256xi32>
    %broadcast_in_dim3A_59 = vector.shape_cast %reduce_min3A_58 : vector<256xi32> to vector<256x1xi32>
    %and3A_60 = arith.constant 2047 : i32
    %and3A_61 = vector.broadcast %and3A_60 : i32 to vector<256x1xi32>
    %and3A_62 = arith.andi %broadcast_in_dim3A_59, %and3A_61 : vector<256x1xi32>
    %eq3A_63 = vector.broadcast %broadcast_in_dim3A_59 : vector<256x1xi32> to vector<256x2048xi32>
    %eq3A_64 = arith.cmpi eq, %select_n3A_56, %eq3A_63 : vector<256x2048xi32>
    %jit3A_65 = arith.constant 2147483647 : i32
    %broadcast_in_dim3A_66 = vector.broadcast %jit3A_65 : i32 to vector<256x2048xi32>
    %select_n3A_67 = arith.select %eq3A_64, %broadcast_in_dim3A_66, %select_n3A_56 : vector<256x2048xi1>, vector<256x2048xi32>
    %reduce_min3A_68 = arith.constant dense<2147483647> : vector<256xi32>
    %reduce_min3A_69 = vector.multi_reduction <minsi>, %select_n3A_67, %reduce_min3A_68 [1] : vector<256x2048xi32> to vector<256xi32>
    %broadcast_in_dim3A_70 = vector.shape_cast %reduce_min3A_69 : vector<256xi32> to vector<256x1xi32>
    %and3A_71 = arith.constant 2047 : i32
    %and3A_72 = vector.broadcast %and3A_71 : i32 to vector<256x1xi32>
    %and3A_73 = arith.andi %broadcast_in_dim3A_70, %and3A_72 : vector<256x1xi32>
    %eq3A_74 = vector.broadcast %broadcast_in_dim3A_70 : vector<256x1xi32> to vector<256x2048xi32>
    %eq3A_75 = arith.cmpi eq, %select_n3A_67, %eq3A_74 : vector<256x2048xi32>
    %jit3A_76 = arith.constant 2147483647 : i32
    %broadcast_in_dim3A_77 = vector.broadcast %jit3A_76 : i32 to vector<256x2048xi32>
    %select_n3A_78 = arith.select %eq3A_75, %broadcast_in_dim3A_77, %select_n3A_67 : vector<256x2048xi1>, vector<256x2048xi32>
    %reduce_min3A_79 = arith.constant dense<2147483647> : vector<256xi32>
    %reduce_min3A_80 = vector.multi_reduction <minsi>, %select_n3A_78, %reduce_min3A_79 [1] : vector<256x2048xi32> to vector<256xi32>
    %broadcast_in_dim3A_81 = vector.shape_cast %reduce_min3A_80 : vector<256xi32> to vector<256x1xi32>
    %and3A_82 = arith.constant 2047 : i32
    %and3A_83 = vector.broadcast %and3A_82 : i32 to vector<256x1xi32>
    %and3A_84 = arith.andi %broadcast_in_dim3A_81, %and3A_83 : vector<256x1xi32>
    %eq3A_85 = vector.broadcast %broadcast_in_dim3A_81 : vector<256x1xi32> to vector<256x2048xi32>
    %eq3A_86 = arith.cmpi eq, %select_n3A_78, %eq3A_85 : vector<256x2048xi32>
    %jit3A_87 = arith.constant 2147483647 : i32
    %broadcast_in_dim3A_88 = vector.broadcast %jit3A_87 : i32 to vector<256x2048xi32>
    %select_n3A_89 = arith.select %eq3A_86, %broadcast_in_dim3A_88, %select_n3A_78 : vector<256x2048xi1>, vector<256x2048xi32>
    %reduce_min3A_90 = arith.constant dense<2147483647> : vector<256xi32>
    %reduce_min3A_91 = vector.multi_reduction <minsi>, %select_n3A_89, %reduce_min3A_90 [1] : vector<256x2048xi32> to vector<256xi32>
    %broadcast_in_dim3A_92 = vector.shape_cast %reduce_min3A_91 : vector<256xi32> to vector<256x1xi32>
    %and3A_93 = arith.constant 2047 : i32
    %and3A_94 = vector.broadcast %and3A_93 : i32 to vector<256x1xi32>
    %and3A_95 = arith.andi %broadcast_in_dim3A_92, %and3A_94 : vector<256x1xi32>
    %eq3A_96 = vector.broadcast %broadcast_in_dim3A_92 : vector<256x1xi32> to vector<256x2048xi32>
    %eq3A_97 = arith.cmpi eq, %select_n3A_89, %eq3A_96 : vector<256x2048xi32>
    %jit3A_98 = arith.constant 2147483647 : i32
    %broadcast_in_dim3A_99 = vector.broadcast %jit3A_98 : i32 to vector<256x2048xi32>
    %select_n3A_100 = arith.select %eq3A_97, %broadcast_in_dim3A_99, %select_n3A_89 : vector<256x2048xi1>, vector<256x2048xi32>
    %reduce_min3A_101 = arith.constant dense<2147483647> : vector<256xi32>
    %reduce_min3A_102 = vector.multi_reduction <minsi>, %select_n3A_100, %reduce_min3A_101 [1] : vector<256x2048xi32> to vector<256xi32>
    %broadcast_in_dim3A_103 = vector.shape_cast %reduce_min3A_102 : vector<256xi32> to vector<256x1xi32>
    %and3A_104 = arith.constant 2047 : i32
    %and3A_105 = vector.broadcast %and3A_104 : i32 to vector<256x1xi32>
    %and3A_106 = arith.andi %broadcast_in_dim3A_103, %and3A_105 : vector<256x1xi32>
    %eq3A_107 = vector.broadcast %broadcast_in_dim3A_103 : vector<256x1xi32> to vector<256x2048xi32>
    %eq3A_108 = arith.cmpi eq, %select_n3A_100, %eq3A_107 : vector<256x2048xi32>
    %jit3A_109 = arith.constant 2147483647 : i32
    %broadcast_in_dim3A_110 = vector.broadcast %jit3A_109 : i32 to vector<256x2048xi32>
    %select_n3A_111 = arith.select %eq3A_108, %broadcast_in_dim3A_110, %select_n3A_100 : vector<256x2048xi1>, vector<256x2048xi32>
    %reduce_min3A_112 = arith.constant dense<2147483647> : vector<256xi32>
    %reduce_min3A_113 = vector.multi_reduction <minsi>, %select_n3A_111, %reduce_min3A_112 [1] : vector<256x2048xi32> to vector<256xi32>
    %broadcast_in_dim3A_114 = vector.shape_cast %reduce_min3A_113 : vector<256xi32> to vector<256x1xi32>
    %and3A_115 = arith.constant 2047 : i32
    %and3A_116 = vector.broadcast %and3A_115 : i32 to vector<256x1xi32>
    %and3A_117 = arith.andi %broadcast_in_dim3A_114, %and3A_116 : vector<256x1xi32>
    %eq3A_118 = vector.broadcast %broadcast_in_dim3A_114 : vector<256x1xi32> to vector<256x2048xi32>
    %eq3A_119 = arith.cmpi eq, %select_n3A_111, %eq3A_118 : vector<256x2048xi32>
    %jit3A_120 = arith.constant 2147483647 : i32
    %broadcast_in_dim3A_121 = vector.broadcast %jit3A_120 : i32 to vector<256x2048xi32>
    %select_n3A_122 = arith.select %eq3A_119, %broadcast_in_dim3A_121, %select_n3A_111 : vector<256x2048xi1>, vector<256x2048xi32>
    %reduce_min3A_123 = arith.constant dense<2147483647> : vector<256xi32>
    %reduce_min3A_124 = vector.multi_reduction <minsi>, %select_n3A_122, %reduce_min3A_123 [1] : vector<256x2048xi32> to vector<256xi32>
    %broadcast_in_dim3A_125 = vector.shape_cast %reduce_min3A_124 : vector<256xi32> to vector<256x1xi32>
    %and3A_126 = arith.constant 2047 : i32
    %and3A_127 = vector.broadcast %and3A_126 : i32 to vector<256x1xi32>
    %and3A_128 = arith.andi %broadcast_in_dim3A_125, %and3A_127 : vector<256x1xi32>
    %eq3A_129 = vector.broadcast %broadcast_in_dim3A_125 : vector<256x1xi32> to vector<256x2048xi32>
    %eq3A_130 = arith.cmpi eq, %select_n3A_122, %eq3A_129 : vector<256x2048xi32>
    %jit3A_131 = arith.constant 2147483647 : i32
    %broadcast_in_dim3A_132 = vector.broadcast %jit3A_131 : i32 to vector<256x2048xi32>
    %select_n3A_133 = arith.select %eq3A_130, %broadcast_in_dim3A_132, %select_n3A_122 : vector<256x2048xi1>, vector<256x2048xi32>
    %reduce_min3A_134 = arith.constant dense<2147483647> : vector<256xi32>
    %reduce_min3A_135 = vector.multi_reduction <minsi>, %select_n3A_133, %reduce_min3A_134 [1] : vector<256x2048xi32> to vector<256xi32>
    %broadcast_in_dim3A_136 = vector.shape_cast %reduce_min3A_135 : vector<256xi32> to vector<256x1xi32>
    %and3A_137 = arith.constant 2047 : i32
    %and3A_138 = vector.broadcast %and3A_137 : i32 to vector<256x1xi32>
    %and3A_139 = arith.andi %broadcast_in_dim3A_136, %and3A_138 : vector<256x1xi32>
    %eq3A_140 = vector.broadcast %broadcast_in_dim3A_136 : vector<256x1xi32> to vector<256x2048xi32>
    %eq3A_141 = arith.cmpi eq, %select_n3A_133, %eq3A_140 : vector<256x2048xi32>
    %jit3A_142 = arith.constant 2147483647 : i32
    %broadcast_in_dim3A_143 = vector.broadcast %jit3A_142 : i32 to vector<256x2048xi32>
    %select_n3A_144 = arith.select %eq3A_141, %broadcast_in_dim3A_143, %select_n3A_133 : vector<256x2048xi1>, vector<256x2048xi32>
    %reduce_min3A_145 = arith.constant dense<2147483647> : vector<256xi32>
    %reduce_min3A_146 = vector.multi_reduction <minsi>, %select_n3A_144, %reduce_min3A_145 [1] : vector<256x2048xi32> to vector<256xi32>
    %broadcast_in_dim3A_147 = vector.shape_cast %reduce_min3A_146 : vector<256xi32> to vector<256x1xi32>
    %and3A_148 = arith.constant 2047 : i32
    %and3A_149 = vector.broadcast %and3A_148 : i32 to vector<256x1xi32>
    %and3A_150 = arith.andi %broadcast_in_dim3A_147, %and3A_149 : vector<256x1xi32>
    %eq3A_151 = vector.broadcast %broadcast_in_dim3A_147 : vector<256x1xi32> to vector<256x2048xi32>
    %eq3A_152 = arith.cmpi eq, %select_n3A_144, %eq3A_151 : vector<256x2048xi32>
    %jit3A_153 = arith.constant 2147483647 : i32
    %broadcast_in_dim3A_154 = vector.broadcast %jit3A_153 : i32 to vector<256x2048xi32>
    %select_n3A_155 = arith.select %eq3A_152, %broadcast_in_dim3A_154, %select_n3A_144 : vector<256x2048xi1>, vector<256x2048xi32>
    %reduce_min3A_156 = arith.constant dense<2147483647> : vector<256xi32>
    %reduce_min3A_157 = vector.multi_reduction <minsi>, %select_n3A_155, %reduce_min3A_156 [1] : vector<256x2048xi32> to vector<256xi32>
    %broadcast_in_dim3A_158 = vector.shape_cast %reduce_min3A_157 : vector<256xi32> to vector<256x1xi32>
    %and3A_159 = arith.constant 2047 : i32
    %and3A_160 = vector.broadcast %and3A_159 : i32 to vector<256x1xi32>
    %and3A_161 = arith.andi %broadcast_in_dim3A_158, %and3A_160 : vector<256x1xi32>
    %eq3A_162 = vector.broadcast %broadcast_in_dim3A_158 : vector<256x1xi32> to vector<256x2048xi32>
    %eq3A_163 = arith.cmpi eq, %select_n3A_155, %eq3A_162 : vector<256x2048xi32>
    %jit3A_164 = arith.constant 2147483647 : i32
    %broadcast_in_dim3A_165 = vector.broadcast %jit3A_164 : i32 to vector<256x2048xi32>
    %select_n3A_166 = arith.select %eq3A_163, %broadcast_in_dim3A_165, %select_n3A_155 : vector<256x2048xi1>, vector<256x2048xi32>
    %reduce_min3A_167 = arith.constant dense<2147483647> : vector<256xi32>
    %reduce_min3A_168 = vector.multi_reduction <minsi>, %select_n3A_166, %reduce_min3A_167 [1] : vector<256x2048xi32> to vector<256xi32>
    %broadcast_in_dim3A_169 = vector.shape_cast %reduce_min3A_168 : vector<256xi32> to vector<256x1xi32>
    %and3A_170 = arith.constant 2047 : i32
    %and3A_171 = vector.broadcast %and3A_170 : i32 to vector<256x1xi32>
    %and3A_172 = arith.andi %broadcast_in_dim3A_169, %and3A_171 : vector<256x1xi32>
    %eq3A_173 = vector.broadcast %broadcast_in_dim3A_169 : vector<256x1xi32> to vector<256x2048xi32>
    %eq3A_174 = arith.cmpi eq, %select_n3A_166, %eq3A_173 : vector<256x2048xi32>
    %jit3A_175 = arith.constant 2147483647 : i32
    %broadcast_in_dim3A_176 = vector.broadcast %jit3A_175 : i32 to vector<256x2048xi32>
    %select_n3A_177 = arith.select %eq3A_174, %broadcast_in_dim3A_176, %select_n3A_166 : vector<256x2048xi1>, vector<256x2048xi32>
    %reduce_min3A_178 = arith.constant dense<2147483647> : vector<256xi32>
    %reduce_min3A_179 = vector.multi_reduction <minsi>, %select_n3A_177, %reduce_min3A_178 [1] : vector<256x2048xi32> to vector<256xi32>
    %broadcast_in_dim3A_180 = vector.shape_cast %reduce_min3A_179 : vector<256xi32> to vector<256x1xi32>
    %and3A_181 = arith.constant 2047 : i32
    %and3A_182 = vector.broadcast %and3A_181 : i32 to vector<256x1xi32>
    %and3A_183 = arith.andi %broadcast_in_dim3A_180, %and3A_182 : vector<256x1xi32>
    %eq3A_184 = vector.broadcast %broadcast_in_dim3A_180 : vector<256x1xi32> to vector<256x2048xi32>
    %eq3A_185 = arith.cmpi eq, %select_n3A_177, %eq3A_184 : vector<256x2048xi32>
    %jit3A_186 = arith.constant 2147483647 : i32
    %broadcast_in_dim3A_187 = vector.broadcast %jit3A_186 : i32 to vector<256x2048xi32>
    %select_n3A_188 = arith.select %eq3A_185, %broadcast_in_dim3A_187, %select_n3A_177 : vector<256x2048xi1>, vector<256x2048xi32>
    %reduce_min3A_189 = arith.constant dense<2147483647> : vector<256xi32>
    %reduce_min3A_190 = vector.multi_reduction <minsi>, %select_n3A_188, %reduce_min3A_189 [1] : vector<256x2048xi32> to vector<256xi32>
    %broadcast_in_dim3A_191 = vector.shape_cast %reduce_min3A_190 : vector<256xi32> to vector<256x1xi32>
    %and3A_192 = arith.constant 2047 : i32
    %and3A_193 = vector.broadcast %and3A_192 : i32 to vector<256x1xi32>
    %and3A_194 = arith.andi %broadcast_in_dim3A_191, %and3A_193 : vector<256x1xi32>
    %eq3A_195 = vector.broadcast %broadcast_in_dim3A_191 : vector<256x1xi32> to vector<256x2048xi32>
    %eq3A_196 = arith.cmpi eq, %select_n3A_188, %eq3A_195 : vector<256x2048xi32>
    %jit3A_197 = arith.constant 2147483647 : i32
    %broadcast_in_dim3A_198 = vector.broadcast %jit3A_197 : i32 to vector<256x2048xi32>
    %select_n3A_199 = arith.select %eq3A_196, %broadcast_in_dim3A_198, %select_n3A_188 : vector<256x2048xi1>, vector<256x2048xi32>
    %reduce_min3A_200 = arith.constant dense<2147483647> : vector<256xi32>
    %reduce_min3A_201 = vector.multi_reduction <minsi>, %select_n3A_199, %reduce_min3A_200 [1] : vector<256x2048xi32> to vector<256xi32>
    %broadcast_in_dim3A_202 = vector.shape_cast %reduce_min3A_201 : vector<256xi32> to vector<256x1xi32>
    %and3A_203 = arith.constant 2047 : i32
    %and3A_204 = vector.broadcast %and3A_203 : i32 to vector<256x1xi32>
    %and3A_205 = arith.andi %broadcast_in_dim3A_202, %and3A_204 : vector<256x1xi32>
    %eq3A_206 = vector.broadcast %broadcast_in_dim3A_202 : vector<256x1xi32> to vector<256x2048xi32>
    %eq3A_207 = arith.cmpi eq, %select_n3A_199, %eq3A_206 : vector<256x2048xi32>
    %jit3A_208 = arith.constant 2147483647 : i32
    %broadcast_in_dim3A_209 = vector.broadcast %jit3A_208 : i32 to vector<256x2048xi32>
    %select_n3A_210 = arith.select %eq3A_207, %broadcast_in_dim3A_209, %select_n3A_199 : vector<256x2048xi1>, vector<256x2048xi32>
    %reduce_min3A_211 = arith.constant dense<2147483647> : vector<256xi32>
    %reduce_min3A_212 = vector.multi_reduction <minsi>, %select_n3A_210, %reduce_min3A_211 [1] : vector<256x2048xi32> to vector<256xi32>
    %broadcast_in_dim3A_213 = vector.shape_cast %reduce_min3A_212 : vector<256xi32> to vector<256x1xi32>
    %and3A_214 = arith.constant 2047 : i32
    %and3A_215 = vector.broadcast %and3A_214 : i32 to vector<256x1xi32>
    %and3A_216 = arith.andi %broadcast_in_dim3A_213, %and3A_215 : vector<256x1xi32>
    %eq3A_217 = vector.broadcast %broadcast_in_dim3A_213 : vector<256x1xi32> to vector<256x2048xi32>
    %eq3A_218 = arith.cmpi eq, %select_n3A_210, %eq3A_217 : vector<256x2048xi32>
    %jit3A_219 = arith.constant 2147483647 : i32
    %broadcast_in_dim3A_220 = vector.broadcast %jit3A_219 : i32 to vector<256x2048xi32>
    %select_n3A_221 = arith.select %eq3A_218, %broadcast_in_dim3A_220, %select_n3A_210 : vector<256x2048xi1>, vector<256x2048xi32>
    %reduce_min3A_222 = arith.constant dense<2147483647> : vector<256xi32>
    %reduce_min3A_223 = vector.multi_reduction <minsi>, %select_n3A_221, %reduce_min3A_222 [1] : vector<256x2048xi32> to vector<256xi32>
    %broadcast_in_dim3A_224 = vector.shape_cast %reduce_min3A_223 : vector<256xi32> to vector<256x1xi32>
    %and3A_225 = arith.constant 2047 : i32
    %and3A_226 = vector.broadcast %and3A_225 : i32 to vector<256x1xi32>
    %and3A_227 = arith.andi %broadcast_in_dim3A_224, %and3A_226 : vector<256x1xi32>
    %eq3A_228 = vector.broadcast %broadcast_in_dim3A_224 : vector<256x1xi32> to vector<256x2048xi32>
    %eq3A_229 = arith.cmpi eq, %select_n3A_221, %eq3A_228 : vector<256x2048xi32>
    %jit3A_230 = arith.constant 2147483647 : i32
    %broadcast_in_dim3A_231 = vector.broadcast %jit3A_230 : i32 to vector<256x2048xi32>
    %select_n3A_232 = arith.select %eq3A_229, %broadcast_in_dim3A_231, %select_n3A_221 : vector<256x2048xi1>, vector<256x2048xi32>
    %reduce_min3A_233 = arith.constant dense<2147483647> : vector<256xi32>
    %reduce_min3A_234 = vector.multi_reduction <minsi>, %select_n3A_232, %reduce_min3A_233 [1] : vector<256x2048xi32> to vector<256xi32>
    %broadcast_in_dim3A_235 = vector.shape_cast %reduce_min3A_234 : vector<256xi32> to vector<256x1xi32>
    %and3A_236 = arith.constant 2047 : i32
    %and3A_237 = vector.broadcast %and3A_236 : i32 to vector<256x1xi32>
    %and3A_238 = arith.andi %broadcast_in_dim3A_235, %and3A_237 : vector<256x1xi32>
    %eq3A_239 = vector.broadcast %broadcast_in_dim3A_235 : vector<256x1xi32> to vector<256x2048xi32>
    %eq3A_240 = arith.cmpi eq, %select_n3A_232, %eq3A_239 : vector<256x2048xi32>
    %jit3A_241 = arith.constant 2147483647 : i32
    %broadcast_in_dim3A_242 = vector.broadcast %jit3A_241 : i32 to vector<256x2048xi32>
    %select_n3A_243 = arith.select %eq3A_240, %broadcast_in_dim3A_242, %select_n3A_232 : vector<256x2048xi1>, vector<256x2048xi32>
    %reduce_min3A_244 = arith.constant dense<2147483647> : vector<256xi32>
    %reduce_min3A_245 = vector.multi_reduction <minsi>, %select_n3A_243, %reduce_min3A_244 [1] : vector<256x2048xi32> to vector<256xi32>
    %broadcast_in_dim3A_246 = vector.shape_cast %reduce_min3A_245 : vector<256xi32> to vector<256x1xi32>
    %and3A_247 = arith.constant 2047 : i32
    %and3A_248 = vector.broadcast %and3A_247 : i32 to vector<256x1xi32>
    %and3A_249 = arith.andi %broadcast_in_dim3A_246, %and3A_248 : vector<256x1xi32>
    %eq3A_250 = vector.broadcast %broadcast_in_dim3A_246 : vector<256x1xi32> to vector<256x2048xi32>
    %eq3A_251 = arith.cmpi eq, %select_n3A_243, %eq3A_250 : vector<256x2048xi32>
    %jit3A_252 = arith.constant 2147483647 : i32
    %broadcast_in_dim3A_253 = vector.broadcast %jit3A_252 : i32 to vector<256x2048xi32>
    %select_n3A_254 = arith.select %eq3A_251, %broadcast_in_dim3A_253, %select_n3A_243 : vector<256x2048xi1>, vector<256x2048xi32>
    %reduce_min3A_255 = arith.constant dense<2147483647> : vector<256xi32>
    %reduce_min3A_256 = vector.multi_reduction <minsi>, %select_n3A_254, %reduce_min3A_255 [1] : vector<256x2048xi32> to vector<256xi32>
    %broadcast_in_dim3A_257 = vector.shape_cast %reduce_min3A_256 : vector<256xi32> to vector<256x1xi32>
    %and3A_258 = arith.constant 2047 : i32
    %and3A_259 = vector.broadcast %and3A_258 : i32 to vector<256x1xi32>
    %and3A_260 = arith.andi %broadcast_in_dim3A_257, %and3A_259 : vector<256x1xi32>
    %eq3A_261 = vector.broadcast %broadcast_in_dim3A_257 : vector<256x1xi32> to vector<256x2048xi32>
    %eq3A_262 = arith.cmpi eq, %select_n3A_254, %eq3A_261 : vector<256x2048xi32>
    %jit3A_263 = arith.constant 2147483647 : i32
    %broadcast_in_dim3A_264 = vector.broadcast %jit3A_263 : i32 to vector<256x2048xi32>
    %select_n3A_265 = arith.select %eq3A_262, %broadcast_in_dim3A_264, %select_n3A_254 : vector<256x2048xi1>, vector<256x2048xi32>
    %reduce_min3A_266 = arith.constant dense<2147483647> : vector<256xi32>
    %reduce_min3A_267 = vector.multi_reduction <minsi>, %select_n3A_265, %reduce_min3A_266 [1] : vector<256x2048xi32> to vector<256xi32>
    %broadcast_in_dim3A_268 = vector.shape_cast %reduce_min3A_267 : vector<256xi32> to vector<256x1xi32>
    %and3A_269 = arith.constant 2047 : i32
    %and3A_270 = vector.broadcast %and3A_269 : i32 to vector<256x1xi32>
    %and3A_271 = arith.andi %broadcast_in_dim3A_268, %and3A_270 : vector<256x1xi32>
    %eq3A_272 = vector.broadcast %broadcast_in_dim3A_268 : vector<256x1xi32> to vector<256x2048xi32>
    %eq3A_273 = arith.cmpi eq, %select_n3A_265, %eq3A_272 : vector<256x2048xi32>
    %jit3A_274 = arith.constant 2147483647 : i32
    %broadcast_in_dim3A_275 = vector.broadcast %jit3A_274 : i32 to vector<256x2048xi32>
    %select_n3A_276 = arith.select %eq3A_273, %broadcast_in_dim3A_275, %select_n3A_265 : vector<256x2048xi1>, vector<256x2048xi32>
    %reduce_min3A_277 = arith.constant dense<2147483647> : vector<256xi32>
    %reduce_min3A_278 = vector.multi_reduction <minsi>, %select_n3A_276, %reduce_min3A_277 [1] : vector<256x2048xi32> to vector<256xi32>
    %broadcast_in_dim3A_279 = vector.shape_cast %reduce_min3A_278 : vector<256xi32> to vector<256x1xi32>
    %and3A_280 = arith.constant 2047 : i32
    %and3A_281 = vector.broadcast %and3A_280 : i32 to vector<256x1xi32>
    %and3A_282 = arith.andi %broadcast_in_dim3A_279, %and3A_281 : vector<256x1xi32>
    %eq3A_283 = vector.broadcast %broadcast_in_dim3A_279 : vector<256x1xi32> to vector<256x2048xi32>
    %eq3A_284 = arith.cmpi eq, %select_n3A_276, %eq3A_283 : vector<256x2048xi32>
    %jit3A_285 = arith.constant 2147483647 : i32
    %broadcast_in_dim3A_286 = vector.broadcast %jit3A_285 : i32 to vector<256x2048xi32>
    %select_n3A_287 = arith.select %eq3A_284, %broadcast_in_dim3A_286, %select_n3A_276 : vector<256x2048xi1>, vector<256x2048xi32>
    %reduce_min3A_288 = arith.constant dense<2147483647> : vector<256xi32>
    %reduce_min3A_289 = vector.multi_reduction <minsi>, %select_n3A_287, %reduce_min3A_288 [1] : vector<256x2048xi32> to vector<256xi32>
    %broadcast_in_dim3A_290 = vector.shape_cast %reduce_min3A_289 : vector<256xi32> to vector<256x1xi32>
    %and3A_291 = arith.constant 2047 : i32
    %and3A_292 = vector.broadcast %and3A_291 : i32 to vector<256x1xi32>
    %and3A_293 = arith.andi %broadcast_in_dim3A_290, %and3A_292 : vector<256x1xi32>
    %eq3A_294 = vector.broadcast %broadcast_in_dim3A_290 : vector<256x1xi32> to vector<256x2048xi32>
    %eq3A_295 = arith.cmpi eq, %select_n3A_287, %eq3A_294 : vector<256x2048xi32>
    %jit3A_296 = arith.constant 2147483647 : i32
    %broadcast_in_dim3A_297 = vector.broadcast %jit3A_296 : i32 to vector<256x2048xi32>
    %select_n3A_298 = arith.select %eq3A_295, %broadcast_in_dim3A_297, %select_n3A_287 : vector<256x2048xi1>, vector<256x2048xi32>
    %reduce_min3A_299 = arith.constant dense<2147483647> : vector<256xi32>
    %reduce_min3A_300 = vector.multi_reduction <minsi>, %select_n3A_298, %reduce_min3A_299 [1] : vector<256x2048xi32> to vector<256xi32>
    %broadcast_in_dim3A_301 = vector.shape_cast %reduce_min3A_300 : vector<256xi32> to vector<256x1xi32>
    %and3A_302 = arith.constant 2047 : i32
    %and3A_303 = vector.broadcast %and3A_302 : i32 to vector<256x1xi32>
    %and3A_304 = arith.andi %broadcast_in_dim3A_301, %and3A_303 : vector<256x1xi32>
    %eq3A_305 = vector.broadcast %broadcast_in_dim3A_301 : vector<256x1xi32> to vector<256x2048xi32>
    %eq3A_306 = arith.cmpi eq, %select_n3A_298, %eq3A_305 : vector<256x2048xi32>
    %jit3A_307 = arith.constant 2147483647 : i32
    %broadcast_in_dim3A_308 = vector.broadcast %jit3A_307 : i32 to vector<256x2048xi32>
    %select_n3A_309 = arith.select %eq3A_306, %broadcast_in_dim3A_308, %select_n3A_298 : vector<256x2048xi1>, vector<256x2048xi32>
    %reduce_min3A_310 = arith.constant dense<2147483647> : vector<256xi32>
    %reduce_min3A_311 = vector.multi_reduction <minsi>, %select_n3A_309, %reduce_min3A_310 [1] : vector<256x2048xi32> to vector<256xi32>
    %broadcast_in_dim3A_312 = vector.shape_cast %reduce_min3A_311 : vector<256xi32> to vector<256x1xi32>
    %and3A_313 = arith.constant 2047 : i32
    %and3A_314 = vector.broadcast %and3A_313 : i32 to vector<256x1xi32>
    %and3A_315 = arith.andi %broadcast_in_dim3A_312, %and3A_314 : vector<256x1xi32>
    %eq3A_316 = vector.broadcast %broadcast_in_dim3A_312 : vector<256x1xi32> to vector<256x2048xi32>
    %eq3A_317 = arith.cmpi eq, %select_n3A_309, %eq3A_316 : vector<256x2048xi32>
    %jit3A_318 = arith.constant 2147483647 : i32
    %broadcast_in_dim3A_319 = vector.broadcast %jit3A_318 : i32 to vector<256x2048xi32>
    %select_n3A_320 = arith.select %eq3A_317, %broadcast_in_dim3A_319, %select_n3A_309 : vector<256x2048xi1>, vector<256x2048xi32>
    %reduce_min3A_321 = arith.constant dense<2147483647> : vector<256xi32>
    %reduce_min3A_322 = vector.multi_reduction <minsi>, %select_n3A_320, %reduce_min3A_321 [1] : vector<256x2048xi32> to vector<256xi32>
    %broadcast_in_dim3A_323 = vector.shape_cast %reduce_min3A_322 : vector<256xi32> to vector<256x1xi32>
    %and3A_324 = arith.constant 2047 : i32
    %and3A_325 = vector.broadcast %and3A_324 : i32 to vector<256x1xi32>
    %and3A_326 = arith.andi %broadcast_in_dim3A_323, %and3A_325 : vector<256x1xi32>
    %eq3A_327 = vector.broadcast %broadcast_in_dim3A_323 : vector<256x1xi32> to vector<256x2048xi32>
    %eq3A_328 = arith.cmpi eq, %select_n3A_320, %eq3A_327 : vector<256x2048xi32>
    %jit3A_329 = arith.constant 2147483647 : i32
    %broadcast_in_dim3A_330 = vector.broadcast %jit3A_329 : i32 to vector<256x2048xi32>
    %select_n3A_331 = arith.select %eq3A_328, %broadcast_in_dim3A_330, %select_n3A_320 : vector<256x2048xi1>, vector<256x2048xi32>
    %reduce_min3A_332 = arith.constant dense<2147483647> : vector<256xi32>
    %reduce_min3A_333 = vector.multi_reduction <minsi>, %select_n3A_331, %reduce_min3A_332 [1] : vector<256x2048xi32> to vector<256xi32>
    %broadcast_in_dim3A_334 = vector.shape_cast %reduce_min3A_333 : vector<256xi32> to vector<256x1xi32>
    %and3A_335 = arith.constant 2047 : i32
    %and3A_336 = vector.broadcast %and3A_335 : i32 to vector<256x1xi32>
    %and3A_337 = arith.andi %broadcast_in_dim3A_334, %and3A_336 : vector<256x1xi32>
    %eq3A_338 = vector.broadcast %broadcast_in_dim3A_334 : vector<256x1xi32> to vector<256x2048xi32>
    %eq3A_339 = arith.cmpi eq, %select_n3A_331, %eq3A_338 : vector<256x2048xi32>
    %jit3A_340 = arith.constant 2147483647 : i32
    %broadcast_in_dim3A_341 = vector.broadcast %jit3A_340 : i32 to vector<256x2048xi32>
    %select_n3A_342 = arith.select %eq3A_339, %broadcast_in_dim3A_341, %select_n3A_331 : vector<256x2048xi1>, vector<256x2048xi32>
    %reduce_min3A_343 = arith.constant dense<2147483647> : vector<256xi32>
    %reduce_min3A_344 = vector.multi_reduction <minsi>, %select_n3A_342, %reduce_min3A_343 [1] : vector<256x2048xi32> to vector<256xi32>
    %broadcast_in_dim3A_345 = vector.shape_cast %reduce_min3A_344 : vector<256xi32> to vector<256x1xi32>
    %and3A_346 = arith.constant 2047 : i32
    %and3A_347 = vector.broadcast %and3A_346 : i32 to vector<256x1xi32>
    %and3A_348 = arith.andi %broadcast_in_dim3A_345, %and3A_347 : vector<256x1xi32>
    %broadcast_in_dim3A_349 = arith.constant 0 : i32
    %broadcast_in_dim3A_350 = vector.broadcast %broadcast_in_dim3A_349 : i32 to vector<256x2xi32>
    %concatenate3A = tpu.concatenate %and3A_32, %and3A_40, %and3A_51, %and3A_62, %and3A_73, %and3A_84, %and3A_95, %and3A_106, %and3A_117, %and3A_128, %and3A_139, %and3A_150, %and3A_161, %and3A_172, %and3A_183, %and3A_194, %and3A_205, %and3A_216, %and3A_227, %and3A_238, %and3A_249, %and3A_260, %and3A_271, %and3A_282, %and3A_293, %and3A_304, %and3A_315, %and3A_326, %and3A_337, %and3A_348, %broadcast_in_dim3A_350 in 1 : vector<256x1xi32>, vector<256x1xi32>, vector<256x1xi32>, vector<256x1xi32>, vector<256x1xi32>, vector<256x1xi32>, vector<256x1xi32>, vector<256x1xi32>, vector<256x1xi32>, vector<256x1xi32>, vector<256x1xi32>, vector<256x1xi32>, vector<256x1xi32>, vector<256x1xi32>, vector<256x1xi32>, vector<256x1xi32>, vector<256x1xi32>, vector<256x1xi32>, vector<256x1xi32>, vector<256x1xi32>, vector<256x1xi32>, vector<256x1xi32>, vector<256x1xi32>, vector<256x1xi32>, vector<256x1xi32>, vector<256x1xi32>, vector<256x1xi32>, vector<256x1xi32>, vector<256x1xi32>, vector<256x1xi32>, vector<256x2xi32> -> vector<256x32xi32>
    %swap3A = arith.constant 0 : index
    %swap3A_351 = arith.constant 0 : index
    %swap3A_352 = vector.load %arg7[%swap3A, %swap3A_351] : memref<256x32xi32, #tpu.memory_space<vmem>>, vector<256x32xi32>
    tpu.vector_store %arg7[%swap3A, %swap3A_351], %concatenate3A {strides = array<i32>} : memref<256x32xi32, #tpu.memory_space<vmem>>, vector<256x32xi32>,
    %get3A_353 = arith.constant 0 : index
    %get3A_354 = arith.constant 0 : index
    %get3A_355 = vector.load %arg1[%get3A_353, %get3A_354] : memref<1x1xf32, #tpu.memory_space<vmem>>, vector<1x1xf32>
    %get3A_356 = vector.extract %get3A_355[0, 0] : f32 from vector<1x1xf32>
    %mul3A_357 = arith.constant 6.28318548 : f32
    %mul3A_358 = arith.mulf %mul3A_357, %get3A_356 : f32
    %get3A_359 = arith.constant 0 : index
    %get3A_360 = arith.constant 0 : index
    %get3A_361 = vector.load %arg2[%get3A_359, %get3A_360] : memref<1x64xf32, #tpu.memory_space<vmem>>, vector<1x64xf32>
    %mul3A_362 = vector.broadcast %mul3A_358 : f32 to vector<1x64xf32>
    %mul3A_363 = arith.mulf %mul3A_362, %get3A_361 : vector<1x64xf32>
    %cos3A = math.cos %mul3A_363 : vector<1x64xf32>
    %sin3A = math.sin %mul3A_363 : vector<1x64xf32>
    %concatenate3A_364 = tpu.concatenate %cos3A, %sin3A in 1 : vector<1x64xf32>, vector<1x64xf32> -> vector<1x128xf32>
    %get3A_365 = arith.constant 0 : index
    %get3A_366 = arith.constant 0 : index
    %get3A_367 = vector.load %arg5[%get3A_365, %get3A_366] : memref<256x20xf32, #tpu.memory_space<vmem>>, vector<256x20xf32>
    %get3A_368 = arith.constant 0 : index
    %get3A_369 = arith.constant 0 : index
    %get3A_370 = vector.load %arg6[%get3A_368, %get3A_369] : memref<20x128xf32, #tpu.memory_space<vmem>>, vector<20x128xf32>
    %dot_general3A = arith.constant dense<0.000000e+00> : vector<256x128xf32>
    %dot_general3A_371 = tpu.matmul %get3A_367, %get3A_370, %dot_general3A {dimension_numbers = #tpu.dot_dimension_numbers<[1], [0], [0], [1], [0, 0, 1, 1], [], []>, transpose_lhs_hint = false} : vector<256x20xf32>, vector<20x128xf32>, vector<256x128xf32> -> vector<256x128xf32>
    %add3A_372 = vector.broadcast %concatenate3A_364 : vector<1x128xf32> to vector<256x128xf32>
    %add3A_373 = arith.addf %add3A_372, %dot_general3A_371 : vector<256x128xf32>
    %swap3A_374 = arith.constant 0 : index
    %swap3A_375 = arith.constant 0 : index
    %swap3A_376 = vector.load %arg8[%swap3A_374, %swap3A_375] : memref<256x128xf32, #tpu.memory_space<vmem>>, vector<256x128xf32>
    tpu.vector_store %arg8[%swap3A_374, %swap3A_375], %add3A_373 {strides = array<i32>} : memref<256x128xf32, #tpu.memory_space<vmem>>, vector<256x128xf32>,
    return
  }
  func.func @transform_0(%arg0: i32) -> (i32, i32) {
    %c0_i32 = arith.constant 0 : i32
    %c0_i32_0 = arith.constant 0 : i32
    %c0_i32_1 = arith.constant 0 : i32
    return %c0_i32, %c0_i32_0 : i32, i32
  }
  func.func @transform_1(%arg0: i32) -> (i32, i32) {
    %c0_i32 = arith.constant 0 : i32
    %c0_i32_0 = arith.constant 0 : i32
    %c0_i32_1 = arith.constant 0 : i32
    return %c0_i32, %c0_i32_0 : i32, i32
  }
  func.func @transform_2(%arg0: i32) -> (i32, i32) {
    %c0_i32 = arith.constant 0 : i32
    %c0_i32_0 = arith.constant 0 : i32
    %c0_i32_1 = arith.constant 0 : i32
    return %c0_i32, %c0_i32_0 : i32, i32
  }
  func.func @transform_3(%arg0: i32) -> (i32, i32) {
    %c0_i32 = arith.constant 0 : i32
    %c0_i32_0 = arith.constant 0 : i32
    return %arg0, %c0_i32 : i32, i32
  }
  func.func @transform_4(%arg0: i32) -> (i32, i32) {
    %c0_i32 = arith.constant 0 : i32
    %c0_i32_0 = arith.constant 0 : i32
    return %arg0, %c0_i32 : i32, i32
  }
  func.func @transform_5(%arg0: i32) -> (i32, i32) {
    %c0_i32 = arith.constant 0 : i32
    %c0_i32_0 = arith.constant 0 : i32
    %c0_i32_1 = arith.constant 0 : i32
    return %c0_i32, %c0_i32_0 : i32, i32
  }
  func.func @transform_6(%arg0: i32) -> (i32, i32) {
    %c0_i32 = arith.constant 0 : i32
    %c0_i32_0 = arith.constant 0 : i32
    return %arg0, %c0_i32 : i32, i32
  }
  func.func @transform_7(%arg0: i32) -> (i32, i32) {
    %c0_i32 = arith.constant 0 : i32
    %c0_i32_0 = arith.constant 0 : i32
    return %arg0, %c0_i32 : i32, i32
  }
}

module attributes {stable_mosaic.version = 14 : i64} {
  func.func @_edge_body(%arg0: i32, %arg1: memref<256x48xf32, #tpu.memory_space<vmem>>, %arg2: memref<8192x128xf32, #tpu.memory_space<vmem>>, %arg3: memref<16x64xf32, #tpu.memory_space<vmem>>, %arg4: memref<8192x128xf32, #tpu.memory_space<vmem>>) attributes {dimension_semantics = [#tpu.dimension_semantics<arbitrary>], iteration_bounds = array<i64: 8>, scalar_prefetch = 0 : i64, scratch_operands = 0 : i64, tpu.core_type = #tpu.core_type<tc>, window_params = [{transform_indices = @transform_0, window_bounds = array<i64: 256, 48>}, {transform_indices = @transform_1, window_bounds = array<i64: 8192, 128>}, {pipeline_mode = #tpu.pipeline_mode<synchronous>, transform_indices = @transform_2, window_bounds = array<i64: 16, 64>}, {transform_indices = @transform_3, window_bounds = array<i64: 8192, 128>}]} {
    %get3A = arith.constant 0 : index
    %get3A_0 = arith.constant 0 : index
    %get3A_1 = vector.load %arg1[%get3A, %get3A_0] : memref<256x48xf32, #tpu.memory_space<vmem>>, vector<256x48xf32>
    %get3A_2 = arith.constant 0 : index
    %get3A_3 = arith.constant 0 : index
    %get3A_4 = vector.load %arg2[%get3A_2, %get3A_3] : memref<8192x128xf32, #tpu.memory_space<vmem>>, vector<8192x128xf32>
    %reshape3A = vector.shape_cast %get3A_4 : vector<8192x128xf32> to vector<256x32x128xf32>
    %slice3A = vector.extract_strided_slice %get3A_1 {offsets = [0, 0], sizes = [256, 16], strides = [1, 1]} : vector<256x48xf32> to vector<256x16xf32>
    %broadcast_in_dim3A = vector.shape_cast %slice3A : vector<256x16xf32> to vector<256x1x16xf32>
    %slice3A_5 = vector.extract_strided_slice %reshape3A {offsets = [0, 0, 0], sizes = [256, 32, 16], strides = [1, 1, 1]} : vector<256x32x128xf32> to vector<256x32x16xf32>
    %sub3A = vector.broadcast %broadcast_in_dim3A : vector<256x1x16xf32> to vector<256x32x16xf32>
    %sub3A_6 = arith.subf %sub3A, %slice3A_5 : vector<256x32x16xf32>
    %slice3A_7 = vector.extract_strided_slice %get3A_1 {offsets = [0, 16], sizes = [256, 16], strides = [1, 1]} : vector<256x48xf32> to vector<256x16xf32>
    %broadcast_in_dim3A_8 = vector.shape_cast %slice3A_7 : vector<256x16xf32> to vector<256x1x16xf32>
    %slice3A_9 = vector.extract_strided_slice %reshape3A {offsets = [0, 0, 16], sizes = [256, 32, 16], strides = [1, 1, 1]} : vector<256x32x128xf32> to vector<256x32x16xf32>
    %sub3A_10 = vector.broadcast %broadcast_in_dim3A_8 : vector<256x1x16xf32> to vector<256x32x16xf32>
    %sub3A_11 = arith.subf %sub3A_10, %slice3A_9 : vector<256x32x16xf32>
    %slice3A_12 = vector.extract_strided_slice %get3A_1 {offsets = [0, 32], sizes = [256, 16], strides = [1, 1]} : vector<256x48xf32> to vector<256x16xf32>
    %broadcast_in_dim3A_13 = vector.shape_cast %slice3A_12 : vector<256x16xf32> to vector<256x1x16xf32>
    %slice3A_14 = vector.extract_strided_slice %reshape3A {offsets = [0, 0, 32], sizes = [256, 32, 16], strides = [1, 1, 1]} : vector<256x32x128xf32> to vector<256x32x16xf32>
    %sub3A_15 = vector.broadcast %broadcast_in_dim3A_13 : vector<256x1x16xf32> to vector<256x32x16xf32>
    %sub3A_16 = arith.subf %sub3A_15, %slice3A_14 : vector<256x32x16xf32>
    %mul3A = arith.mulf %sub3A_6, %sub3A_6 : vector<256x32x16xf32>
    %mul3A_17 = arith.mulf %sub3A_11, %sub3A_11 : vector<256x32x16xf32>
    %add3A = arith.addf %mul3A, %mul3A_17 : vector<256x32x16xf32>
    %mul3A_18 = arith.mulf %sub3A_16, %sub3A_16 : vector<256x32x16xf32>
    %add3A_19 = arith.addf %add3A, %mul3A_18 : vector<256x32x16xf32>
    %add3A_20 = arith.constant 9.99999993E-9 : f32
    %add3A_21 = vector.broadcast %add3A_20 : f32 to vector<256x32x16xf32>
    %add3A_22 = arith.addf %add3A_19, %add3A_21 : vector<256x32x16xf32>
    %sqrt3A = math.sqrt %add3A_22 : vector<256x32x16xf32>
    %reshape3A_23 = vector.shape_cast %sqrt3A : vector<256x32x16xf32> to vector<8192x16xf32>
    %mul3A_24 = arith.constant 6.28318548 : f32
    %mul3A_25 = vector.broadcast %mul3A_24 : f32 to vector<8192x16xf32>
    %mul3A_26 = arith.mulf %mul3A_25, %reshape3A_23 : vector<8192x16xf32>
    %get3A_27 = arith.constant 0 : index
    %get3A_28 = arith.constant 0 : index
    %get3A_29 = vector.load %arg3[%get3A_27, %get3A_28] : memref<16x64xf32, #tpu.memory_space<vmem>>, vector<16x64xf32>
    %dot_general3A = arith.constant dense<0.000000e+00> : vector<8192x64xf32>
    %dot_general3A_30 = tpu.matmul %mul3A_26, %get3A_29, %dot_general3A {dimension_numbers = #tpu.dot_dimension_numbers<[1], [0], [0], [1], [0, 0, 1, 1], [], []>, transpose_lhs_hint = false} : vector<8192x16xf32>, vector<16x64xf32>, vector<8192x64xf32> -> vector<8192x64xf32>
    %mul3A_31 = arith.constant 0.159154937 : f32
    %mul3A_32 = vector.broadcast %mul3A_31 : f32 to vector<8192x64xf32>
    %mul3A_33 = arith.mulf %dot_general3A_30, %mul3A_32 : vector<8192x64xf32>
    %add3A_34 = arith.constant 5.000000e-01 : f32
    %add3A_35 = vector.broadcast %add3A_34 : f32 to vector<8192x64xf32>
    %add3A_36 = arith.addf %mul3A_33, %add3A_35 : vector<8192x64xf32>
    %floor3A = math.floor %add3A_36 : vector<8192x64xf32>
    %mul3A_37 = arith.constant 6.281250e+00 : f32
    %mul3A_38 = vector.broadcast %mul3A_37 : f32 to vector<8192x64xf32>
    %mul3A_39 = arith.mulf %floor3A, %mul3A_38 : vector<8192x64xf32>
    %sub3A_40 = arith.subf %dot_general3A_30, %mul3A_39 : vector<8192x64xf32>
    %mul3A_41 = arith.constant 0.00193530717 : f32
    %mul3A_42 = vector.broadcast %mul3A_41 : f32 to vector<8192x64xf32>
    %mul3A_43 = arith.mulf %floor3A, %mul3A_42 : vector<8192x64xf32>
    %sub3A_44 = arith.subf %sub3A_40, %mul3A_43 : vector<8192x64xf32>
    %mul3A_45 = arith.mulf %sub3A_44, %sub3A_44 : vector<8192x64xf32>
    %mul3A_46 = arith.constant -2.21321244E-7 : f32
    %mul3A_47 = vector.broadcast %mul3A_46 : f32 to vector<8192x64xf32>
    %mul3A_48 = arith.mulf %mul3A_47, %mul3A_45 : vector<8192x64xf32>
    %add3A_49 = arith.constant 2.42400329E-5 : f32
    %add3A_50 = vector.broadcast %add3A_49 : f32 to vector<8192x64xf32>
    %add3A_51 = arith.addf %mul3A_48, %add3A_50 : vector<8192x64xf32>
    %mul3A_52 = arith.constant -2.04815898E-8 : f32
    %mul3A_53 = vector.broadcast %mul3A_52 : f32 to vector<8192x64xf32>
    %mul3A_54 = arith.mulf %mul3A_53, %mul3A_45 : vector<8192x64xf32>
    %add3A_55 = arith.constant 2.70280043E-6 : f32
    %add3A_56 = vector.broadcast %add3A_55 : f32 to vector<8192x64xf32>
    %add3A_57 = arith.addf %mul3A_54, %add3A_56 : vector<8192x64xf32>
    %mul3A_58 = arith.mulf %add3A_51, %mul3A_45 : vector<8192x64xf32>
    %add3A_59 = arith.constant -0.00138617842 : f32
    %add3A_60 = vector.broadcast %add3A_59 : f32 to vector<8192x64xf32>
    %add3A_61 = arith.addf %mul3A_58, %add3A_60 : vector<8192x64xf32>
    %mul3A_62 = arith.mulf %add3A_57, %mul3A_45 : vector<8192x64xf32>
    %add3A_63 = arith.constant -1.981151E-4 : f32
    %add3A_64 = vector.broadcast %add3A_63 : f32 to vector<8192x64xf32>
    %add3A_65 = arith.addf %mul3A_62, %add3A_64 : vector<8192x64xf32>
    %mul3A_66 = arith.mulf %add3A_61, %mul3A_45 : vector<8192x64xf32>
    %add3A_67 = arith.constant 0.0416607521 : f32
    %add3A_68 = vector.broadcast %add3A_67 : f32 to vector<8192x64xf32>
    %add3A_69 = arith.addf %mul3A_66, %add3A_68 : vector<8192x64xf32>
    %mul3A_70 = arith.mulf %add3A_65, %mul3A_45 : vector<8192x64xf32>
    %add3A_71 = arith.constant 0.00833251886 : f32
    %add3A_72 = vector.broadcast %add3A_71 : f32 to vector<8192x64xf32>
    %add3A_73 = arith.addf %mul3A_70, %add3A_72 : vector<8192x64xf32>
    %mul3A_74 = arith.mulf %add3A_69, %mul3A_45 : vector<8192x64xf32>
    %add3A_75 = arith.constant -0.499995291 : f32
    %add3A_76 = vector.broadcast %add3A_75 : f32 to vector<8192x64xf32>
    %add3A_77 = arith.addf %mul3A_74, %add3A_76 : vector<8192x64xf32>
    %mul3A_78 = arith.mulf %add3A_73, %mul3A_45 : vector<8192x64xf32>
    %add3A_79 = arith.constant -0.166665718 : f32
    %add3A_80 = vector.broadcast %add3A_79 : f32 to vector<8192x64xf32>
    %add3A_81 = arith.addf %mul3A_78, %add3A_80 : vector<8192x64xf32>
    %mul3A_82 = arith.mulf %add3A_77, %mul3A_45 : vector<8192x64xf32>
    %add3A_83 = arith.constant 0.999999403 : f32
    %add3A_84 = vector.broadcast %add3A_83 : f32 to vector<8192x64xf32>
    %add3A_85 = arith.addf %mul3A_82, %add3A_84 : vector<8192x64xf32>
    %mul3A_86 = arith.mulf %add3A_81, %mul3A_45 : vector<8192x64xf32>
    %add3A_87 = arith.constant 0.999999701 : f32
    %add3A_88 = vector.broadcast %add3A_87 : f32 to vector<8192x64xf32>
    %add3A_89 = arith.addf %mul3A_86, %add3A_88 : vector<8192x64xf32>
    %mul3A_90 = arith.mulf %add3A_89, %sub3A_44 : vector<8192x64xf32>
    %concatenate3A = tpu.concatenate %add3A_85, %mul3A_90 in 1 : vector<8192x64xf32>, vector<8192x64xf32> -> vector<8192x128xf32>
    %mul3A_91 = arith.constant 1.250000e-01 : f32
    %mul3A_92 = vector.broadcast %mul3A_91 : f32 to vector<8192x128xf32>
    %mul3A_93 = arith.mulf %concatenate3A, %mul3A_92 : vector<8192x128xf32>
    %swap3A = arith.constant 0 : index
    %swap3A_94 = arith.constant 0 : index
    %swap3A_95 = vector.load %arg4[%swap3A, %swap3A_94] : memref<8192x128xf32, #tpu.memory_space<vmem>>, vector<8192x128xf32>
    tpu.vector_store %arg4[%swap3A, %swap3A_94], %mul3A_93 {strides = array<i32>} : memref<8192x128xf32, #tpu.memory_space<vmem>>, vector<8192x128xf32>,
    return
  }
  func.func @transform_0(%arg0: i32) -> (i32, i32) {
    %c0_i32 = arith.constant 0 : i32
    %c0_i32_0 = arith.constant 0 : i32
    return %arg0, %c0_i32 : i32, i32
  }
  func.func @transform_1(%arg0: i32) -> (i32, i32) {
    %c0_i32 = arith.constant 0 : i32
    %c0_i32_0 = arith.constant 0 : i32
    return %arg0, %c0_i32 : i32, i32
  }
  func.func @transform_2(%arg0: i32) -> (i32, i32) {
    %c0_i32 = arith.constant 0 : i32
    %c0_i32_0 = arith.constant 0 : i32
    %c0_i32_1 = arith.constant 0 : i32
    return %c0_i32, %c0_i32_0 : i32, i32
  }
  func.func @transform_3(%arg0: i32) -> (i32, i32) {
    %c0_i32 = arith.constant 0 : i32
    %c0_i32_0 = arith.constant 0 : i32
    return %arg0, %c0_i32 : i32, i32
  }
}

module attributes {stable_mosaic.version = 14 : i64} {
  func.func @_layer_full_body(%arg0: i32, %arg1: memref<256x128xf32, #tpu.memory_space<vmem>>, %arg2: memref<8192x128xf32, #tpu.memory_space<vmem>>, %arg3: memref<8192x128xf32, #tpu.memory_space<vmem>>, %arg4: memref<256x8192xbf16, #tpu.memory_space<vmem>>, %arg5: memref<128x128xf32, #tpu.memory_space<vmem>>, %arg6: memref<128x128xf32, #tpu.memory_space<vmem>>, %arg7: memref<128x128xf32, #tpu.memory_space<vmem>>, %arg8: memref<1x128xf32, #tpu.memory_space<vmem>>, %arg9: memref<128x128xf32, #tpu.memory_space<vmem>>, %arg10: memref<1x128xf32, #tpu.memory_space<vmem>>, %arg11: memref<128x128xf32, #tpu.memory_space<vmem>>, %arg12: memref<128x128xf32, #tpu.memory_space<vmem>>, %arg13: memref<128x128xf32, #tpu.memory_space<vmem>>, %arg14: memref<1x128xf32, #tpu.memory_space<vmem>>, %arg15: memref<128x128xf32, #tpu.memory_space<vmem>>, %arg16: memref<1x128xf32, #tpu.memory_space<vmem>>, %arg17: memref<256x128xf32, #tpu.memory_space<vmem>>, %arg18: memref<8192x128xf32, #tpu.memory_space<vmem>>) attributes {dimension_semantics = [#tpu.dimension_semantics<arbitrary>], iteration_bounds = array<i64: 8>, scalar_prefetch = 0 : i64, scratch_operands = 0 : i64, tpu.core_type = #tpu.core_type<tc>, window_params = [{transform_indices = @transform_0, window_bounds = array<i64: 256, 128>}, {transform_indices = @transform_1, window_bounds = array<i64: 8192, 128>}, {transform_indices = @transform_2, window_bounds = array<i64: 8192, 128>}, {pipeline_mode = #tpu.pipeline_mode<synchronous>, transform_indices = @transform_3, window_bounds = array<i64: 256, 8192>}, {pipeline_mode = #tpu.pipeline_mode<synchronous>, transform_indices = @transform_4, window_bounds = array<i64: 128, 128>}, {pipeline_mode = #tpu.pipeline_mode<synchronous>, transform_indices = @transform_5, window_bounds = array<i64: 128, 128>}, {pipeline_mode = #tpu.pipeline_mode<synchronous>, transform_indices = @transform_6, window_bounds = array<i64: 128, 128>}, {pipeline_mode = #tpu.pipeline_mode<synchronous>, transform_indices = @transform_7, window_bounds = array<i64: 1, 128>}, {pipeline_mode = #tpu.pipeline_mode<synchronous>, transform_indices = @transform_8, window_bounds = array<i64: 128, 128>}, {pipeline_mode = #tpu.pipeline_mode<synchronous>, transform_indices = @transform_9, window_bounds = array<i64: 1, 128>}, {pipeline_mode = #tpu.pipeline_mode<synchronous>, transform_indices = @transform_10, window_bounds = array<i64: 128, 128>}, {pipeline_mode = #tpu.pipeline_mode<synchronous>, transform_indices = @transform_11, window_bounds = array<i64: 128, 128>}, {pipeline_mode = #tpu.pipeline_mode<synchronous>, transform_indices = @transform_12, window_bounds = array<i64: 128, 128>}, {pipeline_mode = #tpu.pipeline_mode<synchronous>, transform_indices = @transform_13, window_bounds = array<i64: 1, 128>}, {pipeline_mode = #tpu.pipeline_mode<synchronous>, transform_indices = @transform_14, window_bounds = array<i64: 128, 128>}, {pipeline_mode = #tpu.pipeline_mode<synchronous>, transform_indices = @transform_15, window_bounds = array<i64: 1, 128>}, {transform_indices = @transform_16, window_bounds = array<i64: 256, 128>}, {transform_indices = @transform_17, window_bounds = array<i64: 8192, 128>}]} {
    %get3A = arith.constant 0 : index
    %get3A_0 = arith.constant 0 : index
    %get3A_1 = vector.load %arg1[%get3A, %get3A_0] : memref<256x128xf32, #tpu.memory_space<vmem>>, vector<256x128xf32>
    %get3A_2 = arith.constant 0 : index
    %get3A_3 = arith.constant 0 : index
    %get3A_4 = vector.load %arg2[%get3A_2, %get3A_3] : memref<8192x128xf32, #tpu.memory_space<vmem>>, vector<8192x128xf32>
    %get3A_5 = arith.constant 0 : index
    %get3A_6 = arith.constant 0 : index
    %get3A_7 = vector.load %arg3[%get3A_5, %get3A_6] : memref<8192x128xf32, #tpu.memory_space<vmem>>, vector<8192x128xf32>
    %get3A_8 = arith.constant 0 : index
    %get3A_9 = arith.constant 0 : index
    %get3A_10 = vector.load %arg5[%get3A_8, %get3A_9] : memref<128x128xf32, #tpu.memory_space<vmem>>, vector<128x128xf32>
    %dot_general3A = arith.constant dense<0.000000e+00> : vector<256x128xf32>
    %dot_general3A_11 = tpu.matmul %get3A_1, %get3A_10, %dot_general3A {dimension_numbers = #tpu.dot_dimension_numbers<[1], [0], [0], [1], [0, 0, 1, 1], [], []>, transpose_lhs_hint = false} : vector<256x128xf32>, vector<128x128xf32>, vector<256x128xf32> -> vector<256x128xf32>
    %get3A_12 = arith.constant 0 : index
    %get3A_13 = arith.constant 0 : index
    %get3A_14 = vector.load %arg8[%get3A_12, %get3A_13] : memref<1x128xf32, #tpu.memory_space<vmem>>, vector<1x128xf32>
    %add3A = vector.broadcast %get3A_14 : vector<1x128xf32> to vector<256x128xf32>
    %add3A_15 = arith.addf %dot_general3A_11, %add3A : vector<256x128xf32>
    %get3A_16 = arith.constant 0 : index
    %get3A_17 = arith.constant 0 : index
    %get3A_18 = vector.load %arg6[%get3A_16, %get3A_17] : memref<128x128xf32, #tpu.memory_space<vmem>>, vector<128x128xf32>
    %dot_general3A_19 = arith.constant dense<0.000000e+00> : vector<8192x128xf32>
    %dot_general3A_20 = tpu.matmul %get3A_4, %get3A_18, %dot_general3A_19 {dimension_numbers = #tpu.dot_dimension_numbers<[1], [0], [0], [1], [0, 0, 1, 1], [], []>, transpose_lhs_hint = false} : vector<8192x128xf32>, vector<128x128xf32>, vector<8192x128xf32> -> vector<8192x128xf32>
    %get3A_21 = arith.constant 0 : index
    %get3A_22 = arith.constant 0 : index
    %get3A_23 = vector.load %arg7[%get3A_21, %get3A_22] : memref<128x128xf32, #tpu.memory_space<vmem>>, vector<128x128xf32>
    %dot_general3A_24 = arith.constant dense<0.000000e+00> : vector<8192x128xf32>
    %dot_general3A_25 = tpu.matmul %get3A_7, %get3A_23, %dot_general3A_24 {dimension_numbers = #tpu.dot_dimension_numbers<[1], [0], [0], [1], [0, 0, 1, 1], [], []>, transpose_lhs_hint = false} : vector<8192x128xf32>, vector<128x128xf32>, vector<8192x128xf32> -> vector<8192x128xf32>
    %add3A_26 = arith.addf %dot_general3A_20, %dot_general3A_25 : vector<8192x128xf32>
    %reshape3A = vector.shape_cast %add3A_26 : vector<8192x128xf32> to vector<256x32x128xf32>
    %broadcast_in_dim3A = vector.shape_cast %add3A_15 : vector<256x128xf32> to vector<256x1x128xf32>
    %add3A_27 = vector.broadcast %broadcast_in_dim3A : vector<256x1x128xf32> to vector<256x32x128xf32>
    %add3A_28 = arith.addf %reshape3A, %add3A_27 : vector<256x32x128xf32>
    %mul3A = arith.constant 1.44269502 : f32
    %mul3A_29 = vector.broadcast %mul3A : f32 to vector<256x32x128xf32>
    %mul3A_30 = arith.mulf %add3A_28, %mul3A_29 : vector<256x32x128xf32>
    %exp23A = math.exp2 %mul3A_30 : vector<256x32x128xf32>
    %add3A_31 = arith.constant 1.000000e+00 : f32
    %add3A_32 = vector.broadcast %add3A_31 : f32 to vector<256x32x128xf32>
    %add3A_33 = arith.addf %add3A_32, %exp23A : vector<256x32x128xf32>
    %log3A = math.log %add3A_33 : vector<256x32x128xf32>
    %log3A_34 = arith.constant 2.000000e+00 : f32
    %log3A_35 = math.log %log3A_34 : f32
    %div3A = vector.broadcast %log3A_35 : f32 to vector<256x32x128xf32>
    %div3A_36 = arith.divf %log3A, %div3A : vector<256x32x128xf32>
    %mul3A_37 = arith.constant 0.693147182 : f32
    %mul3A_38 = vector.broadcast %mul3A_37 : f32 to vector<256x32x128xf32>
    %mul3A_39 = arith.mulf %mul3A_38, %div3A_36 : vector<256x32x128xf32>
    %reshape3A_40 = vector.shape_cast %mul3A_39 : vector<256x32x128xf32> to vector<8192x128xf32>
    %get3A_41 = arith.constant 0 : index
    %get3A_42 = arith.constant 0 : index
    %get3A_43 = vector.load %arg4[%get3A_41, %get3A_42] : memref<256x8192xbf16, #tpu.memory_space<vmem>>, vector<256x8192xbf16>
    %convert_element_type3A = arith.truncf %reshape3A_40 : vector<8192x128xf32> to vector<8192x128xbf16>
    %dot_general3A_44 = arith.constant dense<0.000000e+00> : vector<256x128xf32>
    %dot_general3A_45 = tpu.matmul %get3A_43, %convert_element_type3A, %dot_general3A_44 {dimension_numbers = #tpu.dot_dimension_numbers<[1], [0], [0], [1], [0, 0, 1, 1], [], []>, transpose_lhs_hint = false} : vector<256x8192xbf16>, vector<8192x128xbf16>, vector<256x128xf32> -> vector<256x128xf32>
    %mul3A_46 = arith.constant 0.0333333313 : f32
    %mul3A_47 = vector.broadcast %mul3A_46 : f32 to vector<256x128xf32>
    %mul3A_48 = arith.mulf %dot_general3A_45, %mul3A_47 : vector<256x128xf32>
    %get3A_49 = arith.constant 0 : index
    %get3A_50 = arith.constant 0 : index
    %get3A_51 = vector.load %arg9[%get3A_49, %get3A_50] : memref<128x128xf32, #tpu.memory_space<vmem>>, vector<128x128xf32>
    %dot_general3A_52 = arith.constant dense<0.000000e+00> : vector<256x128xf32>
    %dot_general3A_53 = tpu.matmul %mul3A_48, %get3A_51, %dot_general3A_52 {dimension_numbers = #tpu.dot_dimension_numbers<[1], [0], [0], [1], [0, 0, 1, 1], [], []>, transpose_lhs_hint = false} : vector<256x128xf32>, vector<128x128xf32>, vector<256x128xf32> -> vector<256x128xf32>
    %get3A_54 = arith.constant 0 : index
    %get3A_55 = arith.constant 0 : index
    %get3A_56 = vector.load %arg10[%get3A_54, %get3A_55] : memref<1x128xf32, #tpu.memory_space<vmem>>, vector<1x128xf32>
    %add3A_57 = vector.broadcast %get3A_56 : vector<1x128xf32> to vector<256x128xf32>
    %add3A_58 = arith.addf %dot_general3A_53, %add3A_57 : vector<256x128xf32>
    %add3A_59 = arith.addf %get3A_1, %add3A_58 : vector<256x128xf32>
    %reduce_sum3A = arith.constant dense<0.000000e+00> : vector<256xf32>
    %reduce_sum3A_60 = vector.multi_reduction <add>, %add3A_59, %reduce_sum3A [1] : vector<256x128xf32> to vector<256xf32>
    %broadcast_in_dim3A_61 = vector.shape_cast %reduce_sum3A_60 : vector<256xf32> to vector<256x1xf32>
    %div3A_62 = arith.constant 1.280000e+02 : f32
    %div3A_63 = vector.broadcast %div3A_62 : f32 to vector<256x1xf32>
    %div3A_64 = arith.divf %broadcast_in_dim3A_61, %div3A_63 : vector<256x1xf32>
    %mul3A_65 = arith.mulf %add3A_59, %add3A_59 : vector<256x128xf32>
    %reduce_sum3A_66 = arith.constant dense<0.000000e+00> : vector<256xf32>
    %reduce_sum3A_67 = vector.multi_reduction <add>, %mul3A_65, %reduce_sum3A_66 [1] : vector<256x128xf32> to vector<256xf32>
    %broadcast_in_dim3A_68 = vector.shape_cast %reduce_sum3A_67 : vector<256xf32> to vector<256x1xf32>
    %div3A_69 = arith.constant 1.280000e+02 : f32
    %div3A_70 = vector.broadcast %div3A_69 : f32 to vector<256x1xf32>
    %div3A_71 = arith.divf %broadcast_in_dim3A_68, %div3A_70 : vector<256x1xf32>
    %mul3A_72 = arith.mulf %div3A_64, %div3A_64 : vector<256x1xf32>
    %sub3A = arith.subf %div3A_71, %mul3A_72 : vector<256x1xf32>
    %sub3A_73 = vector.broadcast %div3A_64 : vector<256x1xf32> to vector<256x128xf32>
    %sub3A_74 = arith.subf %add3A_59, %sub3A_73 : vector<256x128xf32>
    %add3A_75 = arith.constant 9.99999974E-6 : f32
    %add3A_76 = vector.broadcast %add3A_75 : f32 to vector<256x1xf32>
    %add3A_77 = arith.addf %sub3A, %add3A_76 : vector<256x1xf32>
    %rsqrt3A = math.rsqrt %add3A_77 : vector<256x1xf32>
    %mul3A_78 = vector.broadcast %rsqrt3A : vector<256x1xf32> to vector<256x128xf32>
    %mul3A_79 = arith.mulf %sub3A_74, %mul3A_78 : vector<256x128xf32>
    %swap3A = arith.constant 0 : index
    %swap3A_80 = arith.constant 0 : index
    %swap3A_81 = vector.load %arg17[%swap3A, %swap3A_80] : memref<256x128xf32, #tpu.memory_space<vmem>>, vector<256x128xf32>
    tpu.vector_store %arg17[%swap3A, %swap3A_80], %mul3A_79 {strides = array<i32>} : memref<256x128xf32, #tpu.memory_space<vmem>>, vector<256x128xf32>,
    %get3A_82 = arith.constant 0 : index
    %get3A_83 = arith.constant 0 : index
    %get3A_84 = vector.load %arg11[%get3A_82, %get3A_83] : memref<128x128xf32, #tpu.memory_space<vmem>>, vector<128x128xf32>
    %dot_general3A_85 = arith.constant dense<0.000000e+00> : vector<256x128xf32>
    %dot_general3A_86 = tpu.matmul %get3A_1, %get3A_84, %dot_general3A_85 {dimension_numbers = #tpu.dot_dimension_numbers<[1], [0], [0], [1], [0, 0, 1, 1], [], []>, transpose_lhs_hint = false} : vector<256x128xf32>, vector<128x128xf32>, vector<256x128xf32> -> vector<256x128xf32>
    %get3A_87 = arith.constant 0 : index
    %get3A_88 = arith.constant 0 : index
    %get3A_89 = vector.load %arg14[%get3A_87, %get3A_88] : memref<1x128xf32, #tpu.memory_space<vmem>>, vector<1x128xf32>
    %add3A_90 = vector.broadcast %get3A_89 : vector<1x128xf32> to vector<256x128xf32>
    %add3A_91 = arith.addf %dot_general3A_86, %add3A_90 : vector<256x128xf32>
    %get3A_92 = arith.constant 0 : index
    %get3A_93 = arith.constant 0 : index
    %get3A_94 = vector.load %arg12[%get3A_92, %get3A_93] : memref<128x128xf32, #tpu.memory_space<vmem>>, vector<128x128xf32>
    %dot_general3A_95 = arith.constant dense<0.000000e+00> : vector<8192x128xf32>
    %dot_general3A_96 = tpu.matmul %get3A_4, %get3A_94, %dot_general3A_95 {dimension_numbers = #tpu.dot_dimension_numbers<[1], [0], [0], [1], [0, 0, 1, 1], [], []>, transpose_lhs_hint = false} : vector<8192x128xf32>, vector<128x128xf32>, vector<8192x128xf32> -> vector<8192x128xf32>
    %get3A_97 = arith.constant 0 : index
    %get3A_98 = arith.constant 0 : index
    %get3A_99 = vector.load %arg13[%get3A_97, %get3A_98] : memref<128x128xf32, #tpu.memory_space<vmem>>, vector<128x128xf32>
    %dot_general3A_100 = arith.constant dense<0.000000e+00> : vector<8192x128xf32>
    %dot_general3A_101 = tpu.matmul %get3A_7, %get3A_99, %dot_general3A_100 {dimension_numbers = #tpu.dot_dimension_numbers<[1], [0], [0], [1], [0, 0, 1, 1], [], []>, transpose_lhs_hint = false} : vector<8192x128xf32>, vector<128x128xf32>, vector<8192x128xf32> -> vector<8192x128xf32>
    %add3A_102 = arith.addf %dot_general3A_96, %dot_general3A_101 : vector<8192x128xf32>
    %reshape3A_103 = vector.shape_cast %add3A_102 : vector<8192x128xf32> to vector<256x32x128xf32>
    %broadcast_in_dim3A_104 = vector.shape_cast %add3A_91 : vector<256x128xf32> to vector<256x1x128xf32>
    %add3A_105 = vector.broadcast %broadcast_in_dim3A_104 : vector<256x1x128xf32> to vector<256x32x128xf32>
    %add3A_106 = arith.addf %reshape3A_103, %add3A_105 : vector<256x32x128xf32>
    %mul3A_107 = arith.constant 1.44269502 : f32
    %mul3A_108 = vector.broadcast %mul3A_107 : f32 to vector<256x32x128xf32>
    %mul3A_109 = arith.mulf %add3A_106, %mul3A_108 : vector<256x32x128xf32>
    %exp23A_110 = math.exp2 %mul3A_109 : vector<256x32x128xf32>
    %add3A_111 = arith.constant 1.000000e+00 : f32
    %add3A_112 = vector.broadcast %add3A_111 : f32 to vector<256x32x128xf32>
    %add3A_113 = arith.addf %add3A_112, %exp23A_110 : vector<256x32x128xf32>
    %log3A_114 = math.log %add3A_113 : vector<256x32x128xf32>
    %log3A_115 = arith.constant 2.000000e+00 : f32
    %log3A_116 = math.log %log3A_115 : f32
    %div3A_117 = vector.broadcast %log3A_116 : f32 to vector<256x32x128xf32>
    %div3A_118 = arith.divf %log3A_114, %div3A_117 : vector<256x32x128xf32>
    %mul3A_119 = arith.constant 0.693147182 : f32
    %mul3A_120 = vector.broadcast %mul3A_119 : f32 to vector<256x32x128xf32>
    %mul3A_121 = arith.mulf %mul3A_120, %div3A_118 : vector<256x32x128xf32>
    %reshape3A_122 = vector.shape_cast %mul3A_121 : vector<256x32x128xf32> to vector<8192x128xf32>
    %get3A_123 = arith.constant 0 : index
    %get3A_124 = arith.constant 0 : index
    %get3A_125 = vector.load %arg15[%get3A_123, %get3A_124] : memref<128x128xf32, #tpu.memory_space<vmem>>, vector<128x128xf32>
    %dot_general3A_126 = arith.constant dense<0.000000e+00> : vector<8192x128xf32>
    %dot_general3A_127 = tpu.matmul %reshape3A_122, %get3A_125, %dot_general3A_126 {dimension_numbers = #tpu.dot_dimension_numbers<[1], [0], [0], [1], [0, 0, 1, 1], [], []>, transpose_lhs_hint = false} : vector<8192x128xf32>, vector<128x128xf32>, vector<8192x128xf32> -> vector<8192x128xf32>
    %get3A_128 = arith.constant 0 : index
    %get3A_129 = arith.constant 0 : index
    %get3A_130 = vector.load %arg16[%get3A_128, %get3A_129] : memref<1x128xf32, #tpu.memory_space<vmem>>, vector<1x128xf32>
    %add3A_131 = vector.broadcast %get3A_130 : vector<1x128xf32> to vector<8192x128xf32>
    %add3A_132 = arith.addf %dot_general3A_127, %add3A_131 : vector<8192x128xf32>
    %add3A_133 = arith.addf %get3A_7, %add3A_132 : vector<8192x128xf32>
    %reduce_sum3A_134 = arith.constant dense<0.000000e+00> : vector<8192xf32>
    %reduce_sum3A_135 = vector.multi_reduction <add>, %add3A_133, %reduce_sum3A_134 [1] : vector<8192x128xf32> to vector<8192xf32>
    %broadcast_in_dim3A_136 = vector.shape_cast %reduce_sum3A_135 : vector<8192xf32> to vector<8192x1xf32>
    %div3A_137 = arith.constant 1.280000e+02 : f32
    %div3A_138 = vector.broadcast %div3A_137 : f32 to vector<8192x1xf32>
    %div3A_139 = arith.divf %broadcast_in_dim3A_136, %div3A_138 : vector<8192x1xf32>
    %mul3A_140 = arith.mulf %add3A_133, %add3A_133 : vector<8192x128xf32>
    %reduce_sum3A_141 = arith.constant dense<0.000000e+00> : vector<8192xf32>
    %reduce_sum3A_142 = vector.multi_reduction <add>, %mul3A_140, %reduce_sum3A_141 [1] : vector<8192x128xf32> to vector<8192xf32>
    %broadcast_in_dim3A_143 = vector.shape_cast %reduce_sum3A_142 : vector<8192xf32> to vector<8192x1xf32>
    %div3A_144 = arith.constant 1.280000e+02 : f32
    %div3A_145 = vector.broadcast %div3A_144 : f32 to vector<8192x1xf32>
    %div3A_146 = arith.divf %broadcast_in_dim3A_143, %div3A_145 : vector<8192x1xf32>
    %mul3A_147 = arith.mulf %div3A_139, %div3A_139 : vector<8192x1xf32>
    %sub3A_148 = arith.subf %div3A_146, %mul3A_147 : vector<8192x1xf32>
    %sub3A_149 = vector.broadcast %div3A_139 : vector<8192x1xf32> to vector<8192x128xf32>
    %sub3A_150 = arith.subf %add3A_133, %sub3A_149 : vector<8192x128xf32>
    %add3A_151 = arith.constant 9.99999974E-6 : f32
    %add3A_152 = vector.broadcast %add3A_151 : f32 to vector<8192x1xf32>
    %add3A_153 = arith.addf %sub3A_148, %add3A_152 : vector<8192x1xf32>
    %rsqrt3A_154 = math.rsqrt %add3A_153 : vector<8192x1xf32>
    %mul3A_155 = vector.broadcast %rsqrt3A_154 : vector<8192x1xf32> to vector<8192x128xf32>
    %mul3A_156 = arith.mulf %sub3A_150, %mul3A_155 : vector<8192x128xf32>
    %swap3A_157 = arith.constant 0 : index
    %swap3A_158 = arith.constant 0 : index
    %swap3A_159 = vector.load %arg18[%swap3A_157, %swap3A_158] : memref<8192x128xf32, #tpu.memory_space<vmem>>, vector<8192x128xf32>
    tpu.vector_store %arg18[%swap3A_157, %swap3A_158], %mul3A_156 {strides = array<i32>} : memref<8192x128xf32, #tpu.memory_space<vmem>>, vector<8192x128xf32>,
    return
  }
  func.func @transform_0(%arg0: i32) -> (i32, i32) {
    %c0_i32 = arith.constant 0 : i32
    %c0_i32_0 = arith.constant 0 : i32
    return %arg0, %c0_i32 : i32, i32
  }
  func.func @transform_1(%arg0: i32) -> (i32, i32) {
    %c0_i32 = arith.constant 0 : i32
    %c0_i32_0 = arith.constant 0 : i32
    return %arg0, %c0_i32 : i32, i32
  }
  func.func @transform_2(%arg0: i32) -> (i32, i32) {
    %c0_i32 = arith.constant 0 : i32
    %c0_i32_0 = arith.constant 0 : i32
    return %arg0, %c0_i32 : i32, i32
  }
  func.func @transform_3(%arg0: i32) -> (i32, i32) {
    %c0_i32 = arith.constant 0 : i32
    %c0_i32_0 = arith.constant 0 : i32
    %c0_i32_1 = arith.constant 0 : i32
    return %c0_i32, %c0_i32_0 : i32, i32
  }
  func.func @transform_4(%arg0: i32) -> (i32, i32) {
    %c0_i32 = arith.constant 0 : i32
    %c0_i32_0 = arith.constant 0 : i32
    %c0_i32_1 = arith.constant 0 : i32
    return %c0_i32, %c0_i32_0 : i32, i32
  }
  func.func @transform_5(%arg0: i32) -> (i32, i32) {
    %c0_i32 = arith.constant 0 : i32
    %c0_i32_0 = arith.constant 0 : i32
    %c0_i32_1 = arith.constant 0 : i32
    return %c0_i32, %c0_i32_0 : i32, i32
  }
  func.func @transform_6(%arg0: i32) -> (i32, i32) {
    %c0_i32 = arith.constant 0 : i32
    %c0_i32_0 = arith.constant 0 : i32
    %c0_i32_1 = arith.constant 0 : i32
    return %c0_i32, %c0_i32_0 : i32, i32
  }
  func.func @transform_7(%arg0: i32) -> (i32, i32) {
    %c0_i32 = arith.constant 0 : i32
    %c0_i32_0 = arith.constant 0 : i32
    %c0_i32_1 = arith.constant 0 : i32
    return %c0_i32, %c0_i32_0 : i32, i32
  }
  func.func @transform_8(%arg0: i32) -> (i32, i32) {
    %c0_i32 = arith.constant 0 : i32
    %c0_i32_0 = arith.constant 0 : i32
    %c0_i32_1 = arith.constant 0 : i32
    return %c0_i32, %c0_i32_0 : i32, i32
  }
  func.func @transform_9(%arg0: i32) -> (i32, i32) {
    %c0_i32 = arith.constant 0 : i32
    %c0_i32_0 = arith.constant 0 : i32
    %c0_i32_1 = arith.constant 0 : i32
    return %c0_i32, %c0_i32_0 : i32, i32
  }
  func.func @transform_10(%arg0: i32) -> (i32, i32) {
    %c0_i32 = arith.constant 0 : i32
    %c0_i32_0 = arith.constant 0 : i32
    %c0_i32_1 = arith.constant 0 : i32
    return %c0_i32, %c0_i32_0 : i32, i32
  }
  func.func @transform_11(%arg0: i32) -> (i32, i32) {
    %c0_i32 = arith.constant 0 : i32
    %c0_i32_0 = arith.constant 0 : i32
    %c0_i32_1 = arith.constant 0 : i32
    return %c0_i32, %c0_i32_0 : i32, i32
  }
  func.func @transform_12(%arg0: i32) -> (i32, i32) {
    %c0_i32 = arith.constant 0 : i32
    %c0_i32_0 = arith.constant 0 : i32
    %c0_i32_1 = arith.constant 0 : i32
    return %c0_i32, %c0_i32_0 : i32, i32
  }
  func.func @transform_13(%arg0: i32) -> (i32, i32) {
    %c0_i32 = arith.constant 0 : i32
    %c0_i32_0 = arith.constant 0 : i32
    %c0_i32_1 = arith.constant 0 : i32
    return %c0_i32, %c0_i32_0 : i32, i32
  }
  func.func @transform_14(%arg0: i32) -> (i32, i32) {
    %c0_i32 = arith.constant 0 : i32
    %c0_i32_0 = arith.constant 0 : i32
    %c0_i32_1 = arith.constant 0 : i32
    return %c0_i32, %c0_i32_0 : i32, i32
  }
  func.func @transform_15(%arg0: i32) -> (i32, i32) {
    %c0_i32 = arith.constant 0 : i32
    %c0_i32_0 = arith.constant 0 : i32
    %c0_i32_1 = arith.constant 0 : i32
    return %c0_i32, %c0_i32_0 : i32, i32
  }
  func.func @transform_16(%arg0: i32) -> (i32, i32) {
    %c0_i32 = arith.constant 0 : i32
    %c0_i32_0 = arith.constant 0 : i32
    return %arg0, %c0_i32 : i32, i32
  }
  func.func @transform_17(%arg0: i32) -> (i32, i32) {
    %c0_i32 = arith.constant 0 : i32
    %c0_i32_0 = arith.constant 0 : i32
    return %arg0, %c0_i32 : i32, i32
  }
}

module attributes {stable_mosaic.version = 14 : i64} {
  func.func @_layer_node_body(%arg0: i32, %arg1: memref<256x128xf32, #tpu.memory_space<vmem>>, %arg2: memref<8192x128xf32, #tpu.memory_space<vmem>>, %arg3: memref<8192x128xf32, #tpu.memory_space<vmem>>, %arg4: memref<256x8192xbf16, #tpu.memory_space<vmem>>, %arg5: memref<128x128xf32, #tpu.memory_space<vmem>>, %arg6: memref<128x128xf32, #tpu.memory_space<vmem>>, %arg7: memref<128x128xf32, #tpu.memory_space<vmem>>, %arg8: memref<1x128xf32, #tpu.memory_space<vmem>>, %arg9: memref<128x128xf32, #tpu.memory_space<vmem>>, %arg10: memref<1x128xf32, #tpu.memory_space<vmem>>, %arg11: memref<256x128xf32, #tpu.memory_space<vmem>>) attributes {dimension_semantics = [#tpu.dimension_semantics<arbitrary>], iteration_bounds = array<i64: 8>, scalar_prefetch = 0 : i64, scratch_operands = 0 : i64, tpu.core_type = #tpu.core_type<tc>, window_params = [{transform_indices = @transform_0, window_bounds = array<i64: 256, 128>}, {transform_indices = @transform_1, window_bounds = array<i64: 8192, 128>}, {transform_indices = @transform_2, window_bounds = array<i64: 8192, 128>}, {pipeline_mode = #tpu.pipeline_mode<synchronous>, transform_indices = @transform_3, window_bounds = array<i64: 256, 8192>}, {pipeline_mode = #tpu.pipeline_mode<synchronous>, transform_indices = @transform_4, window_bounds = array<i64: 128, 128>}, {pipeline_mode = #tpu.pipeline_mode<synchronous>, transform_indices = @transform_5, window_bounds = array<i64: 128, 128>}, {pipeline_mode = #tpu.pipeline_mode<synchronous>, transform_indices = @transform_6, window_bounds = array<i64: 128, 128>}, {pipeline_mode = #tpu.pipeline_mode<synchronous>, transform_indices = @transform_7, window_bounds = array<i64: 1, 128>}, {pipeline_mode = #tpu.pipeline_mode<synchronous>, transform_indices = @transform_8, window_bounds = array<i64: 128, 128>}, {pipeline_mode = #tpu.pipeline_mode<synchronous>, transform_indices = @transform_9, window_bounds = array<i64: 1, 128>}, {transform_indices = @transform_10, window_bounds = array<i64: 256, 128>}]} {
    %get3A = arith.constant 0 : index
    %get3A_0 = arith.constant 0 : index
    %get3A_1 = vector.load %arg1[%get3A, %get3A_0] : memref<256x128xf32, #tpu.memory_space<vmem>>, vector<256x128xf32>
    %get3A_2 = arith.constant 0 : index
    %get3A_3 = arith.constant 0 : index
    %get3A_4 = vector.load %arg5[%get3A_2, %get3A_3] : memref<128x128xf32, #tpu.memory_space<vmem>>, vector<128x128xf32>
    %dot_general3A = arith.constant dense<0.000000e+00> : vector<256x128xf32>
    %dot_general3A_5 = tpu.matmul %get3A_1, %get3A_4, %dot_general3A {dimension_numbers = #tpu.dot_dimension_numbers<[1], [0], [0], [1], [0, 0, 1, 1], [], []>, transpose_lhs_hint = false} : vector<256x128xf32>, vector<128x128xf32>, vector<256x128xf32> -> vector<256x128xf32>
    %get3A_6 = arith.constant 0 : index
    %get3A_7 = arith.constant 0 : index
    %get3A_8 = vector.load %arg8[%get3A_6, %get3A_7] : memref<1x128xf32, #tpu.memory_space<vmem>>, vector<1x128xf32>
    %add3A = vector.broadcast %get3A_8 : vector<1x128xf32> to vector<256x128xf32>
    %add3A_9 = arith.addf %dot_general3A_5, %add3A : vector<256x128xf32>
    %get3A_10 = arith.constant 0 : index
    %get3A_11 = arith.constant 0 : index
    %get3A_12 = vector.load %arg2[%get3A_10, %get3A_11] : memref<8192x128xf32, #tpu.memory_space<vmem>>, vector<8192x128xf32>
    %get3A_13 = arith.constant 0 : index
    %get3A_14 = arith.constant 0 : index
    %get3A_15 = vector.load %arg6[%get3A_13, %get3A_14] : memref<128x128xf32, #tpu.memory_space<vmem>>, vector<128x128xf32>
    %dot_general3A_16 = arith.constant dense<0.000000e+00> : vector<8192x128xf32>
    %dot_general3A_17 = tpu.matmul %get3A_12, %get3A_15, %dot_general3A_16 {dimension_numbers = #tpu.dot_dimension_numbers<[1], [0], [0], [1], [0, 0, 1, 1], [], []>, transpose_lhs_hint = false} : vector<8192x128xf32>, vector<128x128xf32>, vector<8192x128xf32> -> vector<8192x128xf32>
    %get3A_18 = arith.constant 0 : index
    %get3A_19 = arith.constant 0 : index
    %get3A_20 = vector.load %arg3[%get3A_18, %get3A_19] : memref<8192x128xf32, #tpu.memory_space<vmem>>, vector<8192x128xf32>
    %get3A_21 = arith.constant 0 : index
    %get3A_22 = arith.constant 0 : index
    %get3A_23 = vector.load %arg7[%get3A_21, %get3A_22] : memref<128x128xf32, #tpu.memory_space<vmem>>, vector<128x128xf32>
    %dot_general3A_24 = arith.constant dense<0.000000e+00> : vector<8192x128xf32>
    %dot_general3A_25 = tpu.matmul %get3A_20, %get3A_23, %dot_general3A_24 {dimension_numbers = #tpu.dot_dimension_numbers<[1], [0], [0], [1], [0, 0, 1, 1], [], []>, transpose_lhs_hint = false} : vector<8192x128xf32>, vector<128x128xf32>, vector<8192x128xf32> -> vector<8192x128xf32>
    %add3A_26 = arith.addf %dot_general3A_17, %dot_general3A_25 : vector<8192x128xf32>
    %reshape3A = vector.shape_cast %add3A_26 : vector<8192x128xf32> to vector<256x32x128xf32>
    %broadcast_in_dim3A = vector.shape_cast %add3A_9 : vector<256x128xf32> to vector<256x1x128xf32>
    %add3A_27 = vector.broadcast %broadcast_in_dim3A : vector<256x1x128xf32> to vector<256x32x128xf32>
    %add3A_28 = arith.addf %reshape3A, %add3A_27 : vector<256x32x128xf32>
    %mul3A = arith.constant 1.44269502 : f32
    %mul3A_29 = vector.broadcast %mul3A : f32 to vector<256x32x128xf32>
    %mul3A_30 = arith.mulf %add3A_28, %mul3A_29 : vector<256x32x128xf32>
    %exp23A = math.exp2 %mul3A_30 : vector<256x32x128xf32>
    %add3A_31 = arith.constant 1.000000e+00 : f32
    %add3A_32 = vector.broadcast %add3A_31 : f32 to vector<256x32x128xf32>
    %add3A_33 = arith.addf %add3A_32, %exp23A : vector<256x32x128xf32>
    %log3A = math.log %add3A_33 : vector<256x32x128xf32>
    %log3A_34 = arith.constant 2.000000e+00 : f32
    %log3A_35 = math.log %log3A_34 : f32
    %div3A = vector.broadcast %log3A_35 : f32 to vector<256x32x128xf32>
    %div3A_36 = arith.divf %log3A, %div3A : vector<256x32x128xf32>
    %mul3A_37 = arith.constant 0.693147182 : f32
    %mul3A_38 = vector.broadcast %mul3A_37 : f32 to vector<256x32x128xf32>
    %mul3A_39 = arith.mulf %mul3A_38, %div3A_36 : vector<256x32x128xf32>
    %reshape3A_40 = vector.shape_cast %mul3A_39 : vector<256x32x128xf32> to vector<8192x128xf32>
    %get3A_41 = arith.constant 0 : index
    %get3A_42 = arith.constant 0 : index
    %get3A_43 = vector.load %arg4[%get3A_41, %get3A_42] : memref<256x8192xbf16, #tpu.memory_space<vmem>>, vector<256x8192xbf16>
    %convert_element_type3A = arith.truncf %reshape3A_40 : vector<8192x128xf32> to vector<8192x128xbf16>
    %dot_general3A_44 = arith.constant dense<0.000000e+00> : vector<256x128xf32>
    %dot_general3A_45 = tpu.matmul %get3A_43, %convert_element_type3A, %dot_general3A_44 {dimension_numbers = #tpu.dot_dimension_numbers<[1], [0], [0], [1], [0, 0, 1, 1], [], []>, transpose_lhs_hint = false} : vector<256x8192xbf16>, vector<8192x128xbf16>, vector<256x128xf32> -> vector<256x128xf32>
    %mul3A_46 = arith.constant 0.0333333313 : f32
    %mul3A_47 = vector.broadcast %mul3A_46 : f32 to vector<256x128xf32>
    %mul3A_48 = arith.mulf %dot_general3A_45, %mul3A_47 : vector<256x128xf32>
    %get3A_49 = arith.constant 0 : index
    %get3A_50 = arith.constant 0 : index
    %get3A_51 = vector.load %arg9[%get3A_49, %get3A_50] : memref<128x128xf32, #tpu.memory_space<vmem>>, vector<128x128xf32>
    %dot_general3A_52 = arith.constant dense<0.000000e+00> : vector<256x128xf32>
    %dot_general3A_53 = tpu.matmul %mul3A_48, %get3A_51, %dot_general3A_52 {dimension_numbers = #tpu.dot_dimension_numbers<[1], [0], [0], [1], [0, 0, 1, 1], [], []>, transpose_lhs_hint = false} : vector<256x128xf32>, vector<128x128xf32>, vector<256x128xf32> -> vector<256x128xf32>
    %get3A_54 = arith.constant 0 : index
    %get3A_55 = arith.constant 0 : index
    %get3A_56 = vector.load %arg10[%get3A_54, %get3A_55] : memref<1x128xf32, #tpu.memory_space<vmem>>, vector<1x128xf32>
    %add3A_57 = vector.broadcast %get3A_56 : vector<1x128xf32> to vector<256x128xf32>
    %add3A_58 = arith.addf %dot_general3A_53, %add3A_57 : vector<256x128xf32>
    %add3A_59 = arith.addf %get3A_1, %add3A_58 : vector<256x128xf32>
    %reduce_sum3A = arith.constant dense<0.000000e+00> : vector<256xf32>
    %reduce_sum3A_60 = vector.multi_reduction <add>, %add3A_59, %reduce_sum3A [1] : vector<256x128xf32> to vector<256xf32>
    %broadcast_in_dim3A_61 = vector.shape_cast %reduce_sum3A_60 : vector<256xf32> to vector<256x1xf32>
    %div3A_62 = arith.constant 1.280000e+02 : f32
    %div3A_63 = vector.broadcast %div3A_62 : f32 to vector<256x1xf32>
    %div3A_64 = arith.divf %broadcast_in_dim3A_61, %div3A_63 : vector<256x1xf32>
    %mul3A_65 = arith.mulf %add3A_59, %add3A_59 : vector<256x128xf32>
    %reduce_sum3A_66 = arith.constant dense<0.000000e+00> : vector<256xf32>
    %reduce_sum3A_67 = vector.multi_reduction <add>, %mul3A_65, %reduce_sum3A_66 [1] : vector<256x128xf32> to vector<256xf32>
    %broadcast_in_dim3A_68 = vector.shape_cast %reduce_sum3A_67 : vector<256xf32> to vector<256x1xf32>
    %div3A_69 = arith.constant 1.280000e+02 : f32
    %div3A_70 = vector.broadcast %div3A_69 : f32 to vector<256x1xf32>
    %div3A_71 = arith.divf %broadcast_in_dim3A_68, %div3A_70 : vector<256x1xf32>
    %mul3A_72 = arith.mulf %div3A_64, %div3A_64 : vector<256x1xf32>
    %sub3A = arith.subf %div3A_71, %mul3A_72 : vector<256x1xf32>
    %sub3A_73 = vector.broadcast %div3A_64 : vector<256x1xf32> to vector<256x128xf32>
    %sub3A_74 = arith.subf %add3A_59, %sub3A_73 : vector<256x128xf32>
    %add3A_75 = arith.constant 9.99999974E-6 : f32
    %add3A_76 = vector.broadcast %add3A_75 : f32 to vector<256x1xf32>
    %add3A_77 = arith.addf %sub3A, %add3A_76 : vector<256x1xf32>
    %rsqrt3A = math.rsqrt %add3A_77 : vector<256x1xf32>
    %mul3A_78 = vector.broadcast %rsqrt3A : vector<256x1xf32> to vector<256x128xf32>
    %mul3A_79 = arith.mulf %sub3A_74, %mul3A_78 : vector<256x128xf32>
    %swap3A = arith.constant 0 : index
    %swap3A_80 = arith.constant 0 : index
    %swap3A_81 = vector.load %arg11[%swap3A, %swap3A_80] : memref<256x128xf32, #tpu.memory_space<vmem>>, vector<256x128xf32>
    tpu.vector_store %arg11[%swap3A, %swap3A_80], %mul3A_79 {strides = array<i32>} : memref<256x128xf32, #tpu.memory_space<vmem>>, vector<256x128xf32>,
    return
  }
  func.func @transform_0(%arg0: i32) -> (i32, i32) {
    %c0_i32 = arith.constant 0 : i32
    %c0_i32_0 = arith.constant 0 : i32
    return %arg0, %c0_i32 : i32, i32
  }
  func.func @transform_1(%arg0: i32) -> (i32, i32) {
    %c0_i32 = arith.constant 0 : i32
    %c0_i32_0 = arith.constant 0 : i32
    return %arg0, %c0_i32 : i32, i32
  }
  func.func @transform_2(%arg0: i32) -> (i32, i32) {
    %c0_i32 = arith.constant 0 : i32
    %c0_i32_0 = arith.constant 0 : i32
    return %arg0, %c0_i32 : i32, i32
  }
  func.func @transform_3(%arg0: i32) -> (i32, i32) {
    %c0_i32 = arith.constant 0 : i32
    %c0_i32_0 = arith.constant 0 : i32
    %c0_i32_1 = arith.constant 0 : i32
    return %c0_i32, %c0_i32_0 : i32, i32
  }
  func.func @transform_4(%arg0: i32) -> (i32, i32) {
    %c0_i32 = arith.constant 0 : i32
    %c0_i32_0 = arith.constant 0 : i32
    %c0_i32_1 = arith.constant 0 : i32
    return %c0_i32, %c0_i32_0 : i32, i32
  }
  func.func @transform_5(%arg0: i32) -> (i32, i32) {
    %c0_i32 = arith.constant 0 : i32
    %c0_i32_0 = arith.constant 0 : i32
    %c0_i32_1 = arith.constant 0 : i32
    return %c0_i32, %c0_i32_0 : i32, i32
  }
  func.func @transform_6(%arg0: i32) -> (i32, i32) {
    %c0_i32 = arith.constant 0 : i32
    %c0_i32_0 = arith.constant 0 : i32
    %c0_i32_1 = arith.constant 0 : i32
    return %c0_i32, %c0_i32_0 : i32, i32
  }
  func.func @transform_7(%arg0: i32) -> (i32, i32) {
    %c0_i32 = arith.constant 0 : i32
    %c0_i32_0 = arith.constant 0 : i32
    %c0_i32_1 = arith.constant 0 : i32
    return %c0_i32, %c0_i32_0 : i32, i32
  }
  func.func @transform_8(%arg0: i32) -> (i32, i32) {
    %c0_i32 = arith.constant 0 : i32
    %c0_i32_0 = arith.constant 0 : i32
    %c0_i32_1 = arith.constant 0 : i32
    return %c0_i32, %c0_i32_0 : i32, i32
  }
  func.func @transform_9(%arg0: i32) -> (i32, i32) {
    %c0_i32 = arith.constant 0 : i32
    %c0_i32_0 = arith.constant 0 : i32
    %c0_i32_1 = arith.constant 0 : i32
    return %c0_i32, %c0_i32_0 : i32, i32
  }
  func.func @transform_10(%arg0: i32) -> (i32, i32) {
    %c0_i32 = arith.constant 0 : i32
    %c0_i32_0 = arith.constant 0 : i32
    return %arg0, %c0_i32 : i32, i32
  }
}

</mosaic_0001>

<sc_bundles>
// kernel: kernel.11.cloned.1.call-start
scs
__scs_entry_jumppad:
0x0: {  	(pc) =	sbr.rel $0x88, $3  }
0x1: {  	(tag) =	ssettag $0x0;
	lr =	simm.s32 $0x1  }
0x2: {  	[smem:$0x3F93] =	sst lr;
	_ =	strace $0xD0000000  }
0x3: {  	_ = 	snop  }
0x4: {  	_ = 	snop  }
0x5: {  	_ = 	snop  }
0x6: {  	_ = 	snop  }
0x7: {  	_ = 	snop  }
__scs_overlays_trampoline_lowered:
0x8: {  	[smem:$0x3FA2] =	sst s0  }
0x9: {  	[smem:$0x3FA3] =	sst s1  }
0xa: {  	[smem:$0x3FA4] =	sst s2  }
0xb: {  	[smem:$0x3FA5] =	sst s3  }
0xc: {  	[smem:$0x3FA6] =	sst s4  }
0xd: {  	[smem:$0x3FA7] =	sst s5  }
0xe: {  	[smem:$0x3FA8] =	sst s6  }
0xf: {  	[smem:$0x3FA9] =	sst s7  }
0x10: {  	[smem:$0x3FAA] =	sst s8  }
0x11: {  	[smem:$0x3FAB] =	sst s9;
	s0 =	simm.s32 @!p0 $0x0  }
0x12: {  	s1 =	sld [smem:$0x3F91];
	s0 =	simm.s32 @p0 $0x1  }
0x13: {  	[smem:$0x3FAC] =	sst s0;
	s0 =	simm.s32 @!p1 $0x0  }
0x14: {  	s2 =	sld [smem:$0x3F90];
	s0 =	simm.s32 @p1 $0x1  }
0x15: {  	[smem:$0x3FAD] =	sst s0;
	s0 =	simm.s32 @!p2 $0x0  }
0x16: {  	s3 =	sld [smem:$0x3FDB];
	s0 =	simm.s32 @p2 $0x1  }
0x17: {  	s4 =	simm.s32 $0x1BF5;
	[smem:$0x3FAF] =	sst s0  }
0x18: {  	s0 =	sld [smem:$0x3F92];
	_ =	swait.ge [sflag:s4], $0x0  }
0x19: {  	s7 =	sld [smem:$0x3F93]  }
0x1a: {  	s8 =	sadd.s32 $0xFFFFE003, lr  }
0x1b: {  	s9 =	sadd.s32 $0xFFFFFEF7, lr;
	s5 =	simm.s32 $0xFFFFFFFF;
	p2 =	slt.u32 s8, $0xFFFFF086  }
0x1c: {  	p1 =	slt.u32 s9, $0xF7A;
	s5 =	simm.s32 @!p2 $0x0  }
0x1d: {  	s5 =	simm.s32 @p1 $0x1;
	p0 =	seq.s32 s7, s2  }
0x1e: {  	s7 =	smul.u32 @!p0 $0xF7A, s2;
	p2 =	seq.s32 @!p0 s5, $0x0  }
0x1f: {  	s9 =	smul.u32 $0xF7A, s1;
	s8 =	simm.s32 @!p0 $0x1BF5;
	p2 =	por !p2, p0  }
0x20: {  	[sflag:s8] =	ssyncset.s32 @!p0 $0xFFFFF086;
	s6 =	sadd.s32 @!p0 s3, s7;
	s7 =	simm.s32 @!p0 $0x108  }
0x21: {  	s3 =	sadd.s32 s3, s9;
	s6 =	sadd.s32 @!p0 $0x88, s6;
	s7 =	simm.s32 @p2 $0x1082  }
0x22: {  	[simem:s7], [sflag:s8] =	dma.local @!p0 [hbm:s6], $0xF7A  }
0x23: {  	s9 =	sor.u32 $0xD0000000, s2;
	s6 =	simm.s32 $0x108;
	_ =	swait.ge @!p0 [sflag:s8], $0x0  }
0x24: {  	s3 =	sadd.s32 $0x88, s3;
	s6 =	simm.s32 @!p1 $0x1082;
	[sflag:s4] =	ssyncset.s32 $0xFFFFF086  }
0x25: {  	[simem:s6], [sflag:s4] =	dma.local [hbm:s3], $0xF7A  }
0x26: {  	[smem:$0x3F93] =	sst s1;
	(tag) =	ssettag s2;
	_ =	strace s9  }
0x27: {  	s1 =	sld [smem:$0x3FA3]  }
0x28: {  	s2 =	sld [smem:$0x3FA4]  }
0x29: {  	s4 =	sld [smem:$0x3FA6]  }
0x2a: {  	p0 =	seq.s32 s5, $0x0;
	s5 =	sld [smem:$0x3FA7]  }
0x2b: {  	s6 =	sld [smem:$0x3FA8]  }
0x2c: {  	s7 =	sld [smem:$0x3FA9]  }
0x2d: {  	s3 =	simm.s32 $0x108;
	s8 =	sld [smem:$0x3FAA]  }
0x2e: {  	s3 =	simm.s32 @!p0 $0x1082;
	s9 =	sld [smem:$0x3FAB]  }
0x2f: {  	lr =	sadd.s32 s0, s3;
	s0 =	sld [smem:$0x3FA2]  }
0x30: {  	s3 =	sld [smem:$0x3FA5]  }
0x31: {  	[smem:$0x3FAE] =	sst s10  }
0x32: {  	s10 =	sld [smem:$0x3FAC];
	_ =	sdelay $0x3  }
0x33: {  	p0 =	seq.s32 s10, $0x1;
	s10 =	sld [smem:$0x3FAE];
	_ =	sdelay $0x3  }
0x34: {  	[smem:$0x3FAE] =	sst s10  }
0x35: {  	s10 =	sld [smem:$0x3FAD];
	_ =	sdelay $0x3  }
0x36: {  	p1 =	seq.s32 s10, $0x1;
	s10 =	sld [smem:$0x3FAE];
	_ =	sdelay $0x3  }
0x37: {  	[smem:$0x3FAE] =	sst s10  }
0x38: {  	s10 =	sld [smem:$0x3FAF]  }
0x39: {  	_ = 	snop;
	(pc) =	sbr.ind lr, $3  }
0x3a: {  	_ = 	snop  }
0x3b: {  	_ = 	snop  }
0x3c: {  	p2 =	seq.s32 s10, $0x1;
	s10 =	sld [smem:$0x3FAE]  }
0x3d: {  	_ =	shalt  }
0x3e: {  	_ =	shalt  }
0x3f: {  	_ =	shalt  }
0x40: {  	_ =	shalt  }
0x41: {  	_ =	shalt  }
0x42: {  	_ =	shalt  }
0x43: {  	_ =	shalt  }
0x44: {  	_ =	shalt  }
0x45: {  	_ =	shalt  }
0x46: {  	_ =	shalt  }
0x47: {  	_ =	shalt  }
0x48: {  	_ =	shalt  }
0x49: {  	_ =	shalt  }
0x4a: {  	_ =	shalt  }
0x4b: {  	_ =	shalt  }
0x4c: {  	_ =	shalt  }
0x4d: {  	_ =	shalt  }
0x4e: {  	_ =	shalt  }
0x4f: {  	_ =	shalt  }
0x50: {  	_ =	shalt  }
0x51: {  	_ =	shalt  }
0x52: {  	_ =	shalt  }
0x53: {  	_ =	shalt  }
0x54: {  	_ =	shalt  }
0x55: {  	_ =	shalt  }
0x56: {  	_ =	shalt  }
0x57: {  	_ =	shalt  }
0x58: {  	_ =	shalt  }
0x59: {  	_ =	shalt  }
0x5a: {  	_ =	shalt  }
0x5b: {  	_ =	shalt  }
0x5c: {  	_ =	shalt  }
0x5d: {  	_ =	shalt  }
0x5e: {  	_ =	shalt  }
0x5f: {  	_ =	shalt  }
0x60: {  	_ =	shalt  }
0x61: {  	_ =	shalt  }
0x62: {  	_ =	shalt  }
0x63: {  	_ =	shalt  }
0x64: {  	_ =	shalt  }
0x65: {  	_ =	shalt  }
0x66: {  	_ =	shalt  }
0x67: {  	_ =	shalt  }
0x68: {  	_ =	shalt  }
0x69: {  	_ =	shalt  }
0x6a: {  	_ =	shalt  }
0x6b: {  	_ =	shalt  }
0x6c: {  	_ =	shalt  }
0x6d: {  	_ =	shalt  }
0x6e: {  	_ =	shalt  }
0x6f: {  	_ =	shalt  }
0x70: {  	_ =	shalt  }
0x71: {  	_ =	shalt  }
0x72: {  	_ =	shalt  }
0x73: {  	_ =	shalt  }
0x74: {  	_ =	shalt  }
0x75: {  	_ =	shalt  }
0x76: {  	_ =	shalt  }
0x77: {  	_ =	shalt  }
0x78: {  	_ =	shalt  }
0x79: {  	_ =	shalt  }
0x7a: {  	_ =	shalt  }
0x7b: {  	_ =	shalt  }
0x7c: {  	_ =	shalt  }
0x7d: {  	_ =	shalt  }
0x7e: {  	_ =	shalt  }
0x7f: {  	_ =	shalt  }
0x80: {  	_ =	shalt  }
0x81: {  	_ =	shalt  }
0x82: {  	_ =	shalt  }
0x83: {  	_ =	shalt  }
0x84: {  	_ =	shalt  }
0x85: {  	_ =	shalt  }
0x86: {  	_ =	shalt  }
0x87: {  	_ =	shalt  }
.Lfunc_end0:
.L_simem_size_0:
called_computation_lowered:
.L_overlay_start_0:
0x88: {  	s2 =	sld [smem:$0x3FD9]  }
0x89: {  	s3 =	sld [smem:$0x3FFE];
	_ =	sdelay $0x1  }
0x8a: {  	s1 =	srdreg.scid  }
0x8b: {  	s0 =	sand.u32 $0x1, s1  }
0x8c: {  	s16 =	sshll.u32 s0, $0xA;
	s2 =	sadd.s32 s3, s2  }
0x8d: {  	s2 =	sadd.s32 s2, s16  }
0x8e: {  	[smem:$0x3FBA] =	sst s2  }
0x8f: {  	_ = 	snop  }
0x90: {  	(tm) =	ssettm $0x1  }
0x91: {  	s17 =	sld [smem:$0x3FFB];
	_ =	sdelay $0x3  }
0x92: {  	_ =	strace s17  }
0x93: {  	s2 =	sld [smem:$0x3FFC];
	_ =	sdelay $0x3  }
0x94: {  	_ =	strace s2  }
0x95: {  	s2 =	sld [smem:$0x3FFD];
	_ =	sdelay $0x3  }
0x96: {  	_ =	strace s2  }
0x97: {  	_ =	strace $0x8FFFFFFF  }
0x98: {  	s18 =	sld [smem:$0x3FDB];
	_ =	sdelay $0x1  }
0x99: {  	s19 =	simm.s32 $_scs_section_size  }
0x9a: {  	s4 =	simm.s32 $_size__tile_overlayer_lowered;
	s5 =	simm.s32 $_tile_overlayer_lowered  }
0x9b: {  	s22 =	simm.s32 $0x1BFF;
	s21 =	sshll.u32 s5, $0x1;
	s2 =	sadd.s32 s19, s18  }
0x9c: {  	s6 =	simm.s32 $0x0;
	s20 =	sshll.u32 s4, $0x1;
	s4 =	sadd.s32 s21, s2  }
0x9d: {  	[timem:s6], [sflag:s22] =	dma.local [hbm:s4], s20  }
0x9e: {  	_ =	swait.ge [sflag:s22], s20  }
0x9f: {  	s3 =	ssub.s32 $0x0, s20;
	[sflag:s22] =	ssyncset.done $0x0  }
0xa0: {  	[sflag:s22] =	ssyncadd.s32 s3;
	_ =	sdelay $0x1  }
0xa1: {  	s23 =	simm.s32 $0x1B8B  }
0xa2: {  	_ =	swait.ge [sflag:s23], $0x1  }
0xa3: {  	[sflag:s23] =	ssyncset.done $0x0  }
0xa4: {  	s25 =	simm.s32 $0x1B8E;
	s24 =	sld [smem:$0x3FFE];
	[sflag:s23] =	ssyncadd.s32 $0xFFFFFFFF  }
0xa5: {  	s26 =	simm.s32 $execute0_lowered;
	[smem:$0x3FD2] =	sst s25  }
0xa6: {  	s4 =	sshll.u32 s26, $0x1;
	_ =	strace $0x80000046;
	[dreg:$0x1] =	wrdreg $0xFFFFFFFF  }
0xa7: {  	s28 =	simm.s32 $_size_execute0_lowered;
	s2 =	sadd.s32 s2, s4;
	[dreg:$0x0] =	wrdreg $0x0  }
0xa8: {  	s4 =	sshll.u32 s28, $0x1;
	[dreg:$0x2] =	wrdreg s2  }
0xa9: {  	[dreg:$0x3] =	wrdreg s4  }
0xaa: {  	[dreg:$0x4] =	wrdreg $0xC0  }
0xab: {  	_ =	task [dreg:s6], $0x5FFFF  }
0xac: {  	[dreg:$0x1] =	wrdreg $0xFFFFFFFF  }
0xad: {  	[dreg:$0x0] =	wrdreg $0x60  }
0xae: {  	[dreg:$0x2] =	wrdreg s24  }
0xaf: {  	[dreg:$0x3] =	wrdreg $0x108000  }
0xb0: {  	[dreg:$0x4] =	wrdreg $0x9  }
0xb1: {  	_ =	task.clear_ibuf [dreg:s6], $0x5FFFF;
	_ =	strace $0x90000046  }
0xb2: {  	s29 =	simm.s32 $0x9;
	_ =	strace $0x80000048  }
0xb3: {  	_ =	swait.ge [sflag:s29], $0x1  }
0xb4: {  	[sflag:s29] =	ssyncadd.s32 $0xFFFFFFFF  }
0xb5: {  	_ =	strace $0x90000048  }
0xb6: {  	_ =	sfence  }
0xb7: {  	s30 =	sld [smem:$0x0];
	_ =	sdelay $0x2  }
0xb8: {  	s31 =	sshll.u32 s1, $0xD;
	s1 =	sshrl.u32 s1, $0x2  }
0xb9: {  	s3 =	sand.u32 $0x4000, s31;
	s1 =	sadd.s32 s1, s30  }
0xba: {  	s0 =	sor.u32 s3, s0;
	s1 =	sshll.u32 s1, $0x11  }
0xbb: {  	s0 =	sor.u32 s1, s0  }
0xbc: {  	s0 =	sadd.s32 $0x8F2B, s0  }
0xbd: {  	[sflag:s0] =	ssyncadd.remote.s32 $0x1  }
0xbe: {  	_ =	sfence.sel $0xFFFF  }
0xbf: {  	[dreg:$0x0] =	wrdreg $0xFFFFFFFF;
	(pc) =	sbr.abs _section_cstart, $3  }
0xc0: {  	[dreg:$0x1] =	wrdreg $0xFFFFFFFF  }
0xc1: {  	_ =	task.clear_ibuf [dreg:s6], $0x2FFFF;
	_ =	strace $0x9FFFFFFF  }
0xc2: {  	(tm) =	ssettm $0x7FFFFFFF  }
0xc3: {  	_ =	shalt  }
tec
execute0_lowered:
.L_overlay_start_1:
0x0: {  	(tag) =	ssettag $0x1  }
0x1: {  	s13 =	rddreg [dreg:$0x0]  }
0x2: {  	s1 =	rddreg [dreg:$0x1]  }
0x3: {  	s3 =	simm.s32 $0x0;
	s4 =	srdreg.scid;
	s2 =	stileid.u32  }
0x4: {  	s7 =	simm.s32 $0x5;
	[smem:$0x7FF] =	sst s3;
	s30 =	sand.u32 $0x1, s4  }
0x5: {  	s23 =	sshll.u32 s2, $0xB;
	s5 =	sshll.u32 s2, $0xC;
	s24 =	sshll.u32 s2, $0xE  }
0x6: {  	s26 =	sshll.u32 s2, $0x6;
	_ =	strace $0x80000047;
	s6 =	sshll.u32 s30, $0xB  }
0x7: {  	s4 =	sadd.s32 s23, s13;
	s25 =	sadd.s32 s24, s1;
	s14 =	sor.u32 s6, s5  }
0x8: {  	s4 =	sadd.s32 $0x4200, s4;
	s5 =	sor.u32 $0x1C05, s26;
	s6 =	sshrl.u32 s25, $0x3  }
0x9: {  	[spmem:s6], [sflag:s5] =	dma.local [hbm:s4], $0x800  }
0xa: {  	s8 =	sshrl.u32 s14, $0x3;
	_ =	swait.ge [sflag:s7], $0x800  }
0xb: {  	s8 =	sadd.s32 s8, s13;
	[sflag:s7] =	ssyncset.done $0x0  }
0xc: {  	s8 =	sadd.s32 $0xC200, s8;
	[sflag:s7] =	ssyncadd.s32 $0xFFFFF800  }
0xd: {  	[tilespmem:s3], [sflag:$0x5] =	stream.linear.gather [hbm4b:s8+s3], $0x800, $0x38;
	[tilespmem:$0x14800] =	vst v63  }
0xe: {  	_ =	swait.ge [sflag:s7], $0x800  }
0xf: {  	[sflag:s7] =	ssyncset.done $0x0  }
0x10: {  	[sflag:s7] =	ssyncadd.s32 $0xFFFFF800  }
0x11: {  	s9 =	simm.s32 $0x100;
	s10 =	simm.s32 $0x800;
	[bflag:$0x0] =	sbarrier.arrive $0xFFFF  }
0x12: {  	[tilespmem:s10], [sflag:$0x1] =	stream.indirect.gather [spmem:s1], $0x80, s3, s9, $0xb8;
	[tilespmem:$0x14800] =	vst v63  }
0x13: {  	s11 =	simm.s32 $0x8800;
	s12 =	simm.s32 $0x1  }
0x14: {  	[tilespmem:s11], [sflag:$0x2] =	stream.indirect.gather [spmem:s1], $0x80, s9, s9, $0xb8;
	[tilespmem:$0x14800] =	vst v63  }
0x15: {  	s14 =	sshll.u32 s14, $0x4;
	_ =	swait.ge [sflag:s12], $0x8000  }
0x16: {  	s31 =	sadd.s32 s14, s13;
	[sflag:s12] =	ssyncset.done $0x0  }
0x17: {  	s14 =	simm.s32 $0x3;
	s13 =	sadd.s32 $0xE200, s31;
	[sflag:s12] =	ssyncadd.s32 $0xFFFF8000  }
0x18: {  	[hbm4b:s13+s3] =	stream.linear.scatter [tilespmem:s10], [sflag:$0x3], $0x8000, $0x38;
	[tilespmem:$0x14800] =	vst v63  }
0x19: {  	_ =	swait.ge [sflag:s14], $0x8000  }
0x1a: {  	[sflag:s14] =	ssyncset.done $0x0  }
0x1b: {  	s15 =	simm.s32 $0x200;
	s16 =	simm.s32 $0x2;
	[sflag:s14] =	ssyncadd.s32 $0xFFFF8000  }
0x1c: {  	[tilespmem:s10], [sflag:$0x1] =	stream.indirect.gather [spmem:s1], $0x80, s15, s9, $0xb8;
	[tilespmem:$0x14800] =	vst v63  }
0x1d: {  	_ =	swait.ge [sflag:s16], $0x8000  }
0x1e: {  	[sflag:s16] =	ssyncset.done $0x0  }
0x1f: {  	s17 =	simm.s32 $0x4;
	s18 =	sadd.s32 $0xF200, s31;
	[sflag:s16] =	ssyncadd.s32 $0xFFFF8000  }
0x20: {  	[hbm4b:s18+s3] =	stream.linear.scatter [tilespmem:s11], [sflag:$0x4], $0x8000, $0x38;
	[tilespmem:$0x14800] =	vst v63  }
0x21: {  	_ =	swait.ge [sflag:s17], $0x8000  }
0x22: {  	[sflag:s17] =	ssyncset.done $0x0  }
0x23: {  	s19 =	simm.s32 $0x300;
	[sflag:s17] =	ssyncadd.s32 $0xFFFF8000  }
0x24: {  	[tilespmem:s11], [sflag:$0x2] =	stream.indirect.gather [spmem:s1], $0x80, s19, s9, $0xb8;
	[tilespmem:$0x14800] =	vst v63  }
0x25: {  	_ =	swait.ge [sflag:s12], $0x8000  }
0x26: {  	[sflag:s12] =	ssyncset.done $0x0  }
0x27: {  	s20 =	sadd.s32 $0x10200, s31;
	[sflag:s12] =	ssyncadd.s32 $0xFFFF8000  }
0x28: {  	[hbm4b:s20+s3] =	stream.linear.scatter [tilespmem:s10], [sflag:$0x3], $0x8000, $0x38;
	[tilespmem:$0x14800] =	vst v63  }
0x29: {  	_ =	swait.ge [sflag:s14], $0x8000  }
0x2a: {  	[sflag:s14] =	ssyncset.done $0x0  }
0x2b: {  	s21 =	simm.s32 $0x400;
	[sflag:s14] =	ssyncadd.s32 $0xFFFF8000  }
0x2c: {  	[tilespmem:s10], [sflag:$0x1] =	stream.indirect.gather [spmem:s1], $0x80, s21, s9, $0xb8;
	[tilespmem:$0x14800] =	vst v63  }
0x2d: {  	_ =	swait.ge [sflag:s16], $0x8000  }
0x2e: {  	[sflag:s16] =	ssyncset.done $0x0  }
0x2f: {  	s22 =	sadd.s32 $0x11200, s31;
	[sflag:s16] =	ssyncadd.s32 $0xFFFF8000  }
0x30: {  	[hbm4b:s22+s3] =	stream.linear.scatter [tilespmem:s11], [sflag:$0x4], $0x8000, $0x38;
	[tilespmem:$0x14800] =	vst v63  }
0x31: {  	_ =	swait.ge [sflag:s17], $0x8000  }
0x32: {  	[sflag:s17] =	ssyncset.done $0x0  }
0x33: {  	s23 =	simm.s32 $0x500;
	[sflag:s17] =	ssyncadd.s32 $0xFFFF8000  }
0x34: {  	[tilespmem:s11], [sflag:$0x2] =	stream.indirect.gather [spmem:s1], $0x80, s23, s9, $0xb8;
	[tilespmem:$0x14800] =	vst v63  }
0x35: {  	_ =	swait.ge [sflag:s12], $0x8000  }
0x36: {  	[sflag:s12] =	ssyncset.done $0x0  }
0x37: {  	s24 =	sadd.s32 $0x12200, s31;
	[sflag:s12] =	ssyncadd.s32 $0xFFFF8000  }
0x38: {  	[hbm4b:s24+s3] =	stream.linear.scatter [tilespmem:s10], [sflag:$0x3], $0x8000, $0x38;
	[tilespmem:$0x14800] =	vst v63  }
0x39: {  	_ =	swait.ge [sflag:s14], $0x8000  }
0x3a: {  	[sflag:s14] =	ssyncset.done $0x0  }
0x3b: {  	s25 =	simm.s32 $0x600;
	[sflag:s14] =	ssyncadd.s32 $0xFFFF8000  }
0x3c: {  	[tilespmem:s10], [sflag:$0x1] =	stream.indirect.gather [spmem:s1], $0x80, s25, s9, $0xb8;
	[tilespmem:$0x14800] =	vst v63  }
0x3d: {  	_ =	swait.ge [sflag:s16], $0x8000  }
0x3e: {  	[sflag:s16] =	ssyncset.done $0x0  }
0x3f: {  	s26 =	sadd.s32 $0x13200, s31;
	[sflag:s16] =	ssyncadd.s32 $0xFFFF8000  }
0x40: {  	[hbm4b:s26+s3] =	stream.linear.scatter [tilespmem:s11], [sflag:$0x4], $0x8000, $0x38;
	[tilespmem:$0x14800] =	vst v63  }
0x41: {  	_ =	swait.ge [sflag:s17], $0x8000  }
0x42: {  	[sflag:s17] =	ssyncset.done $0x0  }
0x43: {  	s28 =	simm.s32 $0x700;
	[sflag:s17] =	ssyncadd.s32 $0xFFFF8000  }
0x44: {  	[tilespmem:s11], [sflag:$0x2] =	stream.indirect.gather [spmem:s1], $0x80, s28, s9, $0xb8;
	[tilespmem:$0x14800] =	vst v63  }
0x45: {  	_ =	swait.ge [sflag:s12], $0x8000  }
0x46: {  	s0 =	ssub.s32 $0x2, s30;
	s29 =	sadd.s32 $0x14200, s31;
	[sflag:s12] =	ssyncset.done $0x0  }
0x47: {  	s30 =	sadd.s32 $0x15200, s31;
	s31 =	sshrl.u32 s0, $0x1;
	[sflag:s12] =	ssyncadd.s32 $0xFFFF8000  }
0x48: {  	[hbm4b:s29+s3] =	stream.linear.scatter [tilespmem:s10], [sflag:$0x3], $0x8000, $0x38;
	[tilespmem:$0x14800] =	vst v63  }
0x49: {  	s0 =	ssub.s32 s0, s31;
	_ =	swait.ge [sflag:s16], $0x8000  }
0x4a: {  	s0 =	smax.u32 s0, $0x1;
	[sflag:s16] =	ssyncset.done $0x0  }
0x4b: {  	p0 =	sne.s32 s0, $0x1;
	[sflag:s16] =	ssyncadd.s32 $0xFFFF8000  }
0x4c: {  	[hbm4b:s30+s3] =	stream.linear.scatter [tilespmem:s11], [sflag:$0x4], $0x8000, $0x38;
	[tilespmem:$0x14800] =	vst v63  }
.Ltmp0:
0x4d: {  	_ =	swait.ge [sflag:s14], $0x8000;
	(pc) =	sbr.rel @!p0 .LBB2_2-.Ltmp0, $4  }
0x4e: {  	[sflag:s14] =	ssyncset.done $0x0  }
0x4f: {  	[sflag:s14] =	ssyncadd.s32 $0xFFFF8000  }
0x50: {  	_ =	swait.ge [sflag:s17], $0x8000  }
0x51: {  	s31 =	sadd.s32 $0xFFFFFFFF, s0;
	[sflag:s17] =	ssyncset.done $0x0  }
.LBB2_1:
0x52: {  	p0 =	sne.s32 s31, $0x1;
	s31 =	sadd.s32 $0xFFFFFFFF, s31;
	[sflag:s17] =	ssyncadd.s32 $0xFFFF8000  }
0x53: {  	[spmem:s6], [sflag:s5] =	dma.local [hbm:s4], $0x800  }
0x54: {  	_ =	swait.ge [sflag:s7], $0x800  }
0x55: {  	[sflag:s7] =	ssyncset.done $0x0  }
0x56: {  	[sflag:s7] =	ssyncadd.s32 $0xFFFFF800  }
0x57: {  	[tilespmem:s3], [sflag:$0x5] =	stream.linear.gather [hbm4b:s8+s3], $0x800, $0x38;
	[tilespmem:$0x14800] =	vst v63  }
0x58: {  	_ =	swait.ge [sflag:s7], $0x800  }
0x59: {  	[sflag:s7] =	ssyncset.done $0x0  }
0x5a: {  	[sflag:s7] =	ssyncadd.s32 $0xFFFFF800  }
0x5b: {  	[bflag:$0x0] =	sbarrier.arrive $0xFFFF  }
0x5c: {  	[tilespmem:s10], [sflag:$0x1] =	stream.indirect.gather [spmem:s1], $0x80, s3, s9, $0xb8;
	[tilespmem:$0x14800] =	vst v63  }
0x5d: {  	_ = 	snop  }
0x5e: {  	[tilespmem:s11], [sflag:$0x2] =	stream.indirect.gather [spmem:s1], $0x80, s9, s9, $0xb8;
	[tilespmem:$0x14800] =	vst v63  }
0x5f: {  	_ =	swait.ge [sflag:s12], $0x8000  }
0x60: {  	[sflag:s12] =	ssyncset.done $0x0  }
0x61: {  	[sflag:s12] =	ssyncadd.s32 $0xFFFF8000  }
0x62: {  	[hbm4b:s13+s3] =	stream.linear.scatter [tilespmem:s10], [sflag:$0x3], $0x8000, $0x38;
	[tilespmem:$0x14800] =	vst v63  }
0x63: {  	_ =	swait.ge [sflag:s14], $0x8000  }
0x64: {  	[sflag:s14] =	ssyncset.done $0x0  }
0x65: {  	[sflag:s14] =	ssyncadd.s32 $0xFFFF8000  }
0x66: {  	[tilespmem:s10], [sflag:$0x1] =	stream.indirect.gather [spmem:s1], $0x80, s15, s9, $0xb8;
	[tilespmem:$0x14800] =	vst v63  }
0x67: {  	_ =	swait.ge [sflag:s16], $0x8000  }
0x68: {  	[sflag:s16] =	ssyncset.done $0x0  }
0x69: {  	[sflag:s16] =	ssyncadd.s32 $0xFFFF8000  }
0x6a: {  	[hbm4b:s18+s3] =	stream.linear.scatter [tilespmem:s11], [sflag:$0x4], $0x8000, $0x38;
	[tilespmem:$0x14800] =	vst v63  }
0x6b: {  	_ =	swait.ge [sflag:s17], $0x8000  }
0x6c: {  	[sflag:s17] =	ssyncset.done $0x0  }
0x6d: {  	[sflag:s17] =	ssyncadd.s32 $0xFFFF8000  }
0x6e: {  	[tilespmem:s11], [sflag:$0x2] =	stream.indirect.gather [spmem:s1], $0x80, s19, s9, $0xb8;
	[tilespmem:$0x14800] =	vst v63  }
0x6f: {  	_ =	swait.ge [sflag:s12], $0x8000  }
0x70: {  	[sflag:s12] =	ssyncset.done $0x0  }
0x71: {  	[sflag:s12] =	ssyncadd.s32 $0xFFFF8000  }
0x72: {  	[hbm4b:s20+s3] =	stream.linear.scatter [tilespmem:s10], [sflag:$0x3], $0x8000, $0x38;
	[tilespmem:$0x14800] =	vst v63  }
0x73: {  	_ =	swait.ge [sflag:s14], $0x8000  }
0x74: {  	[sflag:s14] =	ssyncset.done $0x0  }
0x75: {  	[sflag:s14] =	ssyncadd.s32 $0xFFFF8000  }
0x76: {  	[tilespmem:s10], [sflag:$0x1] =	stream.indirect.gather [spmem:s1], $0x80, s21, s9, $0xb8;
	[tilespmem:$0x14800] =	vst v63  }
0x77: {  	_ =	swait.ge [sflag:s16], $0x8000  }
0x78: {  	[sflag:s16] =	ssyncset.done $0x0  }
0x79: {  	[sflag:s16] =	ssyncadd.s32 $0xFFFF8000  }
0x7a: {  	[hbm4b:s22+s3] =	stream.linear.scatter [tilespmem:s11], [sflag:$0x4], $0x8000, $0x38;
	[tilespmem:$0x14800] =	vst v63  }
0x7b: {  	_ =	swait.ge [sflag:s17], $0x8000  }
0x7c: {  	[sflag:s17] =	ssyncset.done $0x0  }
0x7d: {  	[sflag:s17] =	ssyncadd.s32 $0xFFFF8000  }
0x7e: {  	[tilespmem:s11], [sflag:$0x2] =	stream.indirect.gather [spmem:s1], $0x80, s23, s9, $0xb8;
	[tilespmem:$0x14800] =	vst v63  }
0x7f: {  	_ =	swait.ge [sflag:s12], $0x8000  }
0x80: {  	[sflag:s12] =	ssyncset.done $0x0  }
0x81: {  	[sflag:s12] =	ssyncadd.s32 $0xFFFF8000  }
0x82: {  	[hbm4b:s24+s3] =	stream.linear.scatter [tilespmem:s10], [sflag:$0x3], $0x8000, $0x38;
	[tilespmem:$0x14800] =	vst v63  }
0x83: {  	_ =	swait.ge [sflag:s14], $0x8000  }
0x84: {  	[sflag:s14] =	ssyncset.done $0x0  }
0x85: {  	[sflag:s14] =	ssyncadd.s32 $0xFFFF8000  }
0x86: {  	[tilespmem:s10], [sflag:$0x1] =	stream.indirect.gather [spmem:s1], $0x80, s25, s9, $0xb8;
	[tilespmem:$0x14800] =	vst v63  }
0x87: {  	_ =	swait.ge [sflag:s16], $0x8000  }
0x88: {  	[sflag:s16] =	ssyncset.done $0x0  }
0x89: {  	[sflag:s16] =	ssyncadd.s32 $0xFFFF8000  }
0x8a: {  	[hbm4b:s26+s3] =	stream.linear.scatter [tilespmem:s11], [sflag:$0x4], $0x8000, $0x38;
	[tilespmem:$0x14800] =	vst v63  }
0x8b: {  	_ =	swait.ge [sflag:s17], $0x8000  }
0x8c: {  	[sflag:s17] =	ssyncset.done $0x0  }
0x8d: {  	[sflag:s17] =	ssyncadd.s32 $0xFFFF8000  }
0x8e: {  	[tilespmem:s11], [sflag:$0x2] =	stream.indirect.gather [spmem:s1], $0x80, s28, s9, $0xb8;
	[tilespmem:$0x14800] =	vst v63  }
0x8f: {  	_ =	swait.ge [sflag:s12], $0x8000  }
0x90: {  	[sflag:s12] =	ssyncset.done $0x0  }
0x91: {  	[sflag:s12] =	ssyncadd.s32 $0xFFFF8000  }
0x92: {  	[hbm4b:s29+s3] =	stream.linear.scatter [tilespmem:s10], [sflag:$0x3], $0x8000, $0x38;
	[tilespmem:$0x14800] =	vst v63  }
0x93: {  	_ =	swait.ge [sflag:s16], $0x8000  }
0x94: {  	[sflag:s16] =	ssyncset.done $0x0  }
0x95: {  	[sflag:s16] =	ssyncadd.s32 $0xFFFF8000  }
0x96: {  	[hbm4b:s30+s3] =	stream.linear.scatter [tilespmem:s11], [sflag:$0x4], $0x8000, $0x38;
	[tilespmem:$0x14800] =	vst v63  }
.Ltmp1:
0x97: {  	_ =	swait.ge [sflag:s14], $0x8000;
	(pc) =	sbr.rel @p0 .LBB2_1-.Ltmp1, $4  }
0x98: {  	[sflag:s14] =	ssyncset.done $0x0  }
0x99: {  	[sflag:s14] =	ssyncadd.s32 $0xFFFF8000  }
0x9a: {  	_ =	swait.ge [sflag:s17], $0x8000  }
0x9b: {  	[sflag:s17] =	ssyncset.done $0x0  }
.LBB2_2:
0x9c: {  	[sflag:s17] =	ssyncadd.s32 $0xFFFF8000  }
0x9d: {  	_ =	sfence.sel $0x180000  }
0x9e: {  	[bflag:$0x0] =	sbarrier.arrive $0xFFFF  }
0x9f: {  	_ =	strace $0x90000047  }
0xa0: {  	[bflag:$0x2] =	sbarrier.arrive $0xFFFF  }
0xa1: {  	p0 =	sne.s32 s2, $0x0;
	s0 =	rddreg [dreg:$0x2]  }
0xa2: {  	s0 =	sadd.s32 @!p0 $0x100000, s0  }
0xa3: {  	[sflag:s0] =	ssyncadd.tile.s32 @!p0 $0x1;
	_ =	shalt  }
.Lfunc_end2:
_tile_overlayer_lowered:
.L_overlay_start_2:
0xa4: {  	(tag) =	ssettag $0x2  }
0xa5: {  	s0 =	rddreg [dreg:$0x0];
	s2 =	stileid.u32  }
0xa6: {  	s1 =	rddreg [dreg:$0x1];
	p0 =	sne.s32 s2, $0x0  }
0xa7: {  	s3 =	rddreg [dreg:$0x2];
	[bflag:$0x3] =	sbarrier.arrive $0xFFFF;
	s2 =	simm.s32 @!p0 $0x1C05  }
0xa8: {  	[timem:s3], [sflag:s2] =	dma.local @!p0 [hbm:s0], s1  }
0xa9: {  	s0 =	simm.s32 @!p0 $0x5  }
0xaa: {  	_ =	swait.ge @!p0 [sflag:s0], s1  }
0xab: {  	s1 =	ssub.s32 @!p0 $0x0, s1;
	[sflag:s0] =	ssyncset.done @!p0 $0x0  }
0xac: {  	[sflag:s0] =	ssyncadd.s32 @!p0 s1  }
0xad: {  	[bflag:$0x3] =	sbarrier.arrive $0xFFFF  }
0xae: {  	_ =	shalt  }

// kernel: kernel.14.cloned.1.call-start
scs
__scs_entry_jumppad:
0x0: {  	(pc) =	sbr.rel $0x88, $3  }
0x1: {  	(tag) =	ssettag $0x0;
	lr =	simm.s32 $0x1  }
0x2: {  	[smem:$0x3F93] =	sst lr;
	_ =	strace $0xD0000000  }
0x3: {  	_ = 	snop  }
0x4: {  	_ = 	snop  }
0x5: {  	_ = 	snop  }
0x6: {  	_ = 	snop  }
0x7: {  	_ = 	snop  }
__scs_overlays_trampoline_lowered:
0x8: {  	[smem:$0x3FA2] =	sst s0  }
0x9: {  	[smem:$0x3FA3] =	sst s1  }
0xa: {  	[smem:$0x3FA4] =	sst s2  }
0xb: {  	[smem:$0x3FA5] =	sst s3  }
0xc: {  	[smem:$0x3FA6] =	sst s4  }
0xd: {  	[smem:$0x3FA7] =	sst s5  }
0xe: {  	[smem:$0x3FA8] =	sst s6  }
0xf: {  	[smem:$0x3FA9] =	sst s7  }
0x10: {  	[smem:$0x3FAA] =	sst s8  }
0x11: {  	[smem:$0x3FAB] =	sst s9;
	s0 =	simm.s32 @!p0 $0x0  }
0x12: {  	s1 =	sld [smem:$0x3F91];
	s0 =	simm.s32 @p0 $0x1  }
0x13: {  	[smem:$0x3FAC] =	sst s0;
	s0 =	simm.s32 @!p1 $0x0  }
0x14: {  	s2 =	sld [smem:$0x3F90];
	s0 =	simm.s32 @p1 $0x1  }
0x15: {  	[smem:$0x3FAD] =	sst s0;
	s0 =	simm.s32 @!p2 $0x0  }
0x16: {  	s3 =	sld [smem:$0x3FDB];
	s0 =	simm.s32 @p2 $0x1  }
0x17: {  	s4 =	simm.s32 $0x1BF5;
	[smem:$0x3FAF] =	sst s0  }
0x18: {  	s0 =	sld [smem:$0x3F92];
	_ =	swait.ge [sflag:s4], $0x0  }
0x19: {  	s7 =	sld [smem:$0x3F93]  }
0x1a: {  	s8 =	sadd.s32 $0xFFFFE003, lr  }
0x1b: {  	s9 =	sadd.s32 $0xFFFFFEF7, lr;
	s5 =	simm.s32 $0xFFFFFFFF;
	p2 =	slt.u32 s8, $0xFFFFF086  }
0x1c: {  	p1 =	slt.u32 s9, $0xF7A;
	s5 =	simm.s32 @!p2 $0x0  }
0x1d: {  	s5 =	simm.s32 @p1 $0x1;
	p0 =	seq.s32 s7, s2  }
0x1e: {  	s7 =	smul.u32 @!p0 $0xF7A, s2;
	p2 =	seq.s32 @!p0 s5, $0x0  }
0x1f: {  	s9 =	smul.u32 $0xF7A, s1;
	s8 =	simm.s32 @!p0 $0x1BF5;
	p2 =	por !p2, p0  }
0x20: {  	[sflag:s8] =	ssyncset.s32 @!p0 $0xFFFFF086;
	s6 =	sadd.s32 @!p0 s3, s7;
	s7 =	simm.s32 @!p0 $0x108  }
0x21: {  	s3 =	sadd.s32 s3, s9;
	s6 =	sadd.s32 @!p0 $0x88, s6;
	s7 =	simm.s32 @p2 $0x1082  }
0x22: {  	[simem:s7], [sflag:s8] =	dma.local @!p0 [hbm:s6], $0xF7A  }
0x23: {  	s9 =	sor.u32 $0xD0000000, s2;
	s6 =	simm.s32 $0x108;
	_ =	swait.ge @!p0 [sflag:s8], $0x0  }
0x24: {  	s3 =	sadd.s32 $0x88, s3;
	s6 =	simm.s32 @!p1 $0x1082;
	[sflag:s4] =	ssyncset.s32 $0xFFFFF086  }
0x25: {  	[simem:s6], [sflag:s4] =	dma.local [hbm:s3], $0xF7A  }
0x26: {  	[smem:$0x3F93] =	sst s1;
	(tag) =	ssettag s2;
	_ =	strace s9  }
0x27: {  	s1 =	sld [smem:$0x3FA3]  }
0x28: {  	s2 =	sld [smem:$0x3FA4]  }
0x29: {  	s4 =	sld [smem:$0x3FA6]  }
0x2a: {  	p0 =	seq.s32 s5, $0x0;
	s5 =	sld [smem:$0x3FA7]  }
0x2b: {  	s6 =	sld [smem:$0x3FA8]  }
0x2c: {  	s7 =	sld [smem:$0x3FA9]  }
0x2d: {  	s3 =	simm.s32 $0x108;
	s8 =	sld [smem:$0x3FAA]  }
0x2e: {  	s3 =	simm.s32 @!p0 $0x1082;
	s9 =	sld [smem:$0x3FAB]  }
0x2f: {  	lr =	sadd.s32 s0, s3;
	s0 =	sld [smem:$0x3FA2]  }
0x30: {  	s3 =	sld [smem:$0x3FA5]  }
0x31: {  	[smem:$0x3FAE] =	sst s10  }
0x32: {  	s10 =	sld [smem:$0x3FAC];
	_ =	sdelay $0x3  }
0x33: {  	p0 =	seq.s32 s10, $0x1;
	s10 =	sld [smem:$0x3FAE];
	_ =	sdelay $0x3  }
0x34: {  	[smem:$0x3FAE] =	sst s10  }
0x35: {  	s10 =	sld [smem:$0x3FAD];
	_ =	sdelay $0x3  }
0x36: {  	p1 =	seq.s32 s10, $0x1;
	s10 =	sld [smem:$0x3FAE];
	_ =	sdelay $0x3  }
0x37: {  	[smem:$0x3FAE] =	sst s10  }
0x38: {  	s10 =	sld [smem:$0x3FAF]  }
0x39: {  	_ = 	snop;
	(pc) =	sbr.ind lr, $3  }
0x3a: {  	_ = 	snop  }
0x3b: {  	_ = 	snop  }
0x3c: {  	p2 =	seq.s32 s10, $0x1;
	s10 =	sld [smem:$0x3FAE]  }
0x3d: {  	_ =	shalt  }
0x3e: {  	_ =	shalt  }
0x3f: {  	_ =	shalt  }
0x40: {  	_ =	shalt  }
0x41: {  	_ =	shalt  }
0x42: {  	_ =	shalt  }
0x43: {  	_ =	shalt  }
0x44: {  	_ =	shalt  }
0x45: {  	_ =	shalt  }
0x46: {  	_ =	shalt  }
0x47: {  	_ =	shalt  }
0x48: {  	_ =	shalt  }
0x49: {  	_ =	shalt  }
0x4a: {  	_ =	shalt  }
0x4b: {  	_ =	shalt  }
0x4c: {  	_ =	shalt  }
0x4d: {  	_ =	shalt  }
0x4e: {  	_ =	shalt  }
0x4f: {  	_ =	shalt  }
0x50: {  	_ =	shalt  }
0x51: {  	_ =	shalt  }
0x52: {  	_ =	shalt  }
0x53: {  	_ =	shalt  }
0x54: {  	_ =	shalt  }
0x55: {  	_ =	shalt  }
0x56: {  	_ =	shalt  }
0x57: {  	_ =	shalt  }
0x58: {  	_ =	shalt  }
0x59: {  	_ =	shalt  }
0x5a: {  	_ =	shalt  }
0x5b: {  	_ =	shalt  }
0x5c: {  	_ =	shalt  }
0x5d: {  	_ =	shalt  }
0x5e: {  	_ =	shalt  }
0x5f: {  	_ =	shalt  }
0x60: {  	_ =	shalt  }
0x61: {  	_ =	shalt  }
0x62: {  	_ =	shalt  }
0x63: {  	_ =	shalt  }
0x64: {  	_ =	shalt  }
0x65: {  	_ =	shalt  }
0x66: {  	_ =	shalt  }
0x67: {  	_ =	shalt  }
0x68: {  	_ =	shalt  }
0x69: {  	_ =	shalt  }
0x6a: {  	_ =	shalt  }
0x6b: {  	_ =	shalt  }
0x6c: {  	_ =	shalt  }
0x6d: {  	_ =	shalt  }
0x6e: {  	_ =	shalt  }
0x6f: {  	_ =	shalt  }
0x70: {  	_ =	shalt  }
0x71: {  	_ =	shalt  }
0x72: {  	_ =	shalt  }
0x73: {  	_ =	shalt  }
0x74: {  	_ =	shalt  }
0x75: {  	_ =	shalt  }
0x76: {  	_ =	shalt  }
0x77: {  	_ =	shalt  }
0x78: {  	_ =	shalt  }
0x79: {  	_ =	shalt  }
0x7a: {  	_ =	shalt  }
0x7b: {  	_ =	shalt  }
0x7c: {  	_ =	shalt  }
0x7d: {  	_ =	shalt  }
0x7e: {  	_ =	shalt  }
0x7f: {  	_ =	shalt  }
0x80: {  	_ =	shalt  }
0x81: {  	_ =	shalt  }
0x82: {  	_ =	shalt  }
0x83: {  	_ =	shalt  }
0x84: {  	_ =	shalt  }
0x85: {  	_ =	shalt  }
0x86: {  	_ =	shalt  }
0x87: {  	_ =	shalt  }
.Lfunc_end0:
.L_simem_size_0:
called_computation.1_lowered:
.L_overlay_start_0:
0x88: {  	s2 =	sld [smem:$0x3FD9]  }
0x89: {  	s3 =	sld [smem:$0x3FFE];
	_ =	sdelay $0x1  }
0x8a: {  	s1 =	srdreg.scid  }
0x8b: {  	s0 =	sand.u32 $0x1, s1  }
0x8c: {  	s17 =	sshll.u32 s0, $0xA;
	s2 =	sadd.s32 s3, s2  }
0x8d: {  	s2 =	sadd.s32 s2, s17  }
0x8e: {  	[smem:$0x3FBA] =	sst s2  }
0x8f: {  	_ = 	snop  }
0x90: {  	s18 =	sld [smem:$0x3FD0];
	(tm) =	ssettm $0x1  }
0x91: {  	s19 =	sld [smem:$0x3FFB];
	_ =	sdelay $0x3  }
0x92: {  	_ =	strace s19  }
0x93: {  	s2 =	sld [smem:$0x3FFC];
	_ =	sdelay $0x3  }
0x94: {  	_ =	strace s2  }
0x95: {  	s2 =	sld [smem:$0x3FFD];
	_ =	sdelay $0x3  }
0x96: {  	_ =	strace s2  }
0x97: {  	_ =	strace $0x8FFFFFFF  }
0x98: {  	s20 =	sld [smem:$0x3FDB];
	_ =	sdelay $0x1  }
0x99: {  	s4 =	simm.s32 $_scs_section_size  }
0x9a: {  	s5 =	simm.s32 $_size__tile_overlayer_lowered;
	s6 =	simm.s32 $_tile_overlayer_lowered  }
0x9b: {  	s7 =	simm.s32 $0x1BFF;
	s21 =	sshll.u32 s6, $0x1;
	s4 =	sadd.s32 s4, s20  }
0x9c: {  	s22 =	simm.s32 $0x0;
	s5 =	sshll.u32 s5, $0x1;
	s6 =	sadd.s32 s21, s4  }
0x9d: {  	[timem:s22], [sflag:s7] =	dma.local [hbm:s6], s5  }
0x9e: {  	_ =	swait.ge [sflag:s7], s5  }
0x9f: {  	s5 =	ssub.s32 $0x0, s5;
	[sflag:s7] =	ssyncset.done $0x0  }
0xa0: {  	[sflag:s7] =	ssyncadd.s32 s5;
	_ =	sdelay $0x1  }
0xa1: {  	s23 =	simm.s32 $0x1B8B  }
0xa2: {  	_ =	swait.ge [sflag:s23], $0x1  }
0xa3: {  	[sflag:s23] =	ssyncset.done $0x0  }
0xa4: {  	[sflag:s23] =	ssyncadd.s32 $0xFFFFFFFF  }
0xa5: {  	s5 =	sld [smem:$0x0]  }
0xa6: {  	s6 =	sand.u32 $0xFFFFFFFE, s1  }
0xa7: {  	p0 =	sne.s32 s1, s6  }
0xa8: {  	s6 =	sshll.u32 @p0 s6, $0xE  }
0xa9: {  	s6 =	sadd.s32 @p0 $0x11B8D, s6;
	s7 =	sshll.u32 @p0 s5, $0x11  }
0xaa: {  	s6 =	sor.u32 @p0 s7, s6  }
0xab: {  	[sflag:s6] =	ssyncadd.remote.s32 @p0 $0x1;
	_ =	sdelay $0x1  }
0xac: {  	s6 =	simm.s32 @p0 $0x1B8D  }
0xad: {  	_ =	swait.eq @p0 [sflag:s6], $0x1  }
0xae: {  	[sflag:s6] =	ssyncadd.s32 @p0 $0xFFFFFFFF  }
0xaf: {  	s7 =	sshll.u32 @!p0 s1, $0xE  }
0xb0: {  	s7 =	sor.u32 @!p0 $0x4000, s7;
	s6 =	simm.s32 @!p0 $0x1B8D  }
0xb1: {  	s5 =	sshll.u32 @!p0 s5, $0x11;
	s7 =	sadd.s32 @!p0 $0x11B8D, s7;
	_ =	swait.eq @!p0 [sflag:s6], $0x1  }
0xb2: {  	s5 =	sor.u32 @!p0 s5, s7;
	[sflag:s6] =	ssyncadd.s32 @!p0 $0xFFFFFFFF  }
0xb3: {  	s25 =	simm.s32 $0x1B8E;
	s24 =	sld [smem:$0x3FFE];
	[sflag:s5] =	ssyncadd.remote.s32 @!p0 $0x1  }
0xb4: {  	s26 =	simm.s32 $execute0_lowered;
	[smem:$0x3FD2] =	sst s25  }
0xb5: {  	s6 =	sshll.u32 s26, $0x1;
	_ =	strace $0x80000049;
	[dreg:$0x1] =	wrdreg $0xFFFFFFFF  }
0xb6: {  	s28 =	simm.s32 $_size_execute0_lowered;
	s4 =	sadd.s32 s4, s6;
	[dreg:$0x0] =	wrdreg $0x0  }
0xb7: {  	s6 =	sshll.u32 s28, $0x1;
	[dreg:$0x2] =	wrdreg s4  }
0xb8: {  	[dreg:$0x3] =	wrdreg s6  }
0xb9: {  	[dreg:$0x4] =	wrdreg $0xC0  }
0xba: {  	_ =	task [dreg:s22], $0x5FFFF  }
0xbb: {  	[dreg:$0x1] =	wrdreg $0xFFFFFFFF  }
0xbc: {  	[dreg:$0x0] =	wrdreg $0x60  }
0xbd: {  	[dreg:$0x2] =	wrdreg s18  }
0xbe: {  	[dreg:$0x3] =	wrdreg s24  }
0xbf: {  	[dreg:$0x4] =	wrdreg $0x108000  }
0xc0: {  	[dreg:$0x5] =	wrdreg $0xA  }
0xc1: {  	_ =	task.clear_ibuf [dreg:s22], $0x6FFFF;
	_ =	strace $0x90000049  }
0xc2: {  	s29 =	simm.s32 $0xA;
	_ =	strace $0x8000004B  }
0xc3: {  	_ =	swait.ge [sflag:s29], $0x1  }
0xc4: {  	[sflag:s29] =	ssyncadd.s32 $0xFFFFFFFF  }
0xc5: {  	_ =	strace $0x9000004B  }
0xc6: {  	_ =	sfence  }
0xc7: {  	s30 =	sld [smem:$0x0];
	_ =	sdelay $0x2  }
0xc8: {  	s31 =	sshll.u32 s1, $0xD;
	s1 =	sshrl.u32 s1, $0x2  }
0xc9: {  	s4 =	sand.u32 $0x4000, s31;
	s1 =	sadd.s32 s1, s30  }
0xca: {  	s0 =	sor.u32 s4, s0;
	s1 =	sshll.u32 s1, $0x11  }
0xcb: {  	s0 =	sor.u32 s1, s0  }
0xcc: {  	s0 =	sadd.s32 $0x8F2B, s0  }
0xcd: {  	[sflag:s0] =	ssyncadd.remote.s32 $0x1  }
0xce: {  	_ =	sfence.sel $0xFFFF  }
0xcf: {  	[dreg:$0x0] =	wrdreg $0xFFFFFFFF;
	(pc) =	sbr.abs _section_cstart, $3  }
0xd0: {  	[dreg:$0x1] =	wrdreg $0xFFFFFFFF  }
0xd1: {  	_ =	task.clear_ibuf [dreg:s22], $0x2FFFF;
	_ =	strace $0x9FFFFFFF  }
0xd2: {  	(tm) =	ssettm $0x7FFFFFFF  }
0xd3: {  	_ =	shalt  }
tec
execute0_lowered:
.L_overlay_start_1:
0x0: {  	(tag) =	ssettag $0x1  }
0x1: {  	s4 =	rddreg [dreg:$0x0]  }
0x2: {  	s13 =	rddreg [dreg:$0x1]  }
0x3: {  	s2 =	rddreg [dreg:$0x2];
	s3 =	simm.s32 $0x0;
	s5 =	srdreg.scid  }
0x4: {  	s1 =	stileid.u32;
	[smem:$0x7FF] =	sst s3;
	s30 =	sand.u32 $0x1, s5  }
0x5: {  	s23 =	sshll.u32 s1, $0xC;
	s24 =	sshll.u32 s1, $0xE;
	s25 =	sshll.u32 s1, $0xB  }
0x6: {  	s26 =	sshll.u32 s1, $0x6;
	_ =	strace $0x8000004A;
	s6 =	sshll.u32 s30, $0xB  }
0x7: {  	s7 =	sadd.s32 s24, s2;
	s4 =	sadd.s32 s4, s25;
	s5 =	sor.u32 $0x1C05, s26  }
0x8: {  	s14 =	sor.u32 s6, s23;
	s6 =	sshrl.u32 s7, $0x3;
	s7 =	simm.s32 $0x5  }
0x9: {  	[spmem:s6], [sflag:s5] =	dma.local [hbm:s4], $0x800  }
0xa: {  	s8 =	sshrl.u32 s14, $0x3;
	_ =	swait.ge [sflag:s7], $0x800  }
0xb: {  	s8 =	sadd.s32 s8, s13;
	[sflag:s7] =	ssyncset.done $0x0  }
0xc: {  	s8 =	sadd.s32 $0xC200, s8;
	[sflag:s7] =	ssyncadd.s32 $0xFFFFF800  }
0xd: {  	[tilespmem:s3], [sflag:$0x5] =	stream.linear.gather [hbm4b:s8+s3], $0x800, $0x38;
	[tilespmem:$0x14800] =	vst v63  }
0xe: {  	_ =	swait.ge [sflag:s7], $0x800  }
0xf: {  	[sflag:s7] =	ssyncset.done $0x0  }
0x10: {  	[sflag:s7] =	ssyncadd.s32 $0xFFFFF800  }
0x11: {  	s9 =	simm.s32 $0x100;
	s10 =	simm.s32 $0x800;
	[bflag:$0x0] =	sbarrier.arrive $0xFFFF  }
0x12: {  	[tilespmem:s10], [sflag:$0x1] =	stream.indirect.gather [spmem:s2], $0x80, s3, s9, $0xb8;
	[tilespmem:$0x14800] =	vst v63  }
0x13: {  	s11 =	simm.s32 $0x8800;
	s12 =	simm.s32 $0x1  }
0x14: {  	[tilespmem:s11], [sflag:$0x2] =	stream.indirect.gather [spmem:s2], $0x80, s9, s9, $0xb8;
	[tilespmem:$0x14800] =	vst v63  }
0x15: {  	s14 =	sshll.u32 s14, $0x4;
	_ =	swait.ge [sflag:s12], $0x8000  }
0x16: {  	s31 =	sadd.s32 s14, s13;
	[sflag:s12] =	ssyncset.done $0x0  }
0x17: {  	s14 =	simm.s32 $0x3;
	s13 =	sadd.s32 $0x10E200, s31;
	[sflag:s12] =	ssyncadd.s32 $0xFFFF8000  }
0x18: {  	[hbm4b:s13+s3] =	stream.linear.scatter [tilespmem:s10], [sflag:$0x3], $0x8000, $0x38;
	[tilespmem:$0x14800] =	vst v63  }
0x19: {  	_ =	swait.ge [sflag:s14], $0x8000  }
0x1a: {  	[sflag:s14] =	ssyncset.done $0x0  }
0x1b: {  	s15 =	simm.s32 $0x200;
	s16 =	simm.s32 $0x2;
	[sflag:s14] =	ssyncadd.s32 $0xFFFF8000  }
0x1c: {  	[tilespmem:s10], [sflag:$0x1] =	stream.indirect.gather [spmem:s2], $0x80, s15, s9, $0xb8;
	[tilespmem:$0x14800] =	vst v63  }
0x1d: {  	_ =	swait.ge [sflag:s16], $0x8000  }
0x1e: {  	[sflag:s16] =	ssyncset.done $0x0  }
0x1f: {  	s17 =	simm.s32 $0x4;
	s18 =	sadd.s32 $0x10F200, s31;
	[sflag:s16] =	ssyncadd.s32 $0xFFFF8000  }
0x20: {  	[hbm4b:s18+s3] =	stream.linear.scatter [tilespmem:s11], [sflag:$0x4], $0x8000, $0x38;
	[tilespmem:$0x14800] =	vst v63  }
0x21: {  	_ =	swait.ge [sflag:s17], $0x8000  }
0x22: {  	[sflag:s17] =	ssyncset.done $0x0  }
0x23: {  	s19 =	simm.s32 $0x300;
	[sflag:s17] =	ssyncadd.s32 $0xFFFF8000  }
0x24: {  	[tilespmem:s11], [sflag:$0x2] =	stream.indirect.gather [spmem:s2], $0x80, s19, s9, $0xb8;
	[tilespmem:$0x14800] =	vst v63  }
0x25: {  	_ =	swait.ge [sflag:s12], $0x8000  }
0x26: {  	[sflag:s12] =	ssyncset.done $0x0  }
0x27: {  	s20 =	sadd.s32 $0x110200, s31;
	[sflag:s12] =	ssyncadd.s32 $0xFFFF8000  }
0x28: {  	[hbm4b:s20+s3] =	stream.linear.scatter [tilespmem:s10], [sflag:$0x3], $0x8000, $0x38;
	[tilespmem:$0x14800] =	vst v63  }
0x29: {  	_ =	swait.ge [sflag:s14], $0x8000  }
0x2a: {  	[sflag:s14] =	ssyncset.done $0x0  }
0x2b: {  	s21 =	simm.s32 $0x400;
	[sflag:s14] =	ssyncadd.s32 $0xFFFF8000  }
0x2c: {  	[tilespmem:s10], [sflag:$0x1] =	stream.indirect.gather [spmem:s2], $0x80, s21, s9, $0xb8;
	[tilespmem:$0x14800] =	vst v63  }
0x2d: {  	_ =	swait.ge [sflag:s16], $0x8000  }
0x2e: {  	[sflag:s16] =	ssyncset.done $0x0  }
0x2f: {  	s22 =	sadd.s32 $0x111200, s31;
	[sflag:s16] =	ssyncadd.s32 $0xFFFF8000  }
0x30: {  	[hbm4b:s22+s3] =	stream.linear.scatter [tilespmem:s11], [sflag:$0x4], $0x8000, $0x38;
	[tilespmem:$0x14800] =	vst v63  }
0x31: {  	_ =	swait.ge [sflag:s17], $0x8000  }
0x32: {  	[sflag:s17] =	ssyncset.done $0x0  }
0x33: {  	s23 =	simm.s32 $0x500;
	[sflag:s17] =	ssyncadd.s32 $0xFFFF8000  }
0x34: {  	[tilespmem:s11], [sflag:$0x2] =	stream.indirect.gather [spmem:s2], $0x80, s23, s9, $0xb8;
	[tilespmem:$0x14800] =	vst v63  }
0x35: {  	_ =	swait.ge [sflag:s12], $0x8000  }
0x36: {  	[sflag:s12] =	ssyncset.done $0x0  }
0x37: {  	s24 =	sadd.s32 $0x112200, s31;
	[sflag:s12] =	ssyncadd.s32 $0xFFFF8000  }
0x38: {  	[hbm4b:s24+s3] =	stream.linear.scatter [tilespmem:s10], [sflag:$0x3], $0x8000, $0x38;
	[tilespmem:$0x14800] =	vst v63  }
0x39: {  	_ =	swait.ge [sflag:s14], $0x8000  }
0x3a: {  	[sflag:s14] =	ssyncset.done $0x0  }
0x3b: {  	s25 =	simm.s32 $0x600;
	[sflag:s14] =	ssyncadd.s32 $0xFFFF8000  }
0x3c: {  	[tilespmem:s10], [sflag:$0x1] =	stream.indirect.gather [spmem:s2], $0x80, s25, s9, $0xb8;
	[tilespmem:$0x14800] =	vst v63  }
0x3d: {  	_ =	swait.ge [sflag:s16], $0x8000  }
0x3e: {  	[sflag:s16] =	ssyncset.done $0x0  }
0x3f: {  	s26 =	sadd.s32 $0x113200, s31;
	[sflag:s16] =	ssyncadd.s32 $0xFFFF8000  }
0x40: {  	[hbm4b:s26+s3] =	stream.linear.scatter [tilespmem:s11], [sflag:$0x4], $0x8000, $0x38;
	[tilespmem:$0x14800] =	vst v63  }
0x41: {  	_ =	swait.ge [sflag:s17], $0x8000  }
0x42: {  	[sflag:s17] =	ssyncset.done $0x0  }
0x43: {  	s28 =	simm.s32 $0x700;
	[sflag:s17] =	ssyncadd.s32 $0xFFFF8000  }
0x44: {  	[tilespmem:s11], [sflag:$0x2] =	stream.indirect.gather [spmem:s2], $0x80, s28, s9, $0xb8;
	[tilespmem:$0x14800] =	vst v63  }
0x45: {  	_ =	swait.ge [sflag:s12], $0x8000  }
0x46: {  	s0 =	ssub.s32 $0x2, s30;
	s29 =	sadd.s32 $0x114200, s31;
	[sflag:s12] =	ssyncset.done $0x0  }
0x47: {  	s30 =	sadd.s32 $0x115200, s31;
	s31 =	sshrl.u32 s0, $0x1;
	[sflag:s12] =	ssyncadd.s32 $0xFFFF8000  }
0x48: {  	[hbm4b:s29+s3] =	stream.linear.scatter [tilespmem:s10], [sflag:$0x3], $0x8000, $0x38;
	[tilespmem:$0x14800] =	vst v63  }
0x49: {  	s0 =	ssub.s32 s0, s31;
	_ =	swait.ge [sflag:s16], $0x8000  }
0x4a: {  	s0 =	smax.u32 s0, $0x1;
	[sflag:s16] =	ssyncset.done $0x0  }
0x4b: {  	p0 =	sne.s32 s0, $0x1;
	[sflag:s16] =	ssyncadd.s32 $0xFFFF8000  }
0x4c: {  	[hbm4b:s30+s3] =	stream.linear.scatter [tilespmem:s11], [sflag:$0x4], $0x8000, $0x38;
	[tilespmem:$0x14800] =	vst v63  }
.Ltmp0:
0x4d: {  	_ =	swait.ge [sflag:s14], $0x8000;
	(pc) =	sbr.rel @!p0 .LBB2_2-.Ltmp0, $4  }
0x4e: {  	[sflag:s14] =	ssyncset.done $0x0  }
0x4f: {  	[sflag:s14] =	ssyncadd.s32 $0xFFFF8000  }
0x50: {  	_ =	swait.ge [sflag:s17], $0x8000  }
0x51: {  	s31 =	sadd.s32 $0xFFFFFFFF, s0;
	[sflag:s17] =	ssyncset.done $0x0  }
.LBB2_1:
0x52: {  	p0 =	sne.s32 s31, $0x1;
	s31 =	sadd.s32 $0xFFFFFFFF, s31;
	[sflag:s17] =	ssyncadd.s32 $0xFFFF8000  }
0x53: {  	[spmem:s6], [sflag:s5] =	dma.local [hbm:s4], $0x800  }
0x54: {  	_ =	swait.ge [sflag:s7], $0x800  }
0x55: {  	[sflag:s7] =	ssyncset.done $0x0  }
0x56: {  	[sflag:s7] =	ssyncadd.s32 $0xFFFFF800  }
0x57: {  	[tilespmem:s3], [sflag:$0x5] =	stream.linear.gather [hbm4b:s8+s3], $0x800, $0x38;
	[tilespmem:$0x14800] =	vst v63  }
0x58: {  	_ =	swait.ge [sflag:s7], $0x800  }
0x59: {  	[sflag:s7] =	ssyncset.done $0x0  }
0x5a: {  	[sflag:s7] =	ssyncadd.s32 $0xFFFFF800  }
0x5b: {  	[bflag:$0x0] =	sbarrier.arrive $0xFFFF  }
0x5c: {  	[tilespmem:s10], [sflag:$0x1] =	stream.indirect.gather [spmem:s2], $0x80, s3, s9, $0xb8;
	[tilespmem:$0x14800] =	vst v63  }
0x5d: {  	_ = 	snop  }
0x5e: {  	[tilespmem:s11], [sflag:$0x2] =	stream.indirect.gather [spmem:s2], $0x80, s9, s9, $0xb8;
	[tilespmem:$0x14800] =	vst v63  }
0x5f: {  	_ =	swait.ge [sflag:s12], $0x8000  }
0x60: {  	[sflag:s12] =	ssyncset.done $0x0  }
0x61: {  	[sflag:s12] =	ssyncadd.s32 $0xFFFF8000  }
0x62: {  	[hbm4b:s13+s3] =	stream.linear.scatter [tilespmem:s10], [sflag:$0x3], $0x8000, $0x38;
	[tilespmem:$0x14800] =	vst v63  }
0x63: {  	_ =	swait.ge [sflag:s14], $0x8000  }
0x64: {  	[sflag:s14] =	ssyncset.done $0x0  }
0x65: {  	[sflag:s14] =	ssyncadd.s32 $0xFFFF8000  }
0x66: {  	[tilespmem:s10], [sflag:$0x1] =	stream.indirect.gather [spmem:s2], $0x80, s15, s9, $0xb8;
	[tilespmem:$0x14800] =	vst v63  }
0x67: {  	_ =	swait.ge [sflag:s16], $0x8000  }
0x68: {  	[sflag:s16] =	ssyncset.done $0x0  }
0x69: {  	[sflag:s16] =	ssyncadd.s32 $0xFFFF8000  }
0x6a: {  	[hbm4b:s18+s3] =	stream.linear.scatter [tilespmem:s11], [sflag:$0x4], $0x8000, $0x38;
	[tilespmem:$0x14800] =	vst v63  }
0x6b: {  	_ =	swait.ge [sflag:s17], $0x8000  }
0x6c: {  	[sflag:s17] =	ssyncset.done $0x0  }
0x6d: {  	[sflag:s17] =	ssyncadd.s32 $0xFFFF8000  }
0x6e: {  	[tilespmem:s11], [sflag:$0x2] =	stream.indirect.gather [spmem:s2], $0x80, s19, s9, $0xb8;
	[tilespmem:$0x14800] =	vst v63  }
0x6f: {  	_ =	swait.ge [sflag:s12], $0x8000  }
0x70: {  	[sflag:s12] =	ssyncset.done $0x0  }
0x71: {  	[sflag:s12] =	ssyncadd.s32 $0xFFFF8000  }
0x72: {  	[hbm4b:s20+s3] =	stream.linear.scatter [tilespmem:s10], [sflag:$0x3], $0x8000, $0x38;
	[tilespmem:$0x14800] =	vst v63  }
0x73: {  	_ =	swait.ge [sflag:s14], $0x8000  }
0x74: {  	[sflag:s14] =	ssyncset.done $0x0  }
0x75: {  	[sflag:s14] =	ssyncadd.s32 $0xFFFF8000  }
0x76: {  	[tilespmem:s10], [sflag:$0x1] =	stream.indirect.gather [spmem:s2], $0x80, s21, s9, $0xb8;
	[tilespmem:$0x14800] =	vst v63  }
0x77: {  	_ =	swait.ge [sflag:s16], $0x8000  }
0x78: {  	[sflag:s16] =	ssyncset.done $0x0  }
0x79: {  	[sflag:s16] =	ssyncadd.s32 $0xFFFF8000  }
0x7a: {  	[hbm4b:s22+s3] =	stream.linear.scatter [tilespmem:s11], [sflag:$0x4], $0x8000, $0x38;
	[tilespmem:$0x14800] =	vst v63  }
0x7b: {  	_ =	swait.ge [sflag:s17], $0x8000  }
0x7c: {  	[sflag:s17] =	ssyncset.done $0x0  }
0x7d: {  	[sflag:s17] =	ssyncadd.s32 $0xFFFF8000  }
0x7e: {  	[tilespmem:s11], [sflag:$0x2] =	stream.indirect.gather [spmem:s2], $0x80, s23, s9, $0xb8;
	[tilespmem:$0x14800] =	vst v63  }
0x7f: {  	_ =	swait.ge [sflag:s12], $0x8000  }
0x80: {  	[sflag:s12] =	ssyncset.done $0x0  }
0x81: {  	[sflag:s12] =	ssyncadd.s32 $0xFFFF8000  }
0x82: {  	[hbm4b:s24+s3] =	stream.linear.scatter [tilespmem:s10], [sflag:$0x3], $0x8000, $0x38;
	[tilespmem:$0x14800] =	vst v63  }
0x83: {  	_ =	swait.ge [sflag:s14], $0x8000  }
0x84: {  	[sflag:s14] =	ssyncset.done $0x0  }
0x85: {  	[sflag:s14] =	ssyncadd.s32 $0xFFFF8000  }
0x86: {  	[tilespmem:s10], [sflag:$0x1] =	stream.indirect.gather [spmem:s2], $0x80, s25, s9, $0xb8;
	[tilespmem:$0x14800] =	vst v63  }
0x87: {  	_ =	swait.ge [sflag:s16], $0x8000  }
0x88: {  	[sflag:s16] =	ssyncset.done $0x0  }
0x89: {  	[sflag:s16] =	ssyncadd.s32 $0xFFFF8000  }
0x8a: {  	[hbm4b:s26+s3] =	stream.linear.scatter [tilespmem:s11], [sflag:$0x4], $0x8000, $0x38;
	[tilespmem:$0x14800] =	vst v63  }
0x8b: {  	_ =	swait.ge [sflag:s17], $0x8000  }
0x8c: {  	[sflag:s17] =	ssyncset.done $0x0  }
0x8d: {  	[sflag:s17] =	ssyncadd.s32 $0xFFFF8000  }
0x8e: {  	[tilespmem:s11], [sflag:$0x2] =	stream.indirect.gather [spmem:s2], $0x80, s28, s9, $0xb8;
	[tilespmem:$0x14800] =	vst v63  }
0x8f: {  	_ =	swait.ge [sflag:s12], $0x8000  }
0x90: {  	[sflag:s12] =	ssyncset.done $0x0  }
0x91: {  	[sflag:s12] =	ssyncadd.s32 $0xFFFF8000  }
0x92: {  	[hbm4b:s29+s3] =	stream.linear.scatter [tilespmem:s10], [sflag:$0x3], $0x8000, $0x38;
	[tilespmem:$0x14800] =	vst v63  }
0x93: {  	_ =	swait.ge [sflag:s16], $0x8000  }
0x94: {  	[sflag:s16] =	ssyncset.done $0x0  }
0x95: {  	[sflag:s16] =	ssyncadd.s32 $0xFFFF8000  }
0x96: {  	[hbm4b:s30+s3] =	stream.linear.scatter [tilespmem:s11], [sflag:$0x4], $0x8000, $0x38;
	[tilespmem:$0x14800] =	vst v63  }
.Ltmp1:
0x97: {  	_ =	swait.ge [sflag:s14], $0x8000;
	(pc) =	sbr.rel @p0 .LBB2_1-.Ltmp1, $4  }
0x98: {  	[sflag:s14] =	ssyncset.done $0x0  }
0x99: {  	[sflag:s14] =	ssyncadd.s32 $0xFFFF8000  }
0x9a: {  	_ =	swait.ge [sflag:s17], $0x8000  }
0x9b: {  	[sflag:s17] =	ssyncset.done $0x0  }
.LBB2_2:
0x9c: {  	[sflag:s17] =	ssyncadd.s32 $0xFFFF8000  }
0x9d: {  	_ =	sfence.sel $0x180000  }
0x9e: {  	[bflag:$0x0] =	sbarrier.arrive $0xFFFF  }
0x9f: {  	_ =	strace $0x9000004A  }
0xa0: {  	[bflag:$0x2] =	sbarrier.arrive $0xFFFF  }
0xa1: {  	p0 =	sne.s32 s1, $0x0;
	s0 =	rddreg [dreg:$0x3]  }
0xa2: {  	s0 =	sadd.s32 @!p0 $0x100000, s0  }
0xa3: {  	[sflag:s0] =	ssyncadd.tile.s32 @!p0 $0x1;
	_ =	shalt  }
.Lfunc_end2:
_tile_overlayer_lowered:
.L_overlay_start_2:
0xa4: {  	(tag) =	ssettag $0x2  }
0xa5: {  	s0 =	rddreg [dreg:$0x0];
	s2 =	stileid.u32  }
0xa6: {  	s1 =	rddreg [dreg:$0x1];
	p0 =	sne.s32 s2, $0x0  }
0xa7: {  	s3 =	rddreg [dreg:$0x2];
	[bflag:$0x3] =	sbarrier.arrive $0xFFFF;
	s2 =	simm.s32 @!p0 $0x1C05  }
0xa8: {  	[timem:s3], [sflag:s2] =	dma.local @!p0 [hbm:s0], s1  }
0xa9: {  	s0 =	simm.s32 @!p0 $0x5  }
0xaa: {  	_ =	swait.ge @!p0 [sflag:s0], s1  }
0xab: {  	s1 =	ssub.s32 @!p0 $0x0, s1;
	[sflag:s0] =	ssyncset.done @!p0 $0x0  }
0xac: {  	[sflag:s0] =	ssyncadd.s32 @!p0 s1  }
0xad: {  	[bflag:$0x3] =	sbarrier.arrive $0xFFFF  }
0xae: {  	_ =	shalt  }

// kernel: kernel.17.cloned.1.call-start
scs
__scs_entry_jumppad:
0x0: {  	(pc) =	sbr.rel $0x88, $3  }
0x1: {  	(tag) =	ssettag $0x0;
	lr =	simm.s32 $0x1  }
0x2: {  	[smem:$0x3F93] =	sst lr;
	_ =	strace $0xD0000000  }
0x3: {  	_ = 	snop  }
0x4: {  	_ = 	snop  }
0x5: {  	_ = 	snop  }
0x6: {  	_ = 	snop  }
0x7: {  	_ = 	snop  }
__scs_overlays_trampoline_lowered:
0x8: {  	[smem:$0x3FA2] =	sst s0  }
0x9: {  	[smem:$0x3FA3] =	sst s1  }
0xa: {  	[smem:$0x3FA4] =	sst s2  }
0xb: {  	[smem:$0x3FA5] =	sst s3  }
0xc: {  	[smem:$0x3FA6] =	sst s4  }
0xd: {  	[smem:$0x3FA7] =	sst s5  }
0xe: {  	[smem:$0x3FA8] =	sst s6  }
0xf: {  	[smem:$0x3FA9] =	sst s7  }
0x10: {  	[smem:$0x3FAA] =	sst s8  }
0x11: {  	[smem:$0x3FAB] =	sst s9;
	s0 =	simm.s32 @!p0 $0x0  }
0x12: {  	s1 =	sld [smem:$0x3F91];
	s0 =	simm.s32 @p0 $0x1  }
0x13: {  	[smem:$0x3FAC] =	sst s0;
	s0 =	simm.s32 @!p1 $0x0  }
0x14: {  	s2 =	sld [smem:$0x3F90];
	s0 =	simm.s32 @p1 $0x1  }
0x15: {  	[smem:$0x3FAD] =	sst s0;
	s0 =	simm.s32 @!p2 $0x0  }
0x16: {  	s3 =	sld [smem:$0x3FDB];
	s0 =	simm.s32 @p2 $0x1  }
0x17: {  	s4 =	simm.s32 $0x1BF5;
	[smem:$0x3FAF] =	sst s0  }
0x18: {  	s0 =	sld [smem:$0x3F92];
	_ =	swait.ge [sflag:s4], $0x0  }
0x19: {  	s7 =	sld [smem:$0x3F93]  }
0x1a: {  	s8 =	sadd.s32 $0xFFFFE003, lr  }
0x1b: {  	s9 =	sadd.s32 $0xFFFFFEF7, lr;
	s5 =	simm.s32 $0xFFFFFFFF;
	p2 =	slt.u32 s8, $0xFFFFF086  }
0x1c: {  	p1 =	slt.u32 s9, $0xF7A;
	s5 =	simm.s32 @!p2 $0x0  }
0x1d: {  	s5 =	simm.s32 @p1 $0x1;
	p0 =	seq.s32 s7, s2  }
0x1e: {  	s7 =	smul.u32 @!p0 $0xF7A, s2;
	p2 =	seq.s32 @!p0 s5, $0x0  }
0x1f: {  	s9 =	smul.u32 $0xF7A, s1;
	s8 =	simm.s32 @!p0 $0x1BF5;
	p2 =	por !p2, p0  }
0x20: {  	[sflag:s8] =	ssyncset.s32 @!p0 $0xFFFFF086;
	s6 =	sadd.s32 @!p0 s3, s7;
	s7 =	simm.s32 @!p0 $0x108  }
0x21: {  	s3 =	sadd.s32 s3, s9;
	s6 =	sadd.s32 @!p0 $0x88, s6;
	s7 =	simm.s32 @p2 $0x1082  }
0x22: {  	[simem:s7], [sflag:s8] =	dma.local @!p0 [hbm:s6], $0xF7A  }
0x23: {  	s9 =	sor.u32 $0xD0000000, s2;
	s6 =	simm.s32 $0x108;
	_ =	swait.ge @!p0 [sflag:s8], $0x0  }
0x24: {  	s3 =	sadd.s32 $0x88, s3;
	s6 =	simm.s32 @!p1 $0x1082;
	[sflag:s4] =	ssyncset.s32 $0xFFFFF086  }
0x25: {  	[simem:s6], [sflag:s4] =	dma.local [hbm:s3], $0xF7A  }
0x26: {  	[smem:$0x3F93] =	sst s1;
	(tag) =	ssettag s2;
	_ =	strace s9  }
0x27: {  	s1 =	sld [smem:$0x3FA3]  }
0x28: {  	s2 =	sld [smem:$0x3FA4]  }
0x29: {  	s4 =	sld [smem:$0x3FA6]  }
0x2a: {  	p0 =	seq.s32 s5, $0x0;
	s5 =	sld [smem:$0x3FA7]  }
0x2b: {  	s6 =	sld [smem:$0x3FA8]  }
0x2c: {  	s7 =	sld [smem:$0x3FA9]  }
0x2d: {  	s3 =	simm.s32 $0x108;
	s8 =	sld [smem:$0x3FAA]  }
0x2e: {  	s3 =	simm.s32 @!p0 $0x1082;
	s9 =	sld [smem:$0x3FAB]  }
0x2f: {  	lr =	sadd.s32 s0, s3;
	s0 =	sld [smem:$0x3FA2]  }
0x30: {  	s3 =	sld [smem:$0x3FA5]  }
0x31: {  	[smem:$0x3FAE] =	sst s10  }
0x32: {  	s10 =	sld [smem:$0x3FAC];
	_ =	sdelay $0x3  }
0x33: {  	p0 =	seq.s32 s10, $0x1;
	s10 =	sld [smem:$0x3FAE];
	_ =	sdelay $0x3  }
0x34: {  	[smem:$0x3FAE] =	sst s10  }
0x35: {  	s10 =	sld [smem:$0x3FAD];
	_ =	sdelay $0x3  }
0x36: {  	p1 =	seq.s32 s10, $0x1;
	s10 =	sld [smem:$0x3FAE];
	_ =	sdelay $0x3  }
0x37: {  	[smem:$0x3FAE] =	sst s10  }
0x38: {  	s10 =	sld [smem:$0x3FAF]  }
0x39: {  	_ = 	snop;
	(pc) =	sbr.ind lr, $3  }
0x3a: {  	_ = 	snop  }
0x3b: {  	_ = 	snop  }
0x3c: {  	p2 =	seq.s32 s10, $0x1;
	s10 =	sld [smem:$0x3FAE]  }
0x3d: {  	_ =	shalt  }
0x3e: {  	_ =	shalt  }
0x3f: {  	_ =	shalt  }
0x40: {  	_ =	shalt  }
0x41: {  	_ =	shalt  }
0x42: {  	_ =	shalt  }
0x43: {  	_ =	shalt  }
0x44: {  	_ =	shalt  }
0x45: {  	_ =	shalt  }
0x46: {  	_ =	shalt  }
0x47: {  	_ =	shalt  }
0x48: {  	_ =	shalt  }
0x49: {  	_ =	shalt  }
0x4a: {  	_ =	shalt  }
0x4b: {  	_ =	shalt  }
0x4c: {  	_ =	shalt  }
0x4d: {  	_ =	shalt  }
0x4e: {  	_ =	shalt  }
0x4f: {  	_ =	shalt  }
0x50: {  	_ =	shalt  }
0x51: {  	_ =	shalt  }
0x52: {  	_ =	shalt  }
0x53: {  	_ =	shalt  }
0x54: {  	_ =	shalt  }
0x55: {  	_ =	shalt  }
0x56: {  	_ =	shalt  }
0x57: {  	_ =	shalt  }
0x58: {  	_ =	shalt  }
0x59: {  	_ =	shalt  }
0x5a: {  	_ =	shalt  }
0x5b: {  	_ =	shalt  }
0x5c: {  	_ =	shalt  }
0x5d: {  	_ =	shalt  }
0x5e: {  	_ =	shalt  }
0x5f: {  	_ =	shalt  }
0x60: {  	_ =	shalt  }
0x61: {  	_ =	shalt  }
0x62: {  	_ =	shalt  }
0x63: {  	_ =	shalt  }
0x64: {  	_ =	shalt  }
0x65: {  	_ =	shalt  }
0x66: {  	_ =	shalt  }
0x67: {  	_ =	shalt  }
0x68: {  	_ =	shalt  }
0x69: {  	_ =	shalt  }
0x6a: {  	_ =	shalt  }
0x6b: {  	_ =	shalt  }
0x6c: {  	_ =	shalt  }
0x6d: {  	_ =	shalt  }
0x6e: {  	_ =	shalt  }
0x6f: {  	_ =	shalt  }
0x70: {  	_ =	shalt  }
0x71: {  	_ =	shalt  }
0x72: {  	_ =	shalt  }
0x73: {  	_ =	shalt  }
0x74: {  	_ =	shalt  }
0x75: {  	_ =	shalt  }
0x76: {  	_ =	shalt  }
0x77: {  	_ =	shalt  }
0x78: {  	_ =	shalt  }
0x79: {  	_ =	shalt  }
0x7a: {  	_ =	shalt  }
0x7b: {  	_ =	shalt  }
0x7c: {  	_ =	shalt  }
0x7d: {  	_ =	shalt  }
0x7e: {  	_ =	shalt  }
0x7f: {  	_ =	shalt  }
0x80: {  	_ =	shalt  }
0x81: {  	_ =	shalt  }
0x82: {  	_ =	shalt  }
0x83: {  	_ =	shalt  }
0x84: {  	_ =	shalt  }
0x85: {  	_ =	shalt  }
0x86: {  	_ =	shalt  }
0x87: {  	_ =	shalt  }
.Lfunc_end0:
.L_simem_size_0:
called_computation.2_lowered:
.L_overlay_start_0:
0x88: {  	s2 =	sld [smem:$0x3FD9]  }
0x89: {  	s3 =	sld [smem:$0x3FFE];
	_ =	sdelay $0x1  }
0x8a: {  	s1 =	srdreg.scid  }
0x8b: {  	s0 =	sand.u32 $0x1, s1  }
0x8c: {  	s17 =	sshll.u32 s0, $0xA;
	s2 =	sadd.s32 s3, s2  }
0x8d: {  	s2 =	sadd.s32 s2, s17  }
0x8e: {  	[smem:$0x3FBA] =	sst s2  }
0x8f: {  	_ = 	snop  }
0x90: {  	s2 =	sld [smem:$0x3FD0];
	(tm) =	ssettm $0x1  }
0x91: {  	s18 =	sld [smem:$0x3FFB];
	_ =	sdelay $0x3  }
0x92: {  	_ =	strace s18  }
0x93: {  	s3 =	sld [smem:$0x3FFC];
	_ =	sdelay $0x3  }
0x94: {  	_ =	strace s3  }
0x95: {  	s3 =	sld [smem:$0x3FFD];
	_ =	sdelay $0x3  }
0x96: {  	_ =	strace s3  }
0x97: {  	_ =	strace $0x8FFFFFFF  }
0x98: {  	s19 =	sld [smem:$0x3FDB];
	_ =	sdelay $0x1  }
0x99: {  	s4 =	simm.s32 $_scs_section_size  }
0x9a: {  	s5 =	simm.s32 $_size__tile_overlayer_lowered;
	s6 =	simm.s32 $_tile_overlayer_lowered  }
0x9b: {  	s22 =	simm.s32 $0x1BFF;
	s21 =	sshll.u32 s6, $0x1;
	s3 =	sadd.s32 s4, s19  }
0x9c: {  	s7 =	simm.s32 $0x0;
	s20 =	sshll.u32 s5, $0x1;
	s5 =	sadd.s32 s21, s3  }
0x9d: {  	[timem:s7], [sflag:s22] =	dma.local [hbm:s5], s20  }
0x9e: {  	_ =	swait.ge [sflag:s22], s20  }
0x9f: {  	s4 =	ssub.s32 $0x0, s20;
	[sflag:s22] =	ssyncset.done $0x0  }
0xa0: {  	[sflag:s22] =	ssyncadd.s32 s4;
	_ =	sdelay $0x1  }
0xa1: {  	s23 =	simm.s32 $0x1B8B  }
0xa2: {  	_ =	swait.ge [sflag:s23], $0x1  }
0xa3: {  	[sflag:s23] =	ssyncset.done $0x0  }
0xa4: {  	s25 =	simm.s32 $0x1B8E;
	s24 =	sld [smem:$0x3FFE];
	[sflag:s23] =	ssyncadd.s32 $0xFFFFFFFF  }
0xa5: {  	s26 =	simm.s32 $execute0_lowered;
	[smem:$0x3FD2] =	sst s25  }
0xa6: {  	s5 =	sshll.u32 s26, $0x1;
	_ =	strace $0x8000004C;
	[dreg:$0x1] =	wrdreg $0xFFFFFFFF  }
0xa7: {  	s28 =	simm.s32 $_size_execute0_lowered;
	s3 =	sadd.s32 s3, s5;
	[dreg:$0x0] =	wrdreg $0x0  }
0xa8: {  	s5 =	sshll.u32 s28, $0x1;
	[dreg:$0x2] =	wrdreg s3  }
0xa9: {  	[dreg:$0x3] =	wrdreg s5  }
0xaa: {  	[dreg:$0x4] =	wrdreg $0xC0  }
0xab: {  	_ =	task [dreg:s7], $0x5FFFF  }
0xac: {  	[dreg:$0x1] =	wrdreg $0xFFFFFFFF  }
0xad: {  	[dreg:$0x0] =	wrdreg $0x60  }
0xae: {  	[dreg:$0x2] =	wrdreg s2  }
0xaf: {  	[dreg:$0x3] =	wrdreg s24  }
0xb0: {  	[dreg:$0x4] =	wrdreg $0x108000  }
0xb1: {  	[dreg:$0x5] =	wrdreg $0x9  }
0xb2: {  	_ =	task.clear_ibuf [dreg:s7], $0x6FFFF;
	_ =	strace $0x9000004C  }
0xb3: {  	s29 =	simm.s32 $0x9;
	_ =	strace $0x8000004E  }
0xb4: {  	_ =	swait.ge [sflag:s29], $0x1  }
0xb5: {  	[sflag:s29] =	ssyncadd.s32 $0xFFFFFFFF  }
0xb6: {  	_ =	strace $0x9000004E  }
0xb7: {  	_ =	sfence  }
0xb8: {  	s30 =	sld [smem:$0x0];
	_ =	sdelay $0x2  }
0xb9: {  	s31 =	sshll.u32 s1, $0xD;
	s1 =	sshrl.u32 s1, $0x2  }
0xba: {  	s3 =	sand.u32 $0x4000, s31;
	s1 =	sadd.s32 s1, s30  }
0xbb: {  	s0 =	sor.u32 s3, s0;
	s1 =	sshll.u32 s1, $0x11  }
0xbc: {  	s0 =	sor.u32 s1, s0  }
0xbd: {  	s0 =	sadd.s32 $0x8F2B, s0  }
0xbe: {  	[sflag:s0] =	ssyncadd.remote.s32 $0x1  }
0xbf: {  	_ =	sfence.sel $0xFFFF  }
0xc0: {  	[dreg:$0x0] =	wrdreg $0xFFFFFFFF;
	(pc) =	sbr.abs _section_cstart, $3  }
0xc1: {  	[dreg:$0x1] =	wrdreg $0xFFFFFFFF  }
0xc2: {  	_ =	task.clear_ibuf [dreg:s7], $0x2FFFF;
	_ =	strace $0x9FFFFFFF  }
0xc3: {  	(tm) =	ssettm $0x7FFFFFFF  }
tec
execute0_lowered:
.L_overlay_start_1:
0x0: {  	(tag) =	ssettag $0x1  }
0x1: {  	s4 =	rddreg [dreg:$0x0]  }
0x2: {  	s13 =	rddreg [dreg:$0x1]  }
0x3: {  	s2 =	rddreg [dreg:$0x2];
	s3 =	simm.s32 $0x0;
	s5 =	srdreg.scid  }
0x4: {  	s1 =	stileid.u32;
	[smem:$0x7FF] =	sst s3;
	s30 =	sand.u32 $0x1, s5  }
0x5: {  	s23 =	sshll.u32 s1, $0xC;
	s24 =	sshll.u32 s1, $0xE;
	s25 =	sshll.u32 s1, $0xB  }
0x6: {  	s26 =	sshll.u32 s1, $0x6;
	_ =	strace $0x8000004D;
	s6 =	sshll.u32 s30, $0xB  }
0x7: {  	s7 =	sadd.s32 s24, s2;
	s4 =	sadd.s32 s4, s25;
	s5 =	sor.u32 $0x1C05, s26  }
0x8: {  	s14 =	sor.u32 s6, s23;
	s6 =	sshrl.u32 s7, $0x3;
	s7 =	simm.s32 $0x5  }
0x9: {  	[spmem:s6], [sflag:s5] =	dma.local [hbm:s4], $0x800  }
0xa: {  	s8 =	sshrl.u32 s14, $0x3;
	_ =	swait.ge [sflag:s7], $0x800  }
0xb: {  	s8 =	sadd.s32 s8, s13;
	[sflag:s7] =	ssyncset.done $0x0  }
0xc: {  	s8 =	sadd.s32 $0xC200, s8;
	[sflag:s7] =	ssyncadd.s32 $0xFFFFF800  }
0xd: {  	[tilespmem:s3], [sflag:$0x5] =	stream.linear.gather [hbm4b:s8+s3], $0x800, $0x38;
	[tilespmem:$0x14800] =	vst v63  }
0xe: {  	_ =	swait.ge [sflag:s7], $0x800  }
0xf: {  	[sflag:s7] =	ssyncset.done $0x0  }
0x10: {  	[sflag:s7] =	ssyncadd.s32 $0xFFFFF800  }
0x11: {  	s9 =	simm.s32 $0x100;
	s10 =	simm.s32 $0x800;
	[bflag:$0x0] =	sbarrier.arrive $0xFFFF  }
0x12: {  	[tilespmem:s10], [sflag:$0x1] =	stream.indirect.gather [spmem:s2], $0x80, s3, s9, $0xb8;
	[tilespmem:$0x14800] =	vst v63  }
0x13: {  	s11 =	simm.s32 $0x8800;
	s12 =	simm.s32 $0x1  }
0x14: {  	[tilespmem:s11], [sflag:$0x2] =	stream.indirect.gather [spmem:s2], $0x80, s9, s9, $0xb8;
	[tilespmem:$0x14800] =	vst v63  }
0x15: {  	s14 =	sshll.u32 s14, $0x4;
	_ =	swait.ge [sflag:s12], $0x8000  }
0x16: {  	s31 =	sadd.s32 s14, s13;
	[sflag:s12] =	ssyncset.done $0x0  }
0x17: {  	s14 =	simm.s32 $0x3;
	s13 =	sadd.s32 $0x10E200, s31;
	[sflag:s12] =	ssyncadd.s32 $0xFFFF8000  }
0x18: {  	[hbm4b:s13+s3] =	stream.linear.scatter [tilespmem:s10], [sflag:$0x3], $0x8000, $0x38;
	[tilespmem:$0x14800] =	vst v63  }
0x19: {  	_ =	swait.ge [sflag:s14], $0x8000  }
0x1a: {  	[sflag:s14] =	ssyncset.done $0x0  }
0x1b: {  	s15 =	simm.s32 $0x200;
	s16 =	simm.s32 $0x2;
	[sflag:s14] =	ssyncadd.s32 $0xFFFF8000  }
0x1c: {  	[tilespmem:s10], [sflag:$0x1] =	stream.indirect.gather [spmem:s2], $0x80, s15, s9, $0xb8;
	[tilespmem:$0x14800] =	vst v63  }
0x1d: {  	_ =	swait.ge [sflag:s16], $0x8000  }
0x1e: {  	[sflag:s16] =	ssyncset.done $0x0  }
0x1f: {  	s17 =	simm.s32 $0x4;
	s18 =	sadd.s32 $0x10F200, s31;
	[sflag:s16] =	ssyncadd.s32 $0xFFFF8000  }
0x20: {  	[hbm4b:s18+s3] =	stream.linear.scatter [tilespmem:s11], [sflag:$0x4], $0x8000, $0x38;
	[tilespmem:$0x14800] =	vst v63  }
0x21: {  	_ =	swait.ge [sflag:s17], $0x8000  }
0x22: {  	[sflag:s17] =	ssyncset.done $0x0  }
0x23: {  	s19 =	simm.s32 $0x300;
	[sflag:s17] =	ssyncadd.s32 $0xFFFF8000  }
0x24: {  	[tilespmem:s11], [sflag:$0x2] =	stream.indirect.gather [spmem:s2], $0x80, s19, s9, $0xb8;
	[tilespmem:$0x14800] =	vst v63  }
0x25: {  	_ =	swait.ge [sflag:s12], $0x8000  }
0x26: {  	[sflag:s12] =	ssyncset.done $0x0  }
0x27: {  	s20 =	sadd.s32 $0x110200, s31;
	[sflag:s12] =	ssyncadd.s32 $0xFFFF8000  }
0x28: {  	[hbm4b:s20+s3] =	stream.linear.scatter [tilespmem:s10], [sflag:$0x3], $0x8000, $0x38;
	[tilespmem:$0x14800] =	vst v63  }
0x29: {  	_ =	swait.ge [sflag:s14], $0x8000  }
0x2a: {  	[sflag:s14] =	ssyncset.done $0x0  }
0x2b: {  	s21 =	simm.s32 $0x400;
	[sflag:s14] =	ssyncadd.s32 $0xFFFF8000  }
0x2c: {  	[tilespmem:s10], [sflag:$0x1] =	stream.indirect.gather [spmem:s2], $0x80, s21, s9, $0xb8;
	[tilespmem:$0x14800] =	vst v63  }
0x2d: {  	_ =	swait.ge [sflag:s16], $0x8000  }
0x2e: {  	[sflag:s16] =	ssyncset.done $0x0  }
0x2f: {  	s22 =	sadd.s32 $0x111200, s31;
	[sflag:s16] =	ssyncadd.s32 $0xFFFF8000  }
0x30: {  	[hbm4b:s22+s3] =	stream.linear.scatter [tilespmem:s11], [sflag:$0x4], $0x8000, $0x38;
	[tilespmem:$0x14800] =	vst v63  }
0x31: {  	_ =	swait.ge [sflag:s17], $0x8000  }
0x32: {  	[sflag:s17] =	ssyncset.done $0x0  }
0x33: {  	s23 =	simm.s32 $0x500;
	[sflag:s17] =	ssyncadd.s32 $0xFFFF8000  }
0x34: {  	[tilespmem:s11], [sflag:$0x2] =	stream.indirect.gather [spmem:s2], $0x80, s23, s9, $0xb8;
	[tilespmem:$0x14800] =	vst v63  }
0x35: {  	_ =	swait.ge [sflag:s12], $0x8000  }
0x36: {  	[sflag:s12] =	ssyncset.done $0x0  }
0x37: {  	s24 =	sadd.s32 $0x112200, s31;
	[sflag:s12] =	ssyncadd.s32 $0xFFFF8000  }
0x38: {  	[hbm4b:s24+s3] =	stream.linear.scatter [tilespmem:s10], [sflag:$0x3], $0x8000, $0x38;
	[tilespmem:$0x14800] =	vst v63  }
0x39: {  	_ =	swait.ge [sflag:s14], $0x8000  }
0x3a: {  	[sflag:s14] =	ssyncset.done $0x0  }
0x3b: {  	s25 =	simm.s32 $0x600;
	[sflag:s14] =	ssyncadd.s32 $0xFFFF8000  }
0x3c: {  	[tilespmem:s10], [sflag:$0x1] =	stream.indirect.gather [spmem:s2], $0x80, s25, s9, $0xb8;
	[tilespmem:$0x14800] =	vst v63  }
0x3d: {  	_ =	swait.ge [sflag:s16], $0x8000  }
0x3e: {  	[sflag:s16] =	ssyncset.done $0x0  }
0x3f: {  	s26 =	sadd.s32 $0x113200, s31;
	[sflag:s16] =	ssyncadd.s32 $0xFFFF8000  }
0x40: {  	[hbm4b:s26+s3] =	stream.linear.scatter [tilespmem:s11], [sflag:$0x4], $0x8000, $0x38;
	[tilespmem:$0x14800] =	vst v63  }
0x41: {  	_ =	swait.ge [sflag:s17], $0x8000  }
0x42: {  	[sflag:s17] =	ssyncset.done $0x0  }
0x43: {  	s28 =	simm.s32 $0x700;
	[sflag:s17] =	ssyncadd.s32 $0xFFFF8000  }
0x44: {  	[tilespmem:s11], [sflag:$0x2] =	stream.indirect.gather [spmem:s2], $0x80, s28, s9, $0xb8;
	[tilespmem:$0x14800] =	vst v63  }
0x45: {  	_ =	swait.ge [sflag:s12], $0x8000  }
0x46: {  	s0 =	ssub.s32 $0x2, s30;
	s29 =	sadd.s32 $0x114200, s31;
	[sflag:s12] =	ssyncset.done $0x0  }
0x47: {  	s30 =	sadd.s32 $0x115200, s31;
	s31 =	sshrl.u32 s0, $0x1;
	[sflag:s12] =	ssyncadd.s32 $0xFFFF8000  }
0x48: {  	[hbm4b:s29+s3] =	stream.linear.scatter [tilespmem:s10], [sflag:$0x3], $0x8000, $0x38;
	[tilespmem:$0x14800] =	vst v63  }
0x49: {  	s0 =	ssub.s32 s0, s31;
	_ =	swait.ge [sflag:s16], $0x8000  }
0x4a: {  	s0 =	smax.u32 s0, $0x1;
	[sflag:s16] =	ssyncset.done $0x0  }
0x4b: {  	p0 =	sne.s32 s0, $0x1;
	[sflag:s16] =	ssyncadd.s32 $0xFFFF8000  }
0x4c: {  	[hbm4b:s30+s3] =	stream.linear.scatter [tilespmem:s11], [sflag:$0x4], $0x8000, $0x38;
	[tilespmem:$0x14800] =	vst v63  }
.Ltmp0:
0x4d: {  	_ =	swait.ge [sflag:s14], $0x8000;
	(pc) =	sbr.rel @!p0 .LBB2_2-.Ltmp0, $4  }
0x4e: {  	[sflag:s14] =	ssyncset.done $0x0  }
0x4f: {  	[sflag:s14] =	ssyncadd.s32 $0xFFFF8000  }
0x50: {  	_ =	swait.ge [sflag:s17], $0x8000  }
0x51: {  	s31 =	sadd.s32 $0xFFFFFFFF, s0;
	[sflag:s17] =	ssyncset.done $0x0  }
.LBB2_1:
0x52: {  	p0 =	sne.s32 s31, $0x1;
	s31 =	sadd.s32 $0xFFFFFFFF, s31;
	[sflag:s17] =	ssyncadd.s32 $0xFFFF8000  }
0x53: {  	[spmem:s6], [sflag:s5] =	dma.local [hbm:s4], $0x800  }
0x54: {  	_ =	swait.ge [sflag:s7], $0x800  }
0x55: {  	[sflag:s7] =	ssyncset.done $0x0  }
0x56: {  	[sflag:s7] =	ssyncadd.s32 $0xFFFFF800  }
0x57: {  	[tilespmem:s3], [sflag:$0x5] =	stream.linear.gather [hbm4b:s8+s3], $0x800, $0x38;
	[tilespmem:$0x14800] =	vst v63  }
0x58: {  	_ =	swait.ge [sflag:s7], $0x800  }
0x59: {  	[sflag:s7] =	ssyncset.done $0x0  }
0x5a: {  	[sflag:s7] =	ssyncadd.s32 $0xFFFFF800  }
0x5b: {  	[bflag:$0x0] =	sbarrier.arrive $0xFFFF  }
0x5c: {  	[tilespmem:s10], [sflag:$0x1] =	stream.indirect.gather [spmem:s2], $0x80, s3, s9, $0xb8;
	[tilespmem:$0x14800] =	vst v63  }
0x5d: {  	_ = 	snop  }
0x5e: {  	[tilespmem:s11], [sflag:$0x2] =	stream.indirect.gather [spmem:s2], $0x80, s9, s9, $0xb8;
	[tilespmem:$0x14800] =	vst v63  }
0x5f: {  	_ =	swait.ge [sflag:s12], $0x8000  }
0x60: {  	[sflag:s12] =	ssyncset.done $0x0  }
0x61: {  	[sflag:s12] =	ssyncadd.s32 $0xFFFF8000  }
0x62: {  	[hbm4b:s13+s3] =	stream.linear.scatter [tilespmem:s10], [sflag:$0x3], $0x8000, $0x38;
	[tilespmem:$0x14800] =	vst v63  }
0x63: {  	_ =	swait.ge [sflag:s14], $0x8000  }
0x64: {  	[sflag:s14] =	ssyncset.done $0x0  }
0x65: {  	[sflag:s14] =	ssyncadd.s32 $0xFFFF8000  }
0x66: {  	[tilespmem:s10], [sflag:$0x1] =	stream.indirect.gather [spmem:s2], $0x80, s15, s9, $0xb8;
	[tilespmem:$0x14800] =	vst v63  }
0x67: {  	_ =	swait.ge [sflag:s16], $0x8000  }
0x68: {  	[sflag:s16] =	ssyncset.done $0x0  }
0x69: {  	[sflag:s16] =	ssyncadd.s32 $0xFFFF8000  }
0x6a: {  	[hbm4b:s18+s3] =	stream.linear.scatter [tilespmem:s11], [sflag:$0x4], $0x8000, $0x38;
	[tilespmem:$0x14800] =	vst v63  }
0x6b: {  	_ =	swait.ge [sflag:s17], $0x8000  }
0x6c: {  	[sflag:s17] =	ssyncset.done $0x0  }
0x6d: {  	[sflag:s17] =	ssyncadd.s32 $0xFFFF8000  }
0x6e: {  	[tilespmem:s11], [sflag:$0x2] =	stream.indirect.gather [spmem:s2], $0x80, s19, s9, $0xb8;
	[tilespmem:$0x14800] =	vst v63  }
0x6f: {  	_ =	swait.ge [sflag:s12], $0x8000  }
0x70: {  	[sflag:s12] =	ssyncset.done $0x0  }
0x71: {  	[sflag:s12] =	ssyncadd.s32 $0xFFFF8000  }
0x72: {  	[hbm4b:s20+s3] =	stream.linear.scatter [tilespmem:s10], [sflag:$0x3], $0x8000, $0x38;
	[tilespmem:$0x14800] =	vst v63  }
0x73: {  	_ =	swait.ge [sflag:s14], $0x8000  }
0x74: {  	[sflag:s14] =	ssyncset.done $0x0  }
0x75: {  	[sflag:s14] =	ssyncadd.s32 $0xFFFF8000  }
0x76: {  	[tilespmem:s10], [sflag:$0x1] =	stream.indirect.gather [spmem:s2], $0x80, s21, s9, $0xb8;
	[tilespmem:$0x14800] =	vst v63  }
0x77: {  	_ =	swait.ge [sflag:s16], $0x8000  }
0x78: {  	[sflag:s16] =	ssyncset.done $0x0  }
0x79: {  	[sflag:s16] =	ssyncadd.s32 $0xFFFF8000  }
0x7a: {  	[hbm4b:s22+s3] =	stream.linear.scatter [tilespmem:s11], [sflag:$0x4], $0x8000, $0x38;
	[tilespmem:$0x14800] =	vst v63  }
0x7b: {  	_ =	swait.ge [sflag:s17], $0x8000  }
0x7c: {  	[sflag:s17] =	ssyncset.done $0x0  }
0x7d: {  	[sflag:s17] =	ssyncadd.s32 $0xFFFF8000  }
0x7e: {  	[tilespmem:s11], [sflag:$0x2] =	stream.indirect.gather [spmem:s2], $0x80, s23, s9, $0xb8;
	[tilespmem:$0x14800] =	vst v63  }
0x7f: {  	_ =	swait.ge [sflag:s12], $0x8000  }
0x80: {  	[sflag:s12] =	ssyncset.done $0x0  }
0x81: {  	[sflag:s12] =	ssyncadd.s32 $0xFFFF8000  }
0x82: {  	[hbm4b:s24+s3] =	stream.linear.scatter [tilespmem:s10], [sflag:$0x3], $0x8000, $0x38;
	[tilespmem:$0x14800] =	vst v63  }
0x83: {  	_ =	swait.ge [sflag:s14], $0x8000  }
0x84: {  	[sflag:s14] =	ssyncset.done $0x0  }
0x85: {  	[sflag:s14] =	ssyncadd.s32 $0xFFFF8000  }
0x86: {  	[tilespmem:s10], [sflag:$0x1] =	stream.indirect.gather [spmem:s2], $0x80, s25, s9, $0xb8;
	[tilespmem:$0x14800] =	vst v63  }
0x87: {  	_ =	swait.ge [sflag:s16], $0x8000  }
0x88: {  	[sflag:s16] =	ssyncset.done $0x0  }
0x89: {  	[sflag:s16] =	ssyncadd.s32 $0xFFFF8000  }
0x8a: {  	[hbm4b:s26+s3] =	stream.linear.scatter [tilespmem:s11], [sflag:$0x4], $0x8000, $0x38;
	[tilespmem:$0x14800] =	vst v63  }
0x8b: {  	_ =	swait.ge [sflag:s17], $0x8000  }
0x8c: {  	[sflag:s17] =	ssyncset.done $0x0  }
0x8d: {  	[sflag:s17] =	ssyncadd.s32 $0xFFFF8000  }
0x8e: {  	[tilespmem:s11], [sflag:$0x2] =	stream.indirect.gather [spmem:s2], $0x80, s28, s9, $0xb8;
	[tilespmem:$0x14800] =	vst v63  }
0x8f: {  	_ =	swait.ge [sflag:s12], $0x8000  }
0x90: {  	[sflag:s12] =	ssyncset.done $0x0  }
0x91: {  	[sflag:s12] =	ssyncadd.s32 $0xFFFF8000  }
0x92: {  	[hbm4b:s29+s3] =	stream.linear.scatter [tilespmem:s10], [sflag:$0x3], $0x8000, $0x38;
	[tilespmem:$0x14800] =	vst v63  }
0x93: {  	_ =	swait.ge [sflag:s16], $0x8000  }
0x94: {  	[sflag:s16] =	ssyncset.done $0x0  }
0x95: {  	[sflag:s16] =	ssyncadd.s32 $0xFFFF8000  }
0x96: {  	[hbm4b:s30+s3] =	stream.linear.scatter [tilespmem:s11], [sflag:$0x4], $0x8000, $0x38;
	[tilespmem:$0x14800] =	vst v63  }
.Ltmp1:
0x97: {  	_ =	swait.ge [sflag:s14], $0x8000;
	(pc) =	sbr.rel @p0 .LBB2_1-.Ltmp1, $4  }
0x98: {  	[sflag:s14] =	ssyncset.done $0x0  }
0x99: {  	[sflag:s14] =	ssyncadd.s32 $0xFFFF8000  }
0x9a: {  	_ =	swait.ge [sflag:s17], $0x8000  }
0x9b: {  	[sflag:s17] =	ssyncset.done $0x0  }
.LBB2_2:
0x9c: {  	[sflag:s17] =	ssyncadd.s32 $0xFFFF8000  }
0x9d: {  	_ =	sfence.sel $0x180000  }
0x9e: {  	[bflag:$0x0] =	sbarrier.arrive $0xFFFF  }
0x9f: {  	_ =	strace $0x9000004D  }
0xa0: {  	[bflag:$0x2] =	sbarrier.arrive $0xFFFF  }
0xa1: {  	p0 =	sne.s32 s1, $0x0;
	s0 =	rddreg [dreg:$0x3]  }
0xa2: {  	s0 =	sadd.s32 @!p0 $0x100000, s0  }
0xa3: {  	[sflag:s0] =	ssyncadd.tile.s32 @!p0 $0x1;
	_ =	shalt  }
.Lfunc_end2:
_tile_overlayer_lowered:
.L_overlay_start_2:
0xa4: {  	(tag) =	ssettag $0x2  }
0xa5: {  	s0 =	rddreg [dreg:$0x0];
	s2 =	stileid.u32  }
0xa6: {  	s1 =	rddreg [dreg:$0x1];
	p0 =	sne.s32 s2, $0x0  }
0xa7: {  	s3 =	rddreg [dreg:$0x2];
	[bflag:$0x3] =	sbarrier.arrive $0xFFFF;
	s2 =	simm.s32 @!p0 $0x1C05  }
0xa8: {  	[timem:s3], [sflag:s2] =	dma.local @!p0 [hbm:s0], s1  }
0xa9: {  	s0 =	simm.s32 @!p0 $0x5  }
0xaa: {  	_ =	swait.ge @!p0 [sflag:s0], s1  }
0xab: {  	s1 =	ssub.s32 @!p0 $0x0, s1;
	[sflag:s0] =	ssyncset.done @!p0 $0x0  }
0xac: {  	[sflag:s0] =	ssyncadd.s32 @!p0 s1  }
0xad: {  	[bflag:$0x3] =	sbarrier.arrive $0xFFFF  }
0xae: {  	_ =	shalt  }

// kernel: kernel.20.cloned.1.call-start
scs
__scs_entry_jumppad:
0x0: {  	(pc) =	sbr.rel $0x88, $3  }
0x1: {  	(tag) =	ssettag $0x0;
	lr =	simm.s32 $0x1  }
0x2: {  	[smem:$0x3F93] =	sst lr;
	_ =	strace $0xD0000000  }
0x3: {  	_ = 	snop  }
0x4: {  	_ = 	snop  }
0x5: {  	_ = 	snop  }
0x6: {  	_ = 	snop  }
0x7: {  	_ = 	snop  }
__scs_overlays_trampoline_lowered:
0x8: {  	[smem:$0x3FA2] =	sst s0  }
0x9: {  	[smem:$0x3FA3] =	sst s1  }
0xa: {  	[smem:$0x3FA4] =	sst s2  }
0xb: {  	[smem:$0x3FA5] =	sst s3  }
0xc: {  	[smem:$0x3FA6] =	sst s4  }
0xd: {  	[smem:$0x3FA7] =	sst s5  }
0xe: {  	[smem:$0x3FA8] =	sst s6  }
0xf: {  	[smem:$0x3FA9] =	sst s7  }
0x10: {  	[smem:$0x3FAA] =	sst s8  }
0x11: {  	[smem:$0x3FAB] =	sst s9;
	s0 =	simm.s32 @!p0 $0x0  }
0x12: {  	s1 =	sld [smem:$0x3F91];
	s0 =	simm.s32 @p0 $0x1  }
0x13: {  	[smem:$0x3FAC] =	sst s0;
	s0 =	simm.s32 @!p1 $0x0  }
0x14: {  	s2 =	sld [smem:$0x3F90];
	s0 =	simm.s32 @p1 $0x1  }
0x15: {  	[smem:$0x3FAD] =	sst s0;
	s0 =	simm.s32 @!p2 $0x0  }
0x16: {  	s3 =	sld [smem:$0x3FDB];
	s0 =	simm.s32 @p2 $0x1  }
0x17: {  	s4 =	simm.s32 $0x1BF5;
	[smem:$0x3FAF] =	sst s0  }
0x18: {  	s0 =	sld [smem:$0x3F92];
	_ =	swait.ge [sflag:s4], $0x0  }
0x19: {  	s7 =	sld [smem:$0x3F93]  }
0x1a: {  	s8 =	sadd.s32 $0xFFFFE003, lr  }
0x1b: {  	s9 =	sadd.s32 $0xFFFFFEF7, lr;
	s5 =	simm.s32 $0xFFFFFFFF;
	p2 =	slt.u32 s8, $0xFFFFF086  }
0x1c: {  	p1 =	slt.u32 s9, $0xF7A;
	s5 =	simm.s32 @!p2 $0x0  }
0x1d: {  	s5 =	simm.s32 @p1 $0x1;
	p0 =	seq.s32 s7, s2  }
0x1e: {  	s7 =	smul.u32 @!p0 $0xF7A, s2;
	p2 =	seq.s32 @!p0 s5, $0x0  }
0x1f: {  	s9 =	smul.u32 $0xF7A, s1;
	s8 =	simm.s32 @!p0 $0x1BF5;
	p2 =	por !p2, p0  }
0x20: {  	[sflag:s8] =	ssyncset.s32 @!p0 $0xFFFFF086;
	s6 =	sadd.s32 @!p0 s3, s7;
	s7 =	simm.s32 @!p0 $0x108  }
0x21: {  	s3 =	sadd.s32 s3, s9;
	s6 =	sadd.s32 @!p0 $0x88, s6;
	s7 =	simm.s32 @p2 $0x1082  }
0x22: {  	[simem:s7], [sflag:s8] =	dma.local @!p0 [hbm:s6], $0xF7A  }
0x23: {  	s9 =	sor.u32 $0xD0000000, s2;
	s6 =	simm.s32 $0x108;
	_ =	swait.ge @!p0 [sflag:s8], $0x0  }
0x24: {  	s3 =	sadd.s32 $0x88, s3;
	s6 =	simm.s32 @!p1 $0x1082;
	[sflag:s4] =	ssyncset.s32 $0xFFFFF086  }
0x25: {  	[simem:s6], [sflag:s4] =	dma.local [hbm:s3], $0xF7A  }
0x26: {  	[smem:$0x3F93] =	sst s1;
	(tag) =	ssettag s2;
	_ =	strace s9  }
0x27: {  	s1 =	sld [smem:$0x3FA3]  }
0x28: {  	s2 =	sld [smem:$0x3FA4]  }
0x29: {  	s4 =	sld [smem:$0x3FA6]  }
0x2a: {  	p0 =	seq.s32 s5, $0x0;
	s5 =	sld [smem:$0x3FA7]  }
0x2b: {  	s6 =	sld [smem:$0x3FA8]  }
0x2c: {  	s7 =	sld [smem:$0x3FA9]  }
0x2d: {  	s3 =	simm.s32 $0x108;
	s8 =	sld [smem:$0x3FAA]  }
0x2e: {  	s3 =	simm.s32 @!p0 $0x1082;
	s9 =	sld [smem:$0x3FAB]  }
0x2f: {  	lr =	sadd.s32 s0, s3;
	s0 =	sld [smem:$0x3FA2]  }
0x30: {  	s3 =	sld [smem:$0x3FA5]  }
0x31: {  	[smem:$0x3FAE] =	sst s10  }
0x32: {  	s10 =	sld [smem:$0x3FAC];
	_ =	sdelay $0x3  }
0x33: {  	p0 =	seq.s32 s10, $0x1;
	s10 =	sld [smem:$0x3FAE];
	_ =	sdelay $0x3  }
0x34: {  	[smem:$0x3FAE] =	sst s10  }
0x35: {  	s10 =	sld [smem:$0x3FAD];
	_ =	sdelay $0x3  }
0x36: {  	p1 =	seq.s32 s10, $0x1;
	s10 =	sld [smem:$0x3FAE];
	_ =	sdelay $0x3  }
0x37: {  	[smem:$0x3FAE] =	sst s10  }
0x38: {  	s10 =	sld [smem:$0x3FAF]  }
0x39: {  	_ = 	snop;
	(pc) =	sbr.ind lr, $3  }
0x3a: {  	_ = 	snop  }
0x3b: {  	_ = 	snop  }
0x3c: {  	p2 =	seq.s32 s10, $0x1;
	s10 =	sld [smem:$0x3FAE]  }
0x3d: {  	_ =	shalt  }
0x3e: {  	_ =	shalt  }
0x3f: {  	_ =	shalt  }
0x40: {  	_ =	shalt  }
0x41: {  	_ =	shalt  }
0x42: {  	_ =	shalt  }
0x43: {  	_ =	shalt  }
0x44: {  	_ =	shalt  }
0x45: {  	_ =	shalt  }
0x46: {  	_ =	shalt  }
0x47: {  	_ =	shalt  }
0x48: {  	_ =	shalt  }
0x49: {  	_ =	shalt  }
0x4a: {  	_ =	shalt  }
0x4b: {  	_ =	shalt  }
0x4c: {  	_ =	shalt  }
0x4d: {  	_ =	shalt  }
0x4e: {  	_ =	shalt  }
0x4f: {  	_ =	shalt  }
0x50: {  	_ =	shalt  }
0x51: {  	_ =	shalt  }
0x52: {  	_ =	shalt  }
0x53: {  	_ =	shalt  }
0x54: {  	_ =	shalt  }
0x55: {  	_ =	shalt  }
0x56: {  	_ =	shalt  }
0x57: {  	_ =	shalt  }
0x58: {  	_ =	shalt  }
0x59: {  	_ =	shalt  }
0x5a: {  	_ =	shalt  }
0x5b: {  	_ =	shalt  }
0x5c: {  	_ =	shalt  }
0x5d: {  	_ =	shalt  }
0x5e: {  	_ =	shalt  }
0x5f: {  	_ =	shalt  }
0x60: {  	_ =	shalt  }
0x61: {  	_ =	shalt  }
0x62: {  	_ =	shalt  }
0x63: {  	_ =	shalt  }
0x64: {  	_ =	shalt  }
0x65: {  	_ =	shalt  }
0x66: {  	_ =	shalt  }
0x67: {  	_ =	shalt  }
0x68: {  	_ =	shalt  }
0x69: {  	_ =	shalt  }
0x6a: {  	_ =	shalt  }
0x6b: {  	_ =	shalt  }
0x6c: {  	_ =	shalt  }
0x6d: {  	_ =	shalt  }
0x6e: {  	_ =	shalt  }
0x6f: {  	_ =	shalt  }
0x70: {  	_ =	shalt  }
0x71: {  	_ =	shalt  }
0x72: {  	_ =	shalt  }
0x73: {  	_ =	shalt  }
0x74: {  	_ =	shalt  }
0x75: {  	_ =	shalt  }
0x76: {  	_ =	shalt  }
0x77: {  	_ =	shalt  }
0x78: {  	_ =	shalt  }
0x79: {  	_ =	shalt  }
0x7a: {  	_ =	shalt  }
0x7b: {  	_ =	shalt  }
0x7c: {  	_ =	shalt  }
0x7d: {  	_ =	shalt  }
0x7e: {  	_ =	shalt  }
0x7f: {  	_ =	shalt  }
0x80: {  	_ =	shalt  }
0x81: {  	_ =	shalt  }
0x82: {  	_ =	shalt  }
0x83: {  	_ =	shalt  }
0x84: {  	_ =	shalt  }
0x85: {  	_ =	shalt  }
0x86: {  	_ =	shalt  }
0x87: {  	_ =	shalt  }
.Lfunc_end0:
.L_simem_size_0:
called_computation.3_lowered:
.L_overlay_start_0:
0x88: {  	s2 =	sld [smem:$0x3FD9]  }
0x89: {  	s3 =	sld [smem:$0x3FFE];
	_ =	sdelay $0x1  }
0x8a: {  	s1 =	srdreg.scid  }
0x8b: {  	s0 =	sand.u32 $0x1, s1  }
0x8c: {  	s17 =	sshll.u32 s0, $0xA;
	s2 =	sadd.s32 s3, s2  }
0x8d: {  	s2 =	sadd.s32 s2, s17  }
0x8e: {  	[smem:$0x3FBA] =	sst s2  }
0x8f: {  	_ = 	snop  }
0x90: {  	s2 =	sld [smem:$0x3FD0];
	(tm) =	ssettm $0x1  }
0x91: {  	s18 =	sld [smem:$0x3FFB];
	_ =	sdelay $0x3  }
0x92: {  	_ =	strace s18  }
0x93: {  	s3 =	sld [smem:$0x3FFC];
	_ =	sdelay $0x3  }
0x94: {  	_ =	strace s3  }
0x95: {  	s3 =	sld [smem:$0x3FFD];
	_ =	sdelay $0x3  }
0x96: {  	_ =	strace s3  }
0x97: {  	_ =	strace $0x8FFFFFFF  }
0x98: {  	s19 =	sld [smem:$0x3FDB];
	_ =	sdelay $0x1  }
0x99: {  	s4 =	simm.s32 $_scs_section_size  }
0x9a: {  	s5 =	simm.s32 $_size__tile_overlayer_lowered;
	s6 =	simm.s32 $_tile_overlayer_lowered  }
0x9b: {  	s22 =	simm.s32 $0x1BFF;
	s21 =	sshll.u32 s6, $0x1;
	s3 =	sadd.s32 s4, s19  }
0x9c: {  	s7 =	simm.s32 $0x0;
	s20 =	sshll.u32 s5, $0x1;
	s5 =	sadd.s32 s21, s3  }
0x9d: {  	[timem:s7], [sflag:s22] =	dma.local [hbm:s5], s20  }
0x9e: {  	_ =	swait.ge [sflag:s22], s20  }
0x9f: {  	s4 =	ssub.s32 $0x0, s20;
	[sflag:s22] =	ssyncset.done $0x0  }
0xa0: {  	[sflag:s22] =	ssyncadd.s32 s4;
	_ =	sdelay $0x1  }
0xa1: {  	s23 =	simm.s32 $0x1B8B  }
0xa2: {  	_ =	swait.ge [sflag:s23], $0x1  }
0xa3: {  	[sflag:s23] =	ssyncset.done $0x0  }
0xa4: {  	s25 =	simm.s32 $0x1B8E;
	s24 =	sld [smem:$0x3FFE];
	[sflag:s23] =	ssyncadd.s32 $0xFFFFFFFF  }
0xa5: {  	s26 =	simm.s32 $execute0_lowered;
	[smem:$0x3FD2] =	sst s25  }
0xa6: {  	s5 =	sshll.u32 s26, $0x1;
	_ =	strace $0x8000004F;
	[dreg:$0x1] =	wrdreg $0xFFFFFFFF  }
0xa7: {  	s28 =	simm.s32 $_size_execute0_lowered;
	s3 =	sadd.s32 s3, s5;
	[dreg:$0x0] =	wrdreg $0x0  }
0xa8: {  	s5 =	sshll.u32 s28, $0x1;
	[dreg:$0x2] =	wrdreg s3  }
0xa9: {  	[dreg:$0x3] =	wrdreg s5  }
0xaa: {  	[dreg:$0x4] =	wrdreg $0xC0  }
0xab: {  	_ =	task [dreg:s7], $0x5FFFF  }
0xac: {  	[dreg:$0x1] =	wrdreg $0xFFFFFFFF  }
0xad: {  	[dreg:$0x0] =	wrdreg $0x60  }
0xae: {  	[dreg:$0x2] =	wrdreg s2  }
0xaf: {  	[dreg:$0x3] =	wrdreg s24  }
0xb0: {  	[dreg:$0x4] =	wrdreg $0x108000  }
0xb1: {  	[dreg:$0x5] =	wrdreg $0x9  }
0xb2: {  	_ =	task.clear_ibuf [dreg:s7], $0x6FFFF;
	_ =	strace $0x9000004F  }
0xb3: {  	s29 =	simm.s32 $0x9;
	_ =	strace $0x80000051  }
0xb4: {  	_ =	swait.ge [sflag:s29], $0x1  }
0xb5: {  	[sflag:s29] =	ssyncadd.s32 $0xFFFFFFFF  }
0xb6: {  	_ =	strace $0x90000051  }
0xb7: {  	_ =	sfence  }
0xb8: {  	s30 =	sld [smem:$0x0];
	_ =	sdelay $0x2  }
0xb9: {  	s31 =	sshll.u32 s1, $0xD;
	s1 =	sshrl.u32 s1, $0x2  }
0xba: {  	s3 =	sand.u32 $0x4000, s31;
	s1 =	sadd.s32 s1, s30  }
0xbb: {  	s0 =	sor.u32 s3, s0;
	s1 =	sshll.u32 s1, $0x11  }
0xbc: {  	s0 =	sor.u32 s1, s0  }
0xbd: {  	s0 =	sadd.s32 $0x8F2B, s0  }
0xbe: {  	[sflag:s0] =	ssyncadd.remote.s32 $0x1  }
0xbf: {  	_ =	sfence.sel $0xFFFF  }
0xc0: {  	[dreg:$0x0] =	wrdreg $0xFFFFFFFF;
	(pc) =	sbr.abs _section_cstart, $3  }
0xc1: {  	[dreg:$0x1] =	wrdreg $0xFFFFFFFF  }
0xc2: {  	_ =	task.clear_ibuf [dreg:s7], $0x2FFFF;
	_ =	strace $0x9FFFFFFF  }
0xc3: {  	(tm) =	ssettm $0x7FFFFFFF  }
tec
execute0_lowered:
.L_overlay_start_1:
0x0: {  	(tag) =	ssettag $0x1  }
0x1: {  	s4 =	rddreg [dreg:$0x0]  }
0x2: {  	s13 =	rddreg [dreg:$0x1]  }
0x3: {  	s2 =	rddreg [dreg:$0x2];
	s3 =	simm.s32 $0x0;
	s5 =	srdreg.scid  }
0x4: {  	s1 =	stileid.u32;
	[smem:$0x7FF] =	sst s3;
	s30 =	sand.u32 $0x1, s5  }
0x5: {  	s23 =	sshll.u32 s1, $0xC;
	s24 =	sshll.u32 s1, $0xE;
	s25 =	sshll.u32 s1, $0xB  }
0x6: {  	s26 =	sshll.u32 s1, $0x6;
	_ =	strace $0x80000050;
	s6 =	sshll.u32 s30, $0xB  }
0x7: {  	s7 =	sadd.s32 s24, s2;
	s4 =	sadd.s32 s4, s25;
	s5 =	sor.u32 $0x1C05, s26  }
0x8: {  	s14 =	sor.u32 s6, s23;
	s6 =	sshrl.u32 s7, $0x3;
	s7 =	simm.s32 $0x5  }
0x9: {  	[spmem:s6], [sflag:s5] =	dma.local [hbm:s4], $0x800  }
0xa: {  	s8 =	sshrl.u32 s14, $0x3;
	_ =	swait.ge [sflag:s7], $0x800  }
0xb: {  	s8 =	sadd.s32 s8, s13;
	[sflag:s7] =	ssyncset.done $0x0  }
0xc: {  	s8 =	sadd.s32 $0xC200, s8;
	[sflag:s7] =	ssyncadd.s32 $0xFFFFF800  }
0xd: {  	[tilespmem:s3], [sflag:$0x5] =	stream.linear.gather [hbm4b:s8+s3], $0x800, $0x38;
	[tilespmem:$0x14800] =	vst v63  }
0xe: {  	_ =	swait.ge [sflag:s7], $0x800  }
0xf: {  	[sflag:s7] =	ssyncset.done $0x0  }
0x10: {  	[sflag:s7] =	ssyncadd.s32 $0xFFFFF800  }
0x11: {  	s9 =	simm.s32 $0x100;
	s10 =	simm.s32 $0x800;
	[bflag:$0x0] =	sbarrier.arrive $0xFFFF  }
0x12: {  	[tilespmem:s10], [sflag:$0x1] =	stream.indirect.gather [spmem:s2], $0x80, s3, s9, $0xb8;
	[tilespmem:$0x14800] =	vst v63  }
0x13: {  	s11 =	simm.s32 $0x8800;
	s12 =	simm.s32 $0x1  }
0x14: {  	[tilespmem:s11], [sflag:$0x2] =	stream.indirect.gather [spmem:s2], $0x80, s9, s9, $0xb8;
	[tilespmem:$0x14800] =	vst v63  }
0x15: {  	s14 =	sshll.u32 s14, $0x4;
	_ =	swait.ge [sflag:s12], $0x8000  }
0x16: {  	s31 =	sadd.s32 s14, s13;
	[sflag:s12] =	ssyncset.done $0x0  }
0x17: {  	s14 =	simm.s32 $0x3;
	s13 =	sadd.s32 $0xE200, s31;
	[sflag:s12] =	ssyncadd.s32 $0xFFFF8000  }
0x18: {  	[hbm4b:s13+s3] =	stream.linear.scatter [tilespmem:s10], [sflag:$0x3], $0x8000, $0x38;
	[tilespmem:$0x14800] =	vst v63  }
0x19: {  	_ =	swait.ge [sflag:s14], $0x8000  }
0x1a: {  	[sflag:s14] =	ssyncset.done $0x0  }
0x1b: {  	s15 =	simm.s32 $0x200;
	s16 =	simm.s32 $0x2;
	[sflag:s14] =	ssyncadd.s32 $0xFFFF8000  }
0x1c: {  	[tilespmem:s10], [sflag:$0x1] =	stream.indirect.gather [spmem:s2], $0x80, s15, s9, $0xb8;
	[tilespmem:$0x14800] =	vst v63  }
0x1d: {  	_ =	swait.ge [sflag:s16], $0x8000  }
0x1e: {  	[sflag:s16] =	ssyncset.done $0x0  }
0x1f: {  	s17 =	simm.s32 $0x4;
	s18 =	sadd.s32 $0xF200, s31;
	[sflag:s16] =	ssyncadd.s32 $0xFFFF8000  }
0x20: {  	[hbm4b:s18+s3] =	stream.linear.scatter [tilespmem:s11], [sflag:$0x4], $0x8000, $0x38;
	[tilespmem:$0x14800] =	vst v63  }
0x21: {  	_ =	swait.ge [sflag:s17], $0x8000  }
0x22: {  	[sflag:s17] =	ssyncset.done $0x0  }
0x23: {  	s19 =	simm.s32 $0x300;
	[sflag:s17] =	ssyncadd.s32 $0xFFFF8000  }
0x24: {  	[tilespmem:s11], [sflag:$0x2] =	stream.indirect.gather [spmem:s2], $0x80, s19, s9, $0xb8;
	[tilespmem:$0x14800] =	vst v63  }
0x25: {  	_ =	swait.ge [sflag:s12], $0x8000  }
0x26: {  	[sflag:s12] =	ssyncset.done $0x0  }
0x27: {  	s20 =	sadd.s32 $0x10200, s31;
	[sflag:s12] =	ssyncadd.s32 $0xFFFF8000  }
0x28: {  	[hbm4b:s20+s3] =	stream.linear.scatter [tilespmem:s10], [sflag:$0x3], $0x8000, $0x38;
	[tilespmem:$0x14800] =	vst v63  }
0x29: {  	_ =	swait.ge [sflag:s14], $0x8000  }
0x2a: {  	[sflag:s14] =	ssyncset.done $0x0  }
0x2b: {  	s21 =	simm.s32 $0x400;
	[sflag:s14] =	ssyncadd.s32 $0xFFFF8000  }
0x2c: {  	[tilespmem:s10], [sflag:$0x1] =	stream.indirect.gather [spmem:s2], $0x80, s21, s9, $0xb8;
	[tilespmem:$0x14800] =	vst v63  }
0x2d: {  	_ =	swait.ge [sflag:s16], $0x8000  }
0x2e: {  	[sflag:s16] =	ssyncset.done $0x0  }
0x2f: {  	s22 =	sadd.s32 $0x11200, s31;
	[sflag:s16] =	ssyncadd.s32 $0xFFFF8000  }
0x30: {  	[hbm4b:s22+s3] =	stream.linear.scatter [tilespmem:s11], [sflag:$0x4], $0x8000, $0x38;
	[tilespmem:$0x14800] =	vst v63  }
0x31: {  	_ =	swait.ge [sflag:s17], $0x8000  }
0x32: {  	[sflag:s17] =	ssyncset.done $0x0  }
0x33: {  	s23 =	simm.s32 $0x500;
	[sflag:s17] =	ssyncadd.s32 $0xFFFF8000  }
0x34: {  	[tilespmem:s11], [sflag:$0x2] =	stream.indirect.gather [spmem:s2], $0x80, s23, s9, $0xb8;
	[tilespmem:$0x14800] =	vst v63  }
0x35: {  	_ =	swait.ge [sflag:s12], $0x8000  }
0x36: {  	[sflag:s12] =	ssyncset.done $0x0  }
0x37: {  	s24 =	sadd.s32 $0x12200, s31;
	[sflag:s12] =	ssyncadd.s32 $0xFFFF8000  }
0x38: {  	[hbm4b:s24+s3] =	stream.linear.scatter [tilespmem:s10], [sflag:$0x3], $0x8000, $0x38;
	[tilespmem:$0x14800] =	vst v63  }
0x39: {  	_ =	swait.ge [sflag:s14], $0x8000  }
0x3a: {  	[sflag:s14] =	ssyncset.done $0x0  }
0x3b: {  	s25 =	simm.s32 $0x600;
	[sflag:s14] =	ssyncadd.s32 $0xFFFF8000  }
0x3c: {  	[tilespmem:s10], [sflag:$0x1] =	stream.indirect.gather [spmem:s2], $0x80, s25, s9, $0xb8;
	[tilespmem:$0x14800] =	vst v63  }
0x3d: {  	_ =	swait.ge [sflag:s16], $0x8000  }
0x3e: {  	[sflag:s16] =	ssyncset.done $0x0  }
0x3f: {  	s26 =	sadd.s32 $0x13200, s31;
	[sflag:s16] =	ssyncadd.s32 $0xFFFF8000  }
0x40: {  	[hbm4b:s26+s3] =	stream.linear.scatter [tilespmem:s11], [sflag:$0x4], $0x8000, $0x38;
	[tilespmem:$0x14800] =	vst v63  }
0x41: {  	_ =	swait.ge [sflag:s17], $0x8000  }
0x42: {  	[sflag:s17] =	ssyncset.done $0x0  }
0x43: {  	s28 =	simm.s32 $0x700;
	[sflag:s17] =	ssyncadd.s32 $0xFFFF8000  }
0x44: {  	[tilespmem:s11], [sflag:$0x2] =	stream.indirect.gather [spmem:s2], $0x80, s28, s9, $0xb8;
	[tilespmem:$0x14800] =	vst v63  }
0x45: {  	_ =	swait.ge [sflag:s12], $0x8000  }
0x46: {  	s0 =	ssub.s32 $0x2, s30;
	s29 =	sadd.s32 $0x14200, s31;
	[sflag:s12] =	ssyncset.done $0x0  }
0x47: {  	s30 =	sadd.s32 $0x15200, s31;
	s31 =	sshrl.u32 s0, $0x1;
	[sflag:s12] =	ssyncadd.s32 $0xFFFF8000  }
0x48: {  	[hbm4b:s29+s3] =	stream.linear.scatter [tilespmem:s10], [sflag:$0x3], $0x8000, $0x38;
	[tilespmem:$0x14800] =	vst v63  }
0x49: {  	s0 =	ssub.s32 s0, s31;
	_ =	swait.ge [sflag:s16], $0x8000  }
0x4a: {  	s0 =	smax.u32 s0, $0x1;
	[sflag:s16] =	ssyncset.done $0x0  }
0x4b: {  	p0 =	sne.s32 s0, $0x1;
	[sflag:s16] =	ssyncadd.s32 $0xFFFF8000  }
0x4c: {  	[hbm4b:s30+s3] =	stream.linear.scatter [tilespmem:s11], [sflag:$0x4], $0x8000, $0x38;
	[tilespmem:$0x14800] =	vst v63  }
.Ltmp0:
0x4d: {  	_ =	swait.ge [sflag:s14], $0x8000;
	(pc) =	sbr.rel @!p0 .LBB2_2-.Ltmp0, $4  }
0x4e: {  	[sflag:s14] =	ssyncset.done $0x0  }
0x4f: {  	[sflag:s14] =	ssyncadd.s32 $0xFFFF8000  }
0x50: {  	_ =	swait.ge [sflag:s17], $0x8000  }
0x51: {  	s31 =	sadd.s32 $0xFFFFFFFF, s0;
	[sflag:s17] =	ssyncset.done $0x0  }
.LBB2_1:
0x52: {  	p0 =	sne.s32 s31, $0x1;
	s31 =	sadd.s32 $0xFFFFFFFF, s31;
	[sflag:s17] =	ssyncadd.s32 $0xFFFF8000  }
0x53: {  	[spmem:s6], [sflag:s5] =	dma.local [hbm:s4], $0x800  }
0x54: {  	_ =	swait.ge [sflag:s7], $0x800  }
0x55: {  	[sflag:s7] =	ssyncset.done $0x0  }
0x56: {  	[sflag:s7] =	ssyncadd.s32 $0xFFFFF800  }
0x57: {  	[tilespmem:s3], [sflag:$0x5] =	stream.linear.gather [hbm4b:s8+s3], $0x800, $0x38;
	[tilespmem:$0x14800] =	vst v63  }
0x58: {  	_ =	swait.ge [sflag:s7], $0x800  }
0x59: {  	[sflag:s7] =	ssyncset.done $0x0  }
0x5a: {  	[sflag:s7] =	ssyncadd.s32 $0xFFFFF800  }
0x5b: {  	[bflag:$0x0] =	sbarrier.arrive $0xFFFF  }
0x5c: {  	[tilespmem:s10], [sflag:$0x1] =	stream.indirect.gather [spmem:s2], $0x80, s3, s9, $0xb8;
	[tilespmem:$0x14800] =	vst v63  }
0x5d: {  	_ = 	snop  }
0x5e: {  	[tilespmem:s11], [sflag:$0x2] =	stream.indirect.gather [spmem:s2], $0x80, s9, s9, $0xb8;
	[tilespmem:$0x14800] =	vst v63  }
0x5f: {  	_ =	swait.ge [sflag:s12], $0x8000  }
0x60: {  	[sflag:s12] =	ssyncset.done $0x0  }
0x61: {  	[sflag:s12] =	ssyncadd.s32 $0xFFFF8000  }
0x62: {  	[hbm4b:s13+s3] =	stream.linear.scatter [tilespmem:s10], [sflag:$0x3], $0x8000, $0x38;
	[tilespmem:$0x14800] =	vst v63  }
0x63: {  	_ =	swait.ge [sflag:s14], $0x8000  }
0x64: {  	[sflag:s14] =	ssyncset.done $0x0  }
0x65: {  	[sflag:s14] =	ssyncadd.s32 $0xFFFF8000  }
0x66: {  	[tilespmem:s10], [sflag:$0x1] =	stream.indirect.gather [spmem:s2], $0x80, s15, s9, $0xb8;
	[tilespmem:$0x14800] =	vst v63  }
0x67: {  	_ =	swait.ge [sflag:s16], $0x8000  }
0x68: {  	[sflag:s16] =	ssyncset.done $0x0  }
0x69: {  	[sflag:s16] =	ssyncadd.s32 $0xFFFF8000  }
0x6a: {  	[hbm4b:s18+s3] =	stream.linear.scatter [tilespmem:s11], [sflag:$0x4], $0x8000, $0x38;
	[tilespmem:$0x14800] =	vst v63  }
0x6b: {  	_ =	swait.ge [sflag:s17], $0x8000  }
0x6c: {  	[sflag:s17] =	ssyncset.done $0x0  }
0x6d: {  	[sflag:s17] =	ssyncadd.s32 $0xFFFF8000  }
0x6e: {  	[tilespmem:s11], [sflag:$0x2] =	stream.indirect.gather [spmem:s2], $0x80, s19, s9, $0xb8;
	[tilespmem:$0x14800] =	vst v63  }
0x6f: {  	_ =	swait.ge [sflag:s12], $0x8000  }
0x70: {  	[sflag:s12] =	ssyncset.done $0x0  }
0x71: {  	[sflag:s12] =	ssyncadd.s32 $0xFFFF8000  }
0x72: {  	[hbm4b:s20+s3] =	stream.linear.scatter [tilespmem:s10], [sflag:$0x3], $0x8000, $0x38;
	[tilespmem:$0x14800] =	vst v63  }
0x73: {  	_ =	swait.ge [sflag:s14], $0x8000  }
0x74: {  	[sflag:s14] =	ssyncset.done $0x0  }
0x75: {  	[sflag:s14] =	ssyncadd.s32 $0xFFFF8000  }
0x76: {  	[tilespmem:s10], [sflag:$0x1] =	stream.indirect.gather [spmem:s2], $0x80, s21, s9, $0xb8;
	[tilespmem:$0x14800] =	vst v63  }
0x77: {  	_ =	swait.ge [sflag:s16], $0x8000  }
0x78: {  	[sflag:s16] =	ssyncset.done $0x0  }
0x79: {  	[sflag:s16] =	ssyncadd.s32 $0xFFFF8000  }
0x7a: {  	[hbm4b:s22+s3] =	stream.linear.scatter [tilespmem:s11], [sflag:$0x4], $0x8000, $0x38;
	[tilespmem:$0x14800] =	vst v63  }
0x7b: {  	_ =	swait.ge [sflag:s17], $0x8000  }
0x7c: {  	[sflag:s17] =	ssyncset.done $0x0  }
0x7d: {  	[sflag:s17] =	ssyncadd.s32 $0xFFFF8000  }
0x7e: {  	[tilespmem:s11], [sflag:$0x2] =	stream.indirect.gather [spmem:s2], $0x80, s23, s9, $0xb8;
	[tilespmem:$0x14800] =	vst v63  }
0x7f: {  	_ =	swait.ge [sflag:s12], $0x8000  }
0x80: {  	[sflag:s12] =	ssyncset.done $0x0  }
0x81: {  	[sflag:s12] =	ssyncadd.s32 $0xFFFF8000  }
0x82: {  	[hbm4b:s24+s3] =	stream.linear.scatter [tilespmem:s10], [sflag:$0x3], $0x8000, $0x38;
	[tilespmem:$0x14800] =	vst v63  }
0x83: {  	_ =	swait.ge [sflag:s14], $0x8000  }
0x84: {  	[sflag:s14] =	ssyncset.done $0x0  }
0x85: {  	[sflag:s14] =	ssyncadd.s32 $0xFFFF8000  }
0x86: {  	[tilespmem:s10], [sflag:$0x1] =	stream.indirect.gather [spmem:s2], $0x80, s25, s9, $0xb8;
	[tilespmem:$0x14800] =	vst v63  }
0x87: {  	_ =	swait.ge [sflag:s16], $0x8000  }
0x88: {  	[sflag:s16] =	ssyncset.done $0x0  }
0x89: {  	[sflag:s16] =	ssyncadd.s32 $0xFFFF8000  }
0x8a: {  	[hbm4b:s26+s3] =	stream.linear.scatter [tilespmem:s11], [sflag:$0x4], $0x8000, $0x38;
	[tilespmem:$0x14800] =	vst v63  }
0x8b: {  	_ =	swait.ge [sflag:s17], $0x8000  }
0x8c: {  	[sflag:s17] =	ssyncset.done $0x0  }
0x8d: {  	[sflag:s17] =	ssyncadd.s32 $0xFFFF8000  }
0x8e: {  	[tilespmem:s11], [sflag:$0x2] =	stream.indirect.gather [spmem:s2], $0x80, s28, s9, $0xb8;
	[tilespmem:$0x14800] =	vst v63  }
0x8f: {  	_ =	swait.ge [sflag:s12], $0x8000  }
0x90: {  	[sflag:s12] =	ssyncset.done $0x0  }
0x91: {  	[sflag:s12] =	ssyncadd.s32 $0xFFFF8000  }
0x92: {  	[hbm4b:s29+s3] =	stream.linear.scatter [tilespmem:s10], [sflag:$0x3], $0x8000, $0x38;
	[tilespmem:$0x14800] =	vst v63  }
0x93: {  	_ =	swait.ge [sflag:s16], $0x8000  }
0x94: {  	[sflag:s16] =	ssyncset.done $0x0  }
0x95: {  	[sflag:s16] =	ssyncadd.s32 $0xFFFF8000  }
0x96: {  	[hbm4b:s30+s3] =	stream.linear.scatter [tilespmem:s11], [sflag:$0x4], $0x8000, $0x38;
	[tilespmem:$0x14800] =	vst v63  }
.Ltmp1:
0x97: {  	_ =	swait.ge [sflag:s14], $0x8000;
	(pc) =	sbr.rel @p0 .LBB2_1-.Ltmp1, $4  }
0x98: {  	[sflag:s14] =	ssyncset.done $0x0  }
0x99: {  	[sflag:s14] =	ssyncadd.s32 $0xFFFF8000  }
0x9a: {  	_ =	swait.ge [sflag:s17], $0x8000  }
0x9b: {  	[sflag:s17] =	ssyncset.done $0x0  }
.LBB2_2:
0x9c: {  	[sflag:s17] =	ssyncadd.s32 $0xFFFF8000  }
0x9d: {  	_ =	sfence.sel $0x180000  }
0x9e: {  	[bflag:$0x0] =	sbarrier.arrive $0xFFFF  }
0x9f: {  	_ =	strace $0x90000050  }
0xa0: {  	[bflag:$0x2] =	sbarrier.arrive $0xFFFF  }
0xa1: {  	p0 =	sne.s32 s1, $0x0;
	s0 =	rddreg [dreg:$0x3]  }
0xa2: {  	s0 =	sadd.s32 @!p0 $0x100000, s0  }
0xa3: {  	[sflag:s0] =	ssyncadd.tile.s32 @!p0 $0x1;
	_ =	shalt  }
.Lfunc_end2:
_tile_overlayer_lowered:
.L_overlay_start_2:
0xa4: {  	(tag) =	ssettag $0x2  }
0xa5: {  	s0 =	rddreg [dreg:$0x0];
	s2 =	stileid.u32  }
0xa6: {  	s1 =	rddreg [dreg:$0x1];
	p0 =	sne.s32 s2, $0x0  }
0xa7: {  	s3 =	rddreg [dreg:$0x2];
	[bflag:$0x3] =	sbarrier.arrive $0xFFFF;
	s2 =	simm.s32 @!p0 $0x1C05  }
0xa8: {  	[timem:s3], [sflag:s2] =	dma.local @!p0 [hbm:s0], s1  }
0xa9: {  	s0 =	simm.s32 @!p0 $0x5  }
0xaa: {  	_ =	swait.ge @!p0 [sflag:s0], s1  }
0xab: {  	s1 =	ssub.s32 @!p0 $0x0, s1;
	[sflag:s0] =	ssyncset.done @!p0 $0x0  }
0xac: {  	[sflag:s0] =	ssyncadd.s32 @!p0 s1  }
0xad: {  	[bflag:$0x3] =	sbarrier.arrive $0xFFFF  }
0xae: {  	_ =	shalt  }

</sc_bundles>
